<compile_context>
chip_gen: v7x
topology: tpu7x:2x2x1
jax: 0.10.2.dev20260603
libtpu: 0.0.44.dev20260713+nightly
codegen_flags: <defaults>
</compile_context>

<pallas_src>
import functools

import jax
import jax.numpy as jnp
import numpy as np
from jax import lax
from jax.experimental import pallas as pl
from jax.experimental.pallas import tpu as pltpu
from jax.experimental.pallas import tpu_sc as plsc

NC = 2
NS = 16
NW = NC * NS

GRP = 128
GRPS_PER_CHUNK = 8
CHUNK = GRP * GRPS_PER_CHUNK
LANES = 16
HID = 32
RT = 4 * 4 * 8 * GRP


@functools.partial(jax.jit, static_argnames=("n_tasks", "n_chunks"))
def _gather_call(ids5, table, n_tasks, n_chunks):
    n_t = ids5.shape[0] * ids5.shape[2]
    n_tc = ids5.shape[1]
    tc_per_chunk = GRPS_PER_CHUNK
    blocks_per_t = n_tc // tc_per_chunk
    out_flat = n_t * 4 * n_tc * 8 * GRP
    mesh = plsc.VectorSubcoreMesh(core_axis_name="c", subcore_axis_name="s")

    @functools.partial(
        pl.kernel,
        mesh=mesh,
        out_type=jax.ShapeDtypeStruct((out_flat,), jnp.float32),
        scratch_types=[
            pltpu.VMEM((2, GRPS_PER_CHUNK, GRP), jnp.int32),
            pltpu.VMEM((2, CHUNK, HID), jnp.float32),
            pltpu.VMEM((2, RT), jnp.float32),
            pltpu.SemaphoreType.DMA,
            pltpu.SemaphoreType.DMA,
            pltpu.SemaphoreType.DMA,
            pltpu.SemaphoreType.DMA,
        ],
        compiler_params=pltpu.CompilerParams(
            use_tc_tiling_on_sc=False, needs_layout_passes=False,
            disable_bounds_checks=True),
    )
    def k(ids_hbm, table_hbm, out_hbm, idx_v, rows_v, rt_v,
          idx_sem, g_sem, st_sem0, st_sem1):
        wid = lax.axis_index("s") * NC + lax.axis_index("c")
        k0 = wid * n_chunks

        def task(g):
            kk = jnp.minimum(k0 + g, n_tasks - 1)
            t = kk // blocks_per_t
            bblk = kk % blocks_per_t
            return t, bblk

        def idx_copy(g, buf):
            t, bblk = task(g)
            return pltpu.make_async_copy(
                ids_hbm.at[t // 8, pl.ds(bblk * tc_per_chunk, tc_per_chunk),
                           t % 8, :],
                idx_v.at[buf], idx_sem)

        def gather_copies(buf):
            return [
                pltpu.make_async_copy(
                    table_hbm.at[idx_v.at[buf, j]],
                    rows_v.at[buf, pl.ds(j * GRP, GRP)],
                    g_sem)
                for j in range(GRPS_PER_CHUNK)
            ]

        def gather_drain(buf):
            return pltpu.make_async_copy(
                table_hbm.at[pl.ds(0, CHUNK)], rows_v.at[buf], g_sem)

        def store_drain(hf, sem):
            return pltpu.make_async_copy(
                out_hbm.at[pl.ds(0, RT)], rt_v.at[hf], sem)

        def store_copies(g, hf, sem):
            t, bblk = task(g)
            cps = []
            for hblk in range(4):
                off = (((t * 4 + hblk) * n_tc)
                       + bblk * tc_per_chunk + hf * 4) * 1024
                cps.append(pltpu.make_async_copy(
                    rt_v.at[hf, pl.ds(hblk * 4096, 4096)],
                    out_hbm.at[pl.ds(off, 4096)], sem))
            return cps

        iota = lax.iota(jnp.int32, LANES)

        def transpose_half(buf, hf):
            src = rows_v.at[buf]
            dst = rt_v.at[hf]

            @plsc.parallel_loop(0, 4 * HID, unroll=4)
            def body(hb):
                b8 = hb >> 5
                h = hb & (HID - 1)
                hrot = (iota + h) & (HID - 1)
                hflat = ((hrot >> 3) << 12) + ((hrot & 7) << 7) + iota
                r00 = (hf * 4 + b8) * GRP
                sidx = b8 * 1024 + hflat
                for c16 in range(8):
                    vals = plsc.load_gather(
                        src, [r00 + c16 * LANES + iota, hrot])
                    plsc.store_scatter(dst, [sidx + c16 * LANES], vals)

        def do_chunk(g, buf):
            @pl.when(g < n_chunks - 1)
            def _():
                idx_copy(g + 1, 1 - buf).wait()
            gather_drain(buf).wait()

            @pl.when(g < n_chunks - 1)
            def _():
                for c in gather_copies(1 - buf):
                    c.start()

            @pl.when(g < n_chunks - 2)
            def _():
                idx_copy(g + 2, buf).start()

            @pl.when(g >= 1)
            def _():
                store_drain(0, st_sem0).wait()
            transpose_half(buf, 0)
            for c in store_copies(g, 0, st_sem0):
                c.start()

            @pl.when(g >= 1)
            def _():
                store_drain(1, st_sem1).wait()
            transpose_half(buf, 1)
            for c in store_copies(g, 1, st_sem1):
                c.start()

        idx_copy(0, 0).start()
        idx_copy(1, 1).start()
        idx_copy(0, 0).wait()
        for c in gather_copies(0):
            c.start()

        def pair(p, _):
            do_chunk(2 * p, 0)
            do_chunk(2 * p + 1, 1)
            return 0

        lax.fori_loop(0, n_chunks // 2, pair, 0, unroll=False)
        store_drain(0, st_sem0).wait()
        store_drain(1, st_sem1).wait()

    return k(ids5, table)


def kernel(input_ids, table):
    b, t = input_ids.shape
    hidden = table.shape[1]
    assert (b, t, hidden) == (16384, 200, 32)
    n_tasks = t * (b // CHUNK)
    assert n_tasks % NW == 0
    n_chunks = n_tasks // NW
    ids5 = input_ids.reshape(b // GRP, GRP, t // 8, 8).transpose(2, 0, 3, 1)
    outf = _gather_call(ids5, table, n_tasks, n_chunks)
    out5 = outf.reshape(t, 4, b // GRP, 8, GRP)
    out = out5.transpose(0, 1, 3, 2, 4).reshape(t, hidden, b).transpose(2, 0, 1)
    return out

# --- scband reference (transcript-rebuilt; emitter-appended) ---
"""Pipeline reference for scband-fmembeddings-8598524526943 (READ-ONLY COPY).

The authoritative reference and input builder live on the scoring server;
editing this copy changes nothing except your own understanding.
"""

import jax, jax.numpy as jnp
import numpy as np

VOCAB = 1000000
HIDDEN = 32
PAD_IDX = 0

def setup_inputs(seed: int = 0) -> dict:
    key = jax.random.key(seed)
    k1, k2 = jax.random.split(key)
    input_ids = jax.random.randint(k1, (16384, 200), 0, VOCAB, dtype=jnp.int64 if jax.config.read('jax_enable_x64') else jnp.int32).astype(jnp.int32)
    table = jax.random.normal(k2, (VOCAB, HIDDEN), dtype=jnp.float32)
    # nn.Embedding with padding_idx zeroes that row at init
    table = table.at[PAD_IDX].set(0.0)
    return {"input_ids": input_ids, "table": table}

def reference(input_ids, table):
    # Faithful to torch nn.Embedding forward: pure gather
    return jnp.take(table, input_ids, axis=0)

if __name__ == "__main__":
    import jax
    _d = setup_inputs()
    print(jax.jit(kernel)(*tuple(_d.values())))

</pallas_src>

<mosaic_0001>
#map = affine_map<(d0, d1) -> (0, 0, 0, 0)>
#map1 = affine_map<(d0, d1) -> (0, 0)>
#map2 = affine_map<(d0, d1) -> (0)>
module attributes {stable_mosaic.version = 14 : i64} {
  func.func @k(%arg0: i32, %arg1: i32, %arg2: memref<25x128x8x128xi32, #tpu.memory_space<hbm>>, %arg3: memref<1000000x32xf32, #tpu.memory_space<hbm>>, %arg4: memref<104857600xf32, #tpu.memory_space<hbm>>, %arg5: memref<2x8x128xi32, #tpu.memory_space<vmem>>, %arg6: memref<2x1024x32xf32, #tpu.memory_space<vmem>>, %arg7: memref<2x16384xf32, #tpu.memory_space<vmem>>, %arg8: memref<!tpu.dma_semaphore, #tpu.memory_space<semaphore_mem>>, %arg9: memref<!tpu.dma_semaphore, #tpu.memory_space<semaphore_mem>>, %arg10: memref<!tpu.dma_semaphore, #tpu.memory_space<semaphore_mem>>, %arg11: memref<!tpu.dma_semaphore, #tpu.memory_space<semaphore_mem>>) attributes {dimension_semantics = [#tpu.dimension_semantics<core_parallel>, #tpu.dimension_semantics<subcore_parallel>], iteration_bounds = array<i64: 2, 16>, scalar_prefetch = 0 : i64, scratch_operands = 7 : i64, tpu.core_type = #tpu.core_type<sc_vector_subcore>, window_params = [{transform_indices = #map}, {transform_indices = #map1}, {transform_indices = #map2}]} {
    %mul3A = arith.constant 2 : i32
    %mul3A_0 = arith.muli %arg1, %mul3A : i32
    %add3A = arith.addi %mul3A_0, %arg0 : i32
    %mul3A_1 = arith.constant 100 : i32
    %mul3A_2 = arith.muli %add3A, %mul3A_1 : i32
    %iota3A = tpu.iota {dimensions = array<i32: 0>} : vector<16xi32>
    %add3A_3 = arith.constant 0 : i32
    %add3A_4 = arith.addi %mul3A_2, %add3A_3 : i32
    %min3A = arith.constant 3199 : i32
    %min3A_5 = arith.minsi %add3A_4, %min3A : i32
    %jit3A = arith.constant 16 : i32
    %div3A = arith.divsi %min3A_5, %jit3A : i32
    %sign3A = arith.constant 0 : i32
    %sign3A_6 = arith.cmpi sgt, %min3A_5, %sign3A : i32
    %sign3A_7 = arith.extui %sign3A_6 : i1 to i32
    %sign3A_8 = arith.constant 0 : i32
    %sign3A_9 = arith.cmpi slt, %min3A_5, %sign3A_8 : i32
    %sign3A_10 = arith.extui %sign3A_9 : i1 to i32
    %sign3A_11 = arith.subi %sign3A_7, %sign3A_10 : i32
    %sign3A_12 = arith.constant 0 : i32
    %sign3A_13 = arith.cmpi sgt, %jit3A, %sign3A_12 : i32
    %sign3A_14 = arith.extui %sign3A_13 : i1 to i32
    %sign3A_15 = arith.constant 0 : i32
    %sign3A_16 = arith.cmpi slt, %jit3A, %sign3A_15 : i32
    %sign3A_17 = arith.extui %sign3A_16 : i1 to i32
    %sign3A_18 = arith.subi %sign3A_14, %sign3A_17 : i32
    %ne3A = arith.cmpi ne, %sign3A_11, %sign3A_18 : i32
    %rem3A = arith.remsi %min3A_5, %jit3A : i32
    %ne3A_19 = arith.constant 0 : i32
    %ne3A_20 = arith.cmpi ne, %rem3A, %ne3A_19 : i32
    %and3A = arith.andi %ne3A, %ne3A_20 : i1
    %sub3A = arith.constant 1 : i32
    %sub3A_21 = arith.subi %div3A, %sub3A : i32
    %select_n3A = arith.select %and3A, %sub3A_21, %div3A : i32
    %jit3A_22 = arith.constant 16 : i32
    %eq3A = arith.constant 0 : i32
    %eq3A_23 = arith.cmpi eq, %jit3A_22, %eq3A : i32
    %jit3A_24 = arith.constant 1 : i32
    %select_n3A_25 = arith.select %eq3A_23, %jit3A_24, %jit3A_22 : i32
    %rem3A_26 = arith.remsi %min3A_5, %select_n3A_25 : i32
    %ne3A_27 = arith.constant 0 : i32
    %ne3A_28 = arith.cmpi ne, %rem3A_26, %ne3A_27 : i32
    %lt3A = arith.constant 0 : i32
    %lt3A_29 = arith.cmpi slt, %rem3A_26, %lt3A : i32
    %lt3A_30 = arith.constant 0 : i32
    %lt3A_31 = arith.cmpi slt, %select_n3A_25, %lt3A_30 : i32
    %ne3A_32 = arith.xori %lt3A_29, %lt3A_31 : i1
    %and3A_33 = arith.andi %ne3A_32, %ne3A_28 : i1
    %add3A_34 = arith.addi %rem3A_26, %select_n3A_25 : i32
    %select_n3A_35 = arith.select %and3A_33, %add3A_34, %rem3A_26 : i32
    %jit3A_36 = arith.constant 8 : i32
    %div3A_37 = arith.divsi %select_n3A, %jit3A_36 : i32
    %sign3A_38 = arith.constant 0 : i32
    %sign3A_39 = arith.cmpi sgt, %select_n3A, %sign3A_38 : i32
    %sign3A_40 = arith.extui %sign3A_39 : i1 to i32
    %sign3A_41 = arith.constant 0 : i32
    %sign3A_42 = arith.cmpi slt, %select_n3A, %sign3A_41 : i32
    %sign3A_43 = arith.extui %sign3A_42 : i1 to i32
    %sign3A_44 = arith.subi %sign3A_40, %sign3A_43 : i32
    %sign3A_45 = arith.constant 0 : i32
    %sign3A_46 = arith.cmpi sgt, %jit3A_36, %sign3A_45 : i32
    %sign3A_47 = arith.extui %sign3A_46 : i1 to i32
    %sign3A_48 = arith.constant 0 : i32
    %sign3A_49 = arith.cmpi slt, %jit3A_36, %sign3A_48 : i32
    %sign3A_50 = arith.extui %sign3A_49 : i1 to i32
    %sign3A_51 = arith.subi %sign3A_47, %sign3A_50 : i32
    %ne3A_52 = arith.cmpi ne, %sign3A_44, %sign3A_51 : i32
    %rem3A_53 = arith.remsi %select_n3A, %jit3A_36 : i32
    %ne3A_54 = arith.constant 0 : i32
    %ne3A_55 = arith.cmpi ne, %rem3A_53, %ne3A_54 : i32
    %and3A_56 = arith.andi %ne3A_52, %ne3A_55 : i1
    %sub3A_57 = arith.constant 1 : i32
    %sub3A_58 = arith.subi %div3A_37, %sub3A_57 : i32
    %select_n3A_59 = arith.select %and3A_56, %sub3A_58, %div3A_37 : i32
    %mul3A_60 = arith.constant 8 : i32
    %mul3A_61 = arith.muli %select_n3A_35, %mul3A_60 : i32
    %jit3A_62 = arith.constant 8 : i32
    %eq3A_63 = arith.constant 0 : i32
    %eq3A_64 = arith.cmpi eq, %jit3A_62, %eq3A_63 : i32
    %jit3A_65 = arith.constant 1 : i32
    %select_n3A_66 = arith.select %eq3A_64, %jit3A_65, %jit3A_62 : i32
    %rem3A_67 = arith.remsi %select_n3A, %select_n3A_66 : i32
    %ne3A_68 = arith.constant 0 : i32
    %ne3A_69 = arith.cmpi ne, %rem3A_67, %ne3A_68 : i32
    %lt3A_70 = arith.constant 0 : i32
    %lt3A_71 = arith.cmpi slt, %rem3A_67, %lt3A_70 : i32
    %lt3A_72 = arith.constant 0 : i32
    %lt3A_73 = arith.cmpi slt, %select_n3A_66, %lt3A_72 : i32
    %ne3A_74 = arith.xori %lt3A_71, %lt3A_73 : i1
    %and3A_75 = arith.andi %ne3A_74, %ne3A_69 : i1
    %add3A_76 = arith.addi %rem3A_67, %select_n3A_66 : i32
    %select_n3A_77 = arith.select %and3A_75, %add3A_76, %rem3A_67 : i32
    %dma_start3A = arith.constant 0 : i32
    %dma_start3A_78 = arith.constant 0 : i32
    %dma_start3A_79 = arith.constant 0 : i32
    %dma_start3A_80 = tpu.memref_slice %arg5[%dma_start3A, %dma_start3A_78, %dma_start3A_79] : memref<2x8x128xi32, #tpu.memory_space<vmem>> -> memref<1x8x128xi32, #tpu.memory_space<vmem>>
    %dma_start3A_81 = tpu.memref_squeeze %dma_start3A_80 : memref<1x8x128xi32, #tpu.memory_space<vmem>> -> memref<8x128xi32, #tpu.memory_space<vmem>>
    %dma_start3A_82 = arith.constant 0 : i32
    %dma_start3A_83 = tpu.memref_slice %arg2[%select_n3A_59, %mul3A_61, %select_n3A_77, %dma_start3A_82] : memref<25x128x8x128xi32, #tpu.memory_space<hbm>> -> memref<1x8x1x128xi32, #tpu.memory_space<hbm>>
    %dma_start3A_84 = tpu.memref_squeeze %dma_start3A_83 : memref<1x8x1x128xi32, #tpu.memory_space<hbm>> -> memref<8x128xi32, #tpu.memory_space<hbm>>
    %dma_start3A_85 = arith.constant 0 : i32
    %dma_start3A_86 = arith.constant 0 : i32
    %dma_start3A_87 = tpu.memref_slice %arg5[%dma_start3A, %dma_start3A_85, %dma_start3A_86] : memref<2x8x128xi32, #tpu.memory_space<vmem>> -> memref<1x8x128xi32, #tpu.memory_space<vmem>>
    %dma_start3A_88 = tpu.memref_squeeze %dma_start3A_87 : memref<1x8x128xi32, #tpu.memory_space<vmem>> -> memref<8x128xi32, #tpu.memory_space<vmem>>
    %dma_start3A_89 = arith.constant 0 : i32
    %dma_start3A_90 = tpu.memref_slice %arg2[%select_n3A_59, %mul3A_61, %select_n3A_77, %dma_start3A_89] : memref<25x128x8x128xi32, #tpu.memory_space<hbm>> -> memref<1x8x1x128xi32, #tpu.memory_space<hbm>>
    %dma_start3A_91 = tpu.memref_squeeze %dma_start3A_90 : memref<1x8x1x128xi32, #tpu.memory_space<hbm>> -> memref<8x128xi32, #tpu.memory_space<hbm>>
    tpu.enqueue_dma source(%dma_start3A_91 : memref<8x128xi32, #tpu.memory_space<hbm>>) target(%dma_start3A_88 : memref<8x128xi32, #tpu.memory_space<vmem>>) target_semaphore(%arg8 : memref<!tpu.dma_semaphore, #tpu.memory_space<semaphore_mem>>)
    %add3A_92 = arith.constant 1 : i32
    %add3A_93 = arith.addi %mul3A_2, %add3A_92 : i32
    %min3A_94 = arith.constant 3199 : i32
    %min3A_95 = arith.minsi %add3A_93, %min3A_94 : i32
    %jit3A_96 = arith.constant 16 : i32
    %div3A_97 = arith.divsi %min3A_95, %jit3A_96 : i32
    %sign3A_98 = arith.constant 0 : i32
    %sign3A_99 = arith.cmpi sgt, %min3A_95, %sign3A_98 : i32
    %sign3A_100 = arith.extui %sign3A_99 : i1 to i32
    %sign3A_101 = arith.constant 0 : i32
    %sign3A_102 = arith.cmpi slt, %min3A_95, %sign3A_101 : i32
    %sign3A_103 = arith.extui %sign3A_102 : i1 to i32
    %sign3A_104 = arith.subi %sign3A_100, %sign3A_103 : i32
    %sign3A_105 = arith.constant 0 : i32
    %sign3A_106 = arith.cmpi sgt, %jit3A_96, %sign3A_105 : i32
    %sign3A_107 = arith.extui %sign3A_106 : i1 to i32
    %sign3A_108 = arith.constant 0 : i32
    %sign3A_109 = arith.cmpi slt, %jit3A_96, %sign3A_108 : i32
    %sign3A_110 = arith.extui %sign3A_109 : i1 to i32
    %sign3A_111 = arith.subi %sign3A_107, %sign3A_110 : i32
    %ne3A_112 = arith.cmpi ne, %sign3A_104, %sign3A_111 : i32
    %rem3A_113 = arith.remsi %min3A_95, %jit3A_96 : i32
    %ne3A_114 = arith.constant 0 : i32
    %ne3A_115 = arith.cmpi ne, %rem3A_113, %ne3A_114 : i32
    %and3A_116 = arith.andi %ne3A_112, %ne3A_115 : i1
    %sub3A_117 = arith.constant 1 : i32
    %sub3A_118 = arith.subi %div3A_97, %sub3A_117 : i32
    %select_n3A_119 = arith.select %and3A_116, %sub3A_118, %div3A_97 : i32
    %jit3A_120 = arith.constant 16 : i32
    %eq3A_121 = arith.constant 0 : i32
    %eq3A_122 = arith.cmpi eq, %jit3A_120, %eq3A_121 : i32
    %jit3A_123 = arith.constant 1 : i32
    %select_n3A_124 = arith.select %eq3A_122, %jit3A_123, %jit3A_120 : i32
    %rem3A_125 = arith.remsi %min3A_95, %select_n3A_124 : i32
    %ne3A_126 = arith.constant 0 : i32
    %ne3A_127 = arith.cmpi ne, %rem3A_125, %ne3A_126 : i32
    %lt3A_128 = arith.constant 0 : i32
    %lt3A_129 = arith.cmpi slt, %rem3A_125, %lt3A_128 : i32
    %lt3A_130 = arith.constant 0 : i32
    %lt3A_131 = arith.cmpi slt, %select_n3A_124, %lt3A_130 : i32
    %ne3A_132 = arith.xori %lt3A_129, %lt3A_131 : i1
    %and3A_133 = arith.andi %ne3A_132, %ne3A_127 : i1
    %add3A_134 = arith.addi %rem3A_125, %select_n3A_124 : i32
    %select_n3A_135 = arith.select %and3A_133, %add3A_134, %rem3A_125 : i32
    %jit3A_136 = arith.constant 8 : i32
    %div3A_137 = arith.divsi %select_n3A_119, %jit3A_136 : i32
    %sign3A_138 = arith.constant 0 : i32
    %sign3A_139 = arith.cmpi sgt, %select_n3A_119, %sign3A_138 : i32
    %sign3A_140 = arith.extui %sign3A_139 : i1 to i32
    %sign3A_141 = arith.constant 0 : i32
    %sign3A_142 = arith.cmpi slt, %select_n3A_119, %sign3A_141 : i32
    %sign3A_143 = arith.extui %sign3A_142 : i1 to i32
    %sign3A_144 = arith.subi %sign3A_140, %sign3A_143 : i32
    %sign3A_145 = arith.constant 0 : i32
    %sign3A_146 = arith.cmpi sgt, %jit3A_136, %sign3A_145 : i32
    %sign3A_147 = arith.extui %sign3A_146 : i1 to i32
    %sign3A_148 = arith.constant 0 : i32
    %sign3A_149 = arith.cmpi slt, %jit3A_136, %sign3A_148 : i32
    %sign3A_150 = arith.extui %sign3A_149 : i1 to i32
    %sign3A_151 = arith.subi %sign3A_147, %sign3A_150 : i32
    %ne3A_152 = arith.cmpi ne, %sign3A_144, %sign3A_151 : i32
    %rem3A_153 = arith.remsi %select_n3A_119, %jit3A_136 : i32
    %ne3A_154 = arith.constant 0 : i32
    %ne3A_155 = arith.cmpi ne, %rem3A_153, %ne3A_154 : i32
    %and3A_156 = arith.andi %ne3A_152, %ne3A_155 : i1
    %sub3A_157 = arith.constant 1 : i32
    %sub3A_158 = arith.subi %div3A_137, %sub3A_157 : i32
    %select_n3A_159 = arith.select %and3A_156, %sub3A_158, %div3A_137 : i32
    %mul3A_160 = arith.constant 8 : i32
    %mul3A_161 = arith.muli %select_n3A_135, %mul3A_160 : i32
    %jit3A_162 = arith.constant 8 : i32
    %eq3A_163 = arith.constant 0 : i32
    %eq3A_164 = arith.cmpi eq, %jit3A_162, %eq3A_163 : i32
    %jit3A_165 = arith.constant 1 : i32
    %select_n3A_166 = arith.select %eq3A_164, %jit3A_165, %jit3A_162 : i32
    %rem3A_167 = arith.remsi %select_n3A_119, %select_n3A_166 : i32
    %ne3A_168 = arith.constant 0 : i32
    %ne3A_169 = arith.cmpi ne, %rem3A_167, %ne3A_168 : i32
    %lt3A_170 = arith.constant 0 : i32
    %lt3A_171 = arith.cmpi slt, %rem3A_167, %lt3A_170 : i32
    %lt3A_172 = arith.constant 0 : i32
    %lt3A_173 = arith.cmpi slt, %select_n3A_166, %lt3A_172 : i32
    %ne3A_174 = arith.xori %lt3A_171, %lt3A_173 : i1
    %and3A_175 = arith.andi %ne3A_174, %ne3A_169 : i1
    %add3A_176 = arith.addi %rem3A_167, %select_n3A_166 : i32
    %select_n3A_177 = arith.select %and3A_175, %add3A_176, %rem3A_167 : i32
    %dma_start3A_178 = arith.constant 1 : i32
    %dma_start3A_179 = arith.constant 0 : i32
    %dma_start3A_180 = arith.constant 0 : i32
    %dma_start3A_181 = tpu.memref_slice %arg5[%dma_start3A_178, %dma_start3A_179, %dma_start3A_180] : memref<2x8x128xi32, #tpu.memory_space<vmem>> -> memref<1x8x128xi32, #tpu.memory_space<vmem>>
    %dma_start3A_182 = tpu.memref_squeeze %dma_start3A_181 : memref<1x8x128xi32, #tpu.memory_space<vmem>> -> memref<8x128xi32, #tpu.memory_space<vmem>>
    %dma_start3A_183 = arith.constant 0 : i32
    %dma_start3A_184 = tpu.memref_slice %arg2[%select_n3A_159, %mul3A_161, %select_n3A_177, %dma_start3A_183] : memref<25x128x8x128xi32, #tpu.memory_space<hbm>> -> memref<1x8x1x128xi32, #tpu.memory_space<hbm>>
    %dma_start3A_185 = tpu.memref_squeeze %dma_start3A_184 : memref<1x8x1x128xi32, #tpu.memory_space<hbm>> -> memref<8x128xi32, #tpu.memory_space<hbm>>
    %dma_start3A_186 = arith.constant 0 : i32
    %dma_start3A_187 = arith.constant 0 : i32
    %dma_start3A_188 = tpu.memref_slice %arg5[%dma_start3A_178, %dma_start3A_186, %dma_start3A_187] : memref<2x8x128xi32, #tpu.memory_space<vmem>> -> memref<1x8x128xi32, #tpu.memory_space<vmem>>
    %dma_start3A_189 = tpu.memref_squeeze %dma_start3A_188 : memref<1x8x128xi32, #tpu.memory_space<vmem>> -> memref<8x128xi32, #tpu.memory_space<vmem>>
    %dma_start3A_190 = arith.constant 0 : i32
    %dma_start3A_191 = tpu.memref_slice %arg2[%select_n3A_159, %mul3A_161, %select_n3A_177, %dma_start3A_190] : memref<25x128x8x128xi32, #tpu.memory_space<hbm>> -> memref<1x8x1x128xi32, #tpu.memory_space<hbm>>
    %dma_start3A_192 = tpu.memref_squeeze %dma_start3A_191 : memref<1x8x1x128xi32, #tpu.memory_space<hbm>> -> memref<8x128xi32, #tpu.memory_space<hbm>>
    tpu.enqueue_dma source(%dma_start3A_192 : memref<8x128xi32, #tpu.memory_space<hbm>>) target(%dma_start3A_189 : memref<8x128xi32, #tpu.memory_space<vmem>>) target_semaphore(%arg8 : memref<!tpu.dma_semaphore, #tpu.memory_space<semaphore_mem>>)
    %add3A_193 = arith.constant 0 : i32
    %add3A_194 = arith.addi %mul3A_2, %add3A_193 : i32
    %min3A_195 = arith.constant 3199 : i32
    %min3A_196 = arith.minsi %add3A_194, %min3A_195 : i32
    %jit3A_197 = arith.constant 16 : i32
    %div3A_198 = arith.divsi %min3A_196, %jit3A_197 : i32
    %sign3A_199 = arith.constant 0 : i32
    %sign3A_200 = arith.cmpi sgt, %min3A_196, %sign3A_199 : i32
    %sign3A_201 = arith.extui %sign3A_200 : i1 to i32
    %sign3A_202 = arith.constant 0 : i32
    %sign3A_203 = arith.cmpi slt, %min3A_196, %sign3A_202 : i32
    %sign3A_204 = arith.extui %sign3A_203 : i1 to i32
    %sign3A_205 = arith.subi %sign3A_201, %sign3A_204 : i32
    %sign3A_206 = arith.constant 0 : i32
    %sign3A_207 = arith.cmpi sgt, %jit3A_197, %sign3A_206 : i32
    %sign3A_208 = arith.extui %sign3A_207 : i1 to i32
    %sign3A_209 = arith.constant 0 : i32
    %sign3A_210 = arith.cmpi slt, %jit3A_197, %sign3A_209 : i32
    %sign3A_211 = arith.extui %sign3A_210 : i1 to i32
    %sign3A_212 = arith.subi %sign3A_208, %sign3A_211 : i32
    %ne3A_213 = arith.cmpi ne, %sign3A_205, %sign3A_212 : i32
    %rem3A_214 = arith.remsi %min3A_196, %jit3A_197 : i32
    %ne3A_215 = arith.constant 0 : i32
    %ne3A_216 = arith.cmpi ne, %rem3A_214, %ne3A_215 : i32
    %and3A_217 = arith.andi %ne3A_213, %ne3A_216 : i1
    %sub3A_218 = arith.constant 1 : i32
    %sub3A_219 = arith.subi %div3A_198, %sub3A_218 : i32
    %select_n3A_220 = arith.select %and3A_217, %sub3A_219, %div3A_198 : i32
    %jit3A_221 = arith.constant 16 : i32
    %eq3A_222 = arith.constant 0 : i32
    %eq3A_223 = arith.cmpi eq, %jit3A_221, %eq3A_222 : i32
    %jit3A_224 = arith.constant 1 : i32
    %select_n3A_225 = arith.select %eq3A_223, %jit3A_224, %jit3A_221 : i32
    %rem3A_226 = arith.remsi %min3A_196, %select_n3A_225 : i32
    %ne3A_227 = arith.constant 0 : i32
    %ne3A_228 = arith.cmpi ne, %rem3A_226, %ne3A_227 : i32
    %lt3A_229 = arith.constant 0 : i32
    %lt3A_230 = arith.cmpi slt, %rem3A_226, %lt3A_229 : i32
    %lt3A_231 = arith.constant 0 : i32
    %lt3A_232 = arith.cmpi slt, %select_n3A_225, %lt3A_231 : i32
    %ne3A_233 = arith.xori %lt3A_230, %lt3A_232 : i1
    %and3A_234 = arith.andi %ne3A_233, %ne3A_228 : i1
    %add3A_235 = arith.addi %rem3A_226, %select_n3A_225 : i32
    %select_n3A_236 = arith.select %and3A_234, %add3A_235, %rem3A_226 : i32
    %jit3A_237 = arith.constant 8 : i32
    %div3A_238 = arith.divsi %select_n3A_220, %jit3A_237 : i32
    %sign3A_239 = arith.constant 0 : i32
    %sign3A_240 = arith.cmpi sgt, %select_n3A_220, %sign3A_239 : i32
    %sign3A_241 = arith.extui %sign3A_240 : i1 to i32
    %sign3A_242 = arith.constant 0 : i32
    %sign3A_243 = arith.cmpi slt, %select_n3A_220, %sign3A_242 : i32
    %sign3A_244 = arith.extui %sign3A_243 : i1 to i32
    %sign3A_245 = arith.subi %sign3A_241, %sign3A_244 : i32
    %sign3A_246 = arith.constant 0 : i32
    %sign3A_247 = arith.cmpi sgt, %jit3A_237, %sign3A_246 : i32
    %sign3A_248 = arith.extui %sign3A_247 : i1 to i32
    %sign3A_249 = arith.constant 0 : i32
    %sign3A_250 = arith.cmpi slt, %jit3A_237, %sign3A_249 : i32
    %sign3A_251 = arith.extui %sign3A_250 : i1 to i32
    %sign3A_252 = arith.subi %sign3A_248, %sign3A_251 : i32
    %ne3A_253 = arith.cmpi ne, %sign3A_245, %sign3A_252 : i32
    %rem3A_254 = arith.remsi %select_n3A_220, %jit3A_237 : i32
    %ne3A_255 = arith.constant 0 : i32
    %ne3A_256 = arith.cmpi ne, %rem3A_254, %ne3A_255 : i32
    %and3A_257 = arith.andi %ne3A_253, %ne3A_256 : i1
    %sub3A_258 = arith.constant 1 : i32
    %sub3A_259 = arith.subi %div3A_238, %sub3A_258 : i32
    %select_n3A_260 = arith.select %and3A_257, %sub3A_259, %div3A_238 : i32
    %mul3A_261 = arith.constant 8 : i32
    %mul3A_262 = arith.muli %select_n3A_236, %mul3A_261 : i32
    %jit3A_263 = arith.constant 8 : i32
    %eq3A_264 = arith.constant 0 : i32
    %eq3A_265 = arith.cmpi eq, %jit3A_263, %eq3A_264 : i32
    %jit3A_266 = arith.constant 1 : i32
    %select_n3A_267 = arith.select %eq3A_265, %jit3A_266, %jit3A_263 : i32
    %rem3A_268 = arith.remsi %select_n3A_220, %select_n3A_267 : i32
    %ne3A_269 = arith.constant 0 : i32
    %ne3A_270 = arith.cmpi ne, %rem3A_268, %ne3A_269 : i32
    %lt3A_271 = arith.constant 0 : i32
    %lt3A_272 = arith.cmpi slt, %rem3A_268, %lt3A_271 : i32
    %lt3A_273 = arith.constant 0 : i32
    %lt3A_274 = arith.cmpi slt, %select_n3A_267, %lt3A_273 : i32
    %ne3A_275 = arith.xori %lt3A_272, %lt3A_274 : i1
    %and3A_276 = arith.andi %ne3A_275, %ne3A_270 : i1
    %add3A_277 = arith.addi %rem3A_268, %select_n3A_267 : i32
    %select_n3A_278 = arith.select %and3A_276, %add3A_277, %rem3A_268 : i32
    %dma_wait3A = arith.constant 0 : i32
    %dma_wait3A_279 = arith.constant 0 : i32
    %dma_wait3A_280 = arith.constant 0 : i32
    %dma_wait3A_281 = tpu.memref_slice %arg5[%dma_wait3A, %dma_wait3A_279, %dma_wait3A_280] : memref<2x8x128xi32, #tpu.memory_space<vmem>> -> memref<1x8x128xi32, #tpu.memory_space<vmem>>
    %dma_wait3A_282 = tpu.memref_squeeze %dma_wait3A_281 : memref<1x8x128xi32, #tpu.memory_space<vmem>> -> memref<8x128xi32, #tpu.memory_space<vmem>>
    %dma_wait3A_283 = arith.constant 0 : i32
    %dma_wait3A_284 = tpu.memref_slice %arg2[%select_n3A_260, %mul3A_262, %select_n3A_278, %dma_wait3A_283] : memref<25x128x8x128xi32, #tpu.memory_space<hbm>> -> memref<1x8x1x128xi32, #tpu.memory_space<hbm>>
    %dma_wait3A_285 = tpu.memref_squeeze %dma_wait3A_284 : memref<1x8x1x128xi32, #tpu.memory_space<hbm>> -> memref<8x128xi32, #tpu.memory_space<hbm>>
    %dma_wait3A_286 = arith.constant 0 : i32
    %dma_wait3A_287 = arith.constant 0 : i32
    %dma_wait3A_288 = tpu.memref_slice %arg5[%dma_wait3A, %dma_wait3A_286, %dma_wait3A_287] : memref<2x8x128xi32, #tpu.memory_space<vmem>> -> memref<1x8x128xi32, #tpu.memory_space<vmem>>
    %dma_wait3A_289 = tpu.memref_squeeze %dma_wait3A_288 : memref<1x8x128xi32, #tpu.memory_space<vmem>> -> memref<8x128xi32, #tpu.memory_space<vmem>>
    %dma_wait3A_290 = arith.constant 0 : i32
    %dma_wait3A_291 = tpu.memref_slice %arg2[%select_n3A_260, %mul3A_262, %select_n3A_278, %dma_wait3A_290] : memref<25x128x8x128xi32, #tpu.memory_space<hbm>> -> memref<1x8x1x128xi32, #tpu.memory_space<hbm>>
    %dma_wait3A_292 = tpu.memref_squeeze %dma_wait3A_291 : memref<1x8x1x128xi32, #tpu.memory_space<hbm>> -> memref<8x128xi32, #tpu.memory_space<hbm>>
    tpu.wait_dma2 semaphore(%arg8 : memref<!tpu.dma_semaphore, #tpu.memory_space<semaphore_mem>>) src(%dma_wait3A_292 : memref<8x128xi32, #tpu.memory_space<hbm>>) dst(%dma_wait3A_289 : memref<8x128xi32, #tpu.memory_space<vmem>>)
    %dma_start3A_293 = arith.constant 0 : i32
    %dma_start3A_294 = arith.constant 0 : i32
    %dma_start3A_295 = arith.constant 0 : i32
    %dma_start3A_296 = arith.constant 0 : i32
    %dma_start3A_297 = arith.constant 0 : i32
    %dma_start3A_298 = tpu.memref_slice %arg6[%dma_start3A_295, %dma_start3A_296, %dma_start3A_297] : memref<2x1024x32xf32, #tpu.memory_space<vmem>> -> memref<1x128x32xf32, #tpu.memory_space<vmem>>
    %dma_start3A_299 = tpu.memref_squeeze %dma_start3A_298 : memref<1x128x32xf32, #tpu.memory_space<vmem>> -> memref<128x32xf32, #tpu.memory_space<vmem>>
    %dma_start3A_300 = arith.constant 0 : i32
    %dma_start3A_301 = tpu.memref_slice %arg5[%dma_start3A_293, %dma_start3A_294, %dma_start3A_300] : memref<2x8x128xi32, #tpu.memory_space<vmem>> -> memref<1x1x128xi32, #tpu.memory_space<vmem>>
    %dma_start3A_302 = tpu.memref_squeeze %dma_start3A_301 : memref<1x1x128xi32, #tpu.memory_space<vmem>> -> memref<128xi32, #tpu.memory_space<vmem>>
    %dma_start3A_303 = arith.constant 0 : i32
    %dma_start3A_304 = arith.constant 0 : i32
    %dma_start3A_305 = tpu.memref_slice %arg3[%dma_start3A_303, %dma_start3A_304] : memref<1000000x32xf32, #tpu.memory_space<hbm>> -> memref<1000000x32xf32, #tpu.memory_space<hbm>>
    tpu.enqueue_indirect_dma source(%dma_start3A_305 : memref<1000000x32xf32, #tpu.memory_space<hbm>>) target(%dma_start3A_299 : memref<128x32xf32, #tpu.memory_space<vmem>>) offsets(%dma_start3A_302 : memref<128xi32, #tpu.memory_space<vmem>>) semaphore(%arg9 : memref<!tpu.dma_semaphore, #tpu.memory_space<semaphore_mem>>)
    %dma_start3A_306 = arith.constant 0 : i32
    %dma_start3A_307 = arith.constant 1 : i32
    %dma_start3A_308 = arith.constant 0 : i32
    %dma_start3A_309 = arith.constant 128 : i32
    %dma_start3A_310 = arith.constant 0 : i32
    %dma_start3A_311 = tpu.memref_slice %arg6[%dma_start3A_308, %dma_start3A_309, %dma_start3A_310] : memref<2x1024x32xf32, #tpu.memory_space<vmem>> -> memref<1x128x32xf32, #tpu.memory_space<vmem>>
    %dma_start3A_312 = tpu.memref_squeeze %dma_start3A_311 : memref<1x128x32xf32, #tpu.memory_space<vmem>> -> memref<128x32xf32, #tpu.memory_space<vmem>>
    %dma_start3A_313 = arith.constant 0 : i32
    %dma_start3A_314 = tpu.memref_slice %arg5[%dma_start3A_306, %dma_start3A_307, %dma_start3A_313] : memref<2x8x128xi32, #tpu.memory_space<vmem>> -> memref<1x1x128xi32, #tpu.memory_space<vmem>>
    %dma_start3A_315 = tpu.memref_squeeze %dma_start3A_314 : memref<1x1x128xi32, #tpu.memory_space<vmem>> -> memref<128xi32, #tpu.memory_space<vmem>>
    %dma_start3A_316 = arith.constant 0 : i32
    %dma_start3A_317 = arith.constant 0 : i32
    %dma_start3A_318 = tpu.memref_slice %arg3[%dma_start3A_316, %dma_start3A_317] : memref<1000000x32xf32, #tpu.memory_space<hbm>> -> memref<1000000x32xf32, #tpu.memory_space<hbm>>
    tpu.enqueue_indirect_dma source(%dma_start3A_318 : memref<1000000x32xf32, #tpu.memory_space<hbm>>) target(%dma_start3A_312 : memref<128x32xf32, #tpu.memory_space<vmem>>) offsets(%dma_start3A_315 : memref<128xi32, #tpu.memory_space<vmem>>) semaphore(%arg9 : memref<!tpu.dma_semaphore, #tpu.memory_space<semaphore_mem>>)
    %dma_start3A_319 = arith.constant 0 : i32
    %dma_start3A_320 = arith.constant 2 : i32
    %dma_start3A_321 = arith.constant 0 : i32
    %dma_start3A_322 = arith.constant 256 : i32
    %dma_start3A_323 = arith.constant 0 : i32
    %dma_start3A_324 = tpu.memref_slice %arg6[%dma_start3A_321, %dma_start3A_322, %dma_start3A_323] : memref<2x1024x32xf32, #tpu.memory_space<vmem>> -> memref<1x128x32xf32, #tpu.memory_space<vmem>>
    %dma_start3A_325 = tpu.memref_squeeze %dma_start3A_324 : memref<1x128x32xf32, #tpu.memory_space<vmem>> -> memref<128x32xf32, #tpu.memory_space<vmem>>
    %dma_start3A_326 = arith.constant 0 : i32
    %dma_start3A_327 = tpu.memref_slice %arg5[%dma_start3A_319, %dma_start3A_320, %dma_start3A_326] : memref<2x8x128xi32, #tpu.memory_space<vmem>> -> memref<1x1x128xi32, #tpu.memory_space<vmem>>
    %dma_start3A_328 = tpu.memref_squeeze %dma_start3A_327 : memref<1x1x128xi32, #tpu.memory_space<vmem>> -> memref<128xi32, #tpu.memory_space<vmem>>
    %dma_start3A_329 = arith.constant 0 : i32
    %dma_start3A_330 = arith.constant 0 : i32
    %dma_start3A_331 = tpu.memref_slice %arg3[%dma_start3A_329, %dma_start3A_330] : memref<1000000x32xf32, #tpu.memory_space<hbm>> -> memref<1000000x32xf32, #tpu.memory_space<hbm>>
    tpu.enqueue_indirect_dma source(%dma_start3A_331 : memref<1000000x32xf32, #tpu.memory_space<hbm>>) target(%dma_start3A_325 : memref<128x32xf32, #tpu.memory_space<vmem>>) offsets(%dma_start3A_328 : memref<128xi32, #tpu.memory_space<vmem>>) semaphore(%arg9 : memref<!tpu.dma_semaphore, #tpu.memory_space<semaphore_mem>>)
    %dma_start3A_332 = arith.constant 0 : i32
    %dma_start3A_333 = arith.constant 3 : i32
    %dma_start3A_334 = arith.constant 0 : i32
    %dma_start3A_335 = arith.constant 384 : i32
    %dma_start3A_336 = arith.constant 0 : i32
    %dma_start3A_337 = tpu.memref_slice %arg6[%dma_start3A_334, %dma_start3A_335, %dma_start3A_336] : memref<2x1024x32xf32, #tpu.memory_space<vmem>> -> memref<1x128x32xf32, #tpu.memory_space<vmem>>
    %dma_start3A_338 = tpu.memref_squeeze %dma_start3A_337 : memref<1x128x32xf32, #tpu.memory_space<vmem>> -> memref<128x32xf32, #tpu.memory_space<vmem>>
    %dma_start3A_339 = arith.constant 0 : i32
    %dma_start3A_340 = tpu.memref_slice %arg5[%dma_start3A_332, %dma_start3A_333, %dma_start3A_339] : memref<2x8x128xi32, #tpu.memory_space<vmem>> -> memref<1x1x128xi32, #tpu.memory_space<vmem>>
    %dma_start3A_341 = tpu.memref_squeeze %dma_start3A_340 : memref<1x1x128xi32, #tpu.memory_space<vmem>> -> memref<128xi32, #tpu.memory_space<vmem>>
    %dma_start3A_342 = arith.constant 0 : i32
    %dma_start3A_343 = arith.constant 0 : i32
    %dma_start3A_344 = tpu.memref_slice %arg3[%dma_start3A_342, %dma_start3A_343] : memref<1000000x32xf32, #tpu.memory_space<hbm>> -> memref<1000000x32xf32, #tpu.memory_space<hbm>>
    tpu.enqueue_indirect_dma source(%dma_start3A_344 : memref<1000000x32xf32, #tpu.memory_space<hbm>>) target(%dma_start3A_338 : memref<128x32xf32, #tpu.memory_space<vmem>>) offsets(%dma_start3A_341 : memref<128xi32, #tpu.memory_space<vmem>>) semaphore(%arg9 : memref<!tpu.dma_semaphore, #tpu.memory_space<semaphore_mem>>)
    %dma_start3A_345 = arith.constant 0 : i32
    %dma_start3A_346 = arith.constant 4 : i32
    %dma_start3A_347 = arith.constant 0 : i32
    %dma_start3A_348 = arith.constant 512 : i32
    %dma_start3A_349 = arith.constant 0 : i32
    %dma_start3A_350 = tpu.memref_slice %arg6[%dma_start3A_347, %dma_start3A_348, %dma_start3A_349] : memref<2x1024x32xf32, #tpu.memory_space<vmem>> -> memref<1x128x32xf32, #tpu.memory_space<vmem>>
    %dma_start3A_351 = tpu.memref_squeeze %dma_start3A_350 : memref<1x128x32xf32, #tpu.memory_space<vmem>> -> memref<128x32xf32, #tpu.memory_space<vmem>>
    %dma_start3A_352 = arith.constant 0 : i32
    %dma_start3A_353 = tpu.memref_slice %arg5[%dma_start3A_345, %dma_start3A_346, %dma_start3A_352] : memref<2x8x128xi32, #tpu.memory_space<vmem>> -> memref<1x1x128xi32, #tpu.memory_space<vmem>>
    %dma_start3A_354 = tpu.memref_squeeze %dma_start3A_353 : memref<1x1x128xi32, #tpu.memory_space<vmem>> -> memref<128xi32, #tpu.memory_space<vmem>>
    %dma_start3A_355 = arith.constant 0 : i32
    %dma_start3A_356 = arith.constant 0 : i32
    %dma_start3A_357 = tpu.memref_slice %arg3[%dma_start3A_355, %dma_start3A_356] : memref<1000000x32xf32, #tpu.memory_space<hbm>> -> memref<1000000x32xf32, #tpu.memory_space<hbm>>
    tpu.enqueue_indirect_dma source(%dma_start3A_357 : memref<1000000x32xf32, #tpu.memory_space<hbm>>) target(%dma_start3A_351 : memref<128x32xf32, #tpu.memory_space<vmem>>) offsets(%dma_start3A_354 : memref<128xi32, #tpu.memory_space<vmem>>) semaphore(%arg9 : memref<!tpu.dma_semaphore, #tpu.memory_space<semaphore_mem>>)
    %dma_start3A_358 = arith.constant 0 : i32
    %dma_start3A_359 = arith.constant 5 : i32
    %dma_start3A_360 = arith.constant 0 : i32
    %dma_start3A_361 = arith.constant 640 : i32
    %dma_start3A_362 = arith.constant 0 : i32
    %dma_start3A_363 = tpu.memref_slice %arg6[%dma_start3A_360, %dma_start3A_361, %dma_start3A_362] : memref<2x1024x32xf32, #tpu.memory_space<vmem>> -> memref<1x128x32xf32, #tpu.memory_space<vmem>>
    %dma_start3A_364 = tpu.memref_squeeze %dma_start3A_363 : memref<1x128x32xf32, #tpu.memory_space<vmem>> -> memref<128x32xf32, #tpu.memory_space<vmem>>
    %dma_start3A_365 = arith.constant 0 : i32
    %dma_start3A_366 = tpu.memref_slice %arg5[%dma_start3A_358, %dma_start3A_359, %dma_start3A_365] : memref<2x8x128xi32, #tpu.memory_space<vmem>> -> memref<1x1x128xi32, #tpu.memory_space<vmem>>
    %dma_start3A_367 = tpu.memref_squeeze %dma_start3A_366 : memref<1x1x128xi32, #tpu.memory_space<vmem>> -> memref<128xi32, #tpu.memory_space<vmem>>
    %dma_start3A_368 = arith.constant 0 : i32
    %dma_start3A_369 = arith.constant 0 : i32
    %dma_start3A_370 = tpu.memref_slice %arg3[%dma_start3A_368, %dma_start3A_369] : memref<1000000x32xf32, #tpu.memory_space<hbm>> -> memref<1000000x32xf32, #tpu.memory_space<hbm>>
    tpu.enqueue_indirect_dma source(%dma_start3A_370 : memref<1000000x32xf32, #tpu.memory_space<hbm>>) target(%dma_start3A_364 : memref<128x32xf32, #tpu.memory_space<vmem>>) offsets(%dma_start3A_367 : memref<128xi32, #tpu.memory_space<vmem>>) semaphore(%arg9 : memref<!tpu.dma_semaphore, #tpu.memory_space<semaphore_mem>>)
    %dma_start3A_371 = arith.constant 0 : i32
    %dma_start3A_372 = arith.constant 6 : i32
    %dma_start3A_373 = arith.constant 0 : i32
    %dma_start3A_374 = arith.constant 768 : i32
    %dma_start3A_375 = arith.constant 0 : i32
    %dma_start3A_376 = tpu.memref_slice %arg6[%dma_start3A_373, %dma_start3A_374, %dma_start3A_375] : memref<2x1024x32xf32, #tpu.memory_space<vmem>> -> memref<1x128x32xf32, #tpu.memory_space<vmem>>
    %dma_start3A_377 = tpu.memref_squeeze %dma_start3A_376 : memref<1x128x32xf32, #tpu.memory_space<vmem>> -> memref<128x32xf32, #tpu.memory_space<vmem>>
    %dma_start3A_378 = arith.constant 0 : i32
    %dma_start3A_379 = tpu.memref_slice %arg5[%dma_start3A_371, %dma_start3A_372, %dma_start3A_378] : memref<2x8x128xi32, #tpu.memory_space<vmem>> -> memref<1x1x128xi32, #tpu.memory_space<vmem>>
    %dma_start3A_380 = tpu.memref_squeeze %dma_start3A_379 : memref<1x1x128xi32, #tpu.memory_space<vmem>> -> memref<128xi32, #tpu.memory_space<vmem>>
    %dma_start3A_381 = arith.constant 0 : i32
    %dma_start3A_382 = arith.constant 0 : i32
    %dma_start3A_383 = tpu.memref_slice %arg3[%dma_start3A_381, %dma_start3A_382] : memref<1000000x32xf32, #tpu.memory_space<hbm>> -> memref<1000000x32xf32, #tpu.memory_space<hbm>>
    tpu.enqueue_indirect_dma source(%dma_start3A_383 : memref<1000000x32xf32, #tpu.memory_space<hbm>>) target(%dma_start3A_377 : memref<128x32xf32, #tpu.memory_space<vmem>>) offsets(%dma_start3A_380 : memref<128xi32, #tpu.memory_space<vmem>>) semaphore(%arg9 : memref<!tpu.dma_semaphore, #tpu.memory_space<semaphore_mem>>)
    %dma_start3A_384 = arith.constant 0 : i32
    %dma_start3A_385 = arith.constant 7 : i32
    %dma_start3A_386 = arith.constant 0 : i32
    %dma_start3A_387 = arith.constant 896 : i32
    %dma_start3A_388 = arith.constant 0 : i32
    %dma_start3A_389 = tpu.memref_slice %arg6[%dma_start3A_386, %dma_start3A_387, %dma_start3A_388] : memref<2x1024x32xf32, #tpu.memory_space<vmem>> -> memref<1x128x32xf32, #tpu.memory_space<vmem>>
    %dma_start3A_390 = tpu.memref_squeeze %dma_start3A_389 : memref<1x128x32xf32, #tpu.memory_space<vmem>> -> memref<128x32xf32, #tpu.memory_space<vmem>>
    %dma_start3A_391 = arith.constant 0 : i32
    %dma_start3A_392 = tpu.memref_slice %arg5[%dma_start3A_384, %dma_start3A_385, %dma_start3A_391] : memref<2x8x128xi32, #tpu.memory_space<vmem>> -> memref<1x1x128xi32, #tpu.memory_space<vmem>>
    %dma_start3A_393 = tpu.memref_squeeze %dma_start3A_392 : memref<1x1x128xi32, #tpu.memory_space<vmem>> -> memref<128xi32, #tpu.memory_space<vmem>>
    %dma_start3A_394 = arith.constant 0 : i32
    %dma_start3A_395 = arith.constant 0 : i32
    %dma_start3A_396 = tpu.memref_slice %arg3[%dma_start3A_394, %dma_start3A_395] : memref<1000000x32xf32, #tpu.memory_space<hbm>> -> memref<1000000x32xf32, #tpu.memory_space<hbm>>
    tpu.enqueue_indirect_dma source(%dma_start3A_396 : memref<1000000x32xf32, #tpu.memory_space<hbm>>) target(%dma_start3A_390 : memref<128x32xf32, #tpu.memory_space<vmem>>) offsets(%dma_start3A_393 : memref<128xi32, #tpu.memory_space<vmem>>) semaphore(%arg9 : memref<!tpu.dma_semaphore, #tpu.memory_space<semaphore_mem>>)
    %scan3A = arith.constant 0 : i32
    %scan3A_397 = arith.constant 0 : i32
    %scan3A_398 = arith.constant 50 : i32
    %scan3A_399 = arith.addi %scan3A_397, %scan3A_398 : i32
    %scan3A_400 = arith.constant 1 : i32
    %scan3A_401 = scf.for %scan3A_425 = %scan3A_397 to %scan3A_399 step %scan3A_400 iter_args(%scan3A_426 = %scan3A) -> (i32)  : i32 {
      %mul3A_427 = arith.constant 2 : i32
      %mul3A_428 = arith.muli %mul3A_427, %scan3A_425 : i32
      %lt3A_429 = arith.constant 99 : i32
      %lt3A_430 = arith.cmpi slt, %mul3A_428, %lt3A_429 : i32
      %convert_element_type3A = arith.extui %lt3A_430 : i1 to i32
      %cond3A = arith.constant 0 : i32
      %cond3A_431 = arith.cmpi ne, %convert_element_type3A, %cond3A : i32
      scf.if %cond3A_431 {
        %add3A_1054 = arith.constant 1 : i32
        %add3A_1055 = arith.addi %mul3A_428, %add3A_1054 : i32
        %add3A_1056 = arith.addi %mul3A_2, %add3A_1055 : i32
        %min3A_1057 = arith.constant 3199 : i32
        %min3A_1058 = arith.minsi %add3A_1056, %min3A_1057 : i32
        %jit3A_1059 = arith.constant 16 : i32
        %div3A_1060 = arith.divsi %min3A_1058, %jit3A_1059 : i32
        %sign3A_1061 = arith.constant 0 : i32
        %sign3A_1062 = arith.cmpi sgt, %min3A_1058, %sign3A_1061 : i32
        %sign3A_1063 = arith.extui %sign3A_1062 : i1 to i32
        %sign3A_1064 = arith.constant 0 : i32
        %sign3A_1065 = arith.cmpi slt, %min3A_1058, %sign3A_1064 : i32
        %sign3A_1066 = arith.extui %sign3A_1065 : i1 to i32
        %sign3A_1067 = arith.subi %sign3A_1063, %sign3A_1066 : i32
        %sign3A_1068 = arith.constant 0 : i32
        %sign3A_1069 = arith.cmpi sgt, %jit3A_1059, %sign3A_1068 : i32
        %sign3A_1070 = arith.extui %sign3A_1069 : i1 to i32
        %sign3A_1071 = arith.constant 0 : i32
        %sign3A_1072 = arith.cmpi slt, %jit3A_1059, %sign3A_1071 : i32
        %sign3A_1073 = arith.extui %sign3A_1072 : i1 to i32
        %sign3A_1074 = arith.subi %sign3A_1070, %sign3A_1073 : i32
        %ne3A_1075 = arith.cmpi ne, %sign3A_1067, %sign3A_1074 : i32
        %rem3A_1076 = arith.remsi %min3A_1058, %jit3A_1059 : i32
        %ne3A_1077 = arith.constant 0 : i32
        %ne3A_1078 = arith.cmpi ne, %rem3A_1076, %ne3A_1077 : i32
        %and3A_1079 = arith.andi %ne3A_1075, %ne3A_1078 : i1
        %sub3A_1080 = arith.constant 1 : i32
        %sub3A_1081 = arith.subi %div3A_1060, %sub3A_1080 : i32
        %select_n3A_1082 = arith.select %and3A_1079, %sub3A_1081, %div3A_1060 : i32
        %jit3A_1083 = arith.constant 16 : i32
        %eq3A_1084 = arith.constant 0 : i32
        %eq3A_1085 = arith.cmpi eq, %jit3A_1083, %eq3A_1084 : i32
        %jit3A_1086 = arith.constant 1 : i32
        %select_n3A_1087 = arith.select %eq3A_1085, %jit3A_1086, %jit3A_1083 : i32
        %rem3A_1088 = arith.remsi %min3A_1058, %select_n3A_1087 : i32
        %ne3A_1089 = arith.constant 0 : i32
        %ne3A_1090 = arith.cmpi ne, %rem3A_1088, %ne3A_1089 : i32
        %lt3A_1091 = arith.constant 0 : i32
        %lt3A_1092 = arith.cmpi slt, %rem3A_1088, %lt3A_1091 : i32
        %lt3A_1093 = arith.constant 0 : i32
        %lt3A_1094 = arith.cmpi slt, %select_n3A_1087, %lt3A_1093 : i32
        %ne3A_1095 = arith.xori %lt3A_1092, %lt3A_1094 : i1
        %and3A_1096 = arith.andi %ne3A_1095, %ne3A_1090 : i1
        %add3A_1097 = arith.addi %rem3A_1088, %select_n3A_1087 : i32
        %select_n3A_1098 = arith.select %and3A_1096, %add3A_1097, %rem3A_1088 : i32
        %jit3A_1099 = arith.constant 8 : i32
        %div3A_1100 = arith.divsi %select_n3A_1082, %jit3A_1099 : i32
        %sign3A_1101 = arith.constant 0 : i32
        %sign3A_1102 = arith.cmpi sgt, %select_n3A_1082, %sign3A_1101 : i32
        %sign3A_1103 = arith.extui %sign3A_1102 : i1 to i32
        %sign3A_1104 = arith.constant 0 : i32
        %sign3A_1105 = arith.cmpi slt, %select_n3A_1082, %sign3A_1104 : i32
        %sign3A_1106 = arith.extui %sign3A_1105 : i1 to i32
        %sign3A_1107 = arith.subi %sign3A_1103, %sign3A_1106 : i32
        %sign3A_1108 = arith.constant 0 : i32
        %sign3A_1109 = arith.cmpi sgt, %jit3A_1099, %sign3A_1108 : i32
        %sign3A_1110 = arith.extui %sign3A_1109 : i1 to i32
        %sign3A_1111 = arith.constant 0 : i32
        %sign3A_1112 = arith.cmpi slt, %jit3A_1099, %sign3A_1111 : i32
        %sign3A_1113 = arith.extui %sign3A_1112 : i1 to i32
        %sign3A_1114 = arith.subi %sign3A_1110, %sign3A_1113 : i32
        %ne3A_1115 = arith.cmpi ne, %sign3A_1107, %sign3A_1114 : i32
        %rem3A_1116 = arith.remsi %select_n3A_1082, %jit3A_1099 : i32
        %ne3A_1117 = arith.constant 0 : i32
        %ne3A_1118 = arith.cmpi ne, %rem3A_1116, %ne3A_1117 : i32
        %and3A_1119 = arith.andi %ne3A_1115, %ne3A_1118 : i1
        %sub3A_1120 = arith.constant 1 : i32
        %sub3A_1121 = arith.subi %div3A_1100, %sub3A_1120 : i32
        %select_n3A_1122 = arith.select %and3A_1119, %sub3A_1121, %div3A_1100 : i32
        %mul3A_1123 = arith.constant 8 : i32
        %mul3A_1124 = arith.muli %select_n3A_1098, %mul3A_1123 : i32
        %jit3A_1125 = arith.constant 8 : i32
        %eq3A_1126 = arith.constant 0 : i32
        %eq3A_1127 = arith.cmpi eq, %jit3A_1125, %eq3A_1126 : i32
        %jit3A_1128 = arith.constant 1 : i32
        %select_n3A_1129 = arith.select %eq3A_1127, %jit3A_1128, %jit3A_1125 : i32
        %rem3A_1130 = arith.remsi %select_n3A_1082, %select_n3A_1129 : i32
        %ne3A_1131 = arith.constant 0 : i32
        %ne3A_1132 = arith.cmpi ne, %rem3A_1130, %ne3A_1131 : i32
        %lt3A_1133 = arith.constant 0 : i32
        %lt3A_1134 = arith.cmpi slt, %rem3A_1130, %lt3A_1133 : i32
        %lt3A_1135 = arith.constant 0 : i32
        %lt3A_1136 = arith.cmpi slt, %select_n3A_1129, %lt3A_1135 : i32
        %ne3A_1137 = arith.xori %lt3A_1134, %lt3A_1136 : i1
        %and3A_1138 = arith.andi %ne3A_1137, %ne3A_1132 : i1
        %add3A_1139 = arith.addi %rem3A_1130, %select_n3A_1129 : i32
        %select_n3A_1140 = arith.select %and3A_1138, %add3A_1139, %rem3A_1130 : i32
        %dma_wait3A_1141 = arith.constant 1 : i32
        %dma_wait3A_1142 = arith.constant 0 : i32
        %dma_wait3A_1143 = arith.constant 0 : i32
        %dma_wait3A_1144 = tpu.memref_slice %arg5[%dma_wait3A_1141, %dma_wait3A_1142, %dma_wait3A_1143] : memref<2x8x128xi32, #tpu.memory_space<vmem>> -> memref<1x8x128xi32, #tpu.memory_space<vmem>>
        %dma_wait3A_1145 = tpu.memref_squeeze %dma_wait3A_1144 : memref<1x8x128xi32, #tpu.memory_space<vmem>> -> memref<8x128xi32, #tpu.memory_space<vmem>>
        %dma_wait3A_1146 = arith.constant 0 : i32
        %dma_wait3A_1147 = tpu.memref_slice %arg2[%select_n3A_1122, %mul3A_1124, %select_n3A_1140, %dma_wait3A_1146] : memref<25x128x8x128xi32, #tpu.memory_space<hbm>> -> memref<1x8x1x128xi32, #tpu.memory_space<hbm>>
        %dma_wait3A_1148 = tpu.memref_squeeze %dma_wait3A_1147 : memref<1x8x1x128xi32, #tpu.memory_space<hbm>> -> memref<8x128xi32, #tpu.memory_space<hbm>>
        %dma_wait3A_1149 = arith.constant 0 : i32
        %dma_wait3A_1150 = arith.constant 0 : i32
        %dma_wait3A_1151 = tpu.memref_slice %arg5[%dma_wait3A_1141, %dma_wait3A_1149, %dma_wait3A_1150] : memref<2x8x128xi32, #tpu.memory_space<vmem>> -> memref<1x8x128xi32, #tpu.memory_space<vmem>>
        %dma_wait3A_1152 = tpu.memref_squeeze %dma_wait3A_1151 : memref<1x8x128xi32, #tpu.memory_space<vmem>> -> memref<8x128xi32, #tpu.memory_space<vmem>>
        %dma_wait3A_1153 = arith.constant 0 : i32
        %dma_wait3A_1154 = tpu.memref_slice %arg2[%select_n3A_1122, %mul3A_1124, %select_n3A_1140, %dma_wait3A_1153] : memref<25x128x8x128xi32, #tpu.memory_space<hbm>> -> memref<1x8x1x128xi32, #tpu.memory_space<hbm>>
        %dma_wait3A_1155 = tpu.memref_squeeze %dma_wait3A_1154 : memref<1x8x1x128xi32, #tpu.memory_space<hbm>> -> memref<8x128xi32, #tpu.memory_space<hbm>>
        tpu.wait_dma2 semaphore(%arg8 : memref<!tpu.dma_semaphore, #tpu.memory_space<semaphore_mem>>) src(%dma_wait3A_1155 : memref<8x128xi32, #tpu.memory_space<hbm>>) dst(%dma_wait3A_1152 : memref<8x128xi32, #tpu.memory_space<vmem>>)
      } else {
      }
      %dma_wait3A_432 = arith.constant 0 : i32
      %dma_wait3A_433 = arith.constant 0 : i32
      %dma_wait3A_434 = arith.constant 0 : i32
      %dma_wait3A_435 = tpu.memref_slice %arg6[%dma_wait3A_432, %dma_wait3A_433, %dma_wait3A_434] : memref<2x1024x32xf32, #tpu.memory_space<vmem>> -> memref<1x1024x32xf32, #tpu.memory_space<vmem>>
      %dma_wait3A_436 = tpu.memref_squeeze %dma_wait3A_435 : memref<1x1024x32xf32, #tpu.memory_space<vmem>> -> memref<1024x32xf32, #tpu.memory_space<vmem>>
      %dma_wait3A_437 = arith.constant 0 : i32
      %dma_wait3A_438 = arith.constant 0 : i32
      %dma_wait3A_439 = tpu.memref_slice %arg3[%dma_wait3A_437, %dma_wait3A_438] : memref<1000000x32xf32, #tpu.memory_space<hbm>> -> memref<1024x32xf32, #tpu.memory_space<hbm>>
      %dma_wait3A_440 = arith.constant 0 : i32
      %dma_wait3A_441 = arith.constant 0 : i32
      %dma_wait3A_442 = tpu.memref_slice %arg6[%dma_wait3A_432, %dma_wait3A_440, %dma_wait3A_441] : memref<2x1024x32xf32, #tpu.memory_space<vmem>> -> memref<1x1024x32xf32, #tpu.memory_space<vmem>>
      %dma_wait3A_443 = tpu.memref_squeeze %dma_wait3A_442 : memref<1x1024x32xf32, #tpu.memory_space<vmem>> -> memref<1024x32xf32, #tpu.memory_space<vmem>>
      %dma_wait3A_444 = arith.constant 0 : i32
      %dma_wait3A_445 = arith.constant 0 : i32
      %dma_wait3A_446 = tpu.memref_slice %arg3[%dma_wait3A_444, %dma_wait3A_445] : memref<1000000x32xf32, #tpu.memory_space<hbm>> -> memref<1024x32xf32, #tpu.memory_space<hbm>>
      tpu.wait_dma2 semaphore(%arg9 : memref<!tpu.dma_semaphore, #tpu.memory_space<semaphore_mem>>) src(%dma_wait3A_446 : memref<1024x32xf32, #tpu.memory_space<hbm>>) dst(%dma_wait3A_443 : memref<1024x32xf32, #tpu.memory_space<vmem>>)
      %lt3A_447 = arith.constant 99 : i32
      %lt3A_448 = arith.cmpi slt, %mul3A_428, %lt3A_447 : i32
      %convert_element_type3A_449 = arith.extui %lt3A_448 : i1 to i32
      %cond3A_450 = arith.constant 0 : i32
      %cond3A_451 = arith.cmpi ne, %convert_element_type3A_449, %cond3A_450 : i32
      scf.if %cond3A_451 {
        %dma_start3A_1054 = arith.constant 1 : i32
        %dma_start3A_1055 = arith.constant 0 : i32
        %dma_start3A_1056 = arith.constant 1 : i32
        %dma_start3A_1057 = arith.constant 0 : i32
        %dma_start3A_1058 = arith.constant 0 : i32
        %dma_start3A_1059 = tpu.memref_slice %arg6[%dma_start3A_1056, %dma_start3A_1057, %dma_start3A_1058] : memref<2x1024x32xf32, #tpu.memory_space<vmem>> -> memref<1x128x32xf32, #tpu.memory_space<vmem>>
        %dma_start3A_1060 = tpu.memref_squeeze %dma_start3A_1059 : memref<1x128x32xf32, #tpu.memory_space<vmem>> -> memref<128x32xf32, #tpu.memory_space<vmem>>
        %dma_start3A_1061 = arith.constant 0 : i32
        %dma_start3A_1062 = tpu.memref_slice %arg5[%dma_start3A_1054, %dma_start3A_1055, %dma_start3A_1061] : memref<2x8x128xi32, #tpu.memory_space<vmem>> -> memref<1x1x128xi32, #tpu.memory_space<vmem>>
        %dma_start3A_1063 = tpu.memref_squeeze %dma_start3A_1062 : memref<1x1x128xi32, #tpu.memory_space<vmem>> -> memref<128xi32, #tpu.memory_space<vmem>>
        %dma_start3A_1064 = arith.constant 0 : i32
        %dma_start3A_1065 = arith.constant 0 : i32
        %dma_start3A_1066 = tpu.memref_slice %arg3[%dma_start3A_1064, %dma_start3A_1065] : memref<1000000x32xf32, #tpu.memory_space<hbm>> -> memref<1000000x32xf32, #tpu.memory_space<hbm>>
        tpu.enqueue_indirect_dma source(%dma_start3A_1066 : memref<1000000x32xf32, #tpu.memory_space<hbm>>) target(%dma_start3A_1060 : memref<128x32xf32, #tpu.memory_space<vmem>>) offsets(%dma_start3A_1063 : memref<128xi32, #tpu.memory_space<vmem>>) semaphore(%arg9 : memref<!tpu.dma_semaphore, #tpu.memory_space<semaphore_mem>>)
        %dma_start3A_1067 = arith.constant 1 : i32
        %dma_start3A_1068 = arith.constant 1 : i32
        %dma_start3A_1069 = arith.constant 1 : i32
        %dma_start3A_1070 = arith.constant 128 : i32
        %dma_start3A_1071 = arith.constant 0 : i32
        %dma_start3A_1072 = tpu.memref_slice %arg6[%dma_start3A_1069, %dma_start3A_1070, %dma_start3A_1071] : memref<2x1024x32xf32, #tpu.memory_space<vmem>> -> memref<1x128x32xf32, #tpu.memory_space<vmem>>
        %dma_start3A_1073 = tpu.memref_squeeze %dma_start3A_1072 : memref<1x128x32xf32, #tpu.memory_space<vmem>> -> memref<128x32xf32, #tpu.memory_space<vmem>>
        %dma_start3A_1074 = arith.constant 0 : i32
        %dma_start3A_1075 = tpu.memref_slice %arg5[%dma_start3A_1067, %dma_start3A_1068, %dma_start3A_1074] : memref<2x8x128xi32, #tpu.memory_space<vmem>> -> memref<1x1x128xi32, #tpu.memory_space<vmem>>
        %dma_start3A_1076 = tpu.memref_squeeze %dma_start3A_1075 : memref<1x1x128xi32, #tpu.memory_space<vmem>> -> memref<128xi32, #tpu.memory_space<vmem>>
        %dma_start3A_1077 = arith.constant 0 : i32
        %dma_start3A_1078 = arith.constant 0 : i32
        %dma_start3A_1079 = tpu.memref_slice %arg3[%dma_start3A_1077, %dma_start3A_1078] : memref<1000000x32xf32, #tpu.memory_space<hbm>> -> memref<1000000x32xf32, #tpu.memory_space<hbm>>
        tpu.enqueue_indirect_dma source(%dma_start3A_1079 : memref<1000000x32xf32, #tpu.memory_space<hbm>>) target(%dma_start3A_1073 : memref<128x32xf32, #tpu.memory_space<vmem>>) offsets(%dma_start3A_1076 : memref<128xi32, #tpu.memory_space<vmem>>) semaphore(%arg9 : memref<!tpu.dma_semaphore, #tpu.memory_space<semaphore_mem>>)
        %dma_start3A_1080 = arith.constant 1 : i32
        %dma_start3A_1081 = arith.constant 2 : i32
        %dma_start3A_1082 = arith.constant 1 : i32
        %dma_start3A_1083 = arith.constant 256 : i32
        %dma_start3A_1084 = arith.constant 0 : i32
        %dma_start3A_1085 = tpu.memref_slice %arg6[%dma_start3A_1082, %dma_start3A_1083, %dma_start3A_1084] : memref<2x1024x32xf32, #tpu.memory_space<vmem>> -> memref<1x128x32xf32, #tpu.memory_space<vmem>>
        %dma_start3A_1086 = tpu.memref_squeeze %dma_start3A_1085 : memref<1x128x32xf32, #tpu.memory_space<vmem>> -> memref<128x32xf32, #tpu.memory_space<vmem>>
        %dma_start3A_1087 = arith.constant 0 : i32
        %dma_start3A_1088 = tpu.memref_slice %arg5[%dma_start3A_1080, %dma_start3A_1081, %dma_start3A_1087] : memref<2x8x128xi32, #tpu.memory_space<vmem>> -> memref<1x1x128xi32, #tpu.memory_space<vmem>>
        %dma_start3A_1089 = tpu.memref_squeeze %dma_start3A_1088 : memref<1x1x128xi32, #tpu.memory_space<vmem>> -> memref<128xi32, #tpu.memory_space<vmem>>
        %dma_start3A_1090 = arith.constant 0 : i32
        %dma_start3A_1091 = arith.constant 0 : i32
        %dma_start3A_1092 = tpu.memref_slice %arg3[%dma_start3A_1090, %dma_start3A_1091] : memref<1000000x32xf32, #tpu.memory_space<hbm>> -> memref<1000000x32xf32, #tpu.memory_space<hbm>>
        tpu.enqueue_indirect_dma source(%dma_start3A_1092 : memref<1000000x32xf32, #tpu.memory_space<hbm>>) target(%dma_start3A_1086 : memref<128x32xf32, #tpu.memory_space<vmem>>) offsets(%dma_start3A_1089 : memref<128xi32, #tpu.memory_space<vmem>>) semaphore(%arg9 : memref<!tpu.dma_semaphore, #tpu.memory_space<semaphore_mem>>)
        %dma_start3A_1093 = arith.constant 1 : i32
        %dma_start3A_1094 = arith.constant 3 : i32
        %dma_start3A_1095 = arith.constant 1 : i32
        %dma_start3A_1096 = arith.constant 384 : i32
        %dma_start3A_1097 = arith.constant 0 : i32
        %dma_start3A_1098 = tpu.memref_slice %arg6[%dma_start3A_1095, %dma_start3A_1096, %dma_start3A_1097] : memref<2x1024x32xf32, #tpu.memory_space<vmem>> -> memref<1x128x32xf32, #tpu.memory_space<vmem>>
        %dma_start3A_1099 = tpu.memref_squeeze %dma_start3A_1098 : memref<1x128x32xf32, #tpu.memory_space<vmem>> -> memref<128x32xf32, #tpu.memory_space<vmem>>
        %dma_start3A_1100 = arith.constant 0 : i32
        %dma_start3A_1101 = tpu.memref_slice %arg5[%dma_start3A_1093, %dma_start3A_1094, %dma_start3A_1100] : memref<2x8x128xi32, #tpu.memory_space<vmem>> -> memref<1x1x128xi32, #tpu.memory_space<vmem>>
        %dma_start3A_1102 = tpu.memref_squeeze %dma_start3A_1101 : memref<1x1x128xi32, #tpu.memory_space<vmem>> -> memref<128xi32, #tpu.memory_space<vmem>>
        %dma_start3A_1103 = arith.constant 0 : i32
        %dma_start3A_1104 = arith.constant 0 : i32
        %dma_start3A_1105 = tpu.memref_slice %arg3[%dma_start3A_1103, %dma_start3A_1104] : memref<1000000x32xf32, #tpu.memory_space<hbm>> -> memref<1000000x32xf32, #tpu.memory_space<hbm>>
        tpu.enqueue_indirect_dma source(%dma_start3A_1105 : memref<1000000x32xf32, #tpu.memory_space<hbm>>) target(%dma_start3A_1099 : memref<128x32xf32, #tpu.memory_space<vmem>>) offsets(%dma_start3A_1102 : memref<128xi32, #tpu.memory_space<vmem>>) semaphore(%arg9 : memref<!tpu.dma_semaphore, #tpu.memory_space<semaphore_mem>>)
        %dma_start3A_1106 = arith.constant 1 : i32
        %dma_start3A_1107 = arith.constant 4 : i32
        %dma_start3A_1108 = arith.constant 1 : i32
        %dma_start3A_1109 = arith.constant 512 : i32
        %dma_start3A_1110 = arith.constant 0 : i32
        %dma_start3A_1111 = tpu.memref_slice %arg6[%dma_start3A_1108, %dma_start3A_1109, %dma_start3A_1110] : memref<2x1024x32xf32, #tpu.memory_space<vmem>> -> memref<1x128x32xf32, #tpu.memory_space<vmem>>
        %dma_start3A_1112 = tpu.memref_squeeze %dma_start3A_1111 : memref<1x128x32xf32, #tpu.memory_space<vmem>> -> memref<128x32xf32, #tpu.memory_space<vmem>>
        %dma_start3A_1113 = arith.constant 0 : i32
        %dma_start3A_1114 = tpu.memref_slice %arg5[%dma_start3A_1106, %dma_start3A_1107, %dma_start3A_1113] : memref<2x8x128xi32, #tpu.memory_space<vmem>> -> memref<1x1x128xi32, #tpu.memory_space<vmem>>
        %dma_start3A_1115 = tpu.memref_squeeze %dma_start3A_1114 : memref<1x1x128xi32, #tpu.memory_space<vmem>> -> memref<128xi32, #tpu.memory_space<vmem>>
        %dma_start3A_1116 = arith.constant 0 : i32
        %dma_start3A_1117 = arith.constant 0 : i32
        %dma_start3A_1118 = tpu.memref_slice %arg3[%dma_start3A_1116, %dma_start3A_1117] : memref<1000000x32xf32, #tpu.memory_space<hbm>> -> memref<1000000x32xf32, #tpu.memory_space<hbm>>
        tpu.enqueue_indirect_dma source(%dma_start3A_1118 : memref<1000000x32xf32, #tpu.memory_space<hbm>>) target(%dma_start3A_1112 : memref<128x32xf32, #tpu.memory_space<vmem>>) offsets(%dma_start3A_1115 : memref<128xi32, #tpu.memory_space<vmem>>) semaphore(%arg9 : memref<!tpu.dma_semaphore, #tpu.memory_space<semaphore_mem>>)
        %dma_start3A_1119 = arith.constant 1 : i32
        %dma_start3A_1120 = arith.constant 5 : i32
        %dma_start3A_1121 = arith.constant 1 : i32
        %dma_start3A_1122 = arith.constant 640 : i32
        %dma_start3A_1123 = arith.constant 0 : i32
        %dma_start3A_1124 = tpu.memref_slice %arg6[%dma_start3A_1121, %dma_start3A_1122, %dma_start3A_1123] : memref<2x1024x32xf32, #tpu.memory_space<vmem>> -> memref<1x128x32xf32, #tpu.memory_space<vmem>>
        %dma_start3A_1125 = tpu.memref_squeeze %dma_start3A_1124 : memref<1x128x32xf32, #tpu.memory_space<vmem>> -> memref<128x32xf32, #tpu.memory_space<vmem>>
        %dma_start3A_1126 = arith.constant 0 : i32
        %dma_start3A_1127 = tpu.memref_slice %arg5[%dma_start3A_1119, %dma_start3A_1120, %dma_start3A_1126] : memref<2x8x128xi32, #tpu.memory_space<vmem>> -> memref<1x1x128xi32, #tpu.memory_space<vmem>>
        %dma_start3A_1128 = tpu.memref_squeeze %dma_start3A_1127 : memref<1x1x128xi32, #tpu.memory_space<vmem>> -> memref<128xi32, #tpu.memory_space<vmem>>
        %dma_start3A_1129 = arith.constant 0 : i32
        %dma_start3A_1130 = arith.constant 0 : i32
        %dma_start3A_1131 = tpu.memref_slice %arg3[%dma_start3A_1129, %dma_start3A_1130] : memref<1000000x32xf32, #tpu.memory_space<hbm>> -> memref<1000000x32xf32, #tpu.memory_space<hbm>>
        tpu.enqueue_indirect_dma source(%dma_start3A_1131 : memref<1000000x32xf32, #tpu.memory_space<hbm>>) target(%dma_start3A_1125 : memref<128x32xf32, #tpu.memory_space<vmem>>) offsets(%dma_start3A_1128 : memref<128xi32, #tpu.memory_space<vmem>>) semaphore(%arg9 : memref<!tpu.dma_semaphore, #tpu.memory_space<semaphore_mem>>)
        %dma_start3A_1132 = arith.constant 1 : i32
        %dma_start3A_1133 = arith.constant 6 : i32
        %dma_start3A_1134 = arith.constant 1 : i32
        %dma_start3A_1135 = arith.constant 768 : i32
        %dma_start3A_1136 = arith.constant 0 : i32
        %dma_start3A_1137 = tpu.memref_slice %arg6[%dma_start3A_1134, %dma_start3A_1135, %dma_start3A_1136] : memref<2x1024x32xf32, #tpu.memory_space<vmem>> -> memref<1x128x32xf32, #tpu.memory_space<vmem>>
        %dma_start3A_1138 = tpu.memref_squeeze %dma_start3A_1137 : memref<1x128x32xf32, #tpu.memory_space<vmem>> -> memref<128x32xf32, #tpu.memory_space<vmem>>
        %dma_start3A_1139 = arith.constant 0 : i32
        %dma_start3A_1140 = tpu.memref_slice %arg5[%dma_start3A_1132, %dma_start3A_1133, %dma_start3A_1139] : memref<2x8x128xi32, #tpu.memory_space<vmem>> -> memref<1x1x128xi32, #tpu.memory_space<vmem>>
        %dma_start3A_1141 = tpu.memref_squeeze %dma_start3A_1140 : memref<1x1x128xi32, #tpu.memory_space<vmem>> -> memref<128xi32, #tpu.memory_space<vmem>>
        %dma_start3A_1142 = arith.constant 0 : i32
        %dma_start3A_1143 = arith.constant 0 : i32
        %dma_start3A_1144 = tpu.memref_slice %arg3[%dma_start3A_1142, %dma_start3A_1143] : memref<1000000x32xf32, #tpu.memory_space<hbm>> -> memref<1000000x32xf32, #tpu.memory_space<hbm>>
        tpu.enqueue_indirect_dma source(%dma_start3A_1144 : memref<1000000x32xf32, #tpu.memory_space<hbm>>) target(%dma_start3A_1138 : memref<128x32xf32, #tpu.memory_space<vmem>>) offsets(%dma_start3A_1141 : memref<128xi32, #tpu.memory_space<vmem>>) semaphore(%arg9 : memref<!tpu.dma_semaphore, #tpu.memory_space<semaphore_mem>>)
        %dma_start3A_1145 = arith.constant 1 : i32
        %dma_start3A_1146 = arith.constant 7 : i32
        %dma_start3A_1147 = arith.constant 1 : i32
        %dma_start3A_1148 = arith.constant 896 : i32
        %dma_start3A_1149 = arith.constant 0 : i32
        %dma_start3A_1150 = tpu.memref_slice %arg6[%dma_start3A_1147, %dma_start3A_1148, %dma_start3A_1149] : memref<2x1024x32xf32, #tpu.memory_space<vmem>> -> memref<1x128x32xf32, #tpu.memory_space<vmem>>
        %dma_start3A_1151 = tpu.memref_squeeze %dma_start3A_1150 : memref<1x128x32xf32, #tpu.memory_space<vmem>> -> memref<128x32xf32, #tpu.memory_space<vmem>>
        %dma_start3A_1152 = arith.constant 0 : i32
        %dma_start3A_1153 = tpu.memref_slice %arg5[%dma_start3A_1145, %dma_start3A_1146, %dma_start3A_1152] : memref<2x8x128xi32, #tpu.memory_space<vmem>> -> memref<1x1x128xi32, #tpu.memory_space<vmem>>
        %dma_start3A_1154 = tpu.memref_squeeze %dma_start3A_1153 : memref<1x1x128xi32, #tpu.memory_space<vmem>> -> memref<128xi32, #tpu.memory_space<vmem>>
        %dma_start3A_1155 = arith.constant 0 : i32
        %dma_start3A_1156 = arith.constant 0 : i32
        %dma_start3A_1157 = tpu.memref_slice %arg3[%dma_start3A_1155, %dma_start3A_1156] : memref<1000000x32xf32, #tpu.memory_space<hbm>> -> memref<1000000x32xf32, #tpu.memory_space<hbm>>
        tpu.enqueue_indirect_dma source(%dma_start3A_1157 : memref<1000000x32xf32, #tpu.memory_space<hbm>>) target(%dma_start3A_1151 : memref<128x32xf32, #tpu.memory_space<vmem>>) offsets(%dma_start3A_1154 : memref<128xi32, #tpu.memory_space<vmem>>) semaphore(%arg9 : memref<!tpu.dma_semaphore, #tpu.memory_space<semaphore_mem>>)
      } else {
      }
      %lt3A_452 = arith.constant 98 : i32
      %lt3A_453 = arith.cmpi slt, %mul3A_428, %lt3A_452 : i32
      %convert_element_type3A_454 = arith.extui %lt3A_453 : i1 to i32
      %cond3A_455 = arith.constant 0 : i32
      %cond3A_456 = arith.cmpi ne, %convert_element_type3A_454, %cond3A_455 : i32
      scf.if %cond3A_456 {
        %add3A_1054 = arith.constant 2 : i32
        %add3A_1055 = arith.addi %mul3A_428, %add3A_1054 : i32
        %add3A_1056 = arith.addi %mul3A_2, %add3A_1055 : i32
        %min3A_1057 = arith.constant 3199 : i32
        %min3A_1058 = arith.minsi %add3A_1056, %min3A_1057 : i32
        %jit3A_1059 = arith.constant 16 : i32
        %div3A_1060 = arith.divsi %min3A_1058, %jit3A_1059 : i32
        %sign3A_1061 = arith.constant 0 : i32
        %sign3A_1062 = arith.cmpi sgt, %min3A_1058, %sign3A_1061 : i32
        %sign3A_1063 = arith.extui %sign3A_1062 : i1 to i32
        %sign3A_1064 = arith.constant 0 : i32
        %sign3A_1065 = arith.cmpi slt, %min3A_1058, %sign3A_1064 : i32
        %sign3A_1066 = arith.extui %sign3A_1065 : i1 to i32
        %sign3A_1067 = arith.subi %sign3A_1063, %sign3A_1066 : i32
        %sign3A_1068 = arith.constant 0 : i32
        %sign3A_1069 = arith.cmpi sgt, %jit3A_1059, %sign3A_1068 : i32
        %sign3A_1070 = arith.extui %sign3A_1069 : i1 to i32
        %sign3A_1071 = arith.constant 0 : i32
        %sign3A_1072 = arith.cmpi slt, %jit3A_1059, %sign3A_1071 : i32
        %sign3A_1073 = arith.extui %sign3A_1072 : i1 to i32
        %sign3A_1074 = arith.subi %sign3A_1070, %sign3A_1073 : i32
        %ne3A_1075 = arith.cmpi ne, %sign3A_1067, %sign3A_1074 : i32
        %rem3A_1076 = arith.remsi %min3A_1058, %jit3A_1059 : i32
        %ne3A_1077 = arith.constant 0 : i32
        %ne3A_1078 = arith.cmpi ne, %rem3A_1076, %ne3A_1077 : i32
        %and3A_1079 = arith.andi %ne3A_1075, %ne3A_1078 : i1
        %sub3A_1080 = arith.constant 1 : i32
        %sub3A_1081 = arith.subi %div3A_1060, %sub3A_1080 : i32
        %select_n3A_1082 = arith.select %and3A_1079, %sub3A_1081, %div3A_1060 : i32
        %jit3A_1083 = arith.constant 16 : i32
        %eq3A_1084 = arith.constant 0 : i32
        %eq3A_1085 = arith.cmpi eq, %jit3A_1083, %eq3A_1084 : i32
        %jit3A_1086 = arith.constant 1 : i32
        %select_n3A_1087 = arith.select %eq3A_1085, %jit3A_1086, %jit3A_1083 : i32
        %rem3A_1088 = arith.remsi %min3A_1058, %select_n3A_1087 : i32
        %ne3A_1089 = arith.constant 0 : i32
        %ne3A_1090 = arith.cmpi ne, %rem3A_1088, %ne3A_1089 : i32
        %lt3A_1091 = arith.constant 0 : i32
        %lt3A_1092 = arith.cmpi slt, %rem3A_1088, %lt3A_1091 : i32
        %lt3A_1093 = arith.constant 0 : i32
        %lt3A_1094 = arith.cmpi slt, %select_n3A_1087, %lt3A_1093 : i32
        %ne3A_1095 = arith.xori %lt3A_1092, %lt3A_1094 : i1
        %and3A_1096 = arith.andi %ne3A_1095, %ne3A_1090 : i1
        %add3A_1097 = arith.addi %rem3A_1088, %select_n3A_1087 : i32
        %select_n3A_1098 = arith.select %and3A_1096, %add3A_1097, %rem3A_1088 : i32
        %jit3A_1099 = arith.constant 8 : i32
        %div3A_1100 = arith.divsi %select_n3A_1082, %jit3A_1099 : i32
        %sign3A_1101 = arith.constant 0 : i32
        %sign3A_1102 = arith.cmpi sgt, %select_n3A_1082, %sign3A_1101 : i32
        %sign3A_1103 = arith.extui %sign3A_1102 : i1 to i32
        %sign3A_1104 = arith.constant 0 : i32
        %sign3A_1105 = arith.cmpi slt, %select_n3A_1082, %sign3A_1104 : i32
        %sign3A_1106 = arith.extui %sign3A_1105 : i1 to i32
        %sign3A_1107 = arith.subi %sign3A_1103, %sign3A_1106 : i32
        %sign3A_1108 = arith.constant 0 : i32
        %sign3A_1109 = arith.cmpi sgt, %jit3A_1099, %sign3A_1108 : i32
        %sign3A_1110 = arith.extui %sign3A_1109 : i1 to i32
        %sign3A_1111 = arith.constant 0 : i32
        %sign3A_1112 = arith.cmpi slt, %jit3A_1099, %sign3A_1111 : i32
        %sign3A_1113 = arith.extui %sign3A_1112 : i1 to i32
        %sign3A_1114 = arith.subi %sign3A_1110, %sign3A_1113 : i32
        %ne3A_1115 = arith.cmpi ne, %sign3A_1107, %sign3A_1114 : i32
        %rem3A_1116 = arith.remsi %select_n3A_1082, %jit3A_1099 : i32
        %ne3A_1117 = arith.constant 0 : i32
        %ne3A_1118 = arith.cmpi ne, %rem3A_1116, %ne3A_1117 : i32
        %and3A_1119 = arith.andi %ne3A_1115, %ne3A_1118 : i1
        %sub3A_1120 = arith.constant 1 : i32
        %sub3A_1121 = arith.subi %div3A_1100, %sub3A_1120 : i32
        %select_n3A_1122 = arith.select %and3A_1119, %sub3A_1121, %div3A_1100 : i32
        %mul3A_1123 = arith.constant 8 : i32
        %mul3A_1124 = arith.muli %select_n3A_1098, %mul3A_1123 : i32
        %jit3A_1125 = arith.constant 8 : i32
        %eq3A_1126 = arith.constant 0 : i32
        %eq3A_1127 = arith.cmpi eq, %jit3A_1125, %eq3A_1126 : i32
        %jit3A_1128 = arith.constant 1 : i32
        %select_n3A_1129 = arith.select %eq3A_1127, %jit3A_1128, %jit3A_1125 : i32
        %rem3A_1130 = arith.remsi %select_n3A_1082, %select_n3A_1129 : i32
        %ne3A_1131 = arith.constant 0 : i32
        %ne3A_1132 = arith.cmpi ne, %rem3A_1130, %ne3A_1131 : i32
        %lt3A_1133 = arith.constant 0 : i32
        %lt3A_1134 = arith.cmpi slt, %rem3A_1130, %lt3A_1133 : i32
        %lt3A_1135 = arith.constant 0 : i32
        %lt3A_1136 = arith.cmpi slt, %select_n3A_1129, %lt3A_1135 : i32
        %ne3A_1137 = arith.xori %lt3A_1134, %lt3A_1136 : i1
        %and3A_1138 = arith.andi %ne3A_1137, %ne3A_1132 : i1
        %add3A_1139 = arith.addi %rem3A_1130, %select_n3A_1129 : i32
        %select_n3A_1140 = arith.select %and3A_1138, %add3A_1139, %rem3A_1130 : i32
        %dma_start3A_1141 = arith.constant 0 : i32
        %dma_start3A_1142 = arith.constant 0 : i32
        %dma_start3A_1143 = arith.constant 0 : i32
        %dma_start3A_1144 = tpu.memref_slice %arg5[%dma_start3A_1141, %dma_start3A_1142, %dma_start3A_1143] : memref<2x8x128xi32, #tpu.memory_space<vmem>> -> memref<1x8x128xi32, #tpu.memory_space<vmem>>
        %dma_start3A_1145 = tpu.memref_squeeze %dma_start3A_1144 : memref<1x8x128xi32, #tpu.memory_space<vmem>> -> memref<8x128xi32, #tpu.memory_space<vmem>>
        %dma_start3A_1146 = arith.constant 0 : i32
        %dma_start3A_1147 = tpu.memref_slice %arg2[%select_n3A_1122, %mul3A_1124, %select_n3A_1140, %dma_start3A_1146] : memref<25x128x8x128xi32, #tpu.memory_space<hbm>> -> memref<1x8x1x128xi32, #tpu.memory_space<hbm>>
        %dma_start3A_1148 = tpu.memref_squeeze %dma_start3A_1147 : memref<1x8x1x128xi32, #tpu.memory_space<hbm>> -> memref<8x128xi32, #tpu.memory_space<hbm>>
        %dma_start3A_1149 = arith.constant 0 : i32
        %dma_start3A_1150 = arith.constant 0 : i32
        %dma_start3A_1151 = tpu.memref_slice %arg5[%dma_start3A_1141, %dma_start3A_1149, %dma_start3A_1150] : memref<2x8x128xi32, #tpu.memory_space<vmem>> -> memref<1x8x128xi32, #tpu.memory_space<vmem>>
        %dma_start3A_1152 = tpu.memref_squeeze %dma_start3A_1151 : memref<1x8x128xi32, #tpu.memory_space<vmem>> -> memref<8x128xi32, #tpu.memory_space<vmem>>
        %dma_start3A_1153 = arith.constant 0 : i32
        %dma_start3A_1154 = tpu.memref_slice %arg2[%select_n3A_1122, %mul3A_1124, %select_n3A_1140, %dma_start3A_1153] : memref<25x128x8x128xi32, #tpu.memory_space<hbm>> -> memref<1x8x1x128xi32, #tpu.memory_space<hbm>>
        %dma_start3A_1155 = tpu.memref_squeeze %dma_start3A_1154 : memref<1x8x1x128xi32, #tpu.memory_space<hbm>> -> memref<8x128xi32, #tpu.memory_space<hbm>>
        tpu.enqueue_dma source(%dma_start3A_1155 : memref<8x128xi32, #tpu.memory_space<hbm>>) target(%dma_start3A_1152 : memref<8x128xi32, #tpu.memory_space<vmem>>) target_semaphore(%arg8 : memref<!tpu.dma_semaphore, #tpu.memory_space<semaphore_mem>>)
      } else {
      }
      %ge3A = arith.constant 1 : i32
      %ge3A_457 = arith.cmpi sge, %mul3A_428, %ge3A : i32
      %convert_element_type3A_458 = arith.extui %ge3A_457 : i1 to i32
      %cond3A_459 = arith.constant 0 : i32
      %cond3A_460 = arith.cmpi ne, %convert_element_type3A_458, %cond3A_459 : i32
      scf.if %cond3A_460 {
        %dma_wait3A_1054 = arith.constant 0 : i32
        %dma_wait3A_1055 = arith.constant 0 : i32
        %dma_wait3A_1056 = tpu.memref_slice %arg7[%dma_wait3A_1054, %dma_wait3A_1055] : memref<2x16384xf32, #tpu.memory_space<vmem>> -> memref<1x16384xf32, #tpu.memory_space<vmem>>
        %dma_wait3A_1057 = tpu.memref_squeeze %dma_wait3A_1056 : memref<1x16384xf32, #tpu.memory_space<vmem>> -> memref<16384xf32, #tpu.memory_space<vmem>>
        %dma_wait3A_1058 = arith.constant 0 : i32
        %dma_wait3A_1059 = tpu.memref_slice %arg4[%dma_wait3A_1058] : memref<104857600xf32, #tpu.memory_space<hbm>> -> memref<16384xf32, #tpu.memory_space<hbm>>
        %dma_wait3A_1060 = arith.constant 0 : i32
        %dma_wait3A_1061 = tpu.memref_slice %arg7[%dma_wait3A_1054, %dma_wait3A_1060] : memref<2x16384xf32, #tpu.memory_space<vmem>> -> memref<1x16384xf32, #tpu.memory_space<vmem>>
        %dma_wait3A_1062 = tpu.memref_squeeze %dma_wait3A_1061 : memref<1x16384xf32, #tpu.memory_space<vmem>> -> memref<16384xf32, #tpu.memory_space<vmem>>
        %dma_wait3A_1063 = arith.constant 0 : i32
        %dma_wait3A_1064 = tpu.memref_slice %arg4[%dma_wait3A_1063] : memref<104857600xf32, #tpu.memory_space<hbm>> -> memref<16384xf32, #tpu.memory_space<hbm>>
        tpu.wait_dma2 semaphore(%arg10 : memref<!tpu.dma_semaphore, #tpu.memory_space<semaphore_mem>>) src(%dma_wait3A_1064 : memref<16384xf32, #tpu.memory_space<hbm>>) dst(%dma_wait3A_1062 : memref<16384xf32, #tpu.memory_space<vmem>>)
      } else {
      }
      %parallel_loop3A = arith.constant 0 : i32
      %parallel_loop3A_461 = arith.constant 128 : i32
      %parallel_loop3A_462 = arith.constant 1 : i32
      %parallel_loop3A_463 = arith.constant 0 : i32
      %parallel_loop3A_464 = arith.constant 0 : i32
      scf.for %parallel_loop3A_1054 = %parallel_loop3A to %parallel_loop3A_461 step %parallel_loop3A_462  : i32 {
        %parallel_loop3A_1055 = arith.constant 5 : i32
        %parallel_loop3A_1056 = arith.shrsi %parallel_loop3A_1054, %parallel_loop3A_1055 : i32
        %parallel_loop3A_1057 = arith.constant 31 : i32
        %parallel_loop3A_1058 = arith.andi %parallel_loop3A_1054, %parallel_loop3A_1057 : i32
        %parallel_loop3A_1059 = vector.broadcast %parallel_loop3A_1058 : i32 to vector<16xi32>
        %parallel_loop3A_1060 = arith.addi %iota3A, %parallel_loop3A_1059 : vector<16xi32>
        %parallel_loop3A_1061 = arith.constant 31 : i32
        %parallel_loop3A_1062 = vector.broadcast %parallel_loop3A_1061 : i32 to vector<16xi32>
        %parallel_loop3A_1063 = arith.andi %parallel_loop3A_1060, %parallel_loop3A_1062 : vector<16xi32>
        %parallel_loop3A_1064 = arith.constant 3 : i32
        %parallel_loop3A_1065 = vector.broadcast %parallel_loop3A_1064 : i32 to vector<16xi32>
        %parallel_loop3A_1066 = arith.shrsi %parallel_loop3A_1063, %parallel_loop3A_1065 : vector<16xi32>
        %parallel_loop3A_1067 = arith.constant 12 : i32
        %parallel_loop3A_1068 = vector.broadcast %parallel_loop3A_1067 : i32 to vector<16xi32>
        %parallel_loop3A_1069 = arith.shli %parallel_loop3A_1066, %parallel_loop3A_1068 : vector<16xi32>
        %parallel_loop3A_1070 = arith.constant 7 : i32
        %parallel_loop3A_1071 = vector.broadcast %parallel_loop3A_1070 : i32 to vector<16xi32>
        %parallel_loop3A_1072 = arith.andi %parallel_loop3A_1063, %parallel_loop3A_1071 : vector<16xi32>
        %parallel_loop3A_1073 = arith.constant 7 : i32
        %parallel_loop3A_1074 = vector.broadcast %parallel_loop3A_1073 : i32 to vector<16xi32>
        %parallel_loop3A_1075 = arith.shli %parallel_loop3A_1072, %parallel_loop3A_1074 : vector<16xi32>
        %parallel_loop3A_1076 = arith.addi %parallel_loop3A_1069, %parallel_loop3A_1075 : vector<16xi32>
        %parallel_loop3A_1077 = arith.addi %parallel_loop3A_1076, %iota3A : vector<16xi32>
        %parallel_loop3A_1078 = arith.constant 0 : i32
        %parallel_loop3A_1079 = arith.addi %parallel_loop3A_1078, %parallel_loop3A_1056 : i32
        %parallel_loop3A_1080 = arith.constant 128 : i32
        %parallel_loop3A_1081 = arith.muli %parallel_loop3A_1079, %parallel_loop3A_1080 : i32
        %parallel_loop3A_1082 = arith.constant 1024 : i32
        %parallel_loop3A_1083 = arith.muli %parallel_loop3A_1056, %parallel_loop3A_1082 : i32
        %parallel_loop3A_1084 = vector.broadcast %parallel_loop3A_1083 : i32 to vector<16xi32>
        %parallel_loop3A_1085 = arith.addi %parallel_loop3A_1084, %parallel_loop3A_1077 : vector<16xi32>
        %parallel_loop3A_1086 = arith.constant 0 : i32
        %parallel_loop3A_1087 = arith.addi %parallel_loop3A_1081, %parallel_loop3A_1086 : i32
        %parallel_loop3A_1088 = vector.broadcast %parallel_loop3A_1087 : i32 to vector<16xi32>
        %parallel_loop3A_1089 = arith.addi %parallel_loop3A_1088, %iota3A : vector<16xi32>
        %parallel_loop3A_1090 = arith.constant 0 : i32
        %parallel_loop3A_1091 = arith.constant 0 : i32
        %parallel_loop3A_1092 = tpu.memref_slice %arg6[%parallel_loop3A_463, %parallel_loop3A_1090, %parallel_loop3A_1091] : memref<2x1024x32xf32, #tpu.memory_space<vmem>> -> memref<1x1024x32xf32, #tpu.memory_space<vmem>>
        %parallel_loop3A_1093 = tpu.memref_squeeze %parallel_loop3A_1092 : memref<1x1024x32xf32, #tpu.memory_space<vmem>> -> memref<1024x32xf32, #tpu.memory_space<vmem>>
        %parallel_loop3A_1094 = tpu.vector_load_idx %parallel_loop3A_1093[%parallel_loop3A_1089, %parallel_loop3A_1063] : memref<1024x32xf32, #tpu.memory_space<vmem>>[vector<16xi32>, vector<16xi32>], vector<16xf32>,
        %parallel_loop3A_1095 = arith.constant 0 : i32
        %parallel_loop3A_1096 = vector.broadcast %parallel_loop3A_1095 : i32 to vector<16xi32>
        %parallel_loop3A_1097 = arith.addi %parallel_loop3A_1085, %parallel_loop3A_1096 : vector<16xi32>
        %parallel_loop3A_1098 = arith.constant 0 : i32
        %parallel_loop3A_1099 = tpu.memref_slice %arg7[%parallel_loop3A_464, %parallel_loop3A_1098] : memref<2x16384xf32, #tpu.memory_space<vmem>> -> memref<1x16384xf32, #tpu.memory_space<vmem>>
        %parallel_loop3A_1100 = tpu.memref_squeeze %parallel_loop3A_1099 : memref<1x16384xf32, #tpu.memory_space<vmem>> -> memref<16384xf32, #tpu.memory_space<vmem>>
        tpu.vector_store_idx %parallel_loop3A_1100[%parallel_loop3A_1097], %parallel_loop3A_1094 : memref<16384xf32, #tpu.memory_space<vmem>>[vector<16xi32>], vector<16xf32>,
        %parallel_loop3A_1101 = arith.constant 16 : i32
        %parallel_loop3A_1102 = arith.addi %parallel_loop3A_1081, %parallel_loop3A_1101 : i32
        %parallel_loop3A_1103 = vector.broadcast %parallel_loop3A_1102 : i32 to vector<16xi32>
        %parallel_loop3A_1104 = arith.addi %parallel_loop3A_1103, %iota3A : vector<16xi32>
        %parallel_loop3A_1105 = arith.constant 0 : i32
        %parallel_loop3A_1106 = arith.constant 0 : i32
        %parallel_loop3A_1107 = tpu.memref_slice %arg6[%parallel_loop3A_463, %parallel_loop3A_1105, %parallel_loop3A_1106] : memref<2x1024x32xf32, #tpu.memory_space<vmem>> -> memref<1x1024x32xf32, #tpu.memory_space<vmem>>
        %parallel_loop3A_1108 = tpu.memref_squeeze %parallel_loop3A_1107 : memref<1x1024x32xf32, #tpu.memory_space<vmem>> -> memref<1024x32xf32, #tpu.memory_space<vmem>>
        %parallel_loop3A_1109 = tpu.vector_load_idx %parallel_loop3A_1108[%parallel_loop3A_1104, %parallel_loop3A_1063] : memref<1024x32xf32, #tpu.memory_space<vmem>>[vector<16xi32>, vector<16xi32>], vector<16xf32>,
        %parallel_loop3A_1110 = arith.constant 16 : i32
        %parallel_loop3A_1111 = vector.broadcast %parallel_loop3A_1110 : i32 to vector<16xi32>
        %parallel_loop3A_1112 = arith.addi %parallel_loop3A_1085, %parallel_loop3A_1111 : vector<16xi32>
        %parallel_loop3A_1113 = arith.constant 0 : i32
        %parallel_loop3A_1114 = tpu.memref_slice %arg7[%parallel_loop3A_464, %parallel_loop3A_1113] : memref<2x16384xf32, #tpu.memory_space<vmem>> -> memref<1x16384xf32, #tpu.memory_space<vmem>>
        %parallel_loop3A_1115 = tpu.memref_squeeze %parallel_loop3A_1114 : memref<1x16384xf32, #tpu.memory_space<vmem>> -> memref<16384xf32, #tpu.memory_space<vmem>>
        tpu.vector_store_idx %parallel_loop3A_1115[%parallel_loop3A_1112], %parallel_loop3A_1109 : memref<16384xf32, #tpu.memory_space<vmem>>[vector<16xi32>], vector<16xf32>,
        %parallel_loop3A_1116 = arith.constant 32 : i32
        %parallel_loop3A_1117 = arith.addi %parallel_loop3A_1081, %parallel_loop3A_1116 : i32
        %parallel_loop3A_1118 = vector.broadcast %parallel_loop3A_1117 : i32 to vector<16xi32>
        %parallel_loop3A_1119 = arith.addi %parallel_loop3A_1118, %iota3A : vector<16xi32>
        %parallel_loop3A_1120 = arith.constant 0 : i32
        %parallel_loop3A_1121 = arith.constant 0 : i32
        %parallel_loop3A_1122 = tpu.memref_slice %arg6[%parallel_loop3A_463, %parallel_loop3A_1120, %parallel_loop3A_1121] : memref<2x1024x32xf32, #tpu.memory_space<vmem>> -> memref<1x1024x32xf32, #tpu.memory_space<vmem>>
        %parallel_loop3A_1123 = tpu.memref_squeeze %parallel_loop3A_1122 : memref<1x1024x32xf32, #tpu.memory_space<vmem>> -> memref<1024x32xf32, #tpu.memory_space<vmem>>
        %parallel_loop3A_1124 = tpu.vector_load_idx %parallel_loop3A_1123[%parallel_loop3A_1119, %parallel_loop3A_1063] : memref<1024x32xf32, #tpu.memory_space<vmem>>[vector<16xi32>, vector<16xi32>], vector<16xf32>,
        %parallel_loop3A_1125 = arith.constant 32 : i32
        %parallel_loop3A_1126 = vector.broadcast %parallel_loop3A_1125 : i32 to vector<16xi32>
        %parallel_loop3A_1127 = arith.addi %parallel_loop3A_1085, %parallel_loop3A_1126 : vector<16xi32>
        %parallel_loop3A_1128 = arith.constant 0 : i32
        %parallel_loop3A_1129 = tpu.memref_slice %arg7[%parallel_loop3A_464, %parallel_loop3A_1128] : memref<2x16384xf32, #tpu.memory_space<vmem>> -> memref<1x16384xf32, #tpu.memory_space<vmem>>
        %parallel_loop3A_1130 = tpu.memref_squeeze %parallel_loop3A_1129 : memref<1x16384xf32, #tpu.memory_space<vmem>> -> memref<16384xf32, #tpu.memory_space<vmem>>
        tpu.vector_store_idx %parallel_loop3A_1130[%parallel_loop3A_1127], %parallel_loop3A_1124 : memref<16384xf32, #tpu.memory_space<vmem>>[vector<16xi32>], vector<16xf32>,
        %parallel_loop3A_1131 = arith.constant 48 : i32
        %parallel_loop3A_1132 = arith.addi %parallel_loop3A_1081, %parallel_loop3A_1131 : i32
        %parallel_loop3A_1133 = vector.broadcast %parallel_loop3A_1132 : i32 to vector<16xi32>
        %parallel_loop3A_1134 = arith.addi %parallel_loop3A_1133, %iota3A : vector<16xi32>
        %parallel_loop3A_1135 = arith.constant 0 : i32
        %parallel_loop3A_1136 = arith.constant 0 : i32
        %parallel_loop3A_1137 = tpu.memref_slice %arg6[%parallel_loop3A_463, %parallel_loop3A_1135, %parallel_loop3A_1136] : memref<2x1024x32xf32, #tpu.memory_space<vmem>> -> memref<1x1024x32xf32, #tpu.memory_space<vmem>>
        %parallel_loop3A_1138 = tpu.memref_squeeze %parallel_loop3A_1137 : memref<1x1024x32xf32, #tpu.memory_space<vmem>> -> memref<1024x32xf32, #tpu.memory_space<vmem>>
        %parallel_loop3A_1139 = tpu.vector_load_idx %parallel_loop3A_1138[%parallel_loop3A_1134, %parallel_loop3A_1063] : memref<1024x32xf32, #tpu.memory_space<vmem>>[vector<16xi32>, vector<16xi32>], vector<16xf32>,
        %parallel_loop3A_1140 = arith.constant 48 : i32
        %parallel_loop3A_1141 = vector.broadcast %parallel_loop3A_1140 : i32 to vector<16xi32>
        %parallel_loop3A_1142 = arith.addi %parallel_loop3A_1085, %parallel_loop3A_1141 : vector<16xi32>
        %parallel_loop3A_1143 = arith.constant 0 : i32
        %parallel_loop3A_1144 = tpu.memref_slice %arg7[%parallel_loop3A_464, %parallel_loop3A_1143] : memref<2x16384xf32, #tpu.memory_space<vmem>> -> memref<1x16384xf32, #tpu.memory_space<vmem>>
        %parallel_loop3A_1145 = tpu.memref_squeeze %parallel_loop3A_1144 : memref<1x16384xf32, #tpu.memory_space<vmem>> -> memref<16384xf32, #tpu.memory_space<vmem>>
        tpu.vector_store_idx %parallel_loop3A_1145[%parallel_loop3A_1142], %parallel_loop3A_1139 : memref<16384xf32, #tpu.memory_space<vmem>>[vector<16xi32>], vector<16xf32>,
        %parallel_loop3A_1146 = arith.constant 64 : i32
        %parallel_loop3A_1147 = arith.addi %parallel_loop3A_1081, %parallel_loop3A_1146 : i32
        %parallel_loop3A_1148 = vector.broadcast %parallel_loop3A_1147 : i32 to vector<16xi32>
        %parallel_loop3A_1149 = arith.addi %parallel_loop3A_1148, %iota3A : vector<16xi32>
        %parallel_loop3A_1150 = arith.constant 0 : i32
        %parallel_loop3A_1151 = arith.constant 0 : i32
        %parallel_loop3A_1152 = tpu.memref_slice %arg6[%parallel_loop3A_463, %parallel_loop3A_1150, %parallel_loop3A_1151] : memref<2x1024x32xf32, #tpu.memory_space<vmem>> -> memref<1x1024x32xf32, #tpu.memory_space<vmem>>
        %parallel_loop3A_1153 = tpu.memref_squeeze %parallel_loop3A_1152 : memref<1x1024x32xf32, #tpu.memory_space<vmem>> -> memref<1024x32xf32, #tpu.memory_space<vmem>>
        %parallel_loop3A_1154 = tpu.vector_load_idx %parallel_loop3A_1153[%parallel_loop3A_1149, %parallel_loop3A_1063] : memref<1024x32xf32, #tpu.memory_space<vmem>>[vector<16xi32>, vector<16xi32>], vector<16xf32>,
        %parallel_loop3A_1155 = arith.constant 64 : i32
        %parallel_loop3A_1156 = vector.broadcast %parallel_loop3A_1155 : i32 to vector<16xi32>
        %parallel_loop3A_1157 = arith.addi %parallel_loop3A_1085, %parallel_loop3A_1156 : vector<16xi32>
        %parallel_loop3A_1158 = arith.constant 0 : i32
        %parallel_loop3A_1159 = tpu.memref_slice %arg7[%parallel_loop3A_464, %parallel_loop3A_1158] : memref<2x16384xf32, #tpu.memory_space<vmem>> -> memref<1x16384xf32, #tpu.memory_space<vmem>>
        %parallel_loop3A_1160 = tpu.memref_squeeze %parallel_loop3A_1159 : memref<1x16384xf32, #tpu.memory_space<vmem>> -> memref<16384xf32, #tpu.memory_space<vmem>>
        tpu.vector_store_idx %parallel_loop3A_1160[%parallel_loop3A_1157], %parallel_loop3A_1154 : memref<16384xf32, #tpu.memory_space<vmem>>[vector<16xi32>], vector<16xf32>,
        %parallel_loop3A_1161 = arith.constant 80 : i32
        %parallel_loop3A_1162 = arith.addi %parallel_loop3A_1081, %parallel_loop3A_1161 : i32
        %parallel_loop3A_1163 = vector.broadcast %parallel_loop3A_1162 : i32 to vector<16xi32>
        %parallel_loop3A_1164 = arith.addi %parallel_loop3A_1163, %iota3A : vector<16xi32>
        %parallel_loop3A_1165 = arith.constant 0 : i32
        %parallel_loop3A_1166 = arith.constant 0 : i32
        %parallel_loop3A_1167 = tpu.memref_slice %arg6[%parallel_loop3A_463, %parallel_loop3A_1165, %parallel_loop3A_1166] : memref<2x1024x32xf32, #tpu.memory_space<vmem>> -> memref<1x1024x32xf32, #tpu.memory_space<vmem>>
        %parallel_loop3A_1168 = tpu.memref_squeeze %parallel_loop3A_1167 : memref<1x1024x32xf32, #tpu.memory_space<vmem>> -> memref<1024x32xf32, #tpu.memory_space<vmem>>
        %parallel_loop3A_1169 = tpu.vector_load_idx %parallel_loop3A_1168[%parallel_loop3A_1164, %parallel_loop3A_1063] : memref<1024x32xf32, #tpu.memory_space<vmem>>[vector<16xi32>, vector<16xi32>], vector<16xf32>,
        %parallel_loop3A_1170 = arith.constant 80 : i32
        %parallel_loop3A_1171 = vector.broadcast %parallel_loop3A_1170 : i32 to vector<16xi32>
        %parallel_loop3A_1172 = arith.addi %parallel_loop3A_1085, %parallel_loop3A_1171 : vector<16xi32>
        %parallel_loop3A_1173 = arith.constant 0 : i32
        %parallel_loop3A_1174 = tpu.memref_slice %arg7[%parallel_loop3A_464, %parallel_loop3A_1173] : memref<2x16384xf32, #tpu.memory_space<vmem>> -> memref<1x16384xf32, #tpu.memory_space<vmem>>
        %parallel_loop3A_1175 = tpu.memref_squeeze %parallel_loop3A_1174 : memref<1x16384xf32, #tpu.memory_space<vmem>> -> memref<16384xf32, #tpu.memory_space<vmem>>
        tpu.vector_store_idx %parallel_loop3A_1175[%parallel_loop3A_1172], %parallel_loop3A_1169 : memref<16384xf32, #tpu.memory_space<vmem>>[vector<16xi32>], vector<16xf32>,
        %parallel_loop3A_1176 = arith.constant 96 : i32
        %parallel_loop3A_1177 = arith.addi %parallel_loop3A_1081, %parallel_loop3A_1176 : i32
        %parallel_loop3A_1178 = vector.broadcast %parallel_loop3A_1177 : i32 to vector<16xi32>
        %parallel_loop3A_1179 = arith.addi %parallel_loop3A_1178, %iota3A : vector<16xi32>
        %parallel_loop3A_1180 = arith.constant 0 : i32
        %parallel_loop3A_1181 = arith.constant 0 : i32
        %parallel_loop3A_1182 = tpu.memref_slice %arg6[%parallel_loop3A_463, %parallel_loop3A_1180, %parallel_loop3A_1181] : memref<2x1024x32xf32, #tpu.memory_space<vmem>> -> memref<1x1024x32xf32, #tpu.memory_space<vmem>>
        %parallel_loop3A_1183 = tpu.memref_squeeze %parallel_loop3A_1182 : memref<1x1024x32xf32, #tpu.memory_space<vmem>> -> memref<1024x32xf32, #tpu.memory_space<vmem>>
        %parallel_loop3A_1184 = tpu.vector_load_idx %parallel_loop3A_1183[%parallel_loop3A_1179, %parallel_loop3A_1063] : memref<1024x32xf32, #tpu.memory_space<vmem>>[vector<16xi32>, vector<16xi32>], vector<16xf32>,
        %parallel_loop3A_1185 = arith.constant 96 : i32
        %parallel_loop3A_1186 = vector.broadcast %parallel_loop3A_1185 : i32 to vector<16xi32>
        %parallel_loop3A_1187 = arith.addi %parallel_loop3A_1085, %parallel_loop3A_1186 : vector<16xi32>
        %parallel_loop3A_1188 = arith.constant 0 : i32
        %parallel_loop3A_1189 = tpu.memref_slice %arg7[%parallel_loop3A_464, %parallel_loop3A_1188] : memref<2x16384xf32, #tpu.memory_space<vmem>> -> memref<1x16384xf32, #tpu.memory_space<vmem>>
        %parallel_loop3A_1190 = tpu.memref_squeeze %parallel_loop3A_1189 : memref<1x16384xf32, #tpu.memory_space<vmem>> -> memref<16384xf32, #tpu.memory_space<vmem>>
        tpu.vector_store_idx %parallel_loop3A_1190[%parallel_loop3A_1187], %parallel_loop3A_1184 : memref<16384xf32, #tpu.memory_space<vmem>>[vector<16xi32>], vector<16xf32>,
        %parallel_loop3A_1191 = arith.constant 112 : i32
        %parallel_loop3A_1192 = arith.addi %parallel_loop3A_1081, %parallel_loop3A_1191 : i32
        %parallel_loop3A_1193 = vector.broadcast %parallel_loop3A_1192 : i32 to vector<16xi32>
        %parallel_loop3A_1194 = arith.addi %parallel_loop3A_1193, %iota3A : vector<16xi32>
        %parallel_loop3A_1195 = arith.constant 0 : i32
        %parallel_loop3A_1196 = arith.constant 0 : i32
        %parallel_loop3A_1197 = tpu.memref_slice %arg6[%parallel_loop3A_463, %parallel_loop3A_1195, %parallel_loop3A_1196] : memref<2x1024x32xf32, #tpu.memory_space<vmem>> -> memref<1x1024x32xf32, #tpu.memory_space<vmem>>
        %parallel_loop3A_1198 = tpu.memref_squeeze %parallel_loop3A_1197 : memref<1x1024x32xf32, #tpu.memory_space<vmem>> -> memref<1024x32xf32, #tpu.memory_space<vmem>>
        %parallel_loop3A_1199 = tpu.vector_load_idx %parallel_loop3A_1198[%parallel_loop3A_1194, %parallel_loop3A_1063] : memref<1024x32xf32, #tpu.memory_space<vmem>>[vector<16xi32>, vector<16xi32>], vector<16xf32>,
        %parallel_loop3A_1200 = arith.constant 112 : i32
        %parallel_loop3A_1201 = vector.broadcast %parallel_loop3A_1200 : i32 to vector<16xi32>
        %parallel_loop3A_1202 = arith.addi %parallel_loop3A_1085, %parallel_loop3A_1201 : vector<16xi32>
        %parallel_loop3A_1203 = arith.constant 0 : i32
        %parallel_loop3A_1204 = tpu.memref_slice %arg7[%parallel_loop3A_464, %parallel_loop3A_1203] : memref<2x16384xf32, #tpu.memory_space<vmem>> -> memref<1x16384xf32, #tpu.memory_space<vmem>>
        %parallel_loop3A_1205 = tpu.memref_squeeze %parallel_loop3A_1204 : memref<1x16384xf32, #tpu.memory_space<vmem>> -> memref<16384xf32, #tpu.memory_space<vmem>>
        tpu.vector_store_idx %parallel_loop3A_1205[%parallel_loop3A_1202], %parallel_loop3A_1199 : memref<16384xf32, #tpu.memory_space<vmem>>[vector<16xi32>], vector<16xf32>,
      } {sc.loop_unroll_factor = 4 : i64, sc.parallel_access}
      %add3A_465 = arith.addi %mul3A_2, %mul3A_428 : i32
      %min3A_466 = arith.constant 3199 : i32
      %min3A_467 = arith.minsi %add3A_465, %min3A_466 : i32
      %jit3A_468 = arith.constant 16 : i32
      %div3A_469 = arith.divsi %min3A_467, %jit3A_468 : i32
      %sign3A_470 = arith.constant 0 : i32
      %sign3A_471 = arith.cmpi sgt, %min3A_467, %sign3A_470 : i32
      %sign3A_472 = arith.extui %sign3A_471 : i1 to i32
      %sign3A_473 = arith.constant 0 : i32
      %sign3A_474 = arith.cmpi slt, %min3A_467, %sign3A_473 : i32
      %sign3A_475 = arith.extui %sign3A_474 : i1 to i32
      %sign3A_476 = arith.subi %sign3A_472, %sign3A_475 : i32
      %sign3A_477 = arith.constant 0 : i32
      %sign3A_478 = arith.cmpi sgt, %jit3A_468, %sign3A_477 : i32
      %sign3A_479 = arith.extui %sign3A_478 : i1 to i32
      %sign3A_480 = arith.constant 0 : i32
      %sign3A_481 = arith.cmpi slt, %jit3A_468, %sign3A_480 : i32
      %sign3A_482 = arith.extui %sign3A_481 : i1 to i32
      %sign3A_483 = arith.subi %sign3A_479, %sign3A_482 : i32
      %ne3A_484 = arith.cmpi ne, %sign3A_476, %sign3A_483 : i32
      %rem3A_485 = arith.remsi %min3A_467, %jit3A_468 : i32
      %ne3A_486 = arith.constant 0 : i32
      %ne3A_487 = arith.cmpi ne, %rem3A_485, %ne3A_486 : i32
      %and3A_488 = arith.andi %ne3A_484, %ne3A_487 : i1
      %sub3A_489 = arith.constant 1 : i32
      %sub3A_490 = arith.subi %div3A_469, %sub3A_489 : i32
      %select_n3A_491 = arith.select %and3A_488, %sub3A_490, %div3A_469 : i32
      %jit3A_492 = arith.constant 16 : i32
      %eq3A_493 = arith.constant 0 : i32
      %eq3A_494 = arith.cmpi eq, %jit3A_492, %eq3A_493 : i32
      %jit3A_495 = arith.constant 1 : i32
      %select_n3A_496 = arith.select %eq3A_494, %jit3A_495, %jit3A_492 : i32
      %rem3A_497 = arith.remsi %min3A_467, %select_n3A_496 : i32
      %ne3A_498 = arith.constant 0 : i32
      %ne3A_499 = arith.cmpi ne, %rem3A_497, %ne3A_498 : i32
      %lt3A_500 = arith.constant 0 : i32
      %lt3A_501 = arith.cmpi slt, %rem3A_497, %lt3A_500 : i32
      %lt3A_502 = arith.constant 0 : i32
      %lt3A_503 = arith.cmpi slt, %select_n3A_496, %lt3A_502 : i32
      %ne3A_504 = arith.xori %lt3A_501, %lt3A_503 : i1
      %and3A_505 = arith.andi %ne3A_504, %ne3A_499 : i1
      %add3A_506 = arith.addi %rem3A_497, %select_n3A_496 : i32
      %select_n3A_507 = arith.select %and3A_505, %add3A_506, %rem3A_497 : i32
      %mul3A_508 = arith.constant 4 : i32
      %mul3A_509 = arith.muli %select_n3A_491, %mul3A_508 : i32
      %add3A_510 = arith.constant 0 : i32
      %add3A_511 = arith.addi %mul3A_509, %add3A_510 : i32
      %mul3A_512 = arith.constant 128 : i32
      %mul3A_513 = arith.muli %add3A_511, %mul3A_512 : i32
      %mul3A_514 = arith.constant 8 : i32
      %mul3A_515 = arith.muli %select_n3A_507, %mul3A_514 : i32
      %add3A_516 = arith.addi %mul3A_513, %mul3A_515 : i32
      %add3A_517 = arith.constant 0 : i32
      %add3A_518 = arith.addi %add3A_516, %add3A_517 : i32
      %mul3A_519 = arith.constant 1024 : i32
      %mul3A_520 = arith.muli %add3A_518, %mul3A_519 : i32
      %mul3A_521 = arith.constant 4 : i32
      %mul3A_522 = arith.muli %select_n3A_491, %mul3A_521 : i32
      %add3A_523 = arith.constant 1 : i32
      %add3A_524 = arith.addi %mul3A_522, %add3A_523 : i32
      %mul3A_525 = arith.constant 128 : i32
      %mul3A_526 = arith.muli %add3A_524, %mul3A_525 : i32
      %mul3A_527 = arith.constant 8 : i32
      %mul3A_528 = arith.muli %select_n3A_507, %mul3A_527 : i32
      %add3A_529 = arith.addi %mul3A_526, %mul3A_528 : i32
      %add3A_530 = arith.constant 0 : i32
      %add3A_531 = arith.addi %add3A_529, %add3A_530 : i32
      %mul3A_532 = arith.constant 1024 : i32
      %mul3A_533 = arith.muli %add3A_531, %mul3A_532 : i32
      %mul3A_534 = arith.constant 4 : i32
      %mul3A_535 = arith.muli %select_n3A_491, %mul3A_534 : i32
      %add3A_536 = arith.constant 2 : i32
      %add3A_537 = arith.addi %mul3A_535, %add3A_536 : i32
      %mul3A_538 = arith.constant 128 : i32
      %mul3A_539 = arith.muli %add3A_537, %mul3A_538 : i32
      %mul3A_540 = arith.constant 8 : i32
      %mul3A_541 = arith.muli %select_n3A_507, %mul3A_540 : i32
      %add3A_542 = arith.addi %mul3A_539, %mul3A_541 : i32
      %add3A_543 = arith.constant 0 : i32
      %add3A_544 = arith.addi %add3A_542, %add3A_543 : i32
      %mul3A_545 = arith.constant 1024 : i32
      %mul3A_546 = arith.muli %add3A_544, %mul3A_545 : i32
      %mul3A_547 = arith.constant 4 : i32
      %mul3A_548 = arith.muli %select_n3A_491, %mul3A_547 : i32
      %add3A_549 = arith.constant 3 : i32
      %add3A_550 = arith.addi %mul3A_548, %add3A_549 : i32
      %mul3A_551 = arith.constant 128 : i32
      %mul3A_552 = arith.muli %add3A_550, %mul3A_551 : i32
      %mul3A_553 = arith.constant 8 : i32
      %mul3A_554 = arith.muli %select_n3A_507, %mul3A_553 : i32
      %add3A_555 = arith.addi %mul3A_552, %mul3A_554 : i32
      %add3A_556 = arith.constant 0 : i32
      %add3A_557 = arith.addi %add3A_555, %add3A_556 : i32
      %mul3A_558 = arith.constant 1024 : i32
      %mul3A_559 = arith.muli %add3A_557, %mul3A_558 : i32
      %dma_start3A_560 = arith.constant 0 : i32
      %dma_start3A_561 = arith.constant 0 : i32
      %dma_start3A_562 = tpu.memref_slice %arg7[%dma_start3A_560, %dma_start3A_561] : memref<2x16384xf32, #tpu.memory_space<vmem>> -> memref<1x4096xf32, #tpu.memory_space<vmem>>
      %dma_start3A_563 = tpu.memref_squeeze %dma_start3A_562 : memref<1x4096xf32, #tpu.memory_space<vmem>> -> memref<4096xf32, #tpu.memory_space<vmem>>
      %dma_start3A_564 = tpu.memref_slice %arg4[%mul3A_520] : memref<104857600xf32, #tpu.memory_space<hbm>> -> memref<4096xf32, #tpu.memory_space<hbm>>
      %dma_start3A_565 = tpu.memref_slice %arg4[%mul3A_520] : memref<104857600xf32, #tpu.memory_space<hbm>> -> memref<4096xf32, #tpu.memory_space<hbm>>
      %dma_start3A_566 = arith.constant 0 : i32
      %dma_start3A_567 = tpu.memref_slice %arg7[%dma_start3A_560, %dma_start3A_566] : memref<2x16384xf32, #tpu.memory_space<vmem>> -> memref<1x4096xf32, #tpu.memory_space<vmem>>
      %dma_start3A_568 = tpu.memref_squeeze %dma_start3A_567 : memref<1x4096xf32, #tpu.memory_space<vmem>> -> memref<4096xf32, #tpu.memory_space<vmem>>
      tpu.enqueue_dma source(%dma_start3A_568 : memref<4096xf32, #tpu.memory_space<vmem>>) target(%dma_start3A_565 : memref<4096xf32, #tpu.memory_space<hbm>>) target_semaphore(%arg10 : memref<!tpu.dma_semaphore, #tpu.memory_space<semaphore_mem>>)
      %dma_start3A_569 = arith.constant 0 : i32
      %dma_start3A_570 = arith.constant 4096 : i32
      %dma_start3A_571 = tpu.memref_slice %arg7[%dma_start3A_569, %dma_start3A_570] : memref<2x16384xf32, #tpu.memory_space<vmem>> -> memref<1x4096xf32, #tpu.memory_space<vmem>>
      %dma_start3A_572 = tpu.memref_squeeze %dma_start3A_571 : memref<1x4096xf32, #tpu.memory_space<vmem>> -> memref<4096xf32, #tpu.memory_space<vmem>>
      %dma_start3A_573 = tpu.memref_slice %arg4[%mul3A_533] : memref<104857600xf32, #tpu.memory_space<hbm>> -> memref<4096xf32, #tpu.memory_space<hbm>>
      %dma_start3A_574 = tpu.memref_slice %arg4[%mul3A_533] : memref<104857600xf32, #tpu.memory_space<hbm>> -> memref<4096xf32, #tpu.memory_space<hbm>>
      %dma_start3A_575 = arith.constant 4096 : i32
      %dma_start3A_576 = tpu.memref_slice %arg7[%dma_start3A_569, %dma_start3A_575] : memref<2x16384xf32, #tpu.memory_space<vmem>> -> memref<1x4096xf32, #tpu.memory_space<vmem>>
      %dma_start3A_577 = tpu.memref_squeeze %dma_start3A_576 : memref<1x4096xf32, #tpu.memory_space<vmem>> -> memref<4096xf32, #tpu.memory_space<vmem>>
      tpu.enqueue_dma source(%dma_start3A_577 : memref<4096xf32, #tpu.memory_space<vmem>>) target(%dma_start3A_574 : memref<4096xf32, #tpu.memory_space<hbm>>) target_semaphore(%arg10 : memref<!tpu.dma_semaphore, #tpu.memory_space<semaphore_mem>>)
      %dma_start3A_578 = arith.constant 0 : i32
      %dma_start3A_579 = arith.constant 8192 : i32
      %dma_start3A_580 = tpu.memref_slice %arg7[%dma_start3A_578, %dma_start3A_579] : memref<2x16384xf32, #tpu.memory_space<vmem>> -> memref<1x4096xf32, #tpu.memory_space<vmem>>
      %dma_start3A_581 = tpu.memref_squeeze %dma_start3A_580 : memref<1x4096xf32, #tpu.memory_space<vmem>> -> memref<4096xf32, #tpu.memory_space<vmem>>
      %dma_start3A_582 = tpu.memref_slice %arg4[%mul3A_546] : memref<104857600xf32, #tpu.memory_space<hbm>> -> memref<4096xf32, #tpu.memory_space<hbm>>
      %dma_start3A_583 = tpu.memref_slice %arg4[%mul3A_546] : memref<104857600xf32, #tpu.memory_space<hbm>> -> memref<4096xf32, #tpu.memory_space<hbm>>
      %dma_start3A_584 = arith.constant 8192 : i32
      %dma_start3A_585 = tpu.memref_slice %arg7[%dma_start3A_578, %dma_start3A_584] : memref<2x16384xf32, #tpu.memory_space<vmem>> -> memref<1x4096xf32, #tpu.memory_space<vmem>>
      %dma_start3A_586 = tpu.memref_squeeze %dma_start3A_585 : memref<1x4096xf32, #tpu.memory_space<vmem>> -> memref<4096xf32, #tpu.memory_space<vmem>>
      tpu.enqueue_dma source(%dma_start3A_586 : memref<4096xf32, #tpu.memory_space<vmem>>) target(%dma_start3A_583 : memref<4096xf32, #tpu.memory_space<hbm>>) target_semaphore(%arg10 : memref<!tpu.dma_semaphore, #tpu.memory_space<semaphore_mem>>)
      %dma_start3A_587 = arith.constant 0 : i32
      %dma_start3A_588 = arith.constant 12288 : i32
      %dma_start3A_589 = tpu.memref_slice %arg7[%dma_start3A_587, %dma_start3A_588] : memref<2x16384xf32, #tpu.memory_space<vmem>> -> memref<1x4096xf32, #tpu.memory_space<vmem>>
      %dma_start3A_590 = tpu.memref_squeeze %dma_start3A_589 : memref<1x4096xf32, #tpu.memory_space<vmem>> -> memref<4096xf32, #tpu.memory_space<vmem>>
      %dma_start3A_591 = tpu.memref_slice %arg4[%mul3A_559] : memref<104857600xf32, #tpu.memory_space<hbm>> -> memref<4096xf32, #tpu.memory_space<hbm>>
      %dma_start3A_592 = tpu.memref_slice %arg4[%mul3A_559] : memref<104857600xf32, #tpu.memory_space<hbm>> -> memref<4096xf32, #tpu.memory_space<hbm>>
      %dma_start3A_593 = arith.constant 12288 : i32
      %dma_start3A_594 = tpu.memref_slice %arg7[%dma_start3A_587, %dma_start3A_593] : memref<2x16384xf32, #tpu.memory_space<vmem>> -> memref<1x4096xf32, #tpu.memory_space<vmem>>
      %dma_start3A_595 = tpu.memref_squeeze %dma_start3A_594 : memref<1x4096xf32, #tpu.memory_space<vmem>> -> memref<4096xf32, #tpu.memory_space<vmem>>
      tpu.enqueue_dma source(%dma_start3A_595 : memref<4096xf32, #tpu.memory_space<vmem>>) target(%dma_start3A_592 : memref<4096xf32, #tpu.memory_space<hbm>>) target_semaphore(%arg10 : memref<!tpu.dma_semaphore, #tpu.memory_space<semaphore_mem>>)
      %ge3A_596 = arith.constant 1 : i32
      %ge3A_597 = arith.cmpi sge, %mul3A_428, %ge3A_596 : i32
      %convert_element_type3A_598 = arith.extui %ge3A_597 : i1 to i32
      %cond3A_599 = arith.constant 0 : i32
      %cond3A_600 = arith.cmpi ne, %convert_element_type3A_598, %cond3A_599 : i32
      scf.if %cond3A_600 {
        %dma_wait3A_1054 = arith.constant 1 : i32
        %dma_wait3A_1055 = arith.constant 0 : i32
        %dma_wait3A_1056 = tpu.memref_slice %arg7[%dma_wait3A_1054, %dma_wait3A_1055] : memref<2x16384xf32, #tpu.memory_space<vmem>> -> memref<1x16384xf32, #tpu.memory_space<vmem>>
        %dma_wait3A_1057 = tpu.memref_squeeze %dma_wait3A_1056 : memref<1x16384xf32, #tpu.memory_space<vmem>> -> memref<16384xf32, #tpu.memory_space<vmem>>
        %dma_wait3A_1058 = arith.constant 0 : i32
        %dma_wait3A_1059 = tpu.memref_slice %arg4[%dma_wait3A_1058] : memref<104857600xf32, #tpu.memory_space<hbm>> -> memref<16384xf32, #tpu.memory_space<hbm>>
        %dma_wait3A_1060 = arith.constant 0 : i32
        %dma_wait3A_1061 = tpu.memref_slice %arg7[%dma_wait3A_1054, %dma_wait3A_1060] : memref<2x16384xf32, #tpu.memory_space<vmem>> -> memref<1x16384xf32, #tpu.memory_space<vmem>>
        %dma_wait3A_1062 = tpu.memref_squeeze %dma_wait3A_1061 : memref<1x16384xf32, #tpu.memory_space<vmem>> -> memref<16384xf32, #tpu.memory_space<vmem>>
        %dma_wait3A_1063 = arith.constant 0 : i32
        %dma_wait3A_1064 = tpu.memref_slice %arg4[%dma_wait3A_1063] : memref<104857600xf32, #tpu.memory_space<hbm>> -> memref<16384xf32, #tpu.memory_space<hbm>>
        tpu.wait_dma2 semaphore(%arg11 : memref<!tpu.dma_semaphore, #tpu.memory_space<semaphore_mem>>) src(%dma_wait3A_1064 : memref<16384xf32, #tpu.memory_space<hbm>>) dst(%dma_wait3A_1062 : memref<16384xf32, #tpu.memory_space<vmem>>)
      } else {
      }
      %parallel_loop3A_601 = arith.constant 0 : i32
      %parallel_loop3A_602 = arith.constant 128 : i32
      %parallel_loop3A_603 = arith.constant 1 : i32
      %parallel_loop3A_604 = arith.constant 0 : i32
      %parallel_loop3A_605 = arith.constant 1 : i32
      scf.for %parallel_loop3A_1054 = %parallel_loop3A_601 to %parallel_loop3A_602 step %parallel_loop3A_603  : i32 {
        %parallel_loop3A_1055 = arith.constant 5 : i32
        %parallel_loop3A_1056 = arith.shrsi %parallel_loop3A_1054, %parallel_loop3A_1055 : i32
        %parallel_loop3A_1057 = arith.constant 31 : i32
        %parallel_loop3A_1058 = arith.andi %parallel_loop3A_1054, %parallel_loop3A_1057 : i32
        %parallel_loop3A_1059 = vector.broadcast %parallel_loop3A_1058 : i32 to vector<16xi32>
        %parallel_loop3A_1060 = arith.addi %iota3A, %parallel_loop3A_1059 : vector<16xi32>
        %parallel_loop3A_1061 = arith.constant 31 : i32
        %parallel_loop3A_1062 = vector.broadcast %parallel_loop3A_1061 : i32 to vector<16xi32>
        %parallel_loop3A_1063 = arith.andi %parallel_loop3A_1060, %parallel_loop3A_1062 : vector<16xi32>
        %parallel_loop3A_1064 = arith.constant 3 : i32
        %parallel_loop3A_1065 = vector.broadcast %parallel_loop3A_1064 : i32 to vector<16xi32>
        %parallel_loop3A_1066 = arith.shrsi %parallel_loop3A_1063, %parallel_loop3A_1065 : vector<16xi32>
        %parallel_loop3A_1067 = arith.constant 12 : i32
        %parallel_loop3A_1068 = vector.broadcast %parallel_loop3A_1067 : i32 to vector<16xi32>
        %parallel_loop3A_1069 = arith.shli %parallel_loop3A_1066, %parallel_loop3A_1068 : vector<16xi32>
        %parallel_loop3A_1070 = arith.constant 7 : i32
        %parallel_loop3A_1071 = vector.broadcast %parallel_loop3A_1070 : i32 to vector<16xi32>
        %parallel_loop3A_1072 = arith.andi %parallel_loop3A_1063, %parallel_loop3A_1071 : vector<16xi32>
        %parallel_loop3A_1073 = arith.constant 7 : i32
        %parallel_loop3A_1074 = vector.broadcast %parallel_loop3A_1073 : i32 to vector<16xi32>
        %parallel_loop3A_1075 = arith.shli %parallel_loop3A_1072, %parallel_loop3A_1074 : vector<16xi32>
        %parallel_loop3A_1076 = arith.addi %parallel_loop3A_1069, %parallel_loop3A_1075 : vector<16xi32>
        %parallel_loop3A_1077 = arith.addi %parallel_loop3A_1076, %iota3A : vector<16xi32>
        %parallel_loop3A_1078 = arith.constant 4 : i32
        %parallel_loop3A_1079 = arith.addi %parallel_loop3A_1078, %parallel_loop3A_1056 : i32
        %parallel_loop3A_1080 = arith.constant 128 : i32
        %parallel_loop3A_1081 = arith.muli %parallel_loop3A_1079, %parallel_loop3A_1080 : i32
        %parallel_loop3A_1082 = arith.constant 1024 : i32
        %parallel_loop3A_1083 = arith.muli %parallel_loop3A_1056, %parallel_loop3A_1082 : i32
        %parallel_loop3A_1084 = vector.broadcast %parallel_loop3A_1083 : i32 to vector<16xi32>
        %parallel_loop3A_1085 = arith.addi %parallel_loop3A_1084, %parallel_loop3A_1077 : vector<16xi32>
        %parallel_loop3A_1086 = arith.constant 0 : i32
        %parallel_loop3A_1087 = arith.addi %parallel_loop3A_1081, %parallel_loop3A_1086 : i32
        %parallel_loop3A_1088 = vector.broadcast %parallel_loop3A_1087 : i32 to vector<16xi32>
        %parallel_loop3A_1089 = arith.addi %parallel_loop3A_1088, %iota3A : vector<16xi32>
        %parallel_loop3A_1090 = arith.constant 0 : i32
        %parallel_loop3A_1091 = arith.constant 0 : i32
        %parallel_loop3A_1092 = tpu.memref_slice %arg6[%parallel_loop3A_604, %parallel_loop3A_1090, %parallel_loop3A_1091] : memref<2x1024x32xf32, #tpu.memory_space<vmem>> -> memref<1x1024x32xf32, #tpu.memory_space<vmem>>
        %parallel_loop3A_1093 = tpu.memref_squeeze %parallel_loop3A_1092 : memref<1x1024x32xf32, #tpu.memory_space<vmem>> -> memref<1024x32xf32, #tpu.memory_space<vmem>>
        %parallel_loop3A_1094 = tpu.vector_load_idx %parallel_loop3A_1093[%parallel_loop3A_1089, %parallel_loop3A_1063] : memref<1024x32xf32, #tpu.memory_space<vmem>>[vector<16xi32>, vector<16xi32>], vector<16xf32>,
        %parallel_loop3A_1095 = arith.constant 0 : i32
        %parallel_loop3A_1096 = vector.broadcast %parallel_loop3A_1095 : i32 to vector<16xi32>
        %parallel_loop3A_1097 = arith.addi %parallel_loop3A_1085, %parallel_loop3A_1096 : vector<16xi32>
        %parallel_loop3A_1098 = arith.constant 0 : i32
        %parallel_loop3A_1099 = tpu.memref_slice %arg7[%parallel_loop3A_605, %parallel_loop3A_1098] : memref<2x16384xf32, #tpu.memory_space<vmem>> -> memref<1x16384xf32, #tpu.memory_space<vmem>>
        %parallel_loop3A_1100 = tpu.memref_squeeze %parallel_loop3A_1099 : memref<1x16384xf32, #tpu.memory_space<vmem>> -> memref<16384xf32, #tpu.memory_space<vmem>>
        tpu.vector_store_idx %parallel_loop3A_1100[%parallel_loop3A_1097], %parallel_loop3A_1094 : memref<16384xf32, #tpu.memory_space<vmem>>[vector<16xi32>], vector<16xf32>,
        %parallel_loop3A_1101 = arith.constant 16 : i32
        %parallel_loop3A_1102 = arith.addi %parallel_loop3A_1081, %parallel_loop3A_1101 : i32
        %parallel_loop3A_1103 = vector.broadcast %parallel_loop3A_1102 : i32 to vector<16xi32>
        %parallel_loop3A_1104 = arith.addi %parallel_loop3A_1103, %iota3A : vector<16xi32>
        %parallel_loop3A_1105 = arith.constant 0 : i32
        %parallel_loop3A_1106 = arith.constant 0 : i32
        %parallel_loop3A_1107 = tpu.memref_slice %arg6[%parallel_loop3A_604, %parallel_loop3A_1105, %parallel_loop3A_1106] : memref<2x1024x32xf32, #tpu.memory_space<vmem>> -> memref<1x1024x32xf32, #tpu.memory_space<vmem>>
        %parallel_loop3A_1108 = tpu.memref_squeeze %parallel_loop3A_1107 : memref<1x1024x32xf32, #tpu.memory_space<vmem>> -> memref<1024x32xf32, #tpu.memory_space<vmem>>
        %parallel_loop3A_1109 = tpu.vector_load_idx %parallel_loop3A_1108[%parallel_loop3A_1104, %parallel_loop3A_1063] : memref<1024x32xf32, #tpu.memory_space<vmem>>[vector<16xi32>, vector<16xi32>], vector<16xf32>,
        %parallel_loop3A_1110 = arith.constant 16 : i32
        %parallel_loop3A_1111 = vector.broadcast %parallel_loop3A_1110 : i32 to vector<16xi32>
        %parallel_loop3A_1112 = arith.addi %parallel_loop3A_1085, %parallel_loop3A_1111 : vector<16xi32>
        %parallel_loop3A_1113 = arith.constant 0 : i32
        %parallel_loop3A_1114 = tpu.memref_slice %arg7[%parallel_loop3A_605, %parallel_loop3A_1113] : memref<2x16384xf32, #tpu.memory_space<vmem>> -> memref<1x16384xf32, #tpu.memory_space<vmem>>
        %parallel_loop3A_1115 = tpu.memref_squeeze %parallel_loop3A_1114 : memref<1x16384xf32, #tpu.memory_space<vmem>> -> memref<16384xf32, #tpu.memory_space<vmem>>
        tpu.vector_store_idx %parallel_loop3A_1115[%parallel_loop3A_1112], %parallel_loop3A_1109 : memref<16384xf32, #tpu.memory_space<vmem>>[vector<16xi32>], vector<16xf32>,
        %parallel_loop3A_1116 = arith.constant 32 : i32
        %parallel_loop3A_1117 = arith.addi %parallel_loop3A_1081, %parallel_loop3A_1116 : i32
        %parallel_loop3A_1118 = vector.broadcast %parallel_loop3A_1117 : i32 to vector<16xi32>
        %parallel_loop3A_1119 = arith.addi %parallel_loop3A_1118, %iota3A : vector<16xi32>
        %parallel_loop3A_1120 = arith.constant 0 : i32
        %parallel_loop3A_1121 = arith.constant 0 : i32
        %parallel_loop3A_1122 = tpu.memref_slice %arg6[%parallel_loop3A_604, %parallel_loop3A_1120, %parallel_loop3A_1121] : memref<2x1024x32xf32, #tpu.memory_space<vmem>> -> memref<1x1024x32xf32, #tpu.memory_space<vmem>>
        %parallel_loop3A_1123 = tpu.memref_squeeze %parallel_loop3A_1122 : memref<1x1024x32xf32, #tpu.memory_space<vmem>> -> memref<1024x32xf32, #tpu.memory_space<vmem>>
        %parallel_loop3A_1124 = tpu.vector_load_idx %parallel_loop3A_1123[%parallel_loop3A_1119, %parallel_loop3A_1063] : memref<1024x32xf32, #tpu.memory_space<vmem>>[vector<16xi32>, vector<16xi32>], vector<16xf32>,
        %parallel_loop3A_1125 = arith.constant 32 : i32
        %parallel_loop3A_1126 = vector.broadcast %parallel_loop3A_1125 : i32 to vector<16xi32>
        %parallel_loop3A_1127 = arith.addi %parallel_loop3A_1085, %parallel_loop3A_1126 : vector<16xi32>
        %parallel_loop3A_1128 = arith.constant 0 : i32
        %parallel_loop3A_1129 = tpu.memref_slice %arg7[%parallel_loop3A_605, %parallel_loop3A_1128] : memref<2x16384xf32, #tpu.memory_space<vmem>> -> memref<1x16384xf32, #tpu.memory_space<vmem>>
        %parallel_loop3A_1130 = tpu.memref_squeeze %parallel_loop3A_1129 : memref<1x16384xf32, #tpu.memory_space<vmem>> -> memref<16384xf32, #tpu.memory_space<vmem>>
        tpu.vector_store_idx %parallel_loop3A_1130[%parallel_loop3A_1127], %parallel_loop3A_1124 : memref<16384xf32, #tpu.memory_space<vmem>>[vector<16xi32>], vector<16xf32>,
        %parallel_loop3A_1131 = arith.constant 48 : i32
        %parallel_loop3A_1132 = arith.addi %parallel_loop3A_1081, %parallel_loop3A_1131 : i32
        %parallel_loop3A_1133 = vector.broadcast %parallel_loop3A_1132 : i32 to vector<16xi32>
        %parallel_loop3A_1134 = arith.addi %parallel_loop3A_1133, %iota3A : vector<16xi32>
        %parallel_loop3A_1135 = arith.constant 0 : i32
        %parallel_loop3A_1136 = arith.constant 0 : i32
        %parallel_loop3A_1137 = tpu.memref_slice %arg6[%parallel_loop3A_604, %parallel_loop3A_1135, %parallel_loop3A_1136] : memref<2x1024x32xf32, #tpu.memory_space<vmem>> -> memref<1x1024x32xf32, #tpu.memory_space<vmem>>
        %parallel_loop3A_1138 = tpu.memref_squeeze %parallel_loop3A_1137 : memref<1x1024x32xf32, #tpu.memory_space<vmem>> -> memref<1024x32xf32, #tpu.memory_space<vmem>>
        %parallel_loop3A_1139 = tpu.vector_load_idx %parallel_loop3A_1138[%parallel_loop3A_1134, %parallel_loop3A_1063] : memref<1024x32xf32, #tpu.memory_space<vmem>>[vector<16xi32>, vector<16xi32>], vector<16xf32>,
        %parallel_loop3A_1140 = arith.constant 48 : i32
        %parallel_loop3A_1141 = vector.broadcast %parallel_loop3A_1140 : i32 to vector<16xi32>
        %parallel_loop3A_1142 = arith.addi %parallel_loop3A_1085, %parallel_loop3A_1141 : vector<16xi32>
        %parallel_loop3A_1143 = arith.constant 0 : i32
        %parallel_loop3A_1144 = tpu.memref_slice %arg7[%parallel_loop3A_605, %parallel_loop3A_1143] : memref<2x16384xf32, #tpu.memory_space<vmem>> -> memref<1x16384xf32, #tpu.memory_space<vmem>>
        %parallel_loop3A_1145 = tpu.memref_squeeze %parallel_loop3A_1144 : memref<1x16384xf32, #tpu.memory_space<vmem>> -> memref<16384xf32, #tpu.memory_space<vmem>>
        tpu.vector_store_idx %parallel_loop3A_1145[%parallel_loop3A_1142], %parallel_loop3A_1139 : memref<16384xf32, #tpu.memory_space<vmem>>[vector<16xi32>], vector<16xf32>,
        %parallel_loop3A_1146 = arith.constant 64 : i32
        %parallel_loop3A_1147 = arith.addi %parallel_loop3A_1081, %parallel_loop3A_1146 : i32
        %parallel_loop3A_1148 = vector.broadcast %parallel_loop3A_1147 : i32 to vector<16xi32>
        %parallel_loop3A_1149 = arith.addi %parallel_loop3A_1148, %iota3A : vector<16xi32>
        %parallel_loop3A_1150 = arith.constant 0 : i32
        %parallel_loop3A_1151 = arith.constant 0 : i32
        %parallel_loop3A_1152 = tpu.memref_slice %arg6[%parallel_loop3A_604, %parallel_loop3A_1150, %parallel_loop3A_1151] : memref<2x1024x32xf32, #tpu.memory_space<vmem>> -> memref<1x1024x32xf32, #tpu.memory_space<vmem>>
        %parallel_loop3A_1153 = tpu.memref_squeeze %parallel_loop3A_1152 : memref<1x1024x32xf32, #tpu.memory_space<vmem>> -> memref<1024x32xf32, #tpu.memory_space<vmem>>
        %parallel_loop3A_1154 = tpu.vector_load_idx %parallel_loop3A_1153[%parallel_loop3A_1149, %parallel_loop3A_1063] : memref<1024x32xf32, #tpu.memory_space<vmem>>[vector<16xi32>, vector<16xi32>], vector<16xf32>,
        %parallel_loop3A_1155 = arith.constant 64 : i32
        %parallel_loop3A_1156 = vector.broadcast %parallel_loop3A_1155 : i32 to vector<16xi32>
        %parallel_loop3A_1157 = arith.addi %parallel_loop3A_1085, %parallel_loop3A_1156 : vector<16xi32>
        %parallel_loop3A_1158 = arith.constant 0 : i32
        %parallel_loop3A_1159 = tpu.memref_slice %arg7[%parallel_loop3A_605, %parallel_loop3A_1158] : memref<2x16384xf32, #tpu.memory_space<vmem>> -> memref<1x16384xf32, #tpu.memory_space<vmem>>
        %parallel_loop3A_1160 = tpu.memref_squeeze %parallel_loop3A_1159 : memref<1x16384xf32, #tpu.memory_space<vmem>> -> memref<16384xf32, #tpu.memory_space<vmem>>
        tpu.vector_store_idx %parallel_loop3A_1160[%parallel_loop3A_1157], %parallel_loop3A_1154 : memref<16384xf32, #tpu.memory_space<vmem>>[vector<16xi32>], vector<16xf32>,
        %parallel_loop3A_1161 = arith.constant 80 : i32
        %parallel_loop3A_1162 = arith.addi %parallel_loop3A_1081, %parallel_loop3A_1161 : i32
        %parallel_loop3A_1163 = vector.broadcast %parallel_loop3A_1162 : i32 to vector<16xi32>
        %parallel_loop3A_1164 = arith.addi %parallel_loop3A_1163, %iota3A : vector<16xi32>
        %parallel_loop3A_1165 = arith.constant 0 : i32
        %parallel_loop3A_1166 = arith.constant 0 : i32
        %parallel_loop3A_1167 = tpu.memref_slice %arg6[%parallel_loop3A_604, %parallel_loop3A_1165, %parallel_loop3A_1166] : memref<2x1024x32xf32, #tpu.memory_space<vmem>> -> memref<1x1024x32xf32, #tpu.memory_space<vmem>>
        %parallel_loop3A_1168 = tpu.memref_squeeze %parallel_loop3A_1167 : memref<1x1024x32xf32, #tpu.memory_space<vmem>> -> memref<1024x32xf32, #tpu.memory_space<vmem>>
        %parallel_loop3A_1169 = tpu.vector_load_idx %parallel_loop3A_1168[%parallel_loop3A_1164, %parallel_loop3A_1063] : memref<1024x32xf32, #tpu.memory_space<vmem>>[vector<16xi32>, vector<16xi32>], vector<16xf32>,
        %parallel_loop3A_1170 = arith.constant 80 : i32
        %parallel_loop3A_1171 = vector.broadcast %parallel_loop3A_1170 : i32 to vector<16xi32>
        %parallel_loop3A_1172 = arith.addi %parallel_loop3A_1085, %parallel_loop3A_1171 : vector<16xi32>
        %parallel_loop3A_1173 = arith.constant 0 : i32
        %parallel_loop3A_1174 = tpu.memref_slice %arg7[%parallel_loop3A_605, %parallel_loop3A_1173] : memref<2x16384xf32, #tpu.memory_space<vmem>> -> memref<1x16384xf32, #tpu.memory_space<vmem>>
        %parallel_loop3A_1175 = tpu.memref_squeeze %parallel_loop3A_1174 : memref<1x16384xf32, #tpu.memory_space<vmem>> -> memref<16384xf32, #tpu.memory_space<vmem>>
        tpu.vector_store_idx %parallel_loop3A_1175[%parallel_loop3A_1172], %parallel_loop3A_1169 : memref<16384xf32, #tpu.memory_space<vmem>>[vector<16xi32>], vector<16xf32>,
        %parallel_loop3A_1176 = arith.constant 96 : i32
        %parallel_loop3A_1177 = arith.addi %parallel_loop3A_1081, %parallel_loop3A_1176 : i32
        %parallel_loop3A_1178 = vector.broadcast %parallel_loop3A_1177 : i32 to vector<16xi32>
        %parallel_loop3A_1179 = arith.addi %parallel_loop3A_1178, %iota3A : vector<16xi32>
        %parallel_loop3A_1180 = arith.constant 0 : i32
        %parallel_loop3A_1181 = arith.constant 0 : i32
        %parallel_loop3A_1182 = tpu.memref_slice %arg6[%parallel_loop3A_604, %parallel_loop3A_1180, %parallel_loop3A_1181] : memref<2x1024x32xf32, #tpu.memory_space<vmem>> -> memref<1x1024x32xf32, #tpu.memory_space<vmem>>
        %parallel_loop3A_1183 = tpu.memref_squeeze %parallel_loop3A_1182 : memref<1x1024x32xf32, #tpu.memory_space<vmem>> -> memref<1024x32xf32, #tpu.memory_space<vmem>>
        %parallel_loop3A_1184 = tpu.vector_load_idx %parallel_loop3A_1183[%parallel_loop3A_1179, %parallel_loop3A_1063] : memref<1024x32xf32, #tpu.memory_space<vmem>>[vector<16xi32>, vector<16xi32>], vector<16xf32>,
        %parallel_loop3A_1185 = arith.constant 96 : i32
        %parallel_loop3A_1186 = vector.broadcast %parallel_loop3A_1185 : i32 to vector<16xi32>
        %parallel_loop3A_1187 = arith.addi %parallel_loop3A_1085, %parallel_loop3A_1186 : vector<16xi32>
        %parallel_loop3A_1188 = arith.constant 0 : i32
        %parallel_loop3A_1189 = tpu.memref_slice %arg7[%parallel_loop3A_605, %parallel_loop3A_1188] : memref<2x16384xf32, #tpu.memory_space<vmem>> -> memref<1x16384xf32, #tpu.memory_space<vmem>>
        %parallel_loop3A_1190 = tpu.memref_squeeze %parallel_loop3A_1189 : memref<1x16384xf32, #tpu.memory_space<vmem>> -> memref<16384xf32, #tpu.memory_space<vmem>>
        tpu.vector_store_idx %parallel_loop3A_1190[%parallel_loop3A_1187], %parallel_loop3A_1184 : memref<16384xf32, #tpu.memory_space<vmem>>[vector<16xi32>], vector<16xf32>,
        %parallel_loop3A_1191 = arith.constant 112 : i32
        %parallel_loop3A_1192 = arith.addi %parallel_loop3A_1081, %parallel_loop3A_1191 : i32
        %parallel_loop3A_1193 = vector.broadcast %parallel_loop3A_1192 : i32 to vector<16xi32>
        %parallel_loop3A_1194 = arith.addi %parallel_loop3A_1193, %iota3A : vector<16xi32>
        %parallel_loop3A_1195 = arith.constant 0 : i32
        %parallel_loop3A_1196 = arith.constant 0 : i32
        %parallel_loop3A_1197 = tpu.memref_slice %arg6[%parallel_loop3A_604, %parallel_loop3A_1195, %parallel_loop3A_1196] : memref<2x1024x32xf32, #tpu.memory_space<vmem>> -> memref<1x1024x32xf32, #tpu.memory_space<vmem>>
        %parallel_loop3A_1198 = tpu.memref_squeeze %parallel_loop3A_1197 : memref<1x1024x32xf32, #tpu.memory_space<vmem>> -> memref<1024x32xf32, #tpu.memory_space<vmem>>
        %parallel_loop3A_1199 = tpu.vector_load_idx %parallel_loop3A_1198[%parallel_loop3A_1194, %parallel_loop3A_1063] : memref<1024x32xf32, #tpu.memory_space<vmem>>[vector<16xi32>, vector<16xi32>], vector<16xf32>,
        %parallel_loop3A_1200 = arith.constant 112 : i32
        %parallel_loop3A_1201 = vector.broadcast %parallel_loop3A_1200 : i32 to vector<16xi32>
        %parallel_loop3A_1202 = arith.addi %parallel_loop3A_1085, %parallel_loop3A_1201 : vector<16xi32>
        %parallel_loop3A_1203 = arith.constant 0 : i32
        %parallel_loop3A_1204 = tpu.memref_slice %arg7[%parallel_loop3A_605, %parallel_loop3A_1203] : memref<2x16384xf32, #tpu.memory_space<vmem>> -> memref<1x16384xf32, #tpu.memory_space<vmem>>
        %parallel_loop3A_1205 = tpu.memref_squeeze %parallel_loop3A_1204 : memref<1x16384xf32, #tpu.memory_space<vmem>> -> memref<16384xf32, #tpu.memory_space<vmem>>
        tpu.vector_store_idx %parallel_loop3A_1205[%parallel_loop3A_1202], %parallel_loop3A_1199 : memref<16384xf32, #tpu.memory_space<vmem>>[vector<16xi32>], vector<16xf32>,
      } {sc.loop_unroll_factor = 4 : i64, sc.parallel_access}
      %add3A_606 = arith.addi %mul3A_2, %mul3A_428 : i32
      %min3A_607 = arith.constant 3199 : i32
      %min3A_608 = arith.minsi %add3A_606, %min3A_607 : i32
      %jit3A_609 = arith.constant 16 : i32
      %div3A_610 = arith.divsi %min3A_608, %jit3A_609 : i32
      %sign3A_611 = arith.constant 0 : i32
      %sign3A_612 = arith.cmpi sgt, %min3A_608, %sign3A_611 : i32
      %sign3A_613 = arith.extui %sign3A_612 : i1 to i32
      %sign3A_614 = arith.constant 0 : i32
      %sign3A_615 = arith.cmpi slt, %min3A_608, %sign3A_614 : i32
      %sign3A_616 = arith.extui %sign3A_615 : i1 to i32
      %sign3A_617 = arith.subi %sign3A_613, %sign3A_616 : i32
      %sign3A_618 = arith.constant 0 : i32
      %sign3A_619 = arith.cmpi sgt, %jit3A_609, %sign3A_618 : i32
      %sign3A_620 = arith.extui %sign3A_619 : i1 to i32
      %sign3A_621 = arith.constant 0 : i32
      %sign3A_622 = arith.cmpi slt, %jit3A_609, %sign3A_621 : i32
      %sign3A_623 = arith.extui %sign3A_622 : i1 to i32
      %sign3A_624 = arith.subi %sign3A_620, %sign3A_623 : i32
      %ne3A_625 = arith.cmpi ne, %sign3A_617, %sign3A_624 : i32
      %rem3A_626 = arith.remsi %min3A_608, %jit3A_609 : i32
      %ne3A_627 = arith.constant 0 : i32
      %ne3A_628 = arith.cmpi ne, %rem3A_626, %ne3A_627 : i32
      %and3A_629 = arith.andi %ne3A_625, %ne3A_628 : i1
      %sub3A_630 = arith.constant 1 : i32
      %sub3A_631 = arith.subi %div3A_610, %sub3A_630 : i32
      %select_n3A_632 = arith.select %and3A_629, %sub3A_631, %div3A_610 : i32
      %jit3A_633 = arith.constant 16 : i32
      %eq3A_634 = arith.constant 0 : i32
      %eq3A_635 = arith.cmpi eq, %jit3A_633, %eq3A_634 : i32
      %jit3A_636 = arith.constant 1 : i32
      %select_n3A_637 = arith.select %eq3A_635, %jit3A_636, %jit3A_633 : i32
      %rem3A_638 = arith.remsi %min3A_608, %select_n3A_637 : i32
      %ne3A_639 = arith.constant 0 : i32
      %ne3A_640 = arith.cmpi ne, %rem3A_638, %ne3A_639 : i32
      %lt3A_641 = arith.constant 0 : i32
      %lt3A_642 = arith.cmpi slt, %rem3A_638, %lt3A_641 : i32
      %lt3A_643 = arith.constant 0 : i32
      %lt3A_644 = arith.cmpi slt, %select_n3A_637, %lt3A_643 : i32
      %ne3A_645 = arith.xori %lt3A_642, %lt3A_644 : i1
      %and3A_646 = arith.andi %ne3A_645, %ne3A_640 : i1
      %add3A_647 = arith.addi %rem3A_638, %select_n3A_637 : i32
      %select_n3A_648 = arith.select %and3A_646, %add3A_647, %rem3A_638 : i32
      %mul3A_649 = arith.constant 4 : i32
      %mul3A_650 = arith.muli %select_n3A_632, %mul3A_649 : i32
      %add3A_651 = arith.constant 0 : i32
      %add3A_652 = arith.addi %mul3A_650, %add3A_651 : i32
      %mul3A_653 = arith.constant 128 : i32
      %mul3A_654 = arith.muli %add3A_652, %mul3A_653 : i32
      %mul3A_655 = arith.constant 8 : i32
      %mul3A_656 = arith.muli %select_n3A_648, %mul3A_655 : i32
      %add3A_657 = arith.addi %mul3A_654, %mul3A_656 : i32
      %add3A_658 = arith.constant 4 : i32
      %add3A_659 = arith.addi %add3A_657, %add3A_658 : i32
      %mul3A_660 = arith.constant 1024 : i32
      %mul3A_661 = arith.muli %add3A_659, %mul3A_660 : i32
      %mul3A_662 = arith.constant 4 : i32
      %mul3A_663 = arith.muli %select_n3A_632, %mul3A_662 : i32
      %add3A_664 = arith.constant 1 : i32
      %add3A_665 = arith.addi %mul3A_663, %add3A_664 : i32
      %mul3A_666 = arith.constant 128 : i32
      %mul3A_667 = arith.muli %add3A_665, %mul3A_666 : i32
      %mul3A_668 = arith.constant 8 : i32
      %mul3A_669 = arith.muli %select_n3A_648, %mul3A_668 : i32
      %add3A_670 = arith.addi %mul3A_667, %mul3A_669 : i32
      %add3A_671 = arith.constant 4 : i32
      %add3A_672 = arith.addi %add3A_670, %add3A_671 : i32
      %mul3A_673 = arith.constant 1024 : i32
      %mul3A_674 = arith.muli %add3A_672, %mul3A_673 : i32
      %mul3A_675 = arith.constant 4 : i32
      %mul3A_676 = arith.muli %select_n3A_632, %mul3A_675 : i32
      %add3A_677 = arith.constant 2 : i32
      %add3A_678 = arith.addi %mul3A_676, %add3A_677 : i32
      %mul3A_679 = arith.constant 128 : i32
      %mul3A_680 = arith.muli %add3A_678, %mul3A_679 : i32
      %mul3A_681 = arith.constant 8 : i32
      %mul3A_682 = arith.muli %select_n3A_648, %mul3A_681 : i32
      %add3A_683 = arith.addi %mul3A_680, %mul3A_682 : i32
      %add3A_684 = arith.constant 4 : i32
      %add3A_685 = arith.addi %add3A_683, %add3A_684 : i32
      %mul3A_686 = arith.constant 1024 : i32
      %mul3A_687 = arith.muli %add3A_685, %mul3A_686 : i32
      %mul3A_688 = arith.constant 4 : i32
      %mul3A_689 = arith.muli %select_n3A_632, %mul3A_688 : i32
      %add3A_690 = arith.constant 3 : i32
      %add3A_691 = arith.addi %mul3A_689, %add3A_690 : i32
      %mul3A_692 = arith.constant 128 : i32
      %mul3A_693 = arith.muli %add3A_691, %mul3A_692 : i32
      %mul3A_694 = arith.constant 8 : i32
      %mul3A_695 = arith.muli %select_n3A_648, %mul3A_694 : i32
      %add3A_696 = arith.addi %mul3A_693, %mul3A_695 : i32
      %add3A_697 = arith.constant 4 : i32
      %add3A_698 = arith.addi %add3A_696, %add3A_697 : i32
      %mul3A_699 = arith.constant 1024 : i32
      %mul3A_700 = arith.muli %add3A_698, %mul3A_699 : i32
      %dma_start3A_701 = arith.constant 1 : i32
      %dma_start3A_702 = arith.constant 0 : i32
      %dma_start3A_703 = tpu.memref_slice %arg7[%dma_start3A_701, %dma_start3A_702] : memref<2x16384xf32, #tpu.memory_space<vmem>> -> memref<1x4096xf32, #tpu.memory_space<vmem>>
      %dma_start3A_704 = tpu.memref_squeeze %dma_start3A_703 : memref<1x4096xf32, #tpu.memory_space<vmem>> -> memref<4096xf32, #tpu.memory_space<vmem>>
      %dma_start3A_705 = tpu.memref_slice %arg4[%mul3A_661] : memref<104857600xf32, #tpu.memory_space<hbm>> -> memref<4096xf32, #tpu.memory_space<hbm>>
      %dma_start3A_706 = tpu.memref_slice %arg4[%mul3A_661] : memref<104857600xf32, #tpu.memory_space<hbm>> -> memref<4096xf32, #tpu.memory_space<hbm>>
      %dma_start3A_707 = arith.constant 0 : i32
      %dma_start3A_708 = tpu.memref_slice %arg7[%dma_start3A_701, %dma_start3A_707] : memref<2x16384xf32, #tpu.memory_space<vmem>> -> memref<1x4096xf32, #tpu.memory_space<vmem>>
      %dma_start3A_709 = tpu.memref_squeeze %dma_start3A_708 : memref<1x4096xf32, #tpu.memory_space<vmem>> -> memref<4096xf32, #tpu.memory_space<vmem>>
      tpu.enqueue_dma source(%dma_start3A_709 : memref<4096xf32, #tpu.memory_space<vmem>>) target(%dma_start3A_706 : memref<4096xf32, #tpu.memory_space<hbm>>) target_semaphore(%arg11 : memref<!tpu.dma_semaphore, #tpu.memory_space<semaphore_mem>>)
      %dma_start3A_710 = arith.constant 1 : i32
      %dma_start3A_711 = arith.constant 4096 : i32
      %dma_start3A_712 = tpu.memref_slice %arg7[%dma_start3A_710, %dma_start3A_711] : memref<2x16384xf32, #tpu.memory_space<vmem>> -> memref<1x4096xf32, #tpu.memory_space<vmem>>
      %dma_start3A_713 = tpu.memref_squeeze %dma_start3A_712 : memref<1x4096xf32, #tpu.memory_space<vmem>> -> memref<4096xf32, #tpu.memory_space<vmem>>
      %dma_start3A_714 = tpu.memref_slice %arg4[%mul3A_674] : memref<104857600xf32, #tpu.memory_space<hbm>> -> memref<4096xf32, #tpu.memory_space<hbm>>
      %dma_start3A_715 = tpu.memref_slice %arg4[%mul3A_674] : memref<104857600xf32, #tpu.memory_space<hbm>> -> memref<4096xf32, #tpu.memory_space<hbm>>
      %dma_start3A_716 = arith.constant 4096 : i32
      %dma_start3A_717 = tpu.memref_slice %arg7[%dma_start3A_710, %dma_start3A_716] : memref<2x16384xf32, #tpu.memory_space<vmem>> -> memref<1x4096xf32, #tpu.memory_space<vmem>>
      %dma_start3A_718 = tpu.memref_squeeze %dma_start3A_717 : memref<1x4096xf32, #tpu.memory_space<vmem>> -> memref<4096xf32, #tpu.memory_space<vmem>>
      tpu.enqueue_dma source(%dma_start3A_718 : memref<4096xf32, #tpu.memory_space<vmem>>) target(%dma_start3A_715 : memref<4096xf32, #tpu.memory_space<hbm>>) target_semaphore(%arg11 : memref<!tpu.dma_semaphore, #tpu.memory_space<semaphore_mem>>)
      %dma_start3A_719 = arith.constant 1 : i32
      %dma_start3A_720 = arith.constant 8192 : i32
      %dma_start3A_721 = tpu.memref_slice %arg7[%dma_start3A_719, %dma_start3A_720] : memref<2x16384xf32, #tpu.memory_space<vmem>> -> memref<1x4096xf32, #tpu.memory_space<vmem>>
      %dma_start3A_722 = tpu.memref_squeeze %dma_start3A_721 : memref<1x4096xf32, #tpu.memory_space<vmem>> -> memref<4096xf32, #tpu.memory_space<vmem>>
      %dma_start3A_723 = tpu.memref_slice %arg4[%mul3A_687] : memref<104857600xf32, #tpu.memory_space<hbm>> -> memref<4096xf32, #tpu.memory_space<hbm>>
      %dma_start3A_724 = tpu.memref_slice %arg4[%mul3A_687] : memref<104857600xf32, #tpu.memory_space<hbm>> -> memref<4096xf32, #tpu.memory_space<hbm>>
      %dma_start3A_725 = arith.constant 8192 : i32
      %dma_start3A_726 = tpu.memref_slice %arg7[%dma_start3A_719, %dma_start3A_725] : memref<2x16384xf32, #tpu.memory_space<vmem>> -> memref<1x4096xf32, #tpu.memory_space<vmem>>
      %dma_start3A_727 = tpu.memref_squeeze %dma_start3A_726 : memref<1x4096xf32, #tpu.memory_space<vmem>> -> memref<4096xf32, #tpu.memory_space<vmem>>
      tpu.enqueue_dma source(%dma_start3A_727 : memref<4096xf32, #tpu.memory_space<vmem>>) target(%dma_start3A_724 : memref<4096xf32, #tpu.memory_space<hbm>>) target_semaphore(%arg11 : memref<!tpu.dma_semaphore, #tpu.memory_space<semaphore_mem>>)
      %dma_start3A_728 = arith.constant 1 : i32
      %dma_start3A_729 = arith.constant 12288 : i32
      %dma_start3A_730 = tpu.memref_slice %arg7[%dma_start3A_728, %dma_start3A_729] : memref<2x16384xf32, #tpu.memory_space<vmem>> -> memref<1x4096xf32, #tpu.memory_space<vmem>>
      %dma_start3A_731 = tpu.memref_squeeze %dma_start3A_730 : memref<1x4096xf32, #tpu.memory_space<vmem>> -> memref<4096xf32, #tpu.memory_space<vmem>>
      %dma_start3A_732 = tpu.memref_slice %arg4[%mul3A_700] : memref<104857600xf32, #tpu.memory_space<hbm>> -> memref<4096xf32, #tpu.memory_space<hbm>>
      %dma_start3A_733 = tpu.memref_slice %arg4[%mul3A_700] : memref<104857600xf32, #tpu.memory_space<hbm>> -> memref<4096xf32, #tpu.memory_space<hbm>>
      %dma_start3A_734 = arith.constant 12288 : i32
      %dma_start3A_735 = tpu.memref_slice %arg7[%dma_start3A_728, %dma_start3A_734] : memref<2x16384xf32, #tpu.memory_space<vmem>> -> memref<1x4096xf32, #tpu.memory_space<vmem>>
      %dma_start3A_736 = tpu.memref_squeeze %dma_start3A_735 : memref<1x4096xf32, #tpu.memory_space<vmem>> -> memref<4096xf32, #tpu.memory_space<vmem>>
      tpu.enqueue_dma source(%dma_start3A_736 : memref<4096xf32, #tpu.memory_space<vmem>>) target(%dma_start3A_733 : memref<4096xf32, #tpu.memory_space<hbm>>) target_semaphore(%arg11 : memref<!tpu.dma_semaphore, #tpu.memory_space<semaphore_mem>>)
      %mul3A_737 = arith.constant 2 : i32
      %mul3A_738 = arith.muli %mul3A_737, %scan3A_425 : i32
      %add3A_739 = arith.constant 1 : i32
      %add3A_740 = arith.addi %mul3A_738, %add3A_739 : i32
      %lt3A_741 = arith.constant 99 : i32
      %lt3A_742 = arith.cmpi slt, %add3A_740, %lt3A_741 : i32
      %convert_element_type3A_743 = arith.extui %lt3A_742 : i1 to i32
      %cond3A_744 = arith.constant 0 : i32
      %cond3A_745 = arith.cmpi ne, %convert_element_type3A_743, %cond3A_744 : i32
      scf.if %cond3A_745 {
        %add3A_1054 = arith.constant 1 : i32
        %add3A_1055 = arith.addi %add3A_740, %add3A_1054 : i32
        %add3A_1056 = arith.addi %mul3A_2, %add3A_1055 : i32
        %min3A_1057 = arith.constant 3199 : i32
        %min3A_1058 = arith.minsi %add3A_1056, %min3A_1057 : i32
        %jit3A_1059 = arith.constant 16 : i32
        %div3A_1060 = arith.divsi %min3A_1058, %jit3A_1059 : i32
        %sign3A_1061 = arith.constant 0 : i32
        %sign3A_1062 = arith.cmpi sgt, %min3A_1058, %sign3A_1061 : i32
        %sign3A_1063 = arith.extui %sign3A_1062 : i1 to i32
        %sign3A_1064 = arith.constant 0 : i32
        %sign3A_1065 = arith.cmpi slt, %min3A_1058, %sign3A_1064 : i32
        %sign3A_1066 = arith.extui %sign3A_1065 : i1 to i32
        %sign3A_1067 = arith.subi %sign3A_1063, %sign3A_1066 : i32
        %sign3A_1068 = arith.constant 0 : i32
        %sign3A_1069 = arith.cmpi sgt, %jit3A_1059, %sign3A_1068 : i32
        %sign3A_1070 = arith.extui %sign3A_1069 : i1 to i32
        %sign3A_1071 = arith.constant 0 : i32
        %sign3A_1072 = arith.cmpi slt, %jit3A_1059, %sign3A_1071 : i32
        %sign3A_1073 = arith.extui %sign3A_1072 : i1 to i32
        %sign3A_1074 = arith.subi %sign3A_1070, %sign3A_1073 : i32
        %ne3A_1075 = arith.cmpi ne, %sign3A_1067, %sign3A_1074 : i32
        %rem3A_1076 = arith.remsi %min3A_1058, %jit3A_1059 : i32
        %ne3A_1077 = arith.constant 0 : i32
        %ne3A_1078 = arith.cmpi ne, %rem3A_1076, %ne3A_1077 : i32
        %and3A_1079 = arith.andi %ne3A_1075, %ne3A_1078 : i1
        %sub3A_1080 = arith.constant 1 : i32
        %sub3A_1081 = arith.subi %div3A_1060, %sub3A_1080 : i32
        %select_n3A_1082 = arith.select %and3A_1079, %sub3A_1081, %div3A_1060 : i32
        %jit3A_1083 = arith.constant 16 : i32
        %eq3A_1084 = arith.constant 0 : i32
        %eq3A_1085 = arith.cmpi eq, %jit3A_1083, %eq3A_1084 : i32
        %jit3A_1086 = arith.constant 1 : i32
        %select_n3A_1087 = arith.select %eq3A_1085, %jit3A_1086, %jit3A_1083 : i32
        %rem3A_1088 = arith.remsi %min3A_1058, %select_n3A_1087 : i32
        %ne3A_1089 = arith.constant 0 : i32
        %ne3A_1090 = arith.cmpi ne, %rem3A_1088, %ne3A_1089 : i32
        %lt3A_1091 = arith.constant 0 : i32
        %lt3A_1092 = arith.cmpi slt, %rem3A_1088, %lt3A_1091 : i32
        %lt3A_1093 = arith.constant 0 : i32
        %lt3A_1094 = arith.cmpi slt, %select_n3A_1087, %lt3A_1093 : i32
        %ne3A_1095 = arith.xori %lt3A_1092, %lt3A_1094 : i1
        %and3A_1096 = arith.andi %ne3A_1095, %ne3A_1090 : i1
        %add3A_1097 = arith.addi %rem3A_1088, %select_n3A_1087 : i32
        %select_n3A_1098 = arith.select %and3A_1096, %add3A_1097, %rem3A_1088 : i32
        %jit3A_1099 = arith.constant 8 : i32
        %div3A_1100 = arith.divsi %select_n3A_1082, %jit3A_1099 : i32
        %sign3A_1101 = arith.constant 0 : i32
        %sign3A_1102 = arith.cmpi sgt, %select_n3A_1082, %sign3A_1101 : i32
        %sign3A_1103 = arith.extui %sign3A_1102 : i1 to i32
        %sign3A_1104 = arith.constant 0 : i32
        %sign3A_1105 = arith.cmpi slt, %select_n3A_1082, %sign3A_1104 : i32
        %sign3A_1106 = arith.extui %sign3A_1105 : i1 to i32
        %sign3A_1107 = arith.subi %sign3A_1103, %sign3A_1106 : i32
        %sign3A_1108 = arith.constant 0 : i32
        %sign3A_1109 = arith.cmpi sgt, %jit3A_1099, %sign3A_1108 : i32
        %sign3A_1110 = arith.extui %sign3A_1109 : i1 to i32
        %sign3A_1111 = arith.constant 0 : i32
        %sign3A_1112 = arith.cmpi slt, %jit3A_1099, %sign3A_1111 : i32
        %sign3A_1113 = arith.extui %sign3A_1112 : i1 to i32
        %sign3A_1114 = arith.subi %sign3A_1110, %sign3A_1113 : i32
        %ne3A_1115 = arith.cmpi ne, %sign3A_1107, %sign3A_1114 : i32
        %rem3A_1116 = arith.remsi %select_n3A_1082, %jit3A_1099 : i32
        %ne3A_1117 = arith.constant 0 : i32
        %ne3A_1118 = arith.cmpi ne, %rem3A_1116, %ne3A_1117 : i32
        %and3A_1119 = arith.andi %ne3A_1115, %ne3A_1118 : i1
        %sub3A_1120 = arith.constant 1 : i32
        %sub3A_1121 = arith.subi %div3A_1100, %sub3A_1120 : i32
        %select_n3A_1122 = arith.select %and3A_1119, %sub3A_1121, %div3A_1100 : i32
        %mul3A_1123 = arith.constant 8 : i32
        %mul3A_1124 = arith.muli %select_n3A_1098, %mul3A_1123 : i32
        %jit3A_1125 = arith.constant 8 : i32
        %eq3A_1126 = arith.constant 0 : i32
        %eq3A_1127 = arith.cmpi eq, %jit3A_1125, %eq3A_1126 : i32
        %jit3A_1128 = arith.constant 1 : i32
        %select_n3A_1129 = arith.select %eq3A_1127, %jit3A_1128, %jit3A_1125 : i32
        %rem3A_1130 = arith.remsi %select_n3A_1082, %select_n3A_1129 : i32
        %ne3A_1131 = arith.constant 0 : i32
        %ne3A_1132 = arith.cmpi ne, %rem3A_1130, %ne3A_1131 : i32
        %lt3A_1133 = arith.constant 0 : i32
        %lt3A_1134 = arith.cmpi slt, %rem3A_1130, %lt3A_1133 : i32
        %lt3A_1135 = arith.constant 0 : i32
        %lt3A_1136 = arith.cmpi slt, %select_n3A_1129, %lt3A_1135 : i32
        %ne3A_1137 = arith.xori %lt3A_1134, %lt3A_1136 : i1
        %and3A_1138 = arith.andi %ne3A_1137, %ne3A_1132 : i1
        %add3A_1139 = arith.addi %rem3A_1130, %select_n3A_1129 : i32
        %select_n3A_1140 = arith.select %and3A_1138, %add3A_1139, %rem3A_1130 : i32
        %dma_wait3A_1141 = arith.constant 0 : i32
        %dma_wait3A_1142 = arith.constant 0 : i32
        %dma_wait3A_1143 = arith.constant 0 : i32
        %dma_wait3A_1144 = tpu.memref_slice %arg5[%dma_wait3A_1141, %dma_wait3A_1142, %dma_wait3A_1143] : memref<2x8x128xi32, #tpu.memory_space<vmem>> -> memref<1x8x128xi32, #tpu.memory_space<vmem>>
        %dma_wait3A_1145 = tpu.memref_squeeze %dma_wait3A_1144 : memref<1x8x128xi32, #tpu.memory_space<vmem>> -> memref<8x128xi32, #tpu.memory_space<vmem>>
        %dma_wait3A_1146 = arith.constant 0 : i32
        %dma_wait3A_1147 = tpu.memref_slice %arg2[%select_n3A_1122, %mul3A_1124, %select_n3A_1140, %dma_wait3A_1146] : memref<25x128x8x128xi32, #tpu.memory_space<hbm>> -> memref<1x8x1x128xi32, #tpu.memory_space<hbm>>
        %dma_wait3A_1148 = tpu.memref_squeeze %dma_wait3A_1147 : memref<1x8x1x128xi32, #tpu.memory_space<hbm>> -> memref<8x128xi32, #tpu.memory_space<hbm>>
        %dma_wait3A_1149 = arith.constant 0 : i32
        %dma_wait3A_1150 = arith.constant 0 : i32
        %dma_wait3A_1151 = tpu.memref_slice %arg5[%dma_wait3A_1141, %dma_wait3A_1149, %dma_wait3A_1150] : memref<2x8x128xi32, #tpu.memory_space<vmem>> -> memref<1x8x128xi32, #tpu.memory_space<vmem>>
        %dma_wait3A_1152 = tpu.memref_squeeze %dma_wait3A_1151 : memref<1x8x128xi32, #tpu.memory_space<vmem>> -> memref<8x128xi32, #tpu.memory_space<vmem>>
        %dma_wait3A_1153 = arith.constant 0 : i32
        %dma_wait3A_1154 = tpu.memref_slice %arg2[%select_n3A_1122, %mul3A_1124, %select_n3A_1140, %dma_wait3A_1153] : memref<25x128x8x128xi32, #tpu.memory_space<hbm>> -> memref<1x8x1x128xi32, #tpu.memory_space<hbm>>
        %dma_wait3A_1155 = tpu.memref_squeeze %dma_wait3A_1154 : memref<1x8x1x128xi32, #tpu.memory_space<hbm>> -> memref<8x128xi32, #tpu.memory_space<hbm>>
        tpu.wait_dma2 semaphore(%arg8 : memref<!tpu.dma_semaphore, #tpu.memory_space<semaphore_mem>>) src(%dma_wait3A_1155 : memref<8x128xi32, #tpu.memory_space<hbm>>) dst(%dma_wait3A_1152 : memref<8x128xi32, #tpu.memory_space<vmem>>)
      } else {
      }
      %dma_wait3A_746 = arith.constant 1 : i32
      %dma_wait3A_747 = arith.constant 0 : i32
      %dma_wait3A_748 = arith.constant 0 : i32
      %dma_wait3A_749 = tpu.memref_slice %arg6[%dma_wait3A_746, %dma_wait3A_747, %dma_wait3A_748] : memref<2x1024x32xf32, #tpu.memory_space<vmem>> -> memref<1x1024x32xf32, #tpu.memory_space<vmem>>
      %dma_wait3A_750 = tpu.memref_squeeze %dma_wait3A_749 : memref<1x1024x32xf32, #tpu.memory_space<vmem>> -> memref<1024x32xf32, #tpu.memory_space<vmem>>
      %dma_wait3A_751 = arith.constant 0 : i32
      %dma_wait3A_752 = arith.constant 0 : i32
      %dma_wait3A_753 = tpu.memref_slice %arg3[%dma_wait3A_751, %dma_wait3A_752] : memref<1000000x32xf32, #tpu.memory_space<hbm>> -> memref<1024x32xf32, #tpu.memory_space<hbm>>
      %dma_wait3A_754 = arith.constant 0 : i32
      %dma_wait3A_755 = arith.constant 0 : i32
      %dma_wait3A_756 = tpu.memref_slice %arg6[%dma_wait3A_746, %dma_wait3A_754, %dma_wait3A_755] : memref<2x1024x32xf32, #tpu.memory_space<vmem>> -> memref<1x1024x32xf32, #tpu.memory_space<vmem>>
      %dma_wait3A_757 = tpu.memref_squeeze %dma_wait3A_756 : memref<1x1024x32xf32, #tpu.memory_space<vmem>> -> memref<1024x32xf32, #tpu.memory_space<vmem>>
      %dma_wait3A_758 = arith.constant 0 : i32
      %dma_wait3A_759 = arith.constant 0 : i32
      %dma_wait3A_760 = tpu.memref_slice %arg3[%dma_wait3A_758, %dma_wait3A_759] : memref<1000000x32xf32, #tpu.memory_space<hbm>> -> memref<1024x32xf32, #tpu.memory_space<hbm>>
      tpu.wait_dma2 semaphore(%arg9 : memref<!tpu.dma_semaphore, #tpu.memory_space<semaphore_mem>>) src(%dma_wait3A_760 : memref<1024x32xf32, #tpu.memory_space<hbm>>) dst(%dma_wait3A_757 : memref<1024x32xf32, #tpu.memory_space<vmem>>)
      %lt3A_761 = arith.constant 99 : i32
      %lt3A_762 = arith.cmpi slt, %add3A_740, %lt3A_761 : i32
      %convert_element_type3A_763 = arith.extui %lt3A_762 : i1 to i32
      %cond3A_764 = arith.constant 0 : i32
      %cond3A_765 = arith.cmpi ne, %convert_element_type3A_763, %cond3A_764 : i32
      scf.if %cond3A_765 {
        %dma_start3A_1054 = arith.constant 0 : i32
        %dma_start3A_1055 = arith.constant 0 : i32
        %dma_start3A_1056 = arith.constant 0 : i32
        %dma_start3A_1057 = arith.constant 0 : i32
        %dma_start3A_1058 = arith.constant 0 : i32
        %dma_start3A_1059 = tpu.memref_slice %arg6[%dma_start3A_1056, %dma_start3A_1057, %dma_start3A_1058] : memref<2x1024x32xf32, #tpu.memory_space<vmem>> -> memref<1x128x32xf32, #tpu.memory_space<vmem>>
        %dma_start3A_1060 = tpu.memref_squeeze %dma_start3A_1059 : memref<1x128x32xf32, #tpu.memory_space<vmem>> -> memref<128x32xf32, #tpu.memory_space<vmem>>
        %dma_start3A_1061 = arith.constant 0 : i32
        %dma_start3A_1062 = tpu.memref_slice %arg5[%dma_start3A_1054, %dma_start3A_1055, %dma_start3A_1061] : memref<2x8x128xi32, #tpu.memory_space<vmem>> -> memref<1x1x128xi32, #tpu.memory_space<vmem>>
        %dma_start3A_1063 = tpu.memref_squeeze %dma_start3A_1062 : memref<1x1x128xi32, #tpu.memory_space<vmem>> -> memref<128xi32, #tpu.memory_space<vmem>>
        %dma_start3A_1064 = arith.constant 0 : i32
        %dma_start3A_1065 = arith.constant 0 : i32
        %dma_start3A_1066 = tpu.memref_slice %arg3[%dma_start3A_1064, %dma_start3A_1065] : memref<1000000x32xf32, #tpu.memory_space<hbm>> -> memref<1000000x32xf32, #tpu.memory_space<hbm>>
        tpu.enqueue_indirect_dma source(%dma_start3A_1066 : memref<1000000x32xf32, #tpu.memory_space<hbm>>) target(%dma_start3A_1060 : memref<128x32xf32, #tpu.memory_space<vmem>>) offsets(%dma_start3A_1063 : memref<128xi32, #tpu.memory_space<vmem>>) semaphore(%arg9 : memref<!tpu.dma_semaphore, #tpu.memory_space<semaphore_mem>>)
        %dma_start3A_1067 = arith.constant 0 : i32
        %dma_start3A_1068 = arith.constant 1 : i32
        %dma_start3A_1069 = arith.constant 0 : i32
        %dma_start3A_1070 = arith.constant 128 : i32
        %dma_start3A_1071 = arith.constant 0 : i32
        %dma_start3A_1072 = tpu.memref_slice %arg6[%dma_start3A_1069, %dma_start3A_1070, %dma_start3A_1071] : memref<2x1024x32xf32, #tpu.memory_space<vmem>> -> memref<1x128x32xf32, #tpu.memory_space<vmem>>
        %dma_start3A_1073 = tpu.memref_squeeze %dma_start3A_1072 : memref<1x128x32xf32, #tpu.memory_space<vmem>> -> memref<128x32xf32, #tpu.memory_space<vmem>>
        %dma_start3A_1074 = arith.constant 0 : i32
        %dma_start3A_1075 = tpu.memref_slice %arg5[%dma_start3A_1067, %dma_start3A_1068, %dma_start3A_1074] : memref<2x8x128xi32, #tpu.memory_space<vmem>> -> memref<1x1x128xi32, #tpu.memory_space<vmem>>
        %dma_start3A_1076 = tpu.memref_squeeze %dma_start3A_1075 : memref<1x1x128xi32, #tpu.memory_space<vmem>> -> memref<128xi32, #tpu.memory_space<vmem>>
        %dma_start3A_1077 = arith.constant 0 : i32
        %dma_start3A_1078 = arith.constant 0 : i32
        %dma_start3A_1079 = tpu.memref_slice %arg3[%dma_start3A_1077, %dma_start3A_1078] : memref<1000000x32xf32, #tpu.memory_space<hbm>> -> memref<1000000x32xf32, #tpu.memory_space<hbm>>
        tpu.enqueue_indirect_dma source(%dma_start3A_1079 : memref<1000000x32xf32, #tpu.memory_space<hbm>>) target(%dma_start3A_1073 : memref<128x32xf32, #tpu.memory_space<vmem>>) offsets(%dma_start3A_1076 : memref<128xi32, #tpu.memory_space<vmem>>) semaphore(%arg9 : memref<!tpu.dma_semaphore, #tpu.memory_space<semaphore_mem>>)
        %dma_start3A_1080 = arith.constant 0 : i32
        %dma_start3A_1081 = arith.constant 2 : i32
        %dma_start3A_1082 = arith.constant 0 : i32
        %dma_start3A_1083 = arith.constant 256 : i32
        %dma_start3A_1084 = arith.constant 0 : i32
        %dma_start3A_1085 = tpu.memref_slice %arg6[%dma_start3A_1082, %dma_start3A_1083, %dma_start3A_1084] : memref<2x1024x32xf32, #tpu.memory_space<vmem>> -> memref<1x128x32xf32, #tpu.memory_space<vmem>>
        %dma_start3A_1086 = tpu.memref_squeeze %dma_start3A_1085 : memref<1x128x32xf32, #tpu.memory_space<vmem>> -> memref<128x32xf32, #tpu.memory_space<vmem>>
        %dma_start3A_1087 = arith.constant 0 : i32
        %dma_start3A_1088 = tpu.memref_slice %arg5[%dma_start3A_1080, %dma_start3A_1081, %dma_start3A_1087] : memref<2x8x128xi32, #tpu.memory_space<vmem>> -> memref<1x1x128xi32, #tpu.memory_space<vmem>>
        %dma_start3A_1089 = tpu.memref_squeeze %dma_start3A_1088 : memref<1x1x128xi32, #tpu.memory_space<vmem>> -> memref<128xi32, #tpu.memory_space<vmem>>
        %dma_start3A_1090 = arith.constant 0 : i32
        %dma_start3A_1091 = arith.constant 0 : i32
        %dma_start3A_1092 = tpu.memref_slice %arg3[%dma_start3A_1090, %dma_start3A_1091] : memref<1000000x32xf32, #tpu.memory_space<hbm>> -> memref<1000000x32xf32, #tpu.memory_space<hbm>>
        tpu.enqueue_indirect_dma source(%dma_start3A_1092 : memref<1000000x32xf32, #tpu.memory_space<hbm>>) target(%dma_start3A_1086 : memref<128x32xf32, #tpu.memory_space<vmem>>) offsets(%dma_start3A_1089 : memref<128xi32, #tpu.memory_space<vmem>>) semaphore(%arg9 : memref<!tpu.dma_semaphore, #tpu.memory_space<semaphore_mem>>)
        %dma_start3A_1093 = arith.constant 0 : i32
        %dma_start3A_1094 = arith.constant 3 : i32
        %dma_start3A_1095 = arith.constant 0 : i32
        %dma_start3A_1096 = arith.constant 384 : i32
        %dma_start3A_1097 = arith.constant 0 : i32
        %dma_start3A_1098 = tpu.memref_slice %arg6[%dma_start3A_1095, %dma_start3A_1096, %dma_start3A_1097] : memref<2x1024x32xf32, #tpu.memory_space<vmem>> -> memref<1x128x32xf32, #tpu.memory_space<vmem>>
        %dma_start3A_1099 = tpu.memref_squeeze %dma_start3A_1098 : memref<1x128x32xf32, #tpu.memory_space<vmem>> -> memref<128x32xf32, #tpu.memory_space<vmem>>
        %dma_start3A_1100 = arith.constant 0 : i32
        %dma_start3A_1101 = tpu.memref_slice %arg5[%dma_start3A_1093, %dma_start3A_1094, %dma_start3A_1100] : memref<2x8x128xi32, #tpu.memory_space<vmem>> -> memref<1x1x128xi32, #tpu.memory_space<vmem>>
        %dma_start3A_1102 = tpu.memref_squeeze %dma_start3A_1101 : memref<1x1x128xi32, #tpu.memory_space<vmem>> -> memref<128xi32, #tpu.memory_space<vmem>>
        %dma_start3A_1103 = arith.constant 0 : i32
        %dma_start3A_1104 = arith.constant 0 : i32
        %dma_start3A_1105 = tpu.memref_slice %arg3[%dma_start3A_1103, %dma_start3A_1104] : memref<1000000x32xf32, #tpu.memory_space<hbm>> -> memref<1000000x32xf32, #tpu.memory_space<hbm>>
        tpu.enqueue_indirect_dma source(%dma_start3A_1105 : memref<1000000x32xf32, #tpu.memory_space<hbm>>) target(%dma_start3A_1099 : memref<128x32xf32, #tpu.memory_space<vmem>>) offsets(%dma_start3A_1102 : memref<128xi32, #tpu.memory_space<vmem>>) semaphore(%arg9 : memref<!tpu.dma_semaphore, #tpu.memory_space<semaphore_mem>>)
        %dma_start3A_1106 = arith.constant 0 : i32
        %dma_start3A_1107 = arith.constant 4 : i32
        %dma_start3A_1108 = arith.constant 0 : i32
        %dma_start3A_1109 = arith.constant 512 : i32
        %dma_start3A_1110 = arith.constant 0 : i32
        %dma_start3A_1111 = tpu.memref_slice %arg6[%dma_start3A_1108, %dma_start3A_1109, %dma_start3A_1110] : memref<2x1024x32xf32, #tpu.memory_space<vmem>> -> memref<1x128x32xf32, #tpu.memory_space<vmem>>
        %dma_start3A_1112 = tpu.memref_squeeze %dma_start3A_1111 : memref<1x128x32xf32, #tpu.memory_space<vmem>> -> memref<128x32xf32, #tpu.memory_space<vmem>>
        %dma_start3A_1113 = arith.constant 0 : i32
        %dma_start3A_1114 = tpu.memref_slice %arg5[%dma_start3A_1106, %dma_start3A_1107, %dma_start3A_1113] : memref<2x8x128xi32, #tpu.memory_space<vmem>> -> memref<1x1x128xi32, #tpu.memory_space<vmem>>
        %dma_start3A_1115 = tpu.memref_squeeze %dma_start3A_1114 : memref<1x1x128xi32, #tpu.memory_space<vmem>> -> memref<128xi32, #tpu.memory_space<vmem>>
        %dma_start3A_1116 = arith.constant 0 : i32
        %dma_start3A_1117 = arith.constant 0 : i32
        %dma_start3A_1118 = tpu.memref_slice %arg3[%dma_start3A_1116, %dma_start3A_1117] : memref<1000000x32xf32, #tpu.memory_space<hbm>> -> memref<1000000x32xf32, #tpu.memory_space<hbm>>
        tpu.enqueue_indirect_dma source(%dma_start3A_1118 : memref<1000000x32xf32, #tpu.memory_space<hbm>>) target(%dma_start3A_1112 : memref<128x32xf32, #tpu.memory_space<vmem>>) offsets(%dma_start3A_1115 : memref<128xi32, #tpu.memory_space<vmem>>) semaphore(%arg9 : memref<!tpu.dma_semaphore, #tpu.memory_space<semaphore_mem>>)
        %dma_start3A_1119 = arith.constant 0 : i32
        %dma_start3A_1120 = arith.constant 5 : i32
        %dma_start3A_1121 = arith.constant 0 : i32
        %dma_start3A_1122 = arith.constant 640 : i32
        %dma_start3A_1123 = arith.constant 0 : i32
        %dma_start3A_1124 = tpu.memref_slice %arg6[%dma_start3A_1121, %dma_start3A_1122, %dma_start3A_1123] : memref<2x1024x32xf32, #tpu.memory_space<vmem>> -> memref<1x128x32xf32, #tpu.memory_space<vmem>>
        %dma_start3A_1125 = tpu.memref_squeeze %dma_start3A_1124 : memref<1x128x32xf32, #tpu.memory_space<vmem>> -> memref<128x32xf32, #tpu.memory_space<vmem>>
        %dma_start3A_1126 = arith.constant 0 : i32
        %dma_start3A_1127 = tpu.memref_slice %arg5[%dma_start3A_1119, %dma_start3A_1120, %dma_start3A_1126] : memref<2x8x128xi32, #tpu.memory_space<vmem>> -> memref<1x1x128xi32, #tpu.memory_space<vmem>>
        %dma_start3A_1128 = tpu.memref_squeeze %dma_start3A_1127 : memref<1x1x128xi32, #tpu.memory_space<vmem>> -> memref<128xi32, #tpu.memory_space<vmem>>
        %dma_start3A_1129 = arith.constant 0 : i32
        %dma_start3A_1130 = arith.constant 0 : i32
        %dma_start3A_1131 = tpu.memref_slice %arg3[%dma_start3A_1129, %dma_start3A_1130] : memref<1000000x32xf32, #tpu.memory_space<hbm>> -> memref<1000000x32xf32, #tpu.memory_space<hbm>>
        tpu.enqueue_indirect_dma source(%dma_start3A_1131 : memref<1000000x32xf32, #tpu.memory_space<hbm>>) target(%dma_start3A_1125 : memref<128x32xf32, #tpu.memory_space<vmem>>) offsets(%dma_start3A_1128 : memref<128xi32, #tpu.memory_space<vmem>>) semaphore(%arg9 : memref<!tpu.dma_semaphore, #tpu.memory_space<semaphore_mem>>)
        %dma_start3A_1132 = arith.constant 0 : i32
        %dma_start3A_1133 = arith.constant 6 : i32
        %dma_start3A_1134 = arith.constant 0 : i32
        %dma_start3A_1135 = arith.constant 768 : i32
        %dma_start3A_1136 = arith.constant 0 : i32
        %dma_start3A_1137 = tpu.memref_slice %arg6[%dma_start3A_1134, %dma_start3A_1135, %dma_start3A_1136] : memref<2x1024x32xf32, #tpu.memory_space<vmem>> -> memref<1x128x32xf32, #tpu.memory_space<vmem>>
        %dma_start3A_1138 = tpu.memref_squeeze %dma_start3A_1137 : memref<1x128x32xf32, #tpu.memory_space<vmem>> -> memref<128x32xf32, #tpu.memory_space<vmem>>
        %dma_start3A_1139 = arith.constant 0 : i32
        %dma_start3A_1140 = tpu.memref_slice %arg5[%dma_start3A_1132, %dma_start3A_1133, %dma_start3A_1139] : memref<2x8x128xi32, #tpu.memory_space<vmem>> -> memref<1x1x128xi32, #tpu.memory_space<vmem>>
        %dma_start3A_1141 = tpu.memref_squeeze %dma_start3A_1140 : memref<1x1x128xi32, #tpu.memory_space<vmem>> -> memref<128xi32, #tpu.memory_space<vmem>>
        %dma_start3A_1142 = arith.constant 0 : i32
        %dma_start3A_1143 = arith.constant 0 : i32
        %dma_start3A_1144 = tpu.memref_slice %arg3[%dma_start3A_1142, %dma_start3A_1143] : memref<1000000x32xf32, #tpu.memory_space<hbm>> -> memref<1000000x32xf32, #tpu.memory_space<hbm>>
        tpu.enqueue_indirect_dma source(%dma_start3A_1144 : memref<1000000x32xf32, #tpu.memory_space<hbm>>) target(%dma_start3A_1138 : memref<128x32xf32, #tpu.memory_space<vmem>>) offsets(%dma_start3A_1141 : memref<128xi32, #tpu.memory_space<vmem>>) semaphore(%arg9 : memref<!tpu.dma_semaphore, #tpu.memory_space<semaphore_mem>>)
        %dma_start3A_1145 = arith.constant 0 : i32
        %dma_start3A_1146 = arith.constant 7 : i32
        %dma_start3A_1147 = arith.constant 0 : i32
        %dma_start3A_1148 = arith.constant 896 : i32
        %dma_start3A_1149 = arith.constant 0 : i32
        %dma_start3A_1150 = tpu.memref_slice %arg6[%dma_start3A_1147, %dma_start3A_1148, %dma_start3A_1149] : memref<2x1024x32xf32, #tpu.memory_space<vmem>> -> memref<1x128x32xf32, #tpu.memory_space<vmem>>
        %dma_start3A_1151 = tpu.memref_squeeze %dma_start3A_1150 : memref<1x128x32xf32, #tpu.memory_space<vmem>> -> memref<128x32xf32, #tpu.memory_space<vmem>>
        %dma_start3A_1152 = arith.constant 0 : i32
        %dma_start3A_1153 = tpu.memref_slice %arg5[%dma_start3A_1145, %dma_start3A_1146, %dma_start3A_1152] : memref<2x8x128xi32, #tpu.memory_space<vmem>> -> memref<1x1x128xi32, #tpu.memory_space<vmem>>
        %dma_start3A_1154 = tpu.memref_squeeze %dma_start3A_1153 : memref<1x1x128xi32, #tpu.memory_space<vmem>> -> memref<128xi32, #tpu.memory_space<vmem>>
        %dma_start3A_1155 = arith.constant 0 : i32
        %dma_start3A_1156 = arith.constant 0 : i32
        %dma_start3A_1157 = tpu.memref_slice %arg3[%dma_start3A_1155, %dma_start3A_1156] : memref<1000000x32xf32, #tpu.memory_space<hbm>> -> memref<1000000x32xf32, #tpu.memory_space<hbm>>
        tpu.enqueue_indirect_dma source(%dma_start3A_1157 : memref<1000000x32xf32, #tpu.memory_space<hbm>>) target(%dma_start3A_1151 : memref<128x32xf32, #tpu.memory_space<vmem>>) offsets(%dma_start3A_1154 : memref<128xi32, #tpu.memory_space<vmem>>) semaphore(%arg9 : memref<!tpu.dma_semaphore, #tpu.memory_space<semaphore_mem>>)
      } else {
      }
      %lt3A_766 = arith.constant 98 : i32
      %lt3A_767 = arith.cmpi slt, %add3A_740, %lt3A_766 : i32
      %convert_element_type3A_768 = arith.extui %lt3A_767 : i1 to i32
      %cond3A_769 = arith.constant 0 : i32
      %cond3A_770 = arith.cmpi ne, %convert_element_type3A_768, %cond3A_769 : i32
      scf.if %cond3A_770 {
        %add3A_1054 = arith.constant 2 : i32
        %add3A_1055 = arith.addi %add3A_740, %add3A_1054 : i32
        %add3A_1056 = arith.addi %mul3A_2, %add3A_1055 : i32
        %min3A_1057 = arith.constant 3199 : i32
        %min3A_1058 = arith.minsi %add3A_1056, %min3A_1057 : i32
        %jit3A_1059 = arith.constant 16 : i32
        %div3A_1060 = arith.divsi %min3A_1058, %jit3A_1059 : i32
        %sign3A_1061 = arith.constant 0 : i32
        %sign3A_1062 = arith.cmpi sgt, %min3A_1058, %sign3A_1061 : i32
        %sign3A_1063 = arith.extui %sign3A_1062 : i1 to i32
        %sign3A_1064 = arith.constant 0 : i32
        %sign3A_1065 = arith.cmpi slt, %min3A_1058, %sign3A_1064 : i32
        %sign3A_1066 = arith.extui %sign3A_1065 : i1 to i32
        %sign3A_1067 = arith.subi %sign3A_1063, %sign3A_1066 : i32
        %sign3A_1068 = arith.constant 0 : i32
        %sign3A_1069 = arith.cmpi sgt, %jit3A_1059, %sign3A_1068 : i32
        %sign3A_1070 = arith.extui %sign3A_1069 : i1 to i32
        %sign3A_1071 = arith.constant 0 : i32
        %sign3A_1072 = arith.cmpi slt, %jit3A_1059, %sign3A_1071 : i32
        %sign3A_1073 = arith.extui %sign3A_1072 : i1 to i32
        %sign3A_1074 = arith.subi %sign3A_1070, %sign3A_1073 : i32
        %ne3A_1075 = arith.cmpi ne, %sign3A_1067, %sign3A_1074 : i32
        %rem3A_1076 = arith.remsi %min3A_1058, %jit3A_1059 : i32
        %ne3A_1077 = arith.constant 0 : i32
        %ne3A_1078 = arith.cmpi ne, %rem3A_1076, %ne3A_1077 : i32
        %and3A_1079 = arith.andi %ne3A_1075, %ne3A_1078 : i1
        %sub3A_1080 = arith.constant 1 : i32
        %sub3A_1081 = arith.subi %div3A_1060, %sub3A_1080 : i32
        %select_n3A_1082 = arith.select %and3A_1079, %sub3A_1081, %div3A_1060 : i32
        %jit3A_1083 = arith.constant 16 : i32
        %eq3A_1084 = arith.constant 0 : i32
        %eq3A_1085 = arith.cmpi eq, %jit3A_1083, %eq3A_1084 : i32
        %jit3A_1086 = arith.constant 1 : i32
        %select_n3A_1087 = arith.select %eq3A_1085, %jit3A_1086, %jit3A_1083 : i32
        %rem3A_1088 = arith.remsi %min3A_1058, %select_n3A_1087 : i32
        %ne3A_1089 = arith.constant 0 : i32
        %ne3A_1090 = arith.cmpi ne, %rem3A_1088, %ne3A_1089 : i32
        %lt3A_1091 = arith.constant 0 : i32
        %lt3A_1092 = arith.cmpi slt, %rem3A_1088, %lt3A_1091 : i32
        %lt3A_1093 = arith.constant 0 : i32
        %lt3A_1094 = arith.cmpi slt, %select_n3A_1087, %lt3A_1093 : i32
        %ne3A_1095 = arith.xori %lt3A_1092, %lt3A_1094 : i1
        %and3A_1096 = arith.andi %ne3A_1095, %ne3A_1090 : i1
        %add3A_1097 = arith.addi %rem3A_1088, %select_n3A_1087 : i32
        %select_n3A_1098 = arith.select %and3A_1096, %add3A_1097, %rem3A_1088 : i32
        %jit3A_1099 = arith.constant 8 : i32
        %div3A_1100 = arith.divsi %select_n3A_1082, %jit3A_1099 : i32
        %sign3A_1101 = arith.constant 0 : i32
        %sign3A_1102 = arith.cmpi sgt, %select_n3A_1082, %sign3A_1101 : i32
        %sign3A_1103 = arith.extui %sign3A_1102 : i1 to i32
        %sign3A_1104 = arith.constant 0 : i32
        %sign3A_1105 = arith.cmpi slt, %select_n3A_1082, %sign3A_1104 : i32
        %sign3A_1106 = arith.extui %sign3A_1105 : i1 to i32
        %sign3A_1107 = arith.subi %sign3A_1103, %sign3A_1106 : i32
        %sign3A_1108 = arith.constant 0 : i32
        %sign3A_1109 = arith.cmpi sgt, %jit3A_1099, %sign3A_1108 : i32
        %sign3A_1110 = arith.extui %sign3A_1109 : i1 to i32
        %sign3A_1111 = arith.constant 0 : i32
        %sign3A_1112 = arith.cmpi slt, %jit3A_1099, %sign3A_1111 : i32
        %sign3A_1113 = arith.extui %sign3A_1112 : i1 to i32
        %sign3A_1114 = arith.subi %sign3A_1110, %sign3A_1113 : i32
        %ne3A_1115 = arith.cmpi ne, %sign3A_1107, %sign3A_1114 : i32
        %rem3A_1116 = arith.remsi %select_n3A_1082, %jit3A_1099 : i32
        %ne3A_1117 = arith.constant 0 : i32
        %ne3A_1118 = arith.cmpi ne, %rem3A_1116, %ne3A_1117 : i32
        %and3A_1119 = arith.andi %ne3A_1115, %ne3A_1118 : i1
        %sub3A_1120 = arith.constant 1 : i32
        %sub3A_1121 = arith.subi %div3A_1100, %sub3A_1120 : i32
        %select_n3A_1122 = arith.select %and3A_1119, %sub3A_1121, %div3A_1100 : i32
        %mul3A_1123 = arith.constant 8 : i32
        %mul3A_1124 = arith.muli %select_n3A_1098, %mul3A_1123 : i32
        %jit3A_1125 = arith.constant 8 : i32
        %eq3A_1126 = arith.constant 0 : i32
        %eq3A_1127 = arith.cmpi eq, %jit3A_1125, %eq3A_1126 : i32
        %jit3A_1128 = arith.constant 1 : i32
        %select_n3A_1129 = arith.select %eq3A_1127, %jit3A_1128, %jit3A_1125 : i32
        %rem3A_1130 = arith.remsi %select_n3A_1082, %select_n3A_1129 : i32
        %ne3A_1131 = arith.constant 0 : i32
        %ne3A_1132 = arith.cmpi ne, %rem3A_1130, %ne3A_1131 : i32
        %lt3A_1133 = arith.constant 0 : i32
        %lt3A_1134 = arith.cmpi slt, %rem3A_1130, %lt3A_1133 : i32
        %lt3A_1135 = arith.constant 0 : i32
        %lt3A_1136 = arith.cmpi slt, %select_n3A_1129, %lt3A_1135 : i32
        %ne3A_1137 = arith.xori %lt3A_1134, %lt3A_1136 : i1
        %and3A_1138 = arith.andi %ne3A_1137, %ne3A_1132 : i1
        %add3A_1139 = arith.addi %rem3A_1130, %select_n3A_1129 : i32
        %select_n3A_1140 = arith.select %and3A_1138, %add3A_1139, %rem3A_1130 : i32
        %dma_start3A_1141 = arith.constant 1 : i32
        %dma_start3A_1142 = arith.constant 0 : i32
        %dma_start3A_1143 = arith.constant 0 : i32
        %dma_start3A_1144 = tpu.memref_slice %arg5[%dma_start3A_1141, %dma_start3A_1142, %dma_start3A_1143] : memref<2x8x128xi32, #tpu.memory_space<vmem>> -> memref<1x8x128xi32, #tpu.memory_space<vmem>>
        %dma_start3A_1145 = tpu.memref_squeeze %dma_start3A_1144 : memref<1x8x128xi32, #tpu.memory_space<vmem>> -> memref<8x128xi32, #tpu.memory_space<vmem>>
        %dma_start3A_1146 = arith.constant 0 : i32
        %dma_start3A_1147 = tpu.memref_slice %arg2[%select_n3A_1122, %mul3A_1124, %select_n3A_1140, %dma_start3A_1146] : memref<25x128x8x128xi32, #tpu.memory_space<hbm>> -> memref<1x8x1x128xi32, #tpu.memory_space<hbm>>
        %dma_start3A_1148 = tpu.memref_squeeze %dma_start3A_1147 : memref<1x8x1x128xi32, #tpu.memory_space<hbm>> -> memref<8x128xi32, #tpu.memory_space<hbm>>
        %dma_start3A_1149 = arith.constant 0 : i32
        %dma_start3A_1150 = arith.constant 0 : i32
        %dma_start3A_1151 = tpu.memref_slice %arg5[%dma_start3A_1141, %dma_start3A_1149, %dma_start3A_1150] : memref<2x8x128xi32, #tpu.memory_space<vmem>> -> memref<1x8x128xi32, #tpu.memory_space<vmem>>
        %dma_start3A_1152 = tpu.memref_squeeze %dma_start3A_1151 : memref<1x8x128xi32, #tpu.memory_space<vmem>> -> memref<8x128xi32, #tpu.memory_space<vmem>>
        %dma_start3A_1153 = arith.constant 0 : i32
        %dma_start3A_1154 = tpu.memref_slice %arg2[%select_n3A_1122, %mul3A_1124, %select_n3A_1140, %dma_start3A_1153] : memref<25x128x8x128xi32, #tpu.memory_space<hbm>> -> memref<1x8x1x128xi32, #tpu.memory_space<hbm>>
        %dma_start3A_1155 = tpu.memref_squeeze %dma_start3A_1154 : memref<1x8x1x128xi32, #tpu.memory_space<hbm>> -> memref<8x128xi32, #tpu.memory_space<hbm>>
        tpu.enqueue_dma source(%dma_start3A_1155 : memref<8x128xi32, #tpu.memory_space<hbm>>) target(%dma_start3A_1152 : memref<8x128xi32, #tpu.memory_space<vmem>>) target_semaphore(%arg8 : memref<!tpu.dma_semaphore, #tpu.memory_space<semaphore_mem>>)
      } else {
      }
      %ge3A_771 = arith.constant 1 : i32
      %ge3A_772 = arith.cmpi sge, %add3A_740, %ge3A_771 : i32
      %convert_element_type3A_773 = arith.extui %ge3A_772 : i1 to i32
      %cond3A_774 = arith.constant 0 : i32
      %cond3A_775 = arith.cmpi ne, %convert_element_type3A_773, %cond3A_774 : i32
      scf.if %cond3A_775 {
        %dma_wait3A_1054 = arith.constant 0 : i32
        %dma_wait3A_1055 = arith.constant 0 : i32
        %dma_wait3A_1056 = tpu.memref_slice %arg7[%dma_wait3A_1054, %dma_wait3A_1055] : memref<2x16384xf32, #tpu.memory_space<vmem>> -> memref<1x16384xf32, #tpu.memory_space<vmem>>
        %dma_wait3A_1057 = tpu.memref_squeeze %dma_wait3A_1056 : memref<1x16384xf32, #tpu.memory_space<vmem>> -> memref<16384xf32, #tpu.memory_space<vmem>>
        %dma_wait3A_1058 = arith.constant 0 : i32
        %dma_wait3A_1059 = tpu.memref_slice %arg4[%dma_wait3A_1058] : memref<104857600xf32, #tpu.memory_space<hbm>> -> memref<16384xf32, #tpu.memory_space<hbm>>
        %dma_wait3A_1060 = arith.constant 0 : i32
        %dma_wait3A_1061 = tpu.memref_slice %arg7[%dma_wait3A_1054, %dma_wait3A_1060] : memref<2x16384xf32, #tpu.memory_space<vmem>> -> memref<1x16384xf32, #tpu.memory_space<vmem>>
        %dma_wait3A_1062 = tpu.memref_squeeze %dma_wait3A_1061 : memref<1x16384xf32, #tpu.memory_space<vmem>> -> memref<16384xf32, #tpu.memory_space<vmem>>
        %dma_wait3A_1063 = arith.constant 0 : i32
        %dma_wait3A_1064 = tpu.memref_slice %arg4[%dma_wait3A_1063] : memref<104857600xf32, #tpu.memory_space<hbm>> -> memref<16384xf32, #tpu.memory_space<hbm>>
        tpu.wait_dma2 semaphore(%arg10 : memref<!tpu.dma_semaphore, #tpu.memory_space<semaphore_mem>>) src(%dma_wait3A_1064 : memref<16384xf32, #tpu.memory_space<hbm>>) dst(%dma_wait3A_1062 : memref<16384xf32, #tpu.memory_space<vmem>>)
      } else {
      }
      %parallel_loop3A_776 = arith.constant 0 : i32
      %parallel_loop3A_777 = arith.constant 128 : i32
      %parallel_loop3A_778 = arith.constant 1 : i32
      %parallel_loop3A_779 = arith.constant 1 : i32
      %parallel_loop3A_780 = arith.constant 0 : i32
      scf.for %parallel_loop3A_1054 = %parallel_loop3A_776 to %parallel_loop3A_777 step %parallel_loop3A_778  : i32 {
        %parallel_loop3A_1055 = arith.constant 5 : i32
        %parallel_loop3A_1056 = arith.shrsi %parallel_loop3A_1054, %parallel_loop3A_1055 : i32
        %parallel_loop3A_1057 = arith.constant 31 : i32
        %parallel_loop3A_1058 = arith.andi %parallel_loop3A_1054, %parallel_loop3A_1057 : i32
        %parallel_loop3A_1059 = vector.broadcast %parallel_loop3A_1058 : i32 to vector<16xi32>
        %parallel_loop3A_1060 = arith.addi %iota3A, %parallel_loop3A_1059 : vector<16xi32>
        %parallel_loop3A_1061 = arith.constant 31 : i32
        %parallel_loop3A_1062 = vector.broadcast %parallel_loop3A_1061 : i32 to vector<16xi32>
        %parallel_loop3A_1063 = arith.andi %parallel_loop3A_1060, %parallel_loop3A_1062 : vector<16xi32>
        %parallel_loop3A_1064 = arith.constant 3 : i32
        %parallel_loop3A_1065 = vector.broadcast %parallel_loop3A_1064 : i32 to vector<16xi32>
        %parallel_loop3A_1066 = arith.shrsi %parallel_loop3A_1063, %parallel_loop3A_1065 : vector<16xi32>
        %parallel_loop3A_1067 = arith.constant 12 : i32
        %parallel_loop3A_1068 = vector.broadcast %parallel_loop3A_1067 : i32 to vector<16xi32>
        %parallel_loop3A_1069 = arith.shli %parallel_loop3A_1066, %parallel_loop3A_1068 : vector<16xi32>
        %parallel_loop3A_1070 = arith.constant 7 : i32
        %parallel_loop3A_1071 = vector.broadcast %parallel_loop3A_1070 : i32 to vector<16xi32>
        %parallel_loop3A_1072 = arith.andi %parallel_loop3A_1063, %parallel_loop3A_1071 : vector<16xi32>
        %parallel_loop3A_1073 = arith.constant 7 : i32
        %parallel_loop3A_1074 = vector.broadcast %parallel_loop3A_1073 : i32 to vector<16xi32>
        %parallel_loop3A_1075 = arith.shli %parallel_loop3A_1072, %parallel_loop3A_1074 : vector<16xi32>
        %parallel_loop3A_1076 = arith.addi %parallel_loop3A_1069, %parallel_loop3A_1075 : vector<16xi32>
        %parallel_loop3A_1077 = arith.addi %parallel_loop3A_1076, %iota3A : vector<16xi32>
        %parallel_loop3A_1078 = arith.constant 0 : i32
        %parallel_loop3A_1079 = arith.addi %parallel_loop3A_1078, %parallel_loop3A_1056 : i32
        %parallel_loop3A_1080 = arith.constant 128 : i32
        %parallel_loop3A_1081 = arith.muli %parallel_loop3A_1079, %parallel_loop3A_1080 : i32
        %parallel_loop3A_1082 = arith.constant 1024 : i32
        %parallel_loop3A_1083 = arith.muli %parallel_loop3A_1056, %parallel_loop3A_1082 : i32
        %parallel_loop3A_1084 = vector.broadcast %parallel_loop3A_1083 : i32 to vector<16xi32>
        %parallel_loop3A_1085 = arith.addi %parallel_loop3A_1084, %parallel_loop3A_1077 : vector<16xi32>
        %parallel_loop3A_1086 = arith.constant 0 : i32
        %parallel_loop3A_1087 = arith.addi %parallel_loop3A_1081, %parallel_loop3A_1086 : i32
        %parallel_loop3A_1088 = vector.broadcast %parallel_loop3A_1087 : i32 to vector<16xi32>
        %parallel_loop3A_1089 = arith.addi %parallel_loop3A_1088, %iota3A : vector<16xi32>
        %parallel_loop3A_1090 = arith.constant 0 : i32
        %parallel_loop3A_1091 = arith.constant 0 : i32
        %parallel_loop3A_1092 = tpu.memref_slice %arg6[%parallel_loop3A_779, %parallel_loop3A_1090, %parallel_loop3A_1091] : memref<2x1024x32xf32, #tpu.memory_space<vmem>> -> memref<1x1024x32xf32, #tpu.memory_space<vmem>>
        %parallel_loop3A_1093 = tpu.memref_squeeze %parallel_loop3A_1092 : memref<1x1024x32xf32, #tpu.memory_space<vmem>> -> memref<1024x32xf32, #tpu.memory_space<vmem>>
        %parallel_loop3A_1094 = tpu.vector_load_idx %parallel_loop3A_1093[%parallel_loop3A_1089, %parallel_loop3A_1063] : memref<1024x32xf32, #tpu.memory_space<vmem>>[vector<16xi32>, vector<16xi32>], vector<16xf32>,
        %parallel_loop3A_1095 = arith.constant 0 : i32
        %parallel_loop3A_1096 = vector.broadcast %parallel_loop3A_1095 : i32 to vector<16xi32>
        %parallel_loop3A_1097 = arith.addi %parallel_loop3A_1085, %parallel_loop3A_1096 : vector<16xi32>
        %parallel_loop3A_1098 = arith.constant 0 : i32
        %parallel_loop3A_1099 = tpu.memref_slice %arg7[%parallel_loop3A_780, %parallel_loop3A_1098] : memref<2x16384xf32, #tpu.memory_space<vmem>> -> memref<1x16384xf32, #tpu.memory_space<vmem>>
        %parallel_loop3A_1100 = tpu.memref_squeeze %parallel_loop3A_1099 : memref<1x16384xf32, #tpu.memory_space<vmem>> -> memref<16384xf32, #tpu.memory_space<vmem>>
        tpu.vector_store_idx %parallel_loop3A_1100[%parallel_loop3A_1097], %parallel_loop3A_1094 : memref<16384xf32, #tpu.memory_space<vmem>>[vector<16xi32>], vector<16xf32>,
        %parallel_loop3A_1101 = arith.constant 16 : i32
        %parallel_loop3A_1102 = arith.addi %parallel_loop3A_1081, %parallel_loop3A_1101 : i32
        %parallel_loop3A_1103 = vector.broadcast %parallel_loop3A_1102 : i32 to vector<16xi32>
        %parallel_loop3A_1104 = arith.addi %parallel_loop3A_1103, %iota3A : vector<16xi32>
        %parallel_loop3A_1105 = arith.constant 0 : i32
        %parallel_loop3A_1106 = arith.constant 0 : i32
        %parallel_loop3A_1107 = tpu.memref_slice %arg6[%parallel_loop3A_779, %parallel_loop3A_1105, %parallel_loop3A_1106] : memref<2x1024x32xf32, #tpu.memory_space<vmem>> -> memref<1x1024x32xf32, #tpu.memory_space<vmem>>
        %parallel_loop3A_1108 = tpu.memref_squeeze %parallel_loop3A_1107 : memref<1x1024x32xf32, #tpu.memory_space<vmem>> -> memref<1024x32xf32, #tpu.memory_space<vmem>>
        %parallel_loop3A_1109 = tpu.vector_load_idx %parallel_loop3A_1108[%parallel_loop3A_1104, %parallel_loop3A_1063] : memref<1024x32xf32, #tpu.memory_space<vmem>>[vector<16xi32>, vector<16xi32>], vector<16xf32>,
        %parallel_loop3A_1110 = arith.constant 16 : i32
        %parallel_loop3A_1111 = vector.broadcast %parallel_loop3A_1110 : i32 to vector<16xi32>
        %parallel_loop3A_1112 = arith.addi %parallel_loop3A_1085, %parallel_loop3A_1111 : vector<16xi32>
        %parallel_loop3A_1113 = arith.constant 0 : i32
        %parallel_loop3A_1114 = tpu.memref_slice %arg7[%parallel_loop3A_780, %parallel_loop3A_1113] : memref<2x16384xf32, #tpu.memory_space<vmem>> -> memref<1x16384xf32, #tpu.memory_space<vmem>>
        %parallel_loop3A_1115 = tpu.memref_squeeze %parallel_loop3A_1114 : memref<1x16384xf32, #tpu.memory_space<vmem>> -> memref<16384xf32, #tpu.memory_space<vmem>>
        tpu.vector_store_idx %parallel_loop3A_1115[%parallel_loop3A_1112], %parallel_loop3A_1109 : memref<16384xf32, #tpu.memory_space<vmem>>[vector<16xi32>], vector<16xf32>,
        %parallel_loop3A_1116 = arith.constant 32 : i32
        %parallel_loop3A_1117 = arith.addi %parallel_loop3A_1081, %parallel_loop3A_1116 : i32
        %parallel_loop3A_1118 = vector.broadcast %parallel_loop3A_1117 : i32 to vector<16xi32>
        %parallel_loop3A_1119 = arith.addi %parallel_loop3A_1118, %iota3A : vector<16xi32>
        %parallel_loop3A_1120 = arith.constant 0 : i32
        %parallel_loop3A_1121 = arith.constant 0 : i32
        %parallel_loop3A_1122 = tpu.memref_slice %arg6[%parallel_loop3A_779, %parallel_loop3A_1120, %parallel_loop3A_1121] : memref<2x1024x32xf32, #tpu.memory_space<vmem>> -> memref<1x1024x32xf32, #tpu.memory_space<vmem>>
        %parallel_loop3A_1123 = tpu.memref_squeeze %parallel_loop3A_1122 : memref<1x1024x32xf32, #tpu.memory_space<vmem>> -> memref<1024x32xf32, #tpu.memory_space<vmem>>
        %parallel_loop3A_1124 = tpu.vector_load_idx %parallel_loop3A_1123[%parallel_loop3A_1119, %parallel_loop3A_1063] : memref<1024x32xf32, #tpu.memory_space<vmem>>[vector<16xi32>, vector<16xi32>], vector<16xf32>,
        %parallel_loop3A_1125 = arith.constant 32 : i32
        %parallel_loop3A_1126 = vector.broadcast %parallel_loop3A_1125 : i32 to vector<16xi32>
        %parallel_loop3A_1127 = arith.addi %parallel_loop3A_1085, %parallel_loop3A_1126 : vector<16xi32>
        %parallel_loop3A_1128 = arith.constant 0 : i32
        %parallel_loop3A_1129 = tpu.memref_slice %arg7[%parallel_loop3A_780, %parallel_loop3A_1128] : memref<2x16384xf32, #tpu.memory_space<vmem>> -> memref<1x16384xf32, #tpu.memory_space<vmem>>
        %parallel_loop3A_1130 = tpu.memref_squeeze %parallel_loop3A_1129 : memref<1x16384xf32, #tpu.memory_space<vmem>> -> memref<16384xf32, #tpu.memory_space<vmem>>
        tpu.vector_store_idx %parallel_loop3A_1130[%parallel_loop3A_1127], %parallel_loop3A_1124 : memref<16384xf32, #tpu.memory_space<vmem>>[vector<16xi32>], vector<16xf32>,
        %parallel_loop3A_1131 = arith.constant 48 : i32
        %parallel_loop3A_1132 = arith.addi %parallel_loop3A_1081, %parallel_loop3A_1131 : i32
        %parallel_loop3A_1133 = vector.broadcast %parallel_loop3A_1132 : i32 to vector<16xi32>
        %parallel_loop3A_1134 = arith.addi %parallel_loop3A_1133, %iota3A : vector<16xi32>
        %parallel_loop3A_1135 = arith.constant 0 : i32
        %parallel_loop3A_1136 = arith.constant 0 : i32
        %parallel_loop3A_1137 = tpu.memref_slice %arg6[%parallel_loop3A_779, %parallel_loop3A_1135, %parallel_loop3A_1136] : memref<2x1024x32xf32, #tpu.memory_space<vmem>> -> memref<1x1024x32xf32, #tpu.memory_space<vmem>>
        %parallel_loop3A_1138 = tpu.memref_squeeze %parallel_loop3A_1137 : memref<1x1024x32xf32, #tpu.memory_space<vmem>> -> memref<1024x32xf32, #tpu.memory_space<vmem>>
        %parallel_loop3A_1139 = tpu.vector_load_idx %parallel_loop3A_1138[%parallel_loop3A_1134, %parallel_loop3A_1063] : memref<1024x32xf32, #tpu.memory_space<vmem>>[vector<16xi32>, vector<16xi32>], vector<16xf32>,
        %parallel_loop3A_1140 = arith.constant 48 : i32
        %parallel_loop3A_1141 = vector.broadcast %parallel_loop3A_1140 : i32 to vector<16xi32>
        %parallel_loop3A_1142 = arith.addi %parallel_loop3A_1085, %parallel_loop3A_1141 : vector<16xi32>
        %parallel_loop3A_1143 = arith.constant 0 : i32
        %parallel_loop3A_1144 = tpu.memref_slice %arg7[%parallel_loop3A_780, %parallel_loop3A_1143] : memref<2x16384xf32, #tpu.memory_space<vmem>> -> memref<1x16384xf32, #tpu.memory_space<vmem>>
        %parallel_loop3A_1145 = tpu.memref_squeeze %parallel_loop3A_1144 : memref<1x16384xf32, #tpu.memory_space<vmem>> -> memref<16384xf32, #tpu.memory_space<vmem>>
        tpu.vector_store_idx %parallel_loop3A_1145[%parallel_loop3A_1142], %parallel_loop3A_1139 : memref<16384xf32, #tpu.memory_space<vmem>>[vector<16xi32>], vector<16xf32>,
        %parallel_loop3A_1146 = arith.constant 64 : i32
        %parallel_loop3A_1147 = arith.addi %parallel_loop3A_1081, %parallel_loop3A_1146 : i32
        %parallel_loop3A_1148 = vector.broadcast %parallel_loop3A_1147 : i32 to vector<16xi32>
        %parallel_loop3A_1149 = arith.addi %parallel_loop3A_1148, %iota3A : vector<16xi32>
        %parallel_loop3A_1150 = arith.constant 0 : i32
        %parallel_loop3A_1151 = arith.constant 0 : i32
        %parallel_loop3A_1152 = tpu.memref_slice %arg6[%parallel_loop3A_779, %parallel_loop3A_1150, %parallel_loop3A_1151] : memref<2x1024x32xf32, #tpu.memory_space<vmem>> -> memref<1x1024x32xf32, #tpu.memory_space<vmem>>
        %parallel_loop3A_1153 = tpu.memref_squeeze %parallel_loop3A_1152 : memref<1x1024x32xf32, #tpu.memory_space<vmem>> -> memref<1024x32xf32, #tpu.memory_space<vmem>>
        %parallel_loop3A_1154 = tpu.vector_load_idx %parallel_loop3A_1153[%parallel_loop3A_1149, %parallel_loop3A_1063] : memref<1024x32xf32, #tpu.memory_space<vmem>>[vector<16xi32>, vector<16xi32>], vector<16xf32>,
        %parallel_loop3A_1155 = arith.constant 64 : i32
        %parallel_loop3A_1156 = vector.broadcast %parallel_loop3A_1155 : i32 to vector<16xi32>
        %parallel_loop3A_1157 = arith.addi %parallel_loop3A_1085, %parallel_loop3A_1156 : vector<16xi32>
        %parallel_loop3A_1158 = arith.constant 0 : i32
        %parallel_loop3A_1159 = tpu.memref_slice %arg7[%parallel_loop3A_780, %parallel_loop3A_1158] : memref<2x16384xf32, #tpu.memory_space<vmem>> -> memref<1x16384xf32, #tpu.memory_space<vmem>>
        %parallel_loop3A_1160 = tpu.memref_squeeze %parallel_loop3A_1159 : memref<1x16384xf32, #tpu.memory_space<vmem>> -> memref<16384xf32, #tpu.memory_space<vmem>>
        tpu.vector_store_idx %parallel_loop3A_1160[%parallel_loop3A_1157], %parallel_loop3A_1154 : memref<16384xf32, #tpu.memory_space<vmem>>[vector<16xi32>], vector<16xf32>,
        %parallel_loop3A_1161 = arith.constant 80 : i32
        %parallel_loop3A_1162 = arith.addi %parallel_loop3A_1081, %parallel_loop3A_1161 : i32
        %parallel_loop3A_1163 = vector.broadcast %parallel_loop3A_1162 : i32 to vector<16xi32>
        %parallel_loop3A_1164 = arith.addi %parallel_loop3A_1163, %iota3A : vector<16xi32>
        %parallel_loop3A_1165 = arith.constant 0 : i32
        %parallel_loop3A_1166 = arith.constant 0 : i32
        %parallel_loop3A_1167 = tpu.memref_slice %arg6[%parallel_loop3A_779, %parallel_loop3A_1165, %parallel_loop3A_1166] : memref<2x1024x32xf32, #tpu.memory_space<vmem>> -> memref<1x1024x32xf32, #tpu.memory_space<vmem>>
        %parallel_loop3A_1168 = tpu.memref_squeeze %parallel_loop3A_1167 : memref<1x1024x32xf32, #tpu.memory_space<vmem>> -> memref<1024x32xf32, #tpu.memory_space<vmem>>
        %parallel_loop3A_1169 = tpu.vector_load_idx %parallel_loop3A_1168[%parallel_loop3A_1164, %parallel_loop3A_1063] : memref<1024x32xf32, #tpu.memory_space<vmem>>[vector<16xi32>, vector<16xi32>], vector<16xf32>,
        %parallel_loop3A_1170 = arith.constant 80 : i32
        %parallel_loop3A_1171 = vector.broadcast %parallel_loop3A_1170 : i32 to vector<16xi32>
        %parallel_loop3A_1172 = arith.addi %parallel_loop3A_1085, %parallel_loop3A_1171 : vector<16xi32>
        %parallel_loop3A_1173 = arith.constant 0 : i32
        %parallel_loop3A_1174 = tpu.memref_slice %arg7[%parallel_loop3A_780, %parallel_loop3A_1173] : memref<2x16384xf32, #tpu.memory_space<vmem>> -> memref<1x16384xf32, #tpu.memory_space<vmem>>
        %parallel_loop3A_1175 = tpu.memref_squeeze %parallel_loop3A_1174 : memref<1x16384xf32, #tpu.memory_space<vmem>> -> memref<16384xf32, #tpu.memory_space<vmem>>
        tpu.vector_store_idx %parallel_loop3A_1175[%parallel_loop3A_1172], %parallel_loop3A_1169 : memref<16384xf32, #tpu.memory_space<vmem>>[vector<16xi32>], vector<16xf32>,
        %parallel_loop3A_1176 = arith.constant 96 : i32
        %parallel_loop3A_1177 = arith.addi %parallel_loop3A_1081, %parallel_loop3A_1176 : i32
        %parallel_loop3A_1178 = vector.broadcast %parallel_loop3A_1177 : i32 to vector<16xi32>
        %parallel_loop3A_1179 = arith.addi %parallel_loop3A_1178, %iota3A : vector<16xi32>
        %parallel_loop3A_1180 = arith.constant 0 : i32
        %parallel_loop3A_1181 = arith.constant 0 : i32
        %parallel_loop3A_1182 = tpu.memref_slice %arg6[%parallel_loop3A_779, %parallel_loop3A_1180, %parallel_loop3A_1181] : memref<2x1024x32xf32, #tpu.memory_space<vmem>> -> memref<1x1024x32xf32, #tpu.memory_space<vmem>>
        %parallel_loop3A_1183 = tpu.memref_squeeze %parallel_loop3A_1182 : memref<1x1024x32xf32, #tpu.memory_space<vmem>> -> memref<1024x32xf32, #tpu.memory_space<vmem>>
        %parallel_loop3A_1184 = tpu.vector_load_idx %parallel_loop3A_1183[%parallel_loop3A_1179, %parallel_loop3A_1063] : memref<1024x32xf32, #tpu.memory_space<vmem>>[vector<16xi32>, vector<16xi32>], vector<16xf32>,
        %parallel_loop3A_1185 = arith.constant 96 : i32
        %parallel_loop3A_1186 = vector.broadcast %parallel_loop3A_1185 : i32 to vector<16xi32>
        %parallel_loop3A_1187 = arith.addi %parallel_loop3A_1085, %parallel_loop3A_1186 : vector<16xi32>
        %parallel_loop3A_1188 = arith.constant 0 : i32
        %parallel_loop3A_1189 = tpu.memref_slice %arg7[%parallel_loop3A_780, %parallel_loop3A_1188] : memref<2x16384xf32, #tpu.memory_space<vmem>> -> memref<1x16384xf32, #tpu.memory_space<vmem>>
        %parallel_loop3A_1190 = tpu.memref_squeeze %parallel_loop3A_1189 : memref<1x16384xf32, #tpu.memory_space<vmem>> -> memref<16384xf32, #tpu.memory_space<vmem>>
        tpu.vector_store_idx %parallel_loop3A_1190[%parallel_loop3A_1187], %parallel_loop3A_1184 : memref<16384xf32, #tpu.memory_space<vmem>>[vector<16xi32>], vector<16xf32>,
        %parallel_loop3A_1191 = arith.constant 112 : i32
        %parallel_loop3A_1192 = arith.addi %parallel_loop3A_1081, %parallel_loop3A_1191 : i32
        %parallel_loop3A_1193 = vector.broadcast %parallel_loop3A_1192 : i32 to vector<16xi32>
        %parallel_loop3A_1194 = arith.addi %parallel_loop3A_1193, %iota3A : vector<16xi32>
        %parallel_loop3A_1195 = arith.constant 0 : i32
        %parallel_loop3A_1196 = arith.constant 0 : i32
        %parallel_loop3A_1197 = tpu.memref_slice %arg6[%parallel_loop3A_779, %parallel_loop3A_1195, %parallel_loop3A_1196] : memref<2x1024x32xf32, #tpu.memory_space<vmem>> -> memref<1x1024x32xf32, #tpu.memory_space<vmem>>
        %parallel_loop3A_1198 = tpu.memref_squeeze %parallel_loop3A_1197 : memref<1x1024x32xf32, #tpu.memory_space<vmem>> -> memref<1024x32xf32, #tpu.memory_space<vmem>>
        %parallel_loop3A_1199 = tpu.vector_load_idx %parallel_loop3A_1198[%parallel_loop3A_1194, %parallel_loop3A_1063] : memref<1024x32xf32, #tpu.memory_space<vmem>>[vector<16xi32>, vector<16xi32>], vector<16xf32>,
        %parallel_loop3A_1200 = arith.constant 112 : i32
        %parallel_loop3A_1201 = vector.broadcast %parallel_loop3A_1200 : i32 to vector<16xi32>
        %parallel_loop3A_1202 = arith.addi %parallel_loop3A_1085, %parallel_loop3A_1201 : vector<16xi32>
        %parallel_loop3A_1203 = arith.constant 0 : i32
        %parallel_loop3A_1204 = tpu.memref_slice %arg7[%parallel_loop3A_780, %parallel_loop3A_1203] : memref<2x16384xf32, #tpu.memory_space<vmem>> -> memref<1x16384xf32, #tpu.memory_space<vmem>>
        %parallel_loop3A_1205 = tpu.memref_squeeze %parallel_loop3A_1204 : memref<1x16384xf32, #tpu.memory_space<vmem>> -> memref<16384xf32, #tpu.memory_space<vmem>>
        tpu.vector_store_idx %parallel_loop3A_1205[%parallel_loop3A_1202], %parallel_loop3A_1199 : memref<16384xf32, #tpu.memory_space<vmem>>[vector<16xi32>], vector<16xf32>,
      } {sc.loop_unroll_factor = 4 : i64, sc.parallel_access}
      %add3A_781 = arith.addi %mul3A_2, %add3A_740 : i32
      %min3A_782 = arith.constant 3199 : i32
      %min3A_783 = arith.minsi %add3A_781, %min3A_782 : i32
      %jit3A_784 = arith.constant 16 : i32
      %div3A_785 = arith.divsi %min3A_783, %jit3A_784 : i32
      %sign3A_786 = arith.constant 0 : i32
      %sign3A_787 = arith.cmpi sgt, %min3A_783, %sign3A_786 : i32
      %sign3A_788 = arith.extui %sign3A_787 : i1 to i32
      %sign3A_789 = arith.constant 0 : i32
      %sign3A_790 = arith.cmpi slt, %min3A_783, %sign3A_789 : i32
      %sign3A_791 = arith.extui %sign3A_790 : i1 to i32
      %sign3A_792 = arith.subi %sign3A_788, %sign3A_791 : i32
      %sign3A_793 = arith.constant 0 : i32
      %sign3A_794 = arith.cmpi sgt, %jit3A_784, %sign3A_793 : i32
      %sign3A_795 = arith.extui %sign3A_794 : i1 to i32
      %sign3A_796 = arith.constant 0 : i32
      %sign3A_797 = arith.cmpi slt, %jit3A_784, %sign3A_796 : i32
      %sign3A_798 = arith.extui %sign3A_797 : i1 to i32
      %sign3A_799 = arith.subi %sign3A_795, %sign3A_798 : i32
      %ne3A_800 = arith.cmpi ne, %sign3A_792, %sign3A_799 : i32
      %rem3A_801 = arith.remsi %min3A_783, %jit3A_784 : i32
      %ne3A_802 = arith.constant 0 : i32
      %ne3A_803 = arith.cmpi ne, %rem3A_801, %ne3A_802 : i32
      %and3A_804 = arith.andi %ne3A_800, %ne3A_803 : i1
      %sub3A_805 = arith.constant 1 : i32
      %sub3A_806 = arith.subi %div3A_785, %sub3A_805 : i32
      %select_n3A_807 = arith.select %and3A_804, %sub3A_806, %div3A_785 : i32
      %jit3A_808 = arith.constant 16 : i32
      %eq3A_809 = arith.constant 0 : i32
      %eq3A_810 = arith.cmpi eq, %jit3A_808, %eq3A_809 : i32
      %jit3A_811 = arith.constant 1 : i32
      %select_n3A_812 = arith.select %eq3A_810, %jit3A_811, %jit3A_808 : i32
      %rem3A_813 = arith.remsi %min3A_783, %select_n3A_812 : i32
      %ne3A_814 = arith.constant 0 : i32
      %ne3A_815 = arith.cmpi ne, %rem3A_813, %ne3A_814 : i32
      %lt3A_816 = arith.constant 0 : i32
      %lt3A_817 = arith.cmpi slt, %rem3A_813, %lt3A_816 : i32
      %lt3A_818 = arith.constant 0 : i32
      %lt3A_819 = arith.cmpi slt, %select_n3A_812, %lt3A_818 : i32
      %ne3A_820 = arith.xori %lt3A_817, %lt3A_819 : i1
      %and3A_821 = arith.andi %ne3A_820, %ne3A_815 : i1
      %add3A_822 = arith.addi %rem3A_813, %select_n3A_812 : i32
      %select_n3A_823 = arith.select %and3A_821, %add3A_822, %rem3A_813 : i32
      %mul3A_824 = arith.constant 4 : i32
      %mul3A_825 = arith.muli %select_n3A_807, %mul3A_824 : i32
      %add3A_826 = arith.constant 0 : i32
      %add3A_827 = arith.addi %mul3A_825, %add3A_826 : i32
      %mul3A_828 = arith.constant 128 : i32
      %mul3A_829 = arith.muli %add3A_827, %mul3A_828 : i32
      %mul3A_830 = arith.constant 8 : i32
      %mul3A_831 = arith.muli %select_n3A_823, %mul3A_830 : i32
      %add3A_832 = arith.addi %mul3A_829, %mul3A_831 : i32
      %add3A_833 = arith.constant 0 : i32
      %add3A_834 = arith.addi %add3A_832, %add3A_833 : i32
      %mul3A_835 = arith.constant 1024 : i32
      %mul3A_836 = arith.muli %add3A_834, %mul3A_835 : i32
      %mul3A_837 = arith.constant 4 : i32
      %mul3A_838 = arith.muli %select_n3A_807, %mul3A_837 : i32
      %add3A_839 = arith.constant 1 : i32
      %add3A_840 = arith.addi %mul3A_838, %add3A_839 : i32
      %mul3A_841 = arith.constant 128 : i32
      %mul3A_842 = arith.muli %add3A_840, %mul3A_841 : i32
      %mul3A_843 = arith.constant 8 : i32
      %mul3A_844 = arith.muli %select_n3A_823, %mul3A_843 : i32
      %add3A_845 = arith.addi %mul3A_842, %mul3A_844 : i32
      %add3A_846 = arith.constant 0 : i32
      %add3A_847 = arith.addi %add3A_845, %add3A_846 : i32
      %mul3A_848 = arith.constant 1024 : i32
      %mul3A_849 = arith.muli %add3A_847, %mul3A_848 : i32
      %mul3A_850 = arith.constant 4 : i32
      %mul3A_851 = arith.muli %select_n3A_807, %mul3A_850 : i32
      %add3A_852 = arith.constant 2 : i32
      %add3A_853 = arith.addi %mul3A_851, %add3A_852 : i32
      %mul3A_854 = arith.constant 128 : i32
      %mul3A_855 = arith.muli %add3A_853, %mul3A_854 : i32
      %mul3A_856 = arith.constant 8 : i32
      %mul3A_857 = arith.muli %select_n3A_823, %mul3A_856 : i32
      %add3A_858 = arith.addi %mul3A_855, %mul3A_857 : i32
      %add3A_859 = arith.constant 0 : i32
      %add3A_860 = arith.addi %add3A_858, %add3A_859 : i32
      %mul3A_861 = arith.constant 1024 : i32
      %mul3A_862 = arith.muli %add3A_860, %mul3A_861 : i32
      %mul3A_863 = arith.constant 4 : i32
      %mul3A_864 = arith.muli %select_n3A_807, %mul3A_863 : i32
      %add3A_865 = arith.constant 3 : i32
      %add3A_866 = arith.addi %mul3A_864, %add3A_865 : i32
      %mul3A_867 = arith.constant 128 : i32
      %mul3A_868 = arith.muli %add3A_866, %mul3A_867 : i32
      %mul3A_869 = arith.constant 8 : i32
      %mul3A_870 = arith.muli %select_n3A_823, %mul3A_869 : i32
      %add3A_871 = arith.addi %mul3A_868, %mul3A_870 : i32
      %add3A_872 = arith.constant 0 : i32
      %add3A_873 = arith.addi %add3A_871, %add3A_872 : i32
      %mul3A_874 = arith.constant 1024 : i32
      %mul3A_875 = arith.muli %add3A_873, %mul3A_874 : i32
      %dma_start3A_876 = arith.constant 0 : i32
      %dma_start3A_877 = arith.constant 0 : i32
      %dma_start3A_878 = tpu.memref_slice %arg7[%dma_start3A_876, %dma_start3A_877] : memref<2x16384xf32, #tpu.memory_space<vmem>> -> memref<1x4096xf32, #tpu.memory_space<vmem>>
      %dma_start3A_879 = tpu.memref_squeeze %dma_start3A_878 : memref<1x4096xf32, #tpu.memory_space<vmem>> -> memref<4096xf32, #tpu.memory_space<vmem>>
      %dma_start3A_880 = tpu.memref_slice %arg4[%mul3A_836] : memref<104857600xf32, #tpu.memory_space<hbm>> -> memref<4096xf32, #tpu.memory_space<hbm>>
      %dma_start3A_881 = tpu.memref_slice %arg4[%mul3A_836] : memref<104857600xf32, #tpu.memory_space<hbm>> -> memref<4096xf32, #tpu.memory_space<hbm>>
      %dma_start3A_882 = arith.constant 0 : i32
      %dma_start3A_883 = tpu.memref_slice %arg7[%dma_start3A_876, %dma_start3A_882] : memref<2x16384xf32, #tpu.memory_space<vmem>> -> memref<1x4096xf32, #tpu.memory_space<vmem>>
      %dma_start3A_884 = tpu.memref_squeeze %dma_start3A_883 : memref<1x4096xf32, #tpu.memory_space<vmem>> -> memref<4096xf32, #tpu.memory_space<vmem>>
      tpu.enqueue_dma source(%dma_start3A_884 : memref<4096xf32, #tpu.memory_space<vmem>>) target(%dma_start3A_881 : memref<4096xf32, #tpu.memory_space<hbm>>) target_semaphore(%arg10 : memref<!tpu.dma_semaphore, #tpu.memory_space<semaphore_mem>>)
      %dma_start3A_885 = arith.constant 0 : i32
      %dma_start3A_886 = arith.constant 4096 : i32
      %dma_start3A_887 = tpu.memref_slice %arg7[%dma_start3A_885, %dma_start3A_886] : memref<2x16384xf32, #tpu.memory_space<vmem>> -> memref<1x4096xf32, #tpu.memory_space<vmem>>
      %dma_start3A_888 = tpu.memref_squeeze %dma_start3A_887 : memref<1x4096xf32, #tpu.memory_space<vmem>> -> memref<4096xf32, #tpu.memory_space<vmem>>
      %dma_start3A_889 = tpu.memref_slice %arg4[%mul3A_849] : memref<104857600xf32, #tpu.memory_space<hbm>> -> memref<4096xf32, #tpu.memory_space<hbm>>
      %dma_start3A_890 = tpu.memref_slice %arg4[%mul3A_849] : memref<104857600xf32, #tpu.memory_space<hbm>> -> memref<4096xf32, #tpu.memory_space<hbm>>
      %dma_start3A_891 = arith.constant 4096 : i32
      %dma_start3A_892 = tpu.memref_slice %arg7[%dma_start3A_885, %dma_start3A_891] : memref<2x16384xf32, #tpu.memory_space<vmem>> -> memref<1x4096xf32, #tpu.memory_space<vmem>>
      %dma_start3A_893 = tpu.memref_squeeze %dma_start3A_892 : memref<1x4096xf32, #tpu.memory_space<vmem>> -> memref<4096xf32, #tpu.memory_space<vmem>>
      tpu.enqueue_dma source(%dma_start3A_893 : memref<4096xf32, #tpu.memory_space<vmem>>) target(%dma_start3A_890 : memref<4096xf32, #tpu.memory_space<hbm>>) target_semaphore(%arg10 : memref<!tpu.dma_semaphore, #tpu.memory_space<semaphore_mem>>)
      %dma_start3A_894 = arith.constant 0 : i32
      %dma_start3A_895 = arith.constant 8192 : i32
      %dma_start3A_896 = tpu.memref_slice %arg7[%dma_start3A_894, %dma_start3A_895] : memref<2x16384xf32, #tpu.memory_space<vmem>> -> memref<1x4096xf32, #tpu.memory_space<vmem>>
      %dma_start3A_897 = tpu.memref_squeeze %dma_start3A_896 : memref<1x4096xf32, #tpu.memory_space<vmem>> -> memref<4096xf32, #tpu.memory_space<vmem>>
      %dma_start3A_898 = tpu.memref_slice %arg4[%mul3A_862] : memref<104857600xf32, #tpu.memory_space<hbm>> -> memref<4096xf32, #tpu.memory_space<hbm>>
      %dma_start3A_899 = tpu.memref_slice %arg4[%mul3A_862] : memref<104857600xf32, #tpu.memory_space<hbm>> -> memref<4096xf32, #tpu.memory_space<hbm>>
      %dma_start3A_900 = arith.constant 8192 : i32
      %dma_start3A_901 = tpu.memref_slice %arg7[%dma_start3A_894, %dma_start3A_900] : memref<2x16384xf32, #tpu.memory_space<vmem>> -> memref<1x4096xf32, #tpu.memory_space<vmem>>
      %dma_start3A_902 = tpu.memref_squeeze %dma_start3A_901 : memref<1x4096xf32, #tpu.memory_space<vmem>> -> memref<4096xf32, #tpu.memory_space<vmem>>
      tpu.enqueue_dma source(%dma_start3A_902 : memref<4096xf32, #tpu.memory_space<vmem>>) target(%dma_start3A_899 : memref<4096xf32, #tpu.memory_space<hbm>>) target_semaphore(%arg10 : memref<!tpu.dma_semaphore, #tpu.memory_space<semaphore_mem>>)
      %dma_start3A_903 = arith.constant 0 : i32
      %dma_start3A_904 = arith.constant 12288 : i32
      %dma_start3A_905 = tpu.memref_slice %arg7[%dma_start3A_903, %dma_start3A_904] : memref<2x16384xf32, #tpu.memory_space<vmem>> -> memref<1x4096xf32, #tpu.memory_space<vmem>>
      %dma_start3A_906 = tpu.memref_squeeze %dma_start3A_905 : memref<1x4096xf32, #tpu.memory_space<vmem>> -> memref<4096xf32, #tpu.memory_space<vmem>>
      %dma_start3A_907 = tpu.memref_slice %arg4[%mul3A_875] : memref<104857600xf32, #tpu.memory_space<hbm>> -> memref<4096xf32, #tpu.memory_space<hbm>>
      %dma_start3A_908 = tpu.memref_slice %arg4[%mul3A_875] : memref<104857600xf32, #tpu.memory_space<hbm>> -> memref<4096xf32, #tpu.memory_space<hbm>>
      %dma_start3A_909 = arith.constant 12288 : i32
      %dma_start3A_910 = tpu.memref_slice %arg7[%dma_start3A_903, %dma_start3A_909] : memref<2x16384xf32, #tpu.memory_space<vmem>> -> memref<1x4096xf32, #tpu.memory_space<vmem>>
      %dma_start3A_911 = tpu.memref_squeeze %dma_start3A_910 : memref<1x4096xf32, #tpu.memory_space<vmem>> -> memref<4096xf32, #tpu.memory_space<vmem>>
      tpu.enqueue_dma source(%dma_start3A_911 : memref<4096xf32, #tpu.memory_space<vmem>>) target(%dma_start3A_908 : memref<4096xf32, #tpu.memory_space<hbm>>) target_semaphore(%arg10 : memref<!tpu.dma_semaphore, #tpu.memory_space<semaphore_mem>>)
      %ge3A_912 = arith.constant 1 : i32
      %ge3A_913 = arith.cmpi sge, %add3A_740, %ge3A_912 : i32
      %convert_element_type3A_914 = arith.extui %ge3A_913 : i1 to i32
      %cond3A_915 = arith.constant 0 : i32
      %cond3A_916 = arith.cmpi ne, %convert_element_type3A_914, %cond3A_915 : i32
      scf.if %cond3A_916 {
        %dma_wait3A_1054 = arith.constant 1 : i32
        %dma_wait3A_1055 = arith.constant 0 : i32
        %dma_wait3A_1056 = tpu.memref_slice %arg7[%dma_wait3A_1054, %dma_wait3A_1055] : memref<2x16384xf32, #tpu.memory_space<vmem>> -> memref<1x16384xf32, #tpu.memory_space<vmem>>
        %dma_wait3A_1057 = tpu.memref_squeeze %dma_wait3A_1056 : memref<1x16384xf32, #tpu.memory_space<vmem>> -> memref<16384xf32, #tpu.memory_space<vmem>>
        %dma_wait3A_1058 = arith.constant 0 : i32
        %dma_wait3A_1059 = tpu.memref_slice %arg4[%dma_wait3A_1058] : memref<104857600xf32, #tpu.memory_space<hbm>> -> memref<16384xf32, #tpu.memory_space<hbm>>
        %dma_wait3A_1060 = arith.constant 0 : i32
        %dma_wait3A_1061 = tpu.memref_slice %arg7[%dma_wait3A_1054, %dma_wait3A_1060] : memref<2x16384xf32, #tpu.memory_space<vmem>> -> memref<1x16384xf32, #tpu.memory_space<vmem>>
        %dma_wait3A_1062 = tpu.memref_squeeze %dma_wait3A_1061 : memref<1x16384xf32, #tpu.memory_space<vmem>> -> memref<16384xf32, #tpu.memory_space<vmem>>
        %dma_wait3A_1063 = arith.constant 0 : i32
        %dma_wait3A_1064 = tpu.memref_slice %arg4[%dma_wait3A_1063] : memref<104857600xf32, #tpu.memory_space<hbm>> -> memref<16384xf32, #tpu.memory_space<hbm>>
        tpu.wait_dma2 semaphore(%arg11 : memref<!tpu.dma_semaphore, #tpu.memory_space<semaphore_mem>>) src(%dma_wait3A_1064 : memref<16384xf32, #tpu.memory_space<hbm>>) dst(%dma_wait3A_1062 : memref<16384xf32, #tpu.memory_space<vmem>>)
      } else {
      }
      %parallel_loop3A_917 = arith.constant 0 : i32
      %parallel_loop3A_918 = arith.constant 128 : i32
      %parallel_loop3A_919 = arith.constant 1 : i32
      %parallel_loop3A_920 = arith.constant 1 : i32
      %parallel_loop3A_921 = arith.constant 1 : i32
      scf.for %parallel_loop3A_1054 = %parallel_loop3A_917 to %parallel_loop3A_918 step %parallel_loop3A_919  : i32 {
        %parallel_loop3A_1055 = arith.constant 5 : i32
        %parallel_loop3A_1056 = arith.shrsi %parallel_loop3A_1054, %parallel_loop3A_1055 : i32
        %parallel_loop3A_1057 = arith.constant 31 : i32
        %parallel_loop3A_1058 = arith.andi %parallel_loop3A_1054, %parallel_loop3A_1057 : i32
        %parallel_loop3A_1059 = vector.broadcast %parallel_loop3A_1058 : i32 to vector<16xi32>
        %parallel_loop3A_1060 = arith.addi %iota3A, %parallel_loop3A_1059 : vector<16xi32>
        %parallel_loop3A_1061 = arith.constant 31 : i32
        %parallel_loop3A_1062 = vector.broadcast %parallel_loop3A_1061 : i32 to vector<16xi32>
        %parallel_loop3A_1063 = arith.andi %parallel_loop3A_1060, %parallel_loop3A_1062 : vector<16xi32>
        %parallel_loop3A_1064 = arith.constant 3 : i32
        %parallel_loop3A_1065 = vector.broadcast %parallel_loop3A_1064 : i32 to vector<16xi32>
        %parallel_loop3A_1066 = arith.shrsi %parallel_loop3A_1063, %parallel_loop3A_1065 : vector<16xi32>
        %parallel_loop3A_1067 = arith.constant 12 : i32
        %parallel_loop3A_1068 = vector.broadcast %parallel_loop3A_1067 : i32 to vector<16xi32>
        %parallel_loop3A_1069 = arith.shli %parallel_loop3A_1066, %parallel_loop3A_1068 : vector<16xi32>
        %parallel_loop3A_1070 = arith.constant 7 : i32
        %parallel_loop3A_1071 = vector.broadcast %parallel_loop3A_1070 : i32 to vector<16xi32>
        %parallel_loop3A_1072 = arith.andi %parallel_loop3A_1063, %parallel_loop3A_1071 : vector<16xi32>
        %parallel_loop3A_1073 = arith.constant 7 : i32
        %parallel_loop3A_1074 = vector.broadcast %parallel_loop3A_1073 : i32 to vector<16xi32>
        %parallel_loop3A_1075 = arith.shli %parallel_loop3A_1072, %parallel_loop3A_1074 : vector<16xi32>
        %parallel_loop3A_1076 = arith.addi %parallel_loop3A_1069, %parallel_loop3A_1075 : vector<16xi32>
        %parallel_loop3A_1077 = arith.addi %parallel_loop3A_1076, %iota3A : vector<16xi32>
        %parallel_loop3A_1078 = arith.constant 4 : i32
        %parallel_loop3A_1079 = arith.addi %parallel_loop3A_1078, %parallel_loop3A_1056 : i32
        %parallel_loop3A_1080 = arith.constant 128 : i32
        %parallel_loop3A_1081 = arith.muli %parallel_loop3A_1079, %parallel_loop3A_1080 : i32
        %parallel_loop3A_1082 = arith.constant 1024 : i32
        %parallel_loop3A_1083 = arith.muli %parallel_loop3A_1056, %parallel_loop3A_1082 : i32
        %parallel_loop3A_1084 = vector.broadcast %parallel_loop3A_1083 : i32 to vector<16xi32>
        %parallel_loop3A_1085 = arith.addi %parallel_loop3A_1084, %parallel_loop3A_1077 : vector<16xi32>
        %parallel_loop3A_1086 = arith.constant 0 : i32
        %parallel_loop3A_1087 = arith.addi %parallel_loop3A_1081, %parallel_loop3A_1086 : i32
        %parallel_loop3A_1088 = vector.broadcast %parallel_loop3A_1087 : i32 to vector<16xi32>
        %parallel_loop3A_1089 = arith.addi %parallel_loop3A_1088, %iota3A : vector<16xi32>
        %parallel_loop3A_1090 = arith.constant 0 : i32
        %parallel_loop3A_1091 = arith.constant 0 : i32
        %parallel_loop3A_1092 = tpu.memref_slice %arg6[%parallel_loop3A_920, %parallel_loop3A_1090, %parallel_loop3A_1091] : memref<2x1024x32xf32, #tpu.memory_space<vmem>> -> memref<1x1024x32xf32, #tpu.memory_space<vmem>>
        %parallel_loop3A_1093 = tpu.memref_squeeze %parallel_loop3A_1092 : memref<1x1024x32xf32, #tpu.memory_space<vmem>> -> memref<1024x32xf32, #tpu.memory_space<vmem>>
        %parallel_loop3A_1094 = tpu.vector_load_idx %parallel_loop3A_1093[%parallel_loop3A_1089, %parallel_loop3A_1063] : memref<1024x32xf32, #tpu.memory_space<vmem>>[vector<16xi32>, vector<16xi32>], vector<16xf32>,
        %parallel_loop3A_1095 = arith.constant 0 : i32
        %parallel_loop3A_1096 = vector.broadcast %parallel_loop3A_1095 : i32 to vector<16xi32>
        %parallel_loop3A_1097 = arith.addi %parallel_loop3A_1085, %parallel_loop3A_1096 : vector<16xi32>
        %parallel_loop3A_1098 = arith.constant 0 : i32
        %parallel_loop3A_1099 = tpu.memref_slice %arg7[%parallel_loop3A_921, %parallel_loop3A_1098] : memref<2x16384xf32, #tpu.memory_space<vmem>> -> memref<1x16384xf32, #tpu.memory_space<vmem>>
        %parallel_loop3A_1100 = tpu.memref_squeeze %parallel_loop3A_1099 : memref<1x16384xf32, #tpu.memory_space<vmem>> -> memref<16384xf32, #tpu.memory_space<vmem>>
        tpu.vector_store_idx %parallel_loop3A_1100[%parallel_loop3A_1097], %parallel_loop3A_1094 : memref<16384xf32, #tpu.memory_space<vmem>>[vector<16xi32>], vector<16xf32>,
        %parallel_loop3A_1101 = arith.constant 16 : i32
        %parallel_loop3A_1102 = arith.addi %parallel_loop3A_1081, %parallel_loop3A_1101 : i32
        %parallel_loop3A_1103 = vector.broadcast %parallel_loop3A_1102 : i32 to vector<16xi32>
        %parallel_loop3A_1104 = arith.addi %parallel_loop3A_1103, %iota3A : vector<16xi32>
        %parallel_loop3A_1105 = arith.constant 0 : i32
        %parallel_loop3A_1106 = arith.constant 0 : i32
        %parallel_loop3A_1107 = tpu.memref_slice %arg6[%parallel_loop3A_920, %parallel_loop3A_1105, %parallel_loop3A_1106] : memref<2x1024x32xf32, #tpu.memory_space<vmem>> -> memref<1x1024x32xf32, #tpu.memory_space<vmem>>
        %parallel_loop3A_1108 = tpu.memref_squeeze %parallel_loop3A_1107 : memref<1x1024x32xf32, #tpu.memory_space<vmem>> -> memref<1024x32xf32, #tpu.memory_space<vmem>>
        %parallel_loop3A_1109 = tpu.vector_load_idx %parallel_loop3A_1108[%parallel_loop3A_1104, %parallel_loop3A_1063] : memref<1024x32xf32, #tpu.memory_space<vmem>>[vector<16xi32>, vector<16xi32>], vector<16xf32>,
        %parallel_loop3A_1110 = arith.constant 16 : i32
        %parallel_loop3A_1111 = vector.broadcast %parallel_loop3A_1110 : i32 to vector<16xi32>
        %parallel_loop3A_1112 = arith.addi %parallel_loop3A_1085, %parallel_loop3A_1111 : vector<16xi32>
        %parallel_loop3A_1113 = arith.constant 0 : i32
        %parallel_loop3A_1114 = tpu.memref_slice %arg7[%parallel_loop3A_921, %parallel_loop3A_1113] : memref<2x16384xf32, #tpu.memory_space<vmem>> -> memref<1x16384xf32, #tpu.memory_space<vmem>>
        %parallel_loop3A_1115 = tpu.memref_squeeze %parallel_loop3A_1114 : memref<1x16384xf32, #tpu.memory_space<vmem>> -> memref<16384xf32, #tpu.memory_space<vmem>>
        tpu.vector_store_idx %parallel_loop3A_1115[%parallel_loop3A_1112], %parallel_loop3A_1109 : memref<16384xf32, #tpu.memory_space<vmem>>[vector<16xi32>], vector<16xf32>,
        %parallel_loop3A_1116 = arith.constant 32 : i32
        %parallel_loop3A_1117 = arith.addi %parallel_loop3A_1081, %parallel_loop3A_1116 : i32
        %parallel_loop3A_1118 = vector.broadcast %parallel_loop3A_1117 : i32 to vector<16xi32>
        %parallel_loop3A_1119 = arith.addi %parallel_loop3A_1118, %iota3A : vector<16xi32>
        %parallel_loop3A_1120 = arith.constant 0 : i32
        %parallel_loop3A_1121 = arith.constant 0 : i32
        %parallel_loop3A_1122 = tpu.memref_slice %arg6[%parallel_loop3A_920, %parallel_loop3A_1120, %parallel_loop3A_1121] : memref<2x1024x32xf32, #tpu.memory_space<vmem>> -> memref<1x1024x32xf32, #tpu.memory_space<vmem>>
        %parallel_loop3A_1123 = tpu.memref_squeeze %parallel_loop3A_1122 : memref<1x1024x32xf32, #tpu.memory_space<vmem>> -> memref<1024x32xf32, #tpu.memory_space<vmem>>
        %parallel_loop3A_1124 = tpu.vector_load_idx %parallel_loop3A_1123[%parallel_loop3A_1119, %parallel_loop3A_1063] : memref<1024x32xf32, #tpu.memory_space<vmem>>[vector<16xi32>, vector<16xi32>], vector<16xf32>,
        %parallel_loop3A_1125 = arith.constant 32 : i32
        %parallel_loop3A_1126 = vector.broadcast %parallel_loop3A_1125 : i32 to vector<16xi32>
        %parallel_loop3A_1127 = arith.addi %parallel_loop3A_1085, %parallel_loop3A_1126 : vector<16xi32>
        %parallel_loop3A_1128 = arith.constant 0 : i32
        %parallel_loop3A_1129 = tpu.memref_slice %arg7[%parallel_loop3A_921, %parallel_loop3A_1128] : memref<2x16384xf32, #tpu.memory_space<vmem>> -> memref<1x16384xf32, #tpu.memory_space<vmem>>
        %parallel_loop3A_1130 = tpu.memref_squeeze %parallel_loop3A_1129 : memref<1x16384xf32, #tpu.memory_space<vmem>> -> memref<16384xf32, #tpu.memory_space<vmem>>
        tpu.vector_store_idx %parallel_loop3A_1130[%parallel_loop3A_1127], %parallel_loop3A_1124 : memref<16384xf32, #tpu.memory_space<vmem>>[vector<16xi32>], vector<16xf32>,
        %parallel_loop3A_1131 = arith.constant 48 : i32
        %parallel_loop3A_1132 = arith.addi %parallel_loop3A_1081, %parallel_loop3A_1131 : i32
        %parallel_loop3A_1133 = vector.broadcast %parallel_loop3A_1132 : i32 to vector<16xi32>
        %parallel_loop3A_1134 = arith.addi %parallel_loop3A_1133, %iota3A : vector<16xi32>
        %parallel_loop3A_1135 = arith.constant 0 : i32
        %parallel_loop3A_1136 = arith.constant 0 : i32
        %parallel_loop3A_1137 = tpu.memref_slice %arg6[%parallel_loop3A_920, %parallel_loop3A_1135, %parallel_loop3A_1136] : memref<2x1024x32xf32, #tpu.memory_space<vmem>> -> memref<1x1024x32xf32, #tpu.memory_space<vmem>>
        %parallel_loop3A_1138 = tpu.memref_squeeze %parallel_loop3A_1137 : memref<1x1024x32xf32, #tpu.memory_space<vmem>> -> memref<1024x32xf32, #tpu.memory_space<vmem>>
        %parallel_loop3A_1139 = tpu.vector_load_idx %parallel_loop3A_1138[%parallel_loop3A_1134, %parallel_loop3A_1063] : memref<1024x32xf32, #tpu.memory_space<vmem>>[vector<16xi32>, vector<16xi32>], vector<16xf32>,
        %parallel_loop3A_1140 = arith.constant 48 : i32
        %parallel_loop3A_1141 = vector.broadcast %parallel_loop3A_1140 : i32 to vector<16xi32>
        %parallel_loop3A_1142 = arith.addi %parallel_loop3A_1085, %parallel_loop3A_1141 : vector<16xi32>
        %parallel_loop3A_1143 = arith.constant 0 : i32
        %parallel_loop3A_1144 = tpu.memref_slice %arg7[%parallel_loop3A_921, %parallel_loop3A_1143] : memref<2x16384xf32, #tpu.memory_space<vmem>> -> memref<1x16384xf32, #tpu.memory_space<vmem>>
        %parallel_loop3A_1145 = tpu.memref_squeeze %parallel_loop3A_1144 : memref<1x16384xf32, #tpu.memory_space<vmem>> -> memref<16384xf32, #tpu.memory_space<vmem>>
        tpu.vector_store_idx %parallel_loop3A_1145[%parallel_loop3A_1142], %parallel_loop3A_1139 : memref<16384xf32, #tpu.memory_space<vmem>>[vector<16xi32>], vector<16xf32>,
        %parallel_loop3A_1146 = arith.constant 64 : i32
        %parallel_loop3A_1147 = arith.addi %parallel_loop3A_1081, %parallel_loop3A_1146 : i32
        %parallel_loop3A_1148 = vector.broadcast %parallel_loop3A_1147 : i32 to vector<16xi32>
        %parallel_loop3A_1149 = arith.addi %parallel_loop3A_1148, %iota3A : vector<16xi32>
        %parallel_loop3A_1150 = arith.constant 0 : i32
        %parallel_loop3A_1151 = arith.constant 0 : i32
        %parallel_loop3A_1152 = tpu.memref_slice %arg6[%parallel_loop3A_920, %parallel_loop3A_1150, %parallel_loop3A_1151] : memref<2x1024x32xf32, #tpu.memory_space<vmem>> -> memref<1x1024x32xf32, #tpu.memory_space<vmem>>
        %parallel_loop3A_1153 = tpu.memref_squeeze %parallel_loop3A_1152 : memref<1x1024x32xf32, #tpu.memory_space<vmem>> -> memref<1024x32xf32, #tpu.memory_space<vmem>>
        %parallel_loop3A_1154 = tpu.vector_load_idx %parallel_loop3A_1153[%parallel_loop3A_1149, %parallel_loop3A_1063] : memref<1024x32xf32, #tpu.memory_space<vmem>>[vector<16xi32>, vector<16xi32>], vector<16xf32>,
        %parallel_loop3A_1155 = arith.constant 64 : i32
        %parallel_loop3A_1156 = vector.broadcast %parallel_loop3A_1155 : i32 to vector<16xi32>
        %parallel_loop3A_1157 = arith.addi %parallel_loop3A_1085, %parallel_loop3A_1156 : vector<16xi32>
        %parallel_loop3A_1158 = arith.constant 0 : i32
        %parallel_loop3A_1159 = tpu.memref_slice %arg7[%parallel_loop3A_921, %parallel_loop3A_1158] : memref<2x16384xf32, #tpu.memory_space<vmem>> -> memref<1x16384xf32, #tpu.memory_space<vmem>>
        %parallel_loop3A_1160 = tpu.memref_squeeze %parallel_loop3A_1159 : memref<1x16384xf32, #tpu.memory_space<vmem>> -> memref<16384xf32, #tpu.memory_space<vmem>>
        tpu.vector_store_idx %parallel_loop3A_1160[%parallel_loop3A_1157], %parallel_loop3A_1154 : memref<16384xf32, #tpu.memory_space<vmem>>[vector<16xi32>], vector<16xf32>,
        %parallel_loop3A_1161 = arith.constant 80 : i32
        %parallel_loop3A_1162 = arith.addi %parallel_loop3A_1081, %parallel_loop3A_1161 : i32
        %parallel_loop3A_1163 = vector.broadcast %parallel_loop3A_1162 : i32 to vector<16xi32>
        %parallel_loop3A_1164 = arith.addi %parallel_loop3A_1163, %iota3A : vector<16xi32>
        %parallel_loop3A_1165 = arith.constant 0 : i32
        %parallel_loop3A_1166 = arith.constant 0 : i32
        %parallel_loop3A_1167 = tpu.memref_slice %arg6[%parallel_loop3A_920, %parallel_loop3A_1165, %parallel_loop3A_1166] : memref<2x1024x32xf32, #tpu.memory_space<vmem>> -> memref<1x1024x32xf32, #tpu.memory_space<vmem>>
        %parallel_loop3A_1168 = tpu.memref_squeeze %parallel_loop3A_1167 : memref<1x1024x32xf32, #tpu.memory_space<vmem>> -> memref<1024x32xf32, #tpu.memory_space<vmem>>
        %parallel_loop3A_1169 = tpu.vector_load_idx %parallel_loop3A_1168[%parallel_loop3A_1164, %parallel_loop3A_1063] : memref<1024x32xf32, #tpu.memory_space<vmem>>[vector<16xi32>, vector<16xi32>], vector<16xf32>,
        %parallel_loop3A_1170 = arith.constant 80 : i32
        %parallel_loop3A_1171 = vector.broadcast %parallel_loop3A_1170 : i32 to vector<16xi32>
        %parallel_loop3A_1172 = arith.addi %parallel_loop3A_1085, %parallel_loop3A_1171 : vector<16xi32>
        %parallel_loop3A_1173 = arith.constant 0 : i32
        %parallel_loop3A_1174 = tpu.memref_slice %arg7[%parallel_loop3A_921, %parallel_loop3A_1173] : memref<2x16384xf32, #tpu.memory_space<vmem>> -> memref<1x16384xf32, #tpu.memory_space<vmem>>
        %parallel_loop3A_1175 = tpu.memref_squeeze %parallel_loop3A_1174 : memref<1x16384xf32, #tpu.memory_space<vmem>> -> memref<16384xf32, #tpu.memory_space<vmem>>
        tpu.vector_store_idx %parallel_loop3A_1175[%parallel_loop3A_1172], %parallel_loop3A_1169 : memref<16384xf32, #tpu.memory_space<vmem>>[vector<16xi32>], vector<16xf32>,
        %parallel_loop3A_1176 = arith.constant 96 : i32
        %parallel_loop3A_1177 = arith.addi %parallel_loop3A_1081, %parallel_loop3A_1176 : i32
        %parallel_loop3A_1178 = vector.broadcast %parallel_loop3A_1177 : i32 to vector<16xi32>
        %parallel_loop3A_1179 = arith.addi %parallel_loop3A_1178, %iota3A : vector<16xi32>
        %parallel_loop3A_1180 = arith.constant 0 : i32
        %parallel_loop3A_1181 = arith.constant 0 : i32
        %parallel_loop3A_1182 = tpu.memref_slice %arg6[%parallel_loop3A_920, %parallel_loop3A_1180, %parallel_loop3A_1181] : memref<2x1024x32xf32, #tpu.memory_space<vmem>> -> memref<1x1024x32xf32, #tpu.memory_space<vmem>>
        %parallel_loop3A_1183 = tpu.memref_squeeze %parallel_loop3A_1182 : memref<1x1024x32xf32, #tpu.memory_space<vmem>> -> memref<1024x32xf32, #tpu.memory_space<vmem>>
        %parallel_loop3A_1184 = tpu.vector_load_idx %parallel_loop3A_1183[%parallel_loop3A_1179, %parallel_loop3A_1063] : memref<1024x32xf32, #tpu.memory_space<vmem>>[vector<16xi32>, vector<16xi32>], vector<16xf32>,
        %parallel_loop3A_1185 = arith.constant 96 : i32
        %parallel_loop3A_1186 = vector.broadcast %parallel_loop3A_1185 : i32 to vector<16xi32>
        %parallel_loop3A_1187 = arith.addi %parallel_loop3A_1085, %parallel_loop3A_1186 : vector<16xi32>
        %parallel_loop3A_1188 = arith.constant 0 : i32
        %parallel_loop3A_1189 = tpu.memref_slice %arg7[%parallel_loop3A_921, %parallel_loop3A_1188] : memref<2x16384xf32, #tpu.memory_space<vmem>> -> memref<1x16384xf32, #tpu.memory_space<vmem>>
        %parallel_loop3A_1190 = tpu.memref_squeeze %parallel_loop3A_1189 : memref<1x16384xf32, #tpu.memory_space<vmem>> -> memref<16384xf32, #tpu.memory_space<vmem>>
        tpu.vector_store_idx %parallel_loop3A_1190[%parallel_loop3A_1187], %parallel_loop3A_1184 : memref<16384xf32, #tpu.memory_space<vmem>>[vector<16xi32>], vector<16xf32>,
        %parallel_loop3A_1191 = arith.constant 112 : i32
        %parallel_loop3A_1192 = arith.addi %parallel_loop3A_1081, %parallel_loop3A_1191 : i32
        %parallel_loop3A_1193 = vector.broadcast %parallel_loop3A_1192 : i32 to vector<16xi32>
        %parallel_loop3A_1194 = arith.addi %parallel_loop3A_1193, %iota3A : vector<16xi32>
        %parallel_loop3A_1195 = arith.constant 0 : i32
        %parallel_loop3A_1196 = arith.constant 0 : i32
        %parallel_loop3A_1197 = tpu.memref_slice %arg6[%parallel_loop3A_920, %parallel_loop3A_1195, %parallel_loop3A_1196] : memref<2x1024x32xf32, #tpu.memory_space<vmem>> -> memref<1x1024x32xf32, #tpu.memory_space<vmem>>
        %parallel_loop3A_1198 = tpu.memref_squeeze %parallel_loop3A_1197 : memref<1x1024x32xf32, #tpu.memory_space<vmem>> -> memref<1024x32xf32, #tpu.memory_space<vmem>>
        %parallel_loop3A_1199 = tpu.vector_load_idx %parallel_loop3A_1198[%parallel_loop3A_1194, %parallel_loop3A_1063] : memref<1024x32xf32, #tpu.memory_space<vmem>>[vector<16xi32>, vector<16xi32>], vector<16xf32>,
        %parallel_loop3A_1200 = arith.constant 112 : i32
        %parallel_loop3A_1201 = vector.broadcast %parallel_loop3A_1200 : i32 to vector<16xi32>
        %parallel_loop3A_1202 = arith.addi %parallel_loop3A_1085, %parallel_loop3A_1201 : vector<16xi32>
        %parallel_loop3A_1203 = arith.constant 0 : i32
        %parallel_loop3A_1204 = tpu.memref_slice %arg7[%parallel_loop3A_921, %parallel_loop3A_1203] : memref<2x16384xf32, #tpu.memory_space<vmem>> -> memref<1x16384xf32, #tpu.memory_space<vmem>>
        %parallel_loop3A_1205 = tpu.memref_squeeze %parallel_loop3A_1204 : memref<1x16384xf32, #tpu.memory_space<vmem>> -> memref<16384xf32, #tpu.memory_space<vmem>>
        tpu.vector_store_idx %parallel_loop3A_1205[%parallel_loop3A_1202], %parallel_loop3A_1199 : memref<16384xf32, #tpu.memory_space<vmem>>[vector<16xi32>], vector<16xf32>,
      } {sc.loop_unroll_factor = 4 : i64, sc.parallel_access}
      %add3A_922 = arith.addi %mul3A_2, %add3A_740 : i32
      %min3A_923 = arith.constant 3199 : i32
      %min3A_924 = arith.minsi %add3A_922, %min3A_923 : i32
      %jit3A_925 = arith.constant 16 : i32
      %div3A_926 = arith.divsi %min3A_924, %jit3A_925 : i32
      %sign3A_927 = arith.constant 0 : i32
      %sign3A_928 = arith.cmpi sgt, %min3A_924, %sign3A_927 : i32
      %sign3A_929 = arith.extui %sign3A_928 : i1 to i32
      %sign3A_930 = arith.constant 0 : i32
      %sign3A_931 = arith.cmpi slt, %min3A_924, %sign3A_930 : i32
      %sign3A_932 = arith.extui %sign3A_931 : i1 to i32
      %sign3A_933 = arith.subi %sign3A_929, %sign3A_932 : i32
      %sign3A_934 = arith.constant 0 : i32
      %sign3A_935 = arith.cmpi sgt, %jit3A_925, %sign3A_934 : i32
      %sign3A_936 = arith.extui %sign3A_935 : i1 to i32
      %sign3A_937 = arith.constant 0 : i32
      %sign3A_938 = arith.cmpi slt, %jit3A_925, %sign3A_937 : i32
      %sign3A_939 = arith.extui %sign3A_938 : i1 to i32
      %sign3A_940 = arith.subi %sign3A_936, %sign3A_939 : i32
      %ne3A_941 = arith.cmpi ne, %sign3A_933, %sign3A_940 : i32
      %rem3A_942 = arith.remsi %min3A_924, %jit3A_925 : i32
      %ne3A_943 = arith.constant 0 : i32
      %ne3A_944 = arith.cmpi ne, %rem3A_942, %ne3A_943 : i32
      %and3A_945 = arith.andi %ne3A_941, %ne3A_944 : i1
      %sub3A_946 = arith.constant 1 : i32
      %sub3A_947 = arith.subi %div3A_926, %sub3A_946 : i32
      %select_n3A_948 = arith.select %and3A_945, %sub3A_947, %div3A_926 : i32
      %jit3A_949 = arith.constant 16 : i32
      %eq3A_950 = arith.constant 0 : i32
      %eq3A_951 = arith.cmpi eq, %jit3A_949, %eq3A_950 : i32
      %jit3A_952 = arith.constant 1 : i32
      %select_n3A_953 = arith.select %eq3A_951, %jit3A_952, %jit3A_949 : i32
      %rem3A_954 = arith.remsi %min3A_924, %select_n3A_953 : i32
      %ne3A_955 = arith.constant 0 : i32
      %ne3A_956 = arith.cmpi ne, %rem3A_954, %ne3A_955 : i32
      %lt3A_957 = arith.constant 0 : i32
      %lt3A_958 = arith.cmpi slt, %rem3A_954, %lt3A_957 : i32
      %lt3A_959 = arith.constant 0 : i32
      %lt3A_960 = arith.cmpi slt, %select_n3A_953, %lt3A_959 : i32
      %ne3A_961 = arith.xori %lt3A_958, %lt3A_960 : i1
      %and3A_962 = arith.andi %ne3A_961, %ne3A_956 : i1
      %add3A_963 = arith.addi %rem3A_954, %select_n3A_953 : i32
      %select_n3A_964 = arith.select %and3A_962, %add3A_963, %rem3A_954 : i32
      %mul3A_965 = arith.constant 4 : i32
      %mul3A_966 = arith.muli %select_n3A_948, %mul3A_965 : i32
      %add3A_967 = arith.constant 0 : i32
      %add3A_968 = arith.addi %mul3A_966, %add3A_967 : i32
      %mul3A_969 = arith.constant 128 : i32
      %mul3A_970 = arith.muli %add3A_968, %mul3A_969 : i32
      %mul3A_971 = arith.constant 8 : i32
      %mul3A_972 = arith.muli %select_n3A_964, %mul3A_971 : i32
      %add3A_973 = arith.addi %mul3A_970, %mul3A_972 : i32
      %add3A_974 = arith.constant 4 : i32
      %add3A_975 = arith.addi %add3A_973, %add3A_974 : i32
      %mul3A_976 = arith.constant 1024 : i32
      %mul3A_977 = arith.muli %add3A_975, %mul3A_976 : i32
      %mul3A_978 = arith.constant 4 : i32
      %mul3A_979 = arith.muli %select_n3A_948, %mul3A_978 : i32
      %add3A_980 = arith.constant 1 : i32
      %add3A_981 = arith.addi %mul3A_979, %add3A_980 : i32
      %mul3A_982 = arith.constant 128 : i32
      %mul3A_983 = arith.muli %add3A_981, %mul3A_982 : i32
      %mul3A_984 = arith.constant 8 : i32
      %mul3A_985 = arith.muli %select_n3A_964, %mul3A_984 : i32
      %add3A_986 = arith.addi %mul3A_983, %mul3A_985 : i32
      %add3A_987 = arith.constant 4 : i32
      %add3A_988 = arith.addi %add3A_986, %add3A_987 : i32
      %mul3A_989 = arith.constant 1024 : i32
      %mul3A_990 = arith.muli %add3A_988, %mul3A_989 : i32
      %mul3A_991 = arith.constant 4 : i32
      %mul3A_992 = arith.muli %select_n3A_948, %mul3A_991 : i32
      %add3A_993 = arith.constant 2 : i32
      %add3A_994 = arith.addi %mul3A_992, %add3A_993 : i32
      %mul3A_995 = arith.constant 128 : i32
      %mul3A_996 = arith.muli %add3A_994, %mul3A_995 : i32
      %mul3A_997 = arith.constant 8 : i32
      %mul3A_998 = arith.muli %select_n3A_964, %mul3A_997 : i32
      %add3A_999 = arith.addi %mul3A_996, %mul3A_998 : i32
      %add3A_1000 = arith.constant 4 : i32
      %add3A_1001 = arith.addi %add3A_999, %add3A_1000 : i32
      %mul3A_1002 = arith.constant 1024 : i32
      %mul3A_1003 = arith.muli %add3A_1001, %mul3A_1002 : i32
      %mul3A_1004 = arith.constant 4 : i32
      %mul3A_1005 = arith.muli %select_n3A_948, %mul3A_1004 : i32
      %add3A_1006 = arith.constant 3 : i32
      %add3A_1007 = arith.addi %mul3A_1005, %add3A_1006 : i32
      %mul3A_1008 = arith.constant 128 : i32
      %mul3A_1009 = arith.muli %add3A_1007, %mul3A_1008 : i32
      %mul3A_1010 = arith.constant 8 : i32
      %mul3A_1011 = arith.muli %select_n3A_964, %mul3A_1010 : i32
      %add3A_1012 = arith.addi %mul3A_1009, %mul3A_1011 : i32
      %add3A_1013 = arith.constant 4 : i32
      %add3A_1014 = arith.addi %add3A_1012, %add3A_1013 : i32
      %mul3A_1015 = arith.constant 1024 : i32
      %mul3A_1016 = arith.muli %add3A_1014, %mul3A_1015 : i32
      %dma_start3A_1017 = arith.constant 1 : i32
      %dma_start3A_1018 = arith.constant 0 : i32
      %dma_start3A_1019 = tpu.memref_slice %arg7[%dma_start3A_1017, %dma_start3A_1018] : memref<2x16384xf32, #tpu.memory_space<vmem>> -> memref<1x4096xf32, #tpu.memory_space<vmem>>
      %dma_start3A_1020 = tpu.memref_squeeze %dma_start3A_1019 : memref<1x4096xf32, #tpu.memory_space<vmem>> -> memref<4096xf32, #tpu.memory_space<vmem>>
      %dma_start3A_1021 = tpu.memref_slice %arg4[%mul3A_977] : memref<104857600xf32, #tpu.memory_space<hbm>> -> memref<4096xf32, #tpu.memory_space<hbm>>
      %dma_start3A_1022 = tpu.memref_slice %arg4[%mul3A_977] : memref<104857600xf32, #tpu.memory_space<hbm>> -> memref<4096xf32, #tpu.memory_space<hbm>>
      %dma_start3A_1023 = arith.constant 0 : i32
      %dma_start3A_1024 = tpu.memref_slice %arg7[%dma_start3A_1017, %dma_start3A_1023] : memref<2x16384xf32, #tpu.memory_space<vmem>> -> memref<1x4096xf32, #tpu.memory_space<vmem>>
      %dma_start3A_1025 = tpu.memref_squeeze %dma_start3A_1024 : memref<1x4096xf32, #tpu.memory_space<vmem>> -> memref<4096xf32, #tpu.memory_space<vmem>>
      tpu.enqueue_dma source(%dma_start3A_1025 : memref<4096xf32, #tpu.memory_space<vmem>>) target(%dma_start3A_1022 : memref<4096xf32, #tpu.memory_space<hbm>>) target_semaphore(%arg11 : memref<!tpu.dma_semaphore, #tpu.memory_space<semaphore_mem>>)
      %dma_start3A_1026 = arith.constant 1 : i32
      %dma_start3A_1027 = arith.constant 4096 : i32
      %dma_start3A_1028 = tpu.memref_slice %arg7[%dma_start3A_1026, %dma_start3A_1027] : memref<2x16384xf32, #tpu.memory_space<vmem>> -> memref<1x4096xf32, #tpu.memory_space<vmem>>
      %dma_start3A_1029 = tpu.memref_squeeze %dma_start3A_1028 : memref<1x4096xf32, #tpu.memory_space<vmem>> -> memref<4096xf32, #tpu.memory_space<vmem>>
      %dma_start3A_1030 = tpu.memref_slice %arg4[%mul3A_990] : memref<104857600xf32, #tpu.memory_space<hbm>> -> memref<4096xf32, #tpu.memory_space<hbm>>
      %dma_start3A_1031 = tpu.memref_slice %arg4[%mul3A_990] : memref<104857600xf32, #tpu.memory_space<hbm>> -> memref<4096xf32, #tpu.memory_space<hbm>>
      %dma_start3A_1032 = arith.constant 4096 : i32
      %dma_start3A_1033 = tpu.memref_slice %arg7[%dma_start3A_1026, %dma_start3A_1032] : memref<2x16384xf32, #tpu.memory_space<vmem>> -> memref<1x4096xf32, #tpu.memory_space<vmem>>
      %dma_start3A_1034 = tpu.memref_squeeze %dma_start3A_1033 : memref<1x4096xf32, #tpu.memory_space<vmem>> -> memref<4096xf32, #tpu.memory_space<vmem>>
      tpu.enqueue_dma source(%dma_start3A_1034 : memref<4096xf32, #tpu.memory_space<vmem>>) target(%dma_start3A_1031 : memref<4096xf32, #tpu.memory_space<hbm>>) target_semaphore(%arg11 : memref<!tpu.dma_semaphore, #tpu.memory_space<semaphore_mem>>)
      %dma_start3A_1035 = arith.constant 1 : i32
      %dma_start3A_1036 = arith.constant 8192 : i32
      %dma_start3A_1037 = tpu.memref_slice %arg7[%dma_start3A_1035, %dma_start3A_1036] : memref<2x16384xf32, #tpu.memory_space<vmem>> -> memref<1x4096xf32, #tpu.memory_space<vmem>>
      %dma_start3A_1038 = tpu.memref_squeeze %dma_start3A_1037 : memref<1x4096xf32, #tpu.memory_space<vmem>> -> memref<4096xf32, #tpu.memory_space<vmem>>
      %dma_start3A_1039 = tpu.memref_slice %arg4[%mul3A_1003] : memref<104857600xf32, #tpu.memory_space<hbm>> -> memref<4096xf32, #tpu.memory_space<hbm>>
      %dma_start3A_1040 = tpu.memref_slice %arg4[%mul3A_1003] : memref<104857600xf32, #tpu.memory_space<hbm>> -> memref<4096xf32, #tpu.memory_space<hbm>>
      %dma_start3A_1041 = arith.constant 8192 : i32
      %dma_start3A_1042 = tpu.memref_slice %arg7[%dma_start3A_1035, %dma_start3A_1041] : memref<2x16384xf32, #tpu.memory_space<vmem>> -> memref<1x4096xf32, #tpu.memory_space<vmem>>
      %dma_start3A_1043 = tpu.memref_squeeze %dma_start3A_1042 : memref<1x4096xf32, #tpu.memory_space<vmem>> -> memref<4096xf32, #tpu.memory_space<vmem>>
      tpu.enqueue_dma source(%dma_start3A_1043 : memref<4096xf32, #tpu.memory_space<vmem>>) target(%dma_start3A_1040 : memref<4096xf32, #tpu.memory_space<hbm>>) target_semaphore(%arg11 : memref<!tpu.dma_semaphore, #tpu.memory_space<semaphore_mem>>)
      %dma_start3A_1044 = arith.constant 1 : i32
      %dma_start3A_1045 = arith.constant 12288 : i32
      %dma_start3A_1046 = tpu.memref_slice %arg7[%dma_start3A_1044, %dma_start3A_1045] : memref<2x16384xf32, #tpu.memory_space<vmem>> -> memref<1x4096xf32, #tpu.memory_space<vmem>>
      %dma_start3A_1047 = tpu.memref_squeeze %dma_start3A_1046 : memref<1x4096xf32, #tpu.memory_space<vmem>> -> memref<4096xf32, #tpu.memory_space<vmem>>
      %dma_start3A_1048 = tpu.memref_slice %arg4[%mul3A_1016] : memref<104857600xf32, #tpu.memory_space<hbm>> -> memref<4096xf32, #tpu.memory_space<hbm>>
      %dma_start3A_1049 = tpu.memref_slice %arg4[%mul3A_1016] : memref<104857600xf32, #tpu.memory_space<hbm>> -> memref<4096xf32, #tpu.memory_space<hbm>>
      %dma_start3A_1050 = arith.constant 12288 : i32
      %dma_start3A_1051 = tpu.memref_slice %arg7[%dma_start3A_1044, %dma_start3A_1050] : memref<2x16384xf32, #tpu.memory_space<vmem>> -> memref<1x4096xf32, #tpu.memory_space<vmem>>
      %dma_start3A_1052 = tpu.memref_squeeze %dma_start3A_1051 : memref<1x4096xf32, #tpu.memory_space<vmem>> -> memref<4096xf32, #tpu.memory_space<vmem>>
      tpu.enqueue_dma source(%dma_start3A_1052 : memref<4096xf32, #tpu.memory_space<vmem>>) target(%dma_start3A_1049 : memref<4096xf32, #tpu.memory_space<hbm>>) target_semaphore(%arg11 : memref<!tpu.dma_semaphore, #tpu.memory_space<semaphore_mem>>)
      %scan3A_1053 = arith.constant 0 : i32
      scf.yield %scan3A_1053 : i32
    }
    %scan3A_402 = arith.constant 50 : i32
    %dma_wait3A_403 = arith.constant 0 : i32
    %dma_wait3A_404 = arith.constant 0 : i32
    %dma_wait3A_405 = tpu.memref_slice %arg7[%dma_wait3A_403, %dma_wait3A_404] : memref<2x16384xf32, #tpu.memory_space<vmem>> -> memref<1x16384xf32, #tpu.memory_space<vmem>>
    %dma_wait3A_406 = tpu.memref_squeeze %dma_wait3A_405 : memref<1x16384xf32, #tpu.memory_space<vmem>> -> memref<16384xf32, #tpu.memory_space<vmem>>
    %dma_wait3A_407 = arith.constant 0 : i32
    %dma_wait3A_408 = tpu.memref_slice %arg4[%dma_wait3A_407] : memref<104857600xf32, #tpu.memory_space<hbm>> -> memref<16384xf32, #tpu.memory_space<hbm>>
    %dma_wait3A_409 = arith.constant 0 : i32
    %dma_wait3A_410 = tpu.memref_slice %arg7[%dma_wait3A_403, %dma_wait3A_409] : memref<2x16384xf32, #tpu.memory_space<vmem>> -> memref<1x16384xf32, #tpu.memory_space<vmem>>
    %dma_wait3A_411 = tpu.memref_squeeze %dma_wait3A_410 : memref<1x16384xf32, #tpu.memory_space<vmem>> -> memref<16384xf32, #tpu.memory_space<vmem>>
    %dma_wait3A_412 = arith.constant 0 : i32
    %dma_wait3A_413 = tpu.memref_slice %arg4[%dma_wait3A_412] : memref<104857600xf32, #tpu.memory_space<hbm>> -> memref<16384xf32, #tpu.memory_space<hbm>>
    tpu.wait_dma2 semaphore(%arg10 : memref<!tpu.dma_semaphore, #tpu.memory_space<semaphore_mem>>) src(%dma_wait3A_413 : memref<16384xf32, #tpu.memory_space<hbm>>) dst(%dma_wait3A_411 : memref<16384xf32, #tpu.memory_space<vmem>>)
    %dma_wait3A_414 = arith.constant 1 : i32
    %dma_wait3A_415 = arith.constant 0 : i32
    %dma_wait3A_416 = tpu.memref_slice %arg7[%dma_wait3A_414, %dma_wait3A_415] : memref<2x16384xf32, #tpu.memory_space<vmem>> -> memref<1x16384xf32, #tpu.memory_space<vmem>>
    %dma_wait3A_417 = tpu.memref_squeeze %dma_wait3A_416 : memref<1x16384xf32, #tpu.memory_space<vmem>> -> memref<16384xf32, #tpu.memory_space<vmem>>
    %dma_wait3A_418 = arith.constant 0 : i32
    %dma_wait3A_419 = tpu.memref_slice %arg4[%dma_wait3A_418] : memref<104857600xf32, #tpu.memory_space<hbm>> -> memref<16384xf32, #tpu.memory_space<hbm>>
    %dma_wait3A_420 = arith.constant 0 : i32
    %dma_wait3A_421 = tpu.memref_slice %arg7[%dma_wait3A_414, %dma_wait3A_420] : memref<2x16384xf32, #tpu.memory_space<vmem>> -> memref<1x16384xf32, #tpu.memory_space<vmem>>
    %dma_wait3A_422 = tpu.memref_squeeze %dma_wait3A_421 : memref<1x16384xf32, #tpu.memory_space<vmem>> -> memref<16384xf32, #tpu.memory_space<vmem>>
    %dma_wait3A_423 = arith.constant 0 : i32
    %dma_wait3A_424 = tpu.memref_slice %arg4[%dma_wait3A_423] : memref<104857600xf32, #tpu.memory_space<hbm>> -> memref<16384xf32, #tpu.memory_space<hbm>>
    tpu.wait_dma2 semaphore(%arg11 : memref<!tpu.dma_semaphore, #tpu.memory_space<semaphore_mem>>) src(%dma_wait3A_424 : memref<16384xf32, #tpu.memory_space<hbm>>) dst(%dma_wait3A_422 : memref<16384xf32, #tpu.memory_space<vmem>>)
    return
  }
}

</mosaic_0001>

<sc_bundles>
// kernel: _gather_call.3.cloned.1.call-start
scs
__scs_entry_jumppad:
0x0: {  	(pc) =	sbr.rel $0x88, $3  }
0x1: {  	(tag) =	ssettag $0x0;
	lr =	simm.s32 $0x1  }
0x2: {  	[smem:$0x3F9F] =	sst lr;
	_ =	strace $0xD0000000  }
0x3: {  	_ = 	snop  }
0x4: {  	_ = 	snop  }
0x5: {  	_ = 	snop  }
0x6: {  	_ = 	snop  }
0x7: {  	_ = 	snop  }
__scs_overlays_trampoline_lowered:
0x8: {  	[smem:$0x3FAE] =	sst s0  }
0x9: {  	[smem:$0x3FAF] =	sst s1  }
0xa: {  	[smem:$0x3FB0] =	sst s2  }
0xb: {  	[smem:$0x3FB1] =	sst s3  }
0xc: {  	[smem:$0x3FB2] =	sst s4  }
0xd: {  	[smem:$0x3FB3] =	sst s5  }
0xe: {  	[smem:$0x3FB4] =	sst s6  }
0xf: {  	[smem:$0x3FB5] =	sst s7  }
0x10: {  	[smem:$0x3FB6] =	sst s8  }
0x11: {  	[smem:$0x3FB7] =	sst s9;
	s0 =	simm.s32 @!p0 $0x0  }
0x12: {  	s1 =	sld [smem:$0x3F9D];
	s0 =	simm.s32 @p0 $0x1  }
0x13: {  	[smem:$0x3FB8] =	sst s0;
	s0 =	simm.s32 @!p1 $0x0  }
0x14: {  	s2 =	sld [smem:$0x3F9C];
	s0 =	simm.s32 @p1 $0x1  }
0x15: {  	[smem:$0x3FB9] =	sst s0;
	s0 =	simm.s32 @!p2 $0x0  }
0x16: {  	s3 =	sld [smem:$0x3FDB];
	s0 =	simm.s32 @p2 $0x1  }
0x17: {  	s4 =	simm.s32 $0x1BF5;
	[smem:$0x3FBB] =	sst s0  }
0x18: {  	s0 =	sld [smem:$0x3F9E];
	_ =	swait.ge [sflag:s4], $0x0  }
0x19: {  	s7 =	sld [smem:$0x3F9F]  }
0x1a: {  	s8 =	sadd.s32 $0xFFFFE003, lr  }
0x1b: {  	s9 =	sadd.s32 $0xFFFFFEF7, lr;
	s5 =	simm.s32 $0xFFFFFFFF;
	p2 =	slt.u32 s8, $0xFFFFF086  }
0x1c: {  	p1 =	slt.u32 s9, $0xF7A;
	s5 =	simm.s32 @!p2 $0x0  }
0x1d: {  	s5 =	simm.s32 @p1 $0x1;
	p0 =	seq.s32 s7, s2  }
0x1e: {  	s7 =	smul.u32 @!p0 $0xF7A, s2;
	p2 =	seq.s32 @!p0 s5, $0x0  }
0x1f: {  	s9 =	smul.u32 $0xF7A, s1;
	s8 =	simm.s32 @!p0 $0x1BF5;
	p2 =	por !p2, p0  }
0x20: {  	[sflag:s8] =	ssyncset.s32 @!p0 $0xFFFFF086;
	s6 =	sadd.s32 @!p0 s3, s7;
	s7 =	simm.s32 @!p0 $0x108  }
0x21: {  	s3 =	sadd.s32 s3, s9;
	s6 =	sadd.s32 @!p0 $0x88, s6;
	s7 =	simm.s32 @p2 $0x1082  }
0x22: {  	[simem:s7], [sflag:s8] =	dma.local @!p0 [hbm:s6], $0xF7A  }
0x23: {  	s9 =	sor.u32 $0xD0000000, s2;
	s6 =	simm.s32 $0x108;
	_ =	swait.ge @!p0 [sflag:s8], $0x0  }
0x24: {  	s3 =	sadd.s32 $0x88, s3;
	s6 =	simm.s32 @!p1 $0x1082;
	[sflag:s4] =	ssyncset.s32 $0xFFFFF086  }
0x25: {  	[simem:s6], [sflag:s4] =	dma.local [hbm:s3], $0xF7A  }
0x26: {  	[smem:$0x3F9F] =	sst s1;
	(tag) =	ssettag s2;
	_ =	strace s9  }
0x27: {  	s1 =	sld [smem:$0x3FAF]  }
0x28: {  	s2 =	sld [smem:$0x3FB0]  }
0x29: {  	s4 =	sld [smem:$0x3FB2]  }
0x2a: {  	p0 =	seq.s32 s5, $0x0;
	s5 =	sld [smem:$0x3FB3]  }
0x2b: {  	s6 =	sld [smem:$0x3FB4]  }
0x2c: {  	s7 =	sld [smem:$0x3FB5]  }
0x2d: {  	s3 =	simm.s32 $0x108;
	s8 =	sld [smem:$0x3FB6]  }
0x2e: {  	s3 =	simm.s32 @!p0 $0x1082;
	s9 =	sld [smem:$0x3FB7]  }
0x2f: {  	lr =	sadd.s32 s0, s3;
	s0 =	sld [smem:$0x3FAE]  }
0x30: {  	s3 =	sld [smem:$0x3FB1]  }
0x31: {  	[smem:$0x3FBA] =	sst s10  }
0x32: {  	s10 =	sld [smem:$0x3FB8];
	_ =	sdelay $0x3  }
0x33: {  	p0 =	seq.s32 s10, $0x1;
	s10 =	sld [smem:$0x3FBA];
	_ =	sdelay $0x3  }
0x34: {  	[smem:$0x3FBA] =	sst s10  }
0x35: {  	s10 =	sld [smem:$0x3FB9];
	_ =	sdelay $0x3  }
0x36: {  	p1 =	seq.s32 s10, $0x1;
	s10 =	sld [smem:$0x3FBA];
	_ =	sdelay $0x3  }
0x37: {  	[smem:$0x3FBA] =	sst s10  }
0x38: {  	s10 =	sld [smem:$0x3FBB]  }
0x39: {  	_ = 	snop;
	(pc) =	sbr.ind lr, $3  }
0x3a: {  	_ = 	snop  }
0x3b: {  	_ = 	snop  }
0x3c: {  	p2 =	seq.s32 s10, $0x1;
	s10 =	sld [smem:$0x3FBA]  }
0x3d: {  	_ =	shalt  }
0x3e: {  	_ =	shalt  }
0x3f: {  	_ =	shalt  }
0x40: {  	_ =	shalt  }
0x41: {  	_ =	shalt  }
0x42: {  	_ =	shalt  }
0x43: {  	_ =	shalt  }
0x44: {  	_ =	shalt  }
0x45: {  	_ =	shalt  }
0x46: {  	_ =	shalt  }
0x47: {  	_ =	shalt  }
0x48: {  	_ =	shalt  }
0x49: {  	_ =	shalt  }
0x4a: {  	_ =	shalt  }
0x4b: {  	_ =	shalt  }
0x4c: {  	_ =	shalt  }
0x4d: {  	_ =	shalt  }
0x4e: {  	_ =	shalt  }
0x4f: {  	_ =	shalt  }
0x50: {  	_ =	shalt  }
0x51: {  	_ =	shalt  }
0x52: {  	_ =	shalt  }
0x53: {  	_ =	shalt  }
0x54: {  	_ =	shalt  }
0x55: {  	_ =	shalt  }
0x56: {  	_ =	shalt  }
0x57: {  	_ =	shalt  }
0x58: {  	_ =	shalt  }
0x59: {  	_ =	shalt  }
0x5a: {  	_ =	shalt  }
0x5b: {  	_ =	shalt  }
0x5c: {  	_ =	shalt  }
0x5d: {  	_ =	shalt  }
0x5e: {  	_ =	shalt  }
0x5f: {  	_ =	shalt  }
0x60: {  	_ =	shalt  }
0x61: {  	_ =	shalt  }
0x62: {  	_ =	shalt  }
0x63: {  	_ =	shalt  }
0x64: {  	_ =	shalt  }
0x65: {  	_ =	shalt  }
0x66: {  	_ =	shalt  }
0x67: {  	_ =	shalt  }
0x68: {  	_ =	shalt  }
0x69: {  	_ =	shalt  }
0x6a: {  	_ =	shalt  }
0x6b: {  	_ =	shalt  }
0x6c: {  	_ =	shalt  }
0x6d: {  	_ =	shalt  }
0x6e: {  	_ =	shalt  }
0x6f: {  	_ =	shalt  }
0x70: {  	_ =	shalt  }
0x71: {  	_ =	shalt  }
0x72: {  	_ =	shalt  }
0x73: {  	_ =	shalt  }
0x74: {  	_ =	shalt  }
0x75: {  	_ =	shalt  }
0x76: {  	_ =	shalt  }
0x77: {  	_ =	shalt  }
0x78: {  	_ =	shalt  }
0x79: {  	_ =	shalt  }
0x7a: {  	_ =	shalt  }
0x7b: {  	_ =	shalt  }
0x7c: {  	_ =	shalt  }
0x7d: {  	_ =	shalt  }
0x7e: {  	_ =	shalt  }
0x7f: {  	_ =	shalt  }
0x80: {  	_ =	shalt  }
0x81: {  	_ =	shalt  }
0x82: {  	_ =	shalt  }
0x83: {  	_ =	shalt  }
0x84: {  	_ =	shalt  }
0x85: {  	_ =	shalt  }
0x86: {  	_ =	shalt  }
0x87: {  	_ =	shalt  }
.Lfunc_end0:
.L_simem_size_0:
called_computation_lowered:
.L_overlay_start_0:
0x88: {  	s2 =	sld [smem:$0x3FD9]  }
0x89: {  	s3 =	sld [smem:$0x3FFE];
	_ =	sdelay $0x1  }
0x8a: {  	s1 =	srdreg.scid  }
0x8b: {  	s0 =	sand.u32 $0x1, s1  }
0x8c: {  	s17 =	sshll.u32 s0, $0xA;
	s2 =	sadd.s32 s3, s2  }
0x8d: {  	s2 =	sadd.s32 s2, s17  }
0x8e: {  	[smem:$0x3FC6] =	sst s2  }
0x8f: {  	_ = 	snop  }
0x90: {  	s2 =	sld [smem:$0x3FC9]  }
0x91: {  	s18 =	sld [smem:$0x3FD0];
	(tm) =	ssettm $0x1  }
0x92: {  	s4 =	sld [smem:$0x3FFB];
	_ =	sdelay $0x3  }
0x93: {  	_ =	strace s4  }
0x94: {  	s4 =	sld [smem:$0x3FFC];
	_ =	sdelay $0x3  }
0x95: {  	_ =	strace s4  }
0x96: {  	s4 =	sld [smem:$0x3FFD];
	_ =	sdelay $0x3  }
0x97: {  	_ =	strace s4  }
0x98: {  	_ =	strace $0x8FFFFFFF  }
0x99: {  	s19 =	sld [smem:$0x3FDB];
	_ =	sdelay $0x1  }
0x9a: {  	s5 =	simm.s32 $_scs_section_size  }
0x9b: {  	s6 =	simm.s32 $_size__tile_overlayer_lowered;
	s7 =	simm.s32 $_tile_overlayer_lowered  }
0x9c: {  	s22 =	simm.s32 $0x1BFF;
	s21 =	sshll.u32 s7, $0x1;
	s4 =	sadd.s32 s5, s19  }
0x9d: {  	s8 =	simm.s32 $0x0;
	s20 =	sshll.u32 s6, $0x1;
	s6 =	sadd.s32 s21, s4  }
0x9e: {  	[timem:s8], [sflag:s22] =	dma.local [hbm:s6], s20  }
0x9f: {  	_ =	swait.ge [sflag:s22], s20  }
0xa0: {  	s5 =	ssub.s32 $0x0, s20;
	[sflag:s22] =	ssyncset.done $0x0  }
0xa1: {  	[sflag:s22] =	ssyncadd.s32 s5;
	_ =	sdelay $0x1  }
0xa2: {  	s23 =	simm.s32 $0x1B8B  }
0xa3: {  	_ =	swait.ge [sflag:s23], $0x1  }
0xa4: {  	[sflag:s23] =	ssyncset.done $0x0  }
0xa5: {  	s25 =	simm.s32 $0x1B8E;
	s24 =	sld [smem:$0x3FFE];
	[sflag:s23] =	ssyncadd.s32 $0xFFFFFFFF  }
0xa6: {  	s26 =	simm.s32 $execute0_lowered;
	[smem:$0x3FD2] =	sst s25  }
0xa7: {  	s6 =	sshll.u32 s26, $0x1;
	_ =	strace $0x80000046;
	[dreg:$0x1] =	wrdreg $0xFFFFFFFF  }
0xa8: {  	s28 =	simm.s32 $_size_execute0_lowered;
	s4 =	sadd.s32 s4, s6;
	[dreg:$0x0] =	wrdreg $0x0  }
0xa9: {  	s6 =	sshll.u32 s28, $0x1;
	[dreg:$0x2] =	wrdreg s4  }
0xaa: {  	[dreg:$0x3] =	wrdreg s6  }
0xab: {  	[dreg:$0x4] =	wrdreg $0xC0  }
0xac: {  	_ =	task [dreg:s8], $0x5FFFF  }
0xad: {  	[dreg:$0x1] =	wrdreg $0xFFFFFFFF  }
0xae: {  	[dreg:$0x0] =	wrdreg $0x60  }
0xaf: {  	[dreg:$0x2] =	wrdreg s2  }
0xb0: {  	[dreg:$0x3] =	wrdreg s24  }
0xb1: {  	[dreg:$0x4] =	wrdreg s18  }
0xb2: {  	[dreg:$0x5] =	wrdreg $0x9  }
0xb3: {  	_ =	task.clear_ibuf [dreg:s8], $0x6FFFF;
	_ =	strace $0x90000046  }
0xb4: {  	s29 =	simm.s32 $0x9;
	_ =	strace $0x80000048  }
0xb5: {  	_ =	swait.ge [sflag:s29], $0x1  }
0xb6: {  	[sflag:s29] =	ssyncadd.s32 $0xFFFFFFFF  }
0xb7: {  	_ =	strace $0x90000048  }
0xb8: {  	_ =	sfence  }
0xb9: {  	s30 =	sld [smem:$0x0];
	_ =	sdelay $0x2  }
0xba: {  	s31 =	sshll.u32 s1, $0xD;
	s1 =	sshrl.u32 s1, $0x2  }
0xbb: {  	s3 =	sand.u32 $0x4000, s31;
	s1 =	sadd.s32 s1, s30  }
0xbc: {  	s0 =	sor.u32 s3, s0;
	s1 =	sshll.u32 s1, $0x11  }
0xbd: {  	s0 =	sor.u32 s1, s0  }
0xbe: {  	s0 =	sadd.s32 $0x8F2B, s0  }
0xbf: {  	[sflag:s0] =	ssyncadd.remote.s32 $0x1  }
0xc0: {  	_ =	sfence.sel $0xFFFF  }
0xc1: {  	[dreg:$0x0] =	wrdreg $0xFFFFFFFF;
	(pc) =	sbr.abs _section_cstart, $3  }
0xc2: {  	[dreg:$0x1] =	wrdreg $0xFFFFFFFF  }
0xc3: {  	_ =	task.clear_ibuf [dreg:s8], $0x2FFFF;
	_ =	strace $0x9FFFFFFF  }
0xc4: {  	(tm) =	ssettm $0x7FFFFFFF  }
0xc5: {  	_ =	shalt  }
tec
execute0_lowered:
.L_overlay_start_1:
0x0: {  	(tag) =	ssettag $0x1  }
0x1: {  	s24 =	rddreg [dreg:$0x0]  }
0x2: {  	s0 =	srdreg.scid;
	s2 =	rddreg [dreg:$0x1]  }
0x3: {  	s1 =	stileid.u32;
	s10 =	rddreg [dreg:$0x2];
	s5 =	simm.s32 $0x0  }
0x4: {  	s28 =	simm.s32 $0x8800;
	s29 =	simm.s32 $0x3;
	s30 =	simm.s32 $0x4  }
0x5: {  	s0 =	sand.u32 $0x1, s0;
	s1 =	sshll.u32 s1, $0x1;
	[smem:$0x7FF] =	sst s5  }
0x6: {  	s6 =	sadd.s32 $0xF42800, s2;
	s11 =	sadd.s32 $0x4000, s10;
	s12 =	sadd.s32 $0x8000, s10  }
0x7: {  	s13 =	sadd.s32 $0xC000, s10;
	s14 =	sadd.s32 $0x200, s10;
	s15 =	sadd.s32 $0x4200, s10  }
0x8: {  	s16 =	sadd.s32 $0x8200, s10;
	s1 =	sor.u32 s0, s1;
	s0 =	ssub.s32 $0x2, s0  }
0x9: {  	s17 =	sadd.s32 $0xC200, s10;
	s3 =	smul.u32 $0x64, s1;
	s18 =	sshrl.u32 s0, $0x1  }
0xa: {  	s20 =	sshll.u32 s1, $0xF;
	s9 =	smul.u32 $0x3200, s1;
	s1 =	sshll.u32 s1, $0xC  }
0xb: {  	_ =	strace $0x80000047;
	s0 =	ssub.s32 s0, s18;
	s1 =	sand.u32 $0x3000, s1  }
0xc: {  	s4 =	sshrl.u32 s3, $0x4;
	s7 =	sand.u32 $0x70, s3;
	s8 =	sshrl.u32 s3, $0x7  }
0xd: {  	s21 =	sshll.u32 s3, $0x3;
	s23 =	sand.u32 $0x7C000, s9;
	s26 =	sor.u32 $0x2, s3  }
0xe: {  	v54 =	vlaneseq.u32;
	s31 =	sor.u32 $0x3, s3;
	p0 =	seq.s32 s4, $0x0;
	p1 =	sne.s32 s7, $0x0  }
0xf: {  	v0 =	vand.u32 $0x7, v54;
	s0 =	smax.u32 s0, $0x1;
	s4 =	simm.s32 $0x1;
	p0 =	por !p0, !p1  }
0x10: {  	v57 =	vor.u32 $0x30, v0;
	s22 =	sand.u32 $0x380, s21;
	s1 =	sor.u32 s23, s1;
	p0 =	por !p0, !p0  }
0x11: {  	v59 =	vor.u32 $0x50, v0;
	[tilespmem:$0x1FF80] =	vst v57;
	s25 =	sadd.s32 s24, s7;
	[dreg:$0x6] =	wrdreg s26;
	s4 =	simm.s32 @!p0 $0x0  }
0x12: {  	v53 =	vor.u32 $0x40, v0;
	[tilespmem:$0x1FF90] =	vst v59;
	s7 =	simm.s32 $0x1;
	[dreg:$0x7] =	wrdreg s31;
	s4 =	ssub.s32 s8, s4  }
0x13: {  	v55 =	vor.u32 $0x60, v0;
	[tilespmem:$0x1FFA0] =	vst v53;
	[dreg:$0x8] =	wrdreg s0;
	s19 =	sshll.u32 s4, $0x11;
	s4 =	sand.u32 $0x18000, s20  }
0x14: {  	v56 =	vor.u32 $0x70, v0;
	[tilespmem:$0x1FFB0] =	vst v55;
	s26 =	simm.s32 $0x2;
	s1 =	sadd.s32 s1, s25;
	s2 =	sor.u32 s4, s19  }
0x15: {  	v60 =	vor.u32 $0x3F88, v0;
	[tilespmem:$0x1FFC0] =	vst v56;
	s25 =	simm.s32 $0x14800;
	s1 =	sadd.s32 $0x400, s1;
	s2 =	sor.u32 s22, s2  }
0x16: {  	v62 =	vor.u32 $0x10, v0;
	[tilespmem:$0x1FFD0] =	vst v60;
	[dreg:$0x5] =	wrdreg s1;
	s1 =	simm.s32 $0x10800;
	s2 =	sshrl.u32 s2, $0x3  }
0x17: {  	v63 =	vor.u32 $0x20, v0;
	[tilespmem:$0x1FFE0] =	vst v62;
	s20 =	simm.s32 $0x80;
	s19 =	simm.s32 $0x17800;
	s2 =	sadd.s32 s24, s2  }
0x18: {  	v1 =	vmul.u32 $0x20, v54;
	[tilespmem:$0x1FFF0] =	vst v63;
	s22 =	simm.s32 $0x800;
	[dreg:$0x4] =	wrdreg s2;
	s2 =	simm.s32 $0x0  }
.LBB2_1:
0x19: {  	[dreg:$0x9] =	wrdreg s2  }
0x1a: {  	s0 =	rddreg [dreg:$0x4];
	s4 =	simm.s32 $0x400  }
0x1b: {  	[tilespmem:s5], [sflag:$0x1] =	stream.strided.gather [hbm4b:s0+s20], $0x400, s4, s20, $0x38;
	[tilespmem:$0x18800] =	vst v63  }
0x1c: {  	s8 =	rddreg [dreg:$0x5]  }
0x1d: {  	[tilespmem:s4], [sflag:$0x1] =	stream.strided.gather [hbm4b:s8+s20], $0x400, s4, s20, $0x38;
	[tilespmem:$0x18800] =	vst v63  }
0x1e: {  	_ =	swait.ge [sflag:s7], $0x400  }
0x1f: {  	[sflag:s7] =	ssyncset.done $0x0  }
0x20: {  	[sflag:s7] =	ssyncadd.s32 $0xFFFFFC00  }
0x21: {  	[tilespmem:s22], [sflag:$0x2] =	stream.indirect.gather [hbm4b:s6+s20], $0x20, s5, s20, $0xb8;
	[tilespmem:$0x18800] =	vst v63  }
0x22: {  	s9 =	simm.s32 $0x1800  }
0x23: {  	[tilespmem:s9], [sflag:$0x2] =	stream.indirect.gather [hbm4b:s6+s20], $0x20, s20, s20, $0xb8;
	[tilespmem:$0x18800] =	vst v63  }
0x24: {  	s10 =	simm.s32 $0x100;
	s18 =	simm.s32 $0x2800  }
0x25: {  	[tilespmem:s18], [sflag:$0x2] =	stream.indirect.gather [hbm4b:s6+s20], $0x20, s10, s20, $0xb8;
	[tilespmem:$0x18800] =	vst v63  }
0x26: {  	s21 =	simm.s32 $0x180;
	s23 =	simm.s32 $0x3800  }
0x27: {  	[tilespmem:s23], [sflag:$0x2] =	stream.indirect.gather [hbm4b:s6+s20], $0x20, s21, s20, $0xb8;
	[tilespmem:$0x18800] =	vst v63  }
0x28: {  	s2 =	simm.s32 $0x200;
	s4 =	simm.s32 $0x4800  }
0x29: {  	[tilespmem:s4], [sflag:$0x2] =	stream.indirect.gather [hbm4b:s6+s20], $0x20, s2, s20, $0xb8;
	[tilespmem:$0x18800] =	vst v63  }
0x2a: {  	s8 =	simm.s32 $0x280;
	s9 =	simm.s32 $0x5800  }
0x2b: {  	[tilespmem:s9], [sflag:$0x2] =	stream.indirect.gather [hbm4b:s6+s20], $0x20, s8, s20, $0xb8;
	[tilespmem:$0x18800] =	vst v63  }
0x2c: {  	s10 =	simm.s32 $0x300;
	s18 =	simm.s32 $0x6800  }
0x2d: {  	[tilespmem:s18], [sflag:$0x2] =	stream.indirect.gather [hbm4b:s6+s20], $0x20, s10, s20, $0xb8;
	[tilespmem:$0x18800] =	vst v63  }
0x2e: {  	s31 =	simm.s32 $0x0;
	s21 =	simm.s32 $0x380;
	s23 =	simm.s32 $0x7800  }
0x2f: {  	[tilespmem:s23], [sflag:$0x2] =	stream.indirect.gather [hbm4b:s6+s20], $0x20, s21, s20, $0xb8;
	[tilespmem:$0x18800] =	vst v63  }
.LBB2_2:
0x30: {  	_ =	swait.ge [sflag:s7], $0x400  }
0x31: {  	[sflag:s7] =	ssyncset.done $0x0  }
0x32: {  	[sflag:s7] =	ssyncadd.s32 $0xFFFFFC00  }
0x33: {  	_ =	swait.ge [sflag:s26], $0x8000  }
0x34: {  	[sflag:s26] =	ssyncset.done $0x0  }
0x35: {  	s0 =	simm.s32 $0x400;
	[sflag:s26] =	ssyncadd.s32 $0xFFFF8000  }
0x36: {  	[tilespmem:s28], [sflag:$0x2] =	stream.indirect.gather [hbm4b:s6+s20], $0x20, s0, s20, $0xb8;
	[tilespmem:$0x18800] =	vst v63  }
0x37: {  	s9 =	simm.s32 $0x480;
	s2 =	simm.s32 $0x9800  }
0x38: {  	[tilespmem:s2], [sflag:$0x2] =	stream.indirect.gather [hbm4b:s6+s20], $0x20, s9, s20, $0xb8;
	[tilespmem:$0x18800] =	vst v63  }
0x39: {  	s10 =	simm.s32 $0x500;
	s18 =	simm.s32 $0xA800  }
0x3a: {  	[tilespmem:s18], [sflag:$0x2] =	stream.indirect.gather [hbm4b:s6+s20], $0x20, s10, s20, $0xb8;
	[tilespmem:$0x18800] =	vst v63  }
0x3b: {  	s21 =	simm.s32 $0x580;
	s23 =	simm.s32 $0xB800  }
0x3c: {  	[tilespmem:s23], [sflag:$0x2] =	stream.indirect.gather [hbm4b:s6+s20], $0x20, s21, s20, $0xb8;
	[tilespmem:$0x18800] =	vst v63  }
0x3d: {  	s4 =	simm.s32 $0xC800;
	s2 =	simm.s32 $0x600  }
0x3e: {  	[tilespmem:s4], [sflag:$0x2] =	stream.indirect.gather [hbm4b:s6+s20], $0x20, s2, s20, $0xb8;
	[tilespmem:$0x18800] =	vst v63  }
0x3f: {  	s8 =	simm.s32 $0x680;
	s9 =	simm.s32 $0xD800  }
0x40: {  	[tilespmem:s9], [sflag:$0x2] =	stream.indirect.gather [hbm4b:s6+s20], $0x20, s8, s20, $0xb8;
	[tilespmem:$0x18800] =	vst v63  }
0x41: {  	s10 =	simm.s32 $0x700;
	s18 =	simm.s32 $0xE800  }
0x42: {  	[tilespmem:s18], [sflag:$0x2] =	stream.indirect.gather [hbm4b:s6+s20], $0x20, s10, s20, $0xb8;
	[tilespmem:$0x18800] =	vst v63  }
0x43: {  	s21 =	simm.s32 $0x780;
	s23 =	simm.s32 $0xF800  }
0x44: {  	[tilespmem:s23], [sflag:$0x2] =	stream.indirect.gather [hbm4b:s6+s20], $0x20, s21, s20, $0xb8;
	[tilespmem:$0x18800] =	vst v63  }
0x45: {  	p0 =	seq.s32 s31, $0x31;
	s0 =	rddreg [dreg:$0x6];
	s21 =	sshll.u32 s31, $0x1  }
0x46: {  	p1 =	seq.s32 @!p0 s31, $0x0;
	s2 =	sadd.s32 @!p0 s21, s0  }
0x47: {  	p1 =	por p0, !p1;
	s2 =	smin.u32 @!p0 s2, $0xC7F  }
.Ltmp0:
0x48: {  	s4 =	sshll.u32 @!p0 s2, $0x7;
	s10 =	sshll.u32 @!p0 s2, $0xA;
	(pc) =	sbr.rel @!p1 .LBB2_3-.Ltmp0, $4  }
0x49: {  	s2 =	sand.u32 @!p0 $0x70, s2;
	s4 =	sand.u32 @!p0 $0x7C000, s4;
	s10 =	sand.u32 @!p0 $0x3C00, s10  }
0x4a: {  	s18 =	simm.s32 @!p0 $0x0;
	s2 =	sadd.s32 @!p0 s24, s2;
	s4 =	sor.u32 @!p0 s10, s4  }
0x4b: {  	s10 =	simm.s32 @!p0 $0x400;
	s2 =	sadd.s32 @!p0 s4, s2;
	s4 =	simm.s32 @!p0 $0x80  }
0x4c: {  	[tilespmem:s18], [sflag:$0x1] =	stream.strided.gather @!p0 [hbm4b:s2+s4], $0x400, s10, s4, $0x38;
	[tilespmem:$0x18800] =	vst v63  }
.Ltmp1:
0x4d: {  	(pc) =	sbr.rel .LBB2_5-.Ltmp1, $4  }
0x4e: {  	_ = 	snop  }
0x4f: {  	_ =	swait.ge [sflag:s29], $0x4000  }
0x50: {  	[sflag:s29] =	ssyncset.done $0x0  }
0x51: {  	p1 =	por $0x0, $0x0;
	[sflag:s29] =	ssyncadd.s32 $0xFFFFC000  }
.LBB2_3:
0x52: {  	p1 =	por @!p0 $0x1, $0x1  }
.LBB2_5:
0x53: {  	s2 =	simm.s32 $0x0  }
0x54: {  	s18 =	simm.s32 $0x0;
	s4 =	sand.u32 $0x1C, s2  }
0x55: {  	s2 =	simm.s32 $0x0;
	v5 =	vor.u32 s18, v54;
	v0 =	vadd.s32 s4, v54;
	s10 =	sor.u32 $0x1, s4  }
0x56: {  	v3 =	vmov s2;
	s23 =	sor.u32 $0x3, s4;
	s0 =	sor.u32 $0x40, s2;
	v2 =	vshll.u32 v0, $0x7;
	v4 =	vadd.s32 s10, v54  }
0x57: {  	s4 =	sor.u32 $0x2, s4;
	v3 =	vshll.u32 v3, $0x5;
	v6 =	vadd.s32 s23, v54;
	v7 =	vmov s0  }
0x58: {  	s18 =	sor.u32 $0x50, s2;
	v8 =	vadd.s32 s4, v54;
	v12 =	vand.u32 $0x1F, v0;
	v0 =	vshll.u32 v0, $0x9  }
0x59: {  	v22 =	vmov s18;
	v3 =	vor.u32 v1, v3;
	v13 =	vand.u32 $0x1F, v4  }
0x5a: {  	v14 =	vand.u32 $0x1F, v8;
	v7 =	vshll.u32 v7, $0x5;
	v9 =	vshll.u32 v6, $0x9  }
0x5b: {  	v11 =	vand.u32 $0x1F, v6;
	v6 =	vshll.u32 v6, $0x7;
	v10 =	vshll.u32 v8, $0x7  }
0x5c: {  	v2 =	vand.u32 $0x380, v2;
	v16 =	vshll.u32 v4, $0x9;
	v4 =	vshll.u32 v4, $0x7  }
0x5d: {  	v0 =	vand.u32 $0x3000, v0;
	v9 =	vand.u32 $0x3000, v9;
	v15 =	vor.u32 v3, v11  }
0x5e: {  	v6 =	vand.u32 $0x380, v6;
	v17 =	vor.u32 v3, v12;
	v4 =	vand.u32 $0x380, v4  }
0x5f: {  	s9 =	smov.u32 s24;
	s24 =	sor.u32 $0x10, s2;
	v0 =	vor.u32 v0, v2;
	v2 =	vand.u32 $0x3000, v16;
	v19 =	vor.u32 v3, v14  }
0x60: {  	v6 =	vor.u32 v9, v6;
	v0 =	vor.u32 v5, v0;
	v9 =	vmov s24  }
0x61: {  	v2 =	vor.u32 v2, v4;
	v16 =	vand.u32 v60, v0;
	v18 =	vand.u32 $0x3F88, v0  }
0x62: {  	v0 =	vor.u32 v5, v2;
	v2 =	vshll.u32 v9, $0x5;
	v4 =	vor.u32 v56, v18  }
0x63: {  	v7 =	vor.u32 v1, v7;
	v2 =	vor.u32 v1, v2;
	[tilespmem:$0x1FE70] =	vst v4;
	v4 =	vshll.u32 v8, $0x9  }
0x64: {  	v20 =	vand.u32 $0x3F88, v0;
	v8 =	vand.u32 $0x380, v10;
	v4 =	vand.u32 $0x3000, v4  }
0x65: {  	v9 =	vor.u32 v56, v20;
	v4 =	vor.u32 v4, v8;
	v8 =	vor.u32 v3, v13  }
0x66: {  	s4 =	sor.u32 $0x20, s2;
	v3 =	vor.u32 v5, v4;
	v4 =	vor.u32 v5, v6;
	v5 =	vor.u32 v55, v18  }
0x67: {  	s8 =	sor.u32 $0x30, s2;
	[tilespmem:$0x1FE80] =	vst v9;
	v24 =	vand.u32 v60, v3;
	v26 =	vand.u32 $0x3F88, v3;
	v3 =	vmov s4  }
0x68: {  	v6 =	vor.u32 v55, v20;
	[tilespmem:$0x1FE90] =	vst v5;
	v5 =	vmov s8;
	v3 =	vshll.u32 v3, $0x5  }
0x69: {  	[tilespmem:$0x1FEA0] =	vst v6;
	v9 =	vshll.u32 v5, $0x5;
	v6 =	vor.u32 v1, v3;
	v3 =	vand.u32 $0x3F88, v4  }
0x6a: {  	v31 =	vor.u32 v6, v13;
	v34 =	vor.u32 v6, v14;
	v5 =	vor.u32 v56, v3  }
0x6b: {  	s10 =	sor.u32 $0x70, s2;
	v35 =	vor.u32 v6, v12;
	v38 =	vor.u32 v6, v11;
	v6 =	vor.u32 v55, v3;
	[tilespmem:$0x1FEB0] =	vst v5  }
0x6c: {  	v0 =	vand.u32 v60, v0;
	v10 =	vor.u32 v7, v13;
	[tilespmem:$0x1FEC0] =	vst v6;
	v6 =	vmov s10  }
0x6d: {  	v40 =	vand.u32 v60, v4;
	v33 =	vor.u32 v1, v9;
	v8 =	vld.idx.msk [tilespmem:v8+s22+$0x0], $0xffff;
	v6 =	vshll.u32 v6, $0x5  }
0x6e: {  	v9 =	vor.u32 v7, v12;
	v4 =	vor.u32 v7, v11;
	v6 =	vor.u32 v1, v6  }
0x6f: {  	v5 =	vor.u32 v7, v14;
	v7 =	vshll.u32 v22, $0x5;
	v22 =	vor.u32 v6, v12  }
0x70: {  	v27 =	vor.u32 v62, v18;
	v15 =	vld.idx.msk [tilespmem:v15+s22+$0x0], $0xffff;
	[tilespmem:$0x1FED0] =	vst v22;
	v22 =	vor.u32 v56, v26  }
0x71: {  	v37 =	vor.u32 v63, v18;
	v32 =	vor.u32 v59, v20;
	v21 =	vor.u32 v2, v13;
	[tilespmem:$0x1FEE0] =	vst v22  }
0x72: {  	v28 =	vor.u32 v62, v20;
	[tilespmem:v0+s1+$0x0] =	vst.idx.msk $0xffff, v8;
	v0 =	vor.u32 v6, v11  }
0x73: {  	v30 =	vor.u32 v63, v20;
	v25 =	vor.u32 v2, v11;
	v8 =	vor.u32 v6, v13;
	[tilespmem:$0x1FEF0] =	vst v0  }
0x74: {  	v39 =	vor.u32 v2, v14;
	v43 =	vor.u32 v2, v12;
	v29 =	vor.u32 v62, v26;
	[tilespmem:$0x1FF00] =	vst v8  }
0x75: {  	v23 =	vor.u32 v63, v26;
	v6 =	vor.u32 v6, v14;
	[tilespmem:v40+s1+$0x0] =	vst.idx.msk $0xffff, v15  }
0x76: {  	v49 =	vor.u32 v57, v26;
	v41 =	vor.u32 v33, v12;
	[tilespmem:$0x1FF10] =	vst v6;
	v6 =	vor.u32 v55, v26  }
0x77: {  	s23 =	sor.u32 $0x60, s2;
	v45 =	vor.u32 v33, v13;
	v46 =	vor.u32 v33, v14;
	v47 =	vor.u32 v62, v3;
	[tilespmem:$0x1FF20] =	vst v6  }
0x78: {  	v51 =	vor.u32 v33, v11;
	v52 =	vor.u32 v57, v3;
	v0 =	vmov s23;
	v15 =	vld.idx.msk [tilespmem:v19+s22+$0x0], $0xffff  }
0x79: {  	v33 =	vor.u32 v59, v26;
	v44 =	vor.u32 v1, v7;
	v0 =	vshll.u32 v0, $0x5;
	v48 =	vld.idx.msk [tilespmem:v17+s22+$0x0], $0xffff  }
0x7a: {  	v2 =	vor.u32 v44, v13;
	v36 =	vor.u32 v44, v11;
	v61 =	vor.u32 v1, v0  }
0x7b: {  	s2 =	simm.s32 $0x4;
	v7 =	vor.u32 v44, v12;
	v42 =	vor.u32 v61, v13;
	v13 =	vor.u32 v59, v3;
	v50 =	vld.idx.msk [tilespmem:v21+s22+$0x0], $0xffff  }
0x7c: {  	s0 =	sand.u32 $0x1C, s2;
	v8 =	vor.u32 v53, v20;
	v0 =	vor.u32 v61, v12;
	v12 =	vld.idx.msk [tilespmem:v25+s22+$0x0], $0xffff;
	[tilespmem:$0x1FF30] =	vst v13  }
0x7d: {  	s8 =	sor.u32 $0x3, s0;
	v20 =	vor.u32 v57, v20;
	v6 =	vor.u32 v59, v18;
	[tilespmem:v24+s1+$0x0] =	vst.idx.msk $0xffff, v15  }
0x7e: {  	v58 =	vadd.s32 s8, v54;
	v19 =	vor.u32 v63, v3;
	v21 =	vmov v53;
	[tilespmem:v16+s1+$0x0] =	vst.idx.msk $0xffff, v48;
	v16 =	vld.idx.msk [tilespmem:v39+s22+$0x0], $0xffff  }
0x7f: {  	s4 =	simm.s32 $0x0;
	v53 =	vor.u32 v57, v18;
	v17 =	vor.u32 v61, v14;
	v13 =	vor.u32 v44, v14;
	v39 =	vld.idx.msk [tilespmem:v43+s22+$0x0], $0xffff  }
0x80: {  	s24 =	sor.u32 $0x1, s0;
	v14 =	vadd.s32 s0, v54;
	v25 =	vor.u32 v61, v11;
	v11 =	vmov s4  }
0x81: {  	v57 =	vadd.s32 s24, v54;
	v11 =	vshll.u32 v11, $0x5;
	v15 =	vor.u32 v21, v26;
	[tilespmem:v47+s1+$0x0] =	vst.idx.msk $0xffff, v12  }
0x82: {  	s0 =	sor.u32 $0x2, s0;
	v61 =	vshll.u32 v58, $0x9;
	v24 =	vshll.u32 v14, $0x7;
	[tilespmem:v28+s1+$0x0] =	vst.idx.msk $0xffff, v50;
	v47 =	vor.u32 v1, v11;
	v38 =	vld.idx.msk [tilespmem:v38+s22+$0x0], $0xffff  }
0x83: {  	v50 =	vadd.s32 s0, v54;
	v11 =	vand.u32 $0x1F, v14;
	v31 =	vld.idx.msk [tilespmem:v31+s22+$0x0], $0xffff;
	[tilespmem:v29+s1+$0x0] =	vst.idx.msk $0xffff, v16;
	v29 =	vshll.u32 v58, $0x7  }
0x84: {  	v12 =	vand.u32 $0x1F, v57;
	v14 =	vshll.u32 v14, $0x9;
	[tilespmem:v27+s1+$0x0] =	vst.idx.msk $0xffff, v39;
	v27 =	vand.u32 $0x380, v29;
	v29 =	vld.idx.msk [tilespmem:v34+s22+$0x0], $0xffff  }
0x85: {  	s10 =	simm.s32 $0x0;
	v26 =	vand.u32 $0x1F, v58;
	v24 =	vand.u32 $0x380, v24;
	v14 =	vand.u32 $0x3000, v14  }
0x86: {  	v43 =	vor.u32 s10, v54;
	v28 =	vand.u32 $0x1F, v50;
	v14 =	vor.u32 v14, v24;
	v58 =	vld.idx.msk [tilespmem:v35+s22+$0x0], $0xffff  }
0x87: {  	v54 =	vshll.u32 v50, $0x7;
	v14 =	vor.u32 v43, v14;
	v16 =	vand.u32 $0x3000, v61;
	[tilespmem:v19+s1+$0x0] =	vst.idx.msk $0xffff, v38  }
0x88: {  	[tilespmem:v30+s1+$0x0] =	vst.idx.msk $0xffff, v31;
	v30 =	vshll.u32 v57, $0x9;
	v31 =	vshll.u32 v57, $0x7;
	v38 =	vld.idx.msk [tilespmem:v51+s22+$0x0], $0xffff;
	v35 =	vand.u32 $0x3F88, v14  }
0x89: {  	v31 =	vand.u32 $0x380, v31;
	v24 =	vand.u32 $0x3000, v30;
	v30 =	vld.idx.msk [tilespmem:v45+s22+$0x0], $0xffff;
	[tilespmem:v23+s1+$0x0] =	vst.idx.msk $0xffff, v29;
	v23 =	vor.u32 v56, v35  }
0x8a: {  	s24 =	sor.u32 $0x10, s4;
	v19 =	vor.u32 v47, v11;
	v16 =	vor.u32 v16, v27;
	v24 =	vor.u32 v24, v31;
	[tilespmem:$0x1FF40] =	vst v23  }
0x8b: {  	v27 =	vmov s24;
	v31 =	vand.u32 v60, v14;
	v14 =	vor.u32 v43, v24;
	[tilespmem:v37+s1+$0x0] =	vst.idx.msk $0xffff, v58  }
0x8c: {  	v24 =	vshll.u32 v27, $0x5;
	v57 =	vand.u32 $0x3F88, v14;
	v29 =	vor.u32 v47, v28;
	v37 =	vld.idx.msk [tilespmem:v41+s22+$0x0], $0xffff  }
0x8d: {  	v34 =	vor.u32 v1, v24;
	v24 =	vshll.u32 v50, $0x9;
	v27 =	vor.u32 v59, v57;
	[tilespmem:v52+s1+$0x0] =	vst.idx.msk $0xffff, v38  }
0x8e: {  	v24 =	vand.u32 $0x3000, v24;
	v59 =	vand.u32 $0x380, v54;
	v23 =	vor.u32 v56, v57;
	[tilespmem:v20+s1+$0x0] =	vst.idx.msk $0xffff, v30  }
0x8f: {  	v30 =	vor.u32 v24, v59;
	v40 =	vld.idx.msk [tilespmem:v46+s22+$0x0], $0xffff;
	[tilespmem:$0x1FF50] =	vst v23  }
0x90: {  	v30 =	vor.u32 v43, v30;
	v19 =	vld.idx.msk [tilespmem:v19+s22+$0x0], $0xffff  }
0x91: {  	v46 =	vand.u32 v60, v30;
	v29 =	vld.idx.msk [tilespmem:v29+s22+$0x0], $0xffff;
	[tilespmem:v53+s1+$0x0] =	vst.idx.msk $0xffff, v37  }
0x92: {  	s23 =	sor.u32 $0x40, s4;
	v18 =	vor.u32 v21, v18;
	v61 =	vor.u32 v47, v12;
	v9 =	vld.idx.msk [tilespmem:v9+s22+$0x0], $0xffff  }
0x93: {  	v22 =	vmov v55;
	v48 =	vmov s23;
	v55 =	vor.u32 v47, v26  }
0x94: {  	v39 =	vshll.u32 v48, $0x5;
	[tilespmem:v49+s1+$0x0] =	vst.idx.msk $0xffff, v40  }
0x95: {  	v39 =	vor.u32 v1, v39;
	v16 =	vor.u32 v43, v16;
	v50 =	vld.idx.msk [tilespmem:v10+s22+$0x0], $0xffff;
	[tilespmem:v31+s1+$0x0] =	vst.idx.msk $0xffff, v19  }
0x96: {  	v44 =	vand.u32 $0x3F88, v30;
	v23 =	vmov v56;
	v30 =	vand.u32 $0x3F88, v16;
	v5 =	vld.idx.msk [tilespmem:v5+s22+$0x0], $0xffff;
	[tilespmem:v46+s1+$0x0] =	vst.idx.msk $0xffff, v29  }
0x97: {  	v14 =	vand.u32 v60, v14;
	v37 =	vld.idx.msk [tilespmem:v61+s22+$0x0], $0xffff;
	[tilespmem:v18+s1+$0x0] =	vst.idx.msk $0xffff, v9;
	v9 =	vor.u32 v23, v30  }
0x98: {  	v20 =	vor.u32 v34, v12;
	v19 =	vld.idx.msk [tilespmem:v55+s22+$0x0], $0xffff;
	[tilespmem:$0x1FF60] =	vst v9;
	v9 =	vor.u32 v39, v28  }
0x99: {  	v16 =	vand.u32 v60, v16;
	[tilespmem:$0x1FF70] =	vst v9  }
0x9a: {  	v3 =	vor.u32 v21, v3;
	v45 =	vor.u32 v34, v26;
	v7 =	vld.idx.msk [tilespmem:v7+s22+$0x0], $0xffff  }
0x9b: {  	v51 =	vor.u32 v63, v35;
	v47 =	vor.u32 v62, v35;
	v9 =	vld.idx.msk [tilespmem:v4+s22+$0x0], $0xffff;
	[tilespmem:v15+s1+$0x0] =	vst.idx.msk $0xffff, v5  }
0x9c: {  	s8 =	sor.u32 $0x20, s4;
	v58 =	vor.u32 v62, v57;
	v38 =	vor.u32 v22, v57;
	[tilespmem:v14+s1+$0x0] =	vst.idx.msk $0xffff, v37;
	v5 =	vld.idx.msk [tilespmem:v13+s22+$0x0], $0xffff  }
0x9d: {  	v43 =	vor.u32 v22, v35;
	v10 =	vmov s8;
	v52 =	vor.u32 v62, v44;
	[tilespmem:v8+s1+$0x0] =	vst.idx.msk $0xffff, v50;
	v13 =	vld.idx.msk [tilespmem:v20+s22+$0x0], $0xffff  }
0x9e: {  	v41 =	vor.u32 v63, v44;
	v10 =	vshll.u32 v10, $0x5;
	[tilespmem:v16+s1+$0x0] =	vst.idx.msk $0xffff, v19;
	v2 =	vld.idx.msk [tilespmem:v2+s22+$0x0], $0xffff  }
0x9f: {  	v48 =	vor.u32 v22, v30;
	v20 =	vor.u32 v62, v30;
	[tilespmem:v6+s1+$0x0] =	vst.idx.msk $0xffff, v7;
	v6 =	vld.idx.msk [tilespmem:v45+s22+$0x0], $0xffff  }
0xa0: {  	v10 =	vor.u32 v1, v10;
	v49 =	vor.u32 v63, v57;
	[tilespmem:v3+s1+$0x0] =	vst.idx.msk $0xffff, v9  }
0xa1: {  	s10 =	sor.u32 $0x30, s4;
	v59 =	vor.u32 v10, v12;
	v54 =	vor.u32 v10, v28;
	[tilespmem:v33+s1+$0x0] =	vst.idx.msk $0xffff, v5  }
0xa2: {  	v56 =	vor.u32 v10, v11;
	v61 =	vmov s10;
	v16 =	vor.u32 v34, v11;
	[tilespmem:v58+s1+$0x0] =	vst.idx.msk $0xffff, v13  }
0xa3: {  	s18 =	sor.u32 $0x70, s4;
	v10 =	vor.u32 v10, v26;
	v40 =	vshll.u32 v61, $0x5;
	v46 =	vor.u32 v39, v12;
	[tilespmem:v32+s1+$0x0] =	vst.idx.msk $0xffff, v2  }
0xa4: {  	s23 =	sor.u32 $0x50, s4;
	v14 =	vor.u32 v1, v40;
	v4 =	vmov s18;
	v15 =	vor.u32 v34, v28;
	v55 =	vld.idx.msk [tilespmem:v0+s22+$0x0], $0xffff;
	[tilespmem:v20+s1+$0x0] =	vst.idx.msk $0xffff, v6  }
0xa5: {  	v40 =	vor.u32 v39, v11;
	v8 =	vmov s23;
	v50 =	vor.u32 v39, v26;
	v0 =	vld [tilespmem:$0x1FF80]  }
0xa6: {  	s24 =	sor.u32 $0x60, s4;
	v53 =	vor.u32 v14, v11;
	v8 =	vshll.u32 v8, $0x5;
	v18 =	vshll.u32 v4, $0x5  }
0xa7: {  	v61 =	vor.u32 v14, v12;
	v4 =	vor.u32 v1, v8;
	v19 =	vld.idx.msk [tilespmem:v16+s22+$0x0], $0xffff;
	v13 =	vmov s24  }
0xa8: {  	v34 =	vor.u32 v4, v12;
	v37 =	vor.u32 v4, v11;
	v13 =	vshll.u32 v13, $0x5;
	v16 =	vld.idx.msk [tilespmem:v59+s22+$0x0], $0xffff  }
0xa9: {  	v3 =	vor.u32 v1, v18;
	v45 =	vor.u32 v21, v57;
	v58 =	vor.u32 v1, v13;
	v59 =	vld [tilespmem:$0x1FF90]  }
0xaa: {  	v8 =	vor.u32 v3, v11;
	v39 =	vor.u32 v58, v11;
	v11 =	vor.u32 v0, v57;
	v57 =	vld [tilespmem:$0x1FF80]  }
0xab: {  	v9 =	vor.u32 v4, v26;
	v18 =	vld.idx.msk [tilespmem:v15+s22+$0x0], $0xffff;
	v15 =	vor.u32 v14, v26;
	v5 =	vor.u32 v14, v28  }
0xac: {  	v33 =	vor.u32 v23, v44;
	v60 =	vor.u32 v3, v26;
	v7 =	vor.u32 v3, v12  }
0xad: {  	v2 =	vor.u32 v3, v28;
	v62 =	vld.idx.msk [tilespmem:v36+s22+$0x0], $0xffff;
	v3 =	vor.u32 v22, v44;
	v14 =	vor.u32 v63, v30  }
0xae: {  	v32 =	vor.u32 v58, v12;
	v36 =	vor.u32 v58, v28;
	v20 =	vld.idx.msk [tilespmem:v42+s22+$0x0], $0xffff;
	v42 =	vor.u32 v59, v35  }
0xaf: {  	v17 =	vld.idx.msk [tilespmem:v17+s22+$0x0], $0xffff;
	v12 =	vor.u32 v59, v30;
	v63 =	vor.u32 v57, v44;
	v6 =	vor.u32 v57, v35  }
.LBB2_6:
0xb0: {  	v21 =	vld [tilespmem:$0x1FF30];
	_ =	sdelay $0x5  }
0xb1: {  	v23 =	vor.u32 v4, v28;
	v4 =	vor.u32 v59, v44  }
0xb2: {  	v10 =	vld.idx.msk [tilespmem:v10+s22+$0x0], $0xffff;
	[tilespmem:$0x1FE40] =	vst v4  }
0xb3: {  	v4 =	vld [tilespmem:$0x1FE90];
	[tilespmem:v21+s1+$0x0] =	vst.idx.msk $0xffff, v62;
	v21 =	vor.u32 v58, v26  }
0xb4: {  	[tilespmem:$0x1FE60] =	vst v21;
	v21 =	vld [tilespmem:$0x1FED0];
	_ =	sdelay $0x2  }
0xb5: {  	[tilespmem:$0x1FE50] =	vst v27;
	v27 =	vld [tilespmem:$0x1FFA0]  }
0xb6: {  	s2 =	sadd.s32 $0x4, s2  }
0xb7: {  	s0 =	sshrl.u32 s2, $0x5  }
0xb8: {  	v22 =	vlaneseq.u32;
	[tilespmem:v52+s1+$0x0] =	vst.idx.msk $0xffff, v18;
	s4 =	sshll.u32 s0, $0x7;
	s0 =	sshll.u32 s0, $0xA  }
0xb9: {  	s10 =	sand.u32 $0x1C, s2;
	v58 =	vmov v9;
	v9 =	vmov v8;
	v8 =	vor.u32 s0, v22;
	[tilespmem:v4+s1+$0x0] =	vst.idx.msk $0xffff, v55  }
0xba: {  	s18 =	sor.u32 $0x1, s10;
	s24 =	sor.u32 $0x2, s10;
	v55 =	vadd.s32 s10, v22;
	v4 =	vor.u32 v27, v44;
	s10 =	sor.u32 $0x3, s10;
	v44 =	vld.idx.msk [tilespmem:v21+s22+$0x0], $0xffff;
	v21 =	vmov v43;
	[tilespmem:v47+s1+$0x0] =	vst.idx.msk $0xffff, v19  }
0xbb: {  	v18 =	vadd.s32 s10, v22;
	v47 =	vadd.s32 s24, v22;
	[tilespmem:$0x1FE90] =	vst v21;
	v21 =	vadd.s32 s18, v22;
	v22 =	vld [tilespmem:$0x1FEA0];
	_ =	sdelay $0x7  }
0xbc: {  	[tilespmem:v22+s1+$0x0] =	vst.idx.msk $0xffff, v20;
	v20 =	vmov v38;
	v22 =	vld [tilespmem:$0x1FF20]  }
0xbd: {  	[tilespmem:$0x1FEA0] =	vst v20;
	v20 =	vld [tilespmem:$0x1FF00];
	_ =	sdelay $0x5  }
0xbe: {  	v19 =	vld.idx.msk [tilespmem:v54+s22+$0x0], $0xffff  }
0xbf: {  	[tilespmem:v22+s1+$0x0] =	vst.idx.msk $0xffff, v17;
	v22 =	vld [tilespmem:$0x1FEC0]  }
0xc0: {  	v20 =	vld.idx.msk [tilespmem:v20+s22+$0x0], $0xffff  }
0xc1: {  	v17 =	vmov v7;
	[tilespmem:v49+s1+$0x0] =	vst.idx.msk $0xffff, v16;
	v16 =	vld [tilespmem:$0x1FEF0]  }
0xc2: {  	[tilespmem:$0x1FF00] =	vst v17;
	v17 =	vld [tilespmem:$0x1FF10]  }
0xc3: {  	v0 =	vor.u32 v27, v35;
	v35 =	vld.idx.msk [tilespmem:v25+s22+$0x0], $0xffff;
	_ =	sdelay $0x4  }
0xc4: {  	[tilespmem:v22+s1+$0x0] =	vst.idx.msk $0xffff, v35  }
0xc5: {  	v16 =	vld.idx.msk [tilespmem:v16+s22+$0x0], $0xffff;
	[tilespmem:v14+s1+$0x0] =	vst.idx.msk $0xffff, v10  }
0xc6: {  	v43 =	vshll.u32 v55, $0x7;
	v17 =	vld.idx.msk [tilespmem:v17+s22+$0x0], $0xffff;
	v14 =	vmov v60;
	[tilespmem:v41+s1+$0x0] =	vst.idx.msk $0xffff, v19  }
0xc7: {  	v54 =	vshll.u32 v55, $0x9;
	v10 =	vmov v2;
	v2 =	vand.u32 $0x380, v43;
	[tilespmem:$0x1FEF0] =	vst v14  }
0xc8: {  	v19 =	vmovc v3;
	v3 =	vand.u32 $0x3000, v54;
	[tilespmem:$0x1FF10] =	vst v10;
	v10 =	vshll.u32 v21, $0x9;
	v14 =	vshll.u32 v21, $0x7  }
0xc9: {  	v2 =	vor.u32 v3, v2;
	v14 =	vand.u32 $0x380, v14;
	v3 =	vand.u32 $0x3000, v10  }
0xca: {  	v3 =	vor.u32 v3, v14;
	v14 =	vld [tilespmem:$0x1FEE0];
	_ =	sdelay $0x1  }
0xcb: {  	v25 =	vmov s4  }
0xcc: {  	s23 =	sor.u32 $0x40, s4;
	[tilespmem:$0x1FED0] =	vst v9;
	v9 =	vshll.u32 v25, $0x5;
	v25 =	vld [tilespmem:$0x1FFD0]  }
0xcd: {  	v24 =	vmov v12;
	v12 =	vmov s23;
	v26 =	vand.u32 $0x1F, v18  }
0xce: {  	v7 =	vshll.u32 v12, $0x5;
	v12 =	vshll.u32 v18, $0x9;
	v18 =	vshll.u32 v18, $0x7  }
0xcf: {  	v12 =	vand.u32 $0x3000, v12;
	v18 =	vand.u32 $0x380, v18;
	v5 =	vld.idx.msk [tilespmem:v5+s22+$0x0], $0xffff  }
0xd0: {  	v10 =	vor.u32 v12, v18;
	v12 =	vld [tilespmem:$0x1FE70];
	v2 =	vor.u32 v8, v2  }
0xd1: {  	v35 =	vand.u32 $0x3F88, v2;
	[tilespmem:v14+s1+$0x0] =	vst.idx.msk $0xffff, v17;
	v14 =	vand.u32 v25, v2;
	v2 =	vor.u32 v8, v3;
	v3 =	vld [tilespmem:$0x1FE80]  }
0xd2: {  	v62 =	vld.idx.msk [tilespmem:v56+s22+$0x0], $0xffff;
	_ =	sdelay $0x4  }
0xd3: {  	s8 =	sor.u32 $0x10, s4;
	[tilespmem:v51+s1+$0x0] =	vst.idx.msk $0xffff, v62  }
0xd4: {  	v59 =	vand.u32 $0x1F, v21;
	v21 =	vld.idx.msk [tilespmem:v61+s22+$0x0], $0xffff;
	[tilespmem:v12+s1+$0x0] =	vst.idx.msk $0xffff, v44;
	v12 =	vmov s8  }
0xd5: {  	[tilespmem:v3+s1+$0x0] =	vst.idx.msk $0xffff, v20;
	v3 =	vshll.u32 v12, $0x5;
	v12 =	vld [tilespmem:$0x1FEB0]  }
0xd6: {  	v13 =	vor.u32 v57, v30;
	v57 =	vand.u32 $0x1F, v55;
	v9 =	vor.u32 v1, v9  }
0xd7: {  	[tilespmem:$0x1FF20] =	vst v19;
	v19 =	vor.u32 v9, v57;
	v20 =	vld.idx.msk [tilespmem:v53+s22+$0x0], $0xffff;
	_ =	sdelay $0x1  }
0xd8: {  	v15 =	vld.idx.msk [tilespmem:v15+s22+$0x0], $0xffff  }
0xd9: {  	[tilespmem:$0x1FF30] =	vst v24;
	v24 =	vld [tilespmem:$0x1FFC0];
	_ =	sdelay $0x1  }
0xda: {  	v19 =	vld.idx.msk [tilespmem:v19+s22+$0x0], $0xffff;
	[tilespmem:v6+s1+$0x0] =	vst.idx.msk $0xffff, v20  }
0xdb: {  	v55 =	vshll.u32 v47, $0x7;
	[tilespmem:v12+s1+$0x0] =	vst.idx.msk $0xffff, v16;
	v16 =	vshll.u32 v47, $0x9  }
0xdc: {  	v20 =	vld [tilespmem:$0x1FF60];
	[tilespmem:v13+s1+$0x0] =	vst.idx.msk $0xffff, v15;
	v15 =	vand.u32 $0x3000, v16;
	v16 =	vand.u32 $0x380, v55  }
0xdd: {  	v17 =	vor.u32 v24, v35;
	v15 =	vor.u32 v15, v16  }
0xde: {  	v15 =	vor.u32 v8, v15;
	v8 =	vor.u32 v8, v10;
	v10 =	vmov v17;
	v17 =	vld [tilespmem:$0x1FF50]  }
0xdf: {  	v28 =	vand.u32 $0x1F, v47;
	[tilespmem:v11+s1+$0x0] =	vst.idx.msk $0xffff, v21  }
0xe0: {  	v18 =	vor.u32 v9, v28;
	v16 =	vld.idx.msk [tilespmem:v46+s22+$0x0], $0xffff  }
0xe1: {  	v46 =	vand.u32 v25, v15;
	v44 =	vand.u32 $0x3F88, v15;
	v15 =	vld [tilespmem:$0x1FF40];
	[tilespmem:$0x1FF40] =	vst v10;
	v10 =	vmov v20  }
0xe2: {  	v22 =	vmov v48;
	[tilespmem:$0x1FEB0] =	vst v10;
	v10 =	vld [tilespmem:$0x1FF70]  }
0xe3: {  	[tilespmem:$0x1FEC0] =	vst v22;
	v22 =	vor.u32 v9, v26;
	v9 =	vor.u32 v9, v59;
	v6 =	vmov v17;
	v17 =	vld.idx.msk [tilespmem:v40+s22+$0x0], $0xffff;
	_ =	sdelay $0x1  }
0xe4: {  	v18 =	vld.idx.msk [tilespmem:v18+s22+$0x0], $0xffff  }
0xe5: {  	[tilespmem:v63+s1+$0x0] =	vst.idx.msk $0xffff, v5  }
0xe6: {  	v62 =	vld [tilespmem:$0x1FFB0];
	v63 =	vor.u32 v27, v30;
	v3 =	vor.u32 v1, v3;
	[tilespmem:v14+s1+$0x0] =	vst.idx.msk $0xffff, v19  }
0xe7: {  	v21 =	vor.u32 v3, v59;
	v9 =	vld.idx.msk [tilespmem:v9+s22+$0x0], $0xffff;
	v12 =	vand.u32 $0x3F88, v2;
	[tilespmem:v0+s1+$0x0] =	vst.idx.msk $0xffff, v17  }
0xe8: {  	v2 =	vand.u32 v25, v2;
	v55 =	vor.u32 v3, v26;
	v30 =	vand.u32 $0x3F88, v8;
	v0 =	vld.idx.msk [tilespmem:v37+s22+$0x0], $0xffff  }
0xe9: {  	v8 =	vand.u32 v25, v8;
	v60 =	vld.idx.msk [tilespmem:v10+s22+$0x0], $0xffff;
	[tilespmem:v46+s1+$0x0] =	vst.idx.msk $0xffff, v18;
	v18 =	vor.u32 v24, v30  }
0xea: {  	v14 =	vor.u32 v3, v28;
	v3 =	vor.u32 v3, v57;
	[tilespmem:$0x1FF60] =	vst v18;
	v18 =	vld.idx.msk [tilespmem:v22+s22+$0x0], $0xffff  }
0xeb: {  	v11 =	vld.idx.msk [tilespmem:v50+s22+$0x0], $0xffff  }
0xec: {  	v29 =	vld [tilespmem:$0x1FFE0]  }
0xed: {  	s23 =	sor.u32 $0x50, s4;
	v13 =	vld [tilespmem:$0x1FF90];
	[tilespmem:v2+s1+$0x0] =	vst.idx.msk $0xffff, v9  }
0xee: {  	v43 =	vor.u32 v62, v35;
	v48 =	vor.u32 v24, v12;
	v21 =	vld.idx.msk [tilespmem:v21+s22+$0x0], $0xffff;
	v19 =	vmov s23;
	[tilespmem:v42+s1+$0x0] =	vst.idx.msk $0xffff, v0  }
0xef: {  	s10 =	sor.u32 $0x20, s4;
	s24 =	sor.u32 $0x60, s4;
	v38 =	vor.u32 v62, v12;
	v2 =	vshll.u32 v19, $0x5;
	v19 =	vld.idx.msk [tilespmem:v3+s22+$0x0], $0xffff;
	[tilespmem:v8+s1+$0x0] =	vst.idx.msk $0xffff, v18  }
0xf0: {  	v56 =	vmov s10;
	v5 =	vmovc v48;
	v10 =	vmovc v33;
	v33 =	vor.u32 v24, v44;
	v0 =	vmov s24;
	v24 =	vld.idx.msk [tilespmem:v55+s22+$0x0], $0xffff;
	[tilespmem:v63+s1+$0x0] =	vst.idx.msk $0xffff, v11  }
0xf1: {  	v48 =	vor.u32 v62, v30;
	[tilespmem:$0x1FE80] =	vst v6;
	v3 =	vor.u32 v62, v44;
	v0 =	vshll.u32 v0, $0x5;
	v62 =	vld.idx.msk [tilespmem:v58+s22+$0x0], $0xffff  }
0xf2: {  	v6 =	vshll.u32 v56, $0x5;
	[tilespmem:v4+s1+$0x0] =	vst.idx.msk $0xffff, v60;
	v58 =	vor.u32 v1, v0;
	v0 =	vld [tilespmem:$0x1FE50]  }
0xf3: {  	[tilespmem:$0x1FF50] =	vst v5;
	v31 =	vmov v15;
	v15 =	vor.u32 v29, v12;
	v5 =	vor.u32 v1, v6;
	v17 =	vld.idx.msk [tilespmem:v23+s22+$0x0], $0xffff  }
0xf4: {  	[tilespmem:v45+s1+$0x0] =	vst.idx.msk $0xffff, v16;
	v20 =	vor.u32 v5, v59;
	v11 =	vld [tilespmem:$0x1FE40]  }
0xf5: {  	s18 =	sor.u32 $0x30, s4;
	v7 =	vor.u32 v1, v7;
	[tilespmem:$0x1FE70] =	vst v31;
	v23 =	vld.idx.msk [tilespmem:v34+s22+$0x0], $0xffff  }
0xf6: {  	v61 =	vmov s18;
	v47 =	vor.u32 v29, v35;
	v31 =	vld [tilespmem:$0x1FFF0];
	[tilespmem:$0x1FEE0] =	vst v10;
	v10 =	vor.u32 v7, v28  }
0xf7: {  	s4 =	sor.u32 $0x70, s4;
	v6 =	vshll.u32 v61, $0x5;
	v54 =	vor.u32 v5, v28;
	v56 =	vor.u32 v5, v57;
	[tilespmem:$0x1FF70] =	vst v10;
	v18 =	vld.idx.msk [tilespmem:v14+s22+$0x0], $0xffff  }
0xf8: {  	v6 =	vor.u32 v1, v6;
	v10 =	vor.u32 v5, v26;
	v5 =	vmov s4;
	[tilespmem:v15+s1+$0x0] =	vst.idx.msk $0xffff, v21;
	v55 =	vld.idx.msk [tilespmem:v39+s22+$0x0], $0xffff  }
0xf9: {  	v40 =	vor.u32 v7, v57;
	v53 =	vor.u32 v6, v57;
	v5 =	vshll.u32 v5, $0x5;
	v16 =	vld.idx.msk [tilespmem:v20+s22+$0x0], $0xffff  }
0xfa: {  	v4 =	vor.u32 v1, v2;
	v2 =	vor.u32 v1, v5;
	[tilespmem:v0+s1+$0x0] =	vst.idx.msk $0xffff, v23;
	v0 =	vld [tilespmem:$0x1FF80]  }
0xfb: {  	v37 =	vor.u32 v4, v57;
	v8 =	vor.u32 v2, v57;
	v39 =	vor.u32 v58, v57;
	v57 =	vld [tilespmem:$0x1FF80]  }
0xfc: {  	v50 =	vor.u32 v7, v26;
	v52 =	vor.u32 v29, v44;
	[tilespmem:v11+s1+$0x0] =	vst.idx.msk $0xffff, v17;
	v11 =	vld [tilespmem:$0x1FF90]  }
0xfd: {  	v25 =	vor.u32 v29, v30;
	v61 =	vor.u32 v6, v59;
	v46 =	vor.u32 v7, v59;
	v20 =	vld.idx.msk [tilespmem:v32+s22+$0x0], $0xffff  }
0xfe: {  	v22 =	vor.u32 v4, v59;
	v7 =	vor.u32 v2, v59;
	v32 =	vor.u32 v58, v59;
	v59 =	vld [tilespmem:$0x1FF90]  }
0xff: {  	p2 =	slt.u32 s2, $0x7C;
	v13 =	vor.u32 v13, v12;
	v45 =	vor.u32 v27, v12;
	v63 =	vor.u32 v0, v44;
	v0 =	vld [tilespmem:$0x1FF80]  }
.Ltmp2:
0x100: {  	v41 =	vor.u32 v31, v44;
	v49 =	vor.u32 v31, v12;
	v51 =	vor.u32 v31, v35;
	(pc) =	sbr.rel @p2 .LBB2_6-.Ltmp2, $4  }
0x101: {  	v5 =	vor.u32 v6, v28;
	v9 =	vor.u32 v4, v26;
	v60 =	vor.u32 v2, v26  }
0x102: {  	v27 =	vmovc v13;
	v2 =	vor.u32 v2, v28;
	v14 =	vor.u32 v31, v30;
	v15 =	vor.u32 v6, v26  }
0x103: {  	[tilespmem:v25+s1+$0x0] =	vst.idx.msk $0xffff, v24;
	v17 =	vld.idx.msk [tilespmem:v36+s22+$0x0], $0xffff;
	v36 =	vor.u32 v58, v28;
	v42 =	vor.u32 v11, v35  }
0x104: {  	v34 =	vmovc v22;
	v25 =	vld [tilespmem:$0x1FE60];
	v11 =	vor.u32 v57, v12;
	v12 =	vor.u32 v59, v30;
	v6 =	vor.u32 v0, v35  }
0x105: {  	_ =	sdelay $0x3  }
0x106: {  	[tilespmem:v47+s1+$0x0] =	vst.idx.msk $0xffff, v19;
	v10 =	vld.idx.msk [tilespmem:v10+s22+$0x0], $0xffff  }
0x107: {  	[tilespmem:v52+s1+$0x0] =	vst.idx.msk $0xffff, v18;
	v0 =	vld.idx.msk [tilespmem:v56+s22+$0x0], $0xffff  }
0x108: {  	v13 =	vld.idx.msk [tilespmem:v54+s22+$0x0], $0xffff;
	_ =	sdelay $0x1  }
0x109: {  	[tilespmem:v49+s1+$0x0] =	vst.idx.msk $0xffff, v16  }
0x10a: {  	[tilespmem:v14+s1+$0x0] =	vst.idx.msk $0xffff, v10  }
0x10b: {  	[tilespmem:v51+s1+$0x0] =	vst.idx.msk $0xffff, v0  }
0x10c: {  	[tilespmem:v41+s1+$0x0] =	vst.idx.msk $0xffff, v13;
	v14 =	vld.idx.msk [tilespmem:v15+s22+$0x0], $0xffff  }
0x10d: {  	v15 =	vld [tilespmem:$0x1FF30]  }
0x10e: {  	v0 =	vld.idx.msk [tilespmem:v53+s22+$0x0], $0xffff  }
0x10f: {  	v5 =	vld.idx.msk [tilespmem:v5+s22+$0x0], $0xffff;
	_ =	sdelay $0x1  }
0x110: {  	v10 =	vld.idx.msk [tilespmem:v61+s22+$0x0], $0xffff  }
0x111: {  	v13 =	vor.u32 v57, v30  }
0x112: {  	[tilespmem:v6+s1+$0x0] =	vst.idx.msk $0xffff, v0  }
0x113: {  	[tilespmem:v63+s1+$0x0] =	vst.idx.msk $0xffff, v5  }
0x114: {  	[tilespmem:v15+s1+$0x0] =	vst.idx.msk $0xffff, v62  }
0x115: {  	v53 =	vld [tilespmem:$0x1FFA0];
	[tilespmem:v11+s1+$0x0] =	vst.idx.msk $0xffff, v10  }
0x116: {  	v10 =	vld [tilespmem:$0x1FF70];
	[tilespmem:v13+s1+$0x0] =	vst.idx.msk $0xffff, v14  }
0x117: {  	v13 =	vld [tilespmem:$0x1FE90];
	_ =	sdelay $0x6  }
0x118: {  	v5 =	vld.idx.msk [tilespmem:v40+s22+$0x0], $0xffff  }
0x119: {  	v11 =	vld.idx.msk [tilespmem:v46+s22+$0x0], $0xffff;
	v0 =	vor.u32 v53, v35;
	[tilespmem:v13+s1+$0x0] =	vst.idx.msk $0xffff, v55  }
0x11a: {  	v15 =	vld [tilespmem:$0x1FEA0]  }
0x11b: {  	v6 =	vor.u32 v53, v44;
	v10 =	vld.idx.msk [tilespmem:v10+s22+$0x0], $0xffff  }
0x11c: {  	v14 =	vor.u32 v53, v30;
	v13 =	vld.idx.msk [tilespmem:v50+s22+$0x0], $0xffff;
	_ =	sdelay $0x1  }
0x11d: {  	[tilespmem:v0+s1+$0x0] =	vst.idx.msk $0xffff, v5  }
0x11e: {  	[tilespmem:v45+s1+$0x0] =	vst.idx.msk $0xffff, v11  }
0x11f: {  	[tilespmem:v6+s1+$0x0] =	vst.idx.msk $0xffff, v10  }
0x120: {  	[tilespmem:v14+s1+$0x0] =	vst.idx.msk $0xffff, v13  }
0x121: {  	[tilespmem:v15+s1+$0x0] =	vst.idx.msk $0xffff, v20  }
0x122: {  	v10 =	vld [tilespmem:$0x1FF20];
	_ =	sdelay $0x7  }
0x123: {  	[tilespmem:v10+s1+$0x0] =	vst.idx.msk $0xffff, v17  }
0x124: {  	v4 =	vor.u32 v4, v28;
	v13 =	vld [tilespmem:$0x1FEC0];
	_ =	sdelay $0x2  }
0x125: {  	v15 =	vld.idx.msk [tilespmem:v25+s22+$0x0], $0xffff  }
0x126: {  	v0 =	vld.idx.msk [tilespmem:v37+s22+$0x0], $0xffff  }
0x127: {  	v5 =	vor.u32 v59, v44;
	v4 =	vld.idx.msk [tilespmem:v4+s22+$0x0], $0xffff  }
0x128: {  	v6 =	vld.idx.msk [tilespmem:v34+s22+$0x0], $0xffff  }
0x129: {  	v9 =	vld.idx.msk [tilespmem:v9+s22+$0x0], $0xffff  }
0x12a: {  	v11 =	vld [tilespmem:$0x1FED0];
	[tilespmem:v13+s1+$0x0] =	vst.idx.msk $0xffff, v15  }
0x12b: {  	v13 =	vld [tilespmem:$0x1FF10];
	[tilespmem:v42+s1+$0x0] =	vst.idx.msk $0xffff, v0  }
0x12c: {  	[tilespmem:v5+s1+$0x0] =	vst.idx.msk $0xffff, v4  }
0x12d: {  	[tilespmem:v27+s1+$0x0] =	vst.idx.msk $0xffff, v6  }
0x12e: {  	[tilespmem:v12+s1+$0x0] =	vst.idx.msk $0xffff, v9  }
0x12f: {  	v6 =	vld [tilespmem:$0x1FE70];
	_ =	sdelay $0x2  }
0x130: {  	v10 =	vor.u32 v58, v26;
	v11 =	vld.idx.msk [tilespmem:v11+s22+$0x0], $0xffff;
	_ =	sdelay $0x4  }
0x131: {  	[tilespmem:v6+s1+$0x0] =	vst.idx.msk $0xffff, v11;
	v6 =	vld.idx.msk [tilespmem:v10+s22+$0x0], $0xffff  }
0x132: {  	v10 =	vld [tilespmem:$0x1FEE0];
	_ =	sdelay $0x2  }
0x133: {  	v13 =	vld.idx.msk [tilespmem:v13+s22+$0x0], $0xffff  }
0x134: {  	v0 =	vld.idx.msk [tilespmem:v39+s22+$0x0], $0xffff  }
0x135: {  	v4 =	vld.idx.msk [tilespmem:v36+s22+$0x0], $0xffff  }
0x136: {  	v5 =	vld.idx.msk [tilespmem:v32+s22+$0x0], $0xffff;
	_ =	sdelay $0x1  }
0x137: {  	v9 =	vld [tilespmem:$0x1FF00];
	[tilespmem:v10+s1+$0x0] =	vst.idx.msk $0xffff, v13  }
0x138: {  	v10 =	vld [tilespmem:$0x1FEF0];
	[tilespmem:v43+s1+$0x0] =	vst.idx.msk $0xffff, v0  }
0x139: {  	[tilespmem:v3+s1+$0x0] =	vst.idx.msk $0xffff, v4  }
0x13a: {  	[tilespmem:v38+s1+$0x0] =	vst.idx.msk $0xffff, v5  }
0x13b: {  	[tilespmem:v48+s1+$0x0] =	vst.idx.msk $0xffff, v6  }
0x13c: {  	v4 =	vld [tilespmem:$0x1FE80];
	_ =	sdelay $0x2  }
0x13d: {  	v9 =	vld.idx.msk [tilespmem:v9+s22+$0x0], $0xffff;
	_ =	sdelay $0x4  }
0x13e: {  	[tilespmem:v4+s1+$0x0] =	vst.idx.msk $0xffff, v9  }
0x13f: {  	v5 =	vld [tilespmem:$0x1FEB0];
	_ =	sdelay $0x2  }
0x140: {  	v10 =	vld.idx.msk [tilespmem:v10+s22+$0x0], $0xffff;
	_ =	sdelay $0x4  }
0x141: {  	[tilespmem:v5+s1+$0x0] =	vst.idx.msk $0xffff, v10  }
0x142: {  	v5 =	vld [tilespmem:$0x1FF40];
	_ =	sdelay $0x1  }
0x143: {  	v2 =	vld.idx.msk [tilespmem:v2+s22+$0x0], $0xffff  }
0x144: {  	v0 =	vld.idx.msk [tilespmem:v8+s22+$0x0], $0xffff;
	_ =	sdelay $0x3  }
0x145: {  	[tilespmem:v33+s1+$0x0] =	vst.idx.msk $0xffff, v2  }
0x146: {  	[tilespmem:v5+s1+$0x0] =	vst.idx.msk $0xffff, v0  }
0x147: {  	v0 =	vld [tilespmem:$0x1FF50];
	_ =	sdelay $0x2  }
0x148: {  	v3 =	vld.idx.msk [tilespmem:v7+s22+$0x0], $0xffff;
	_ =	sdelay $0x4  }
0x149: {  	[tilespmem:v0+s1+$0x0] =	vst.idx.msk $0xffff, v3  }
0x14a: {  	v0 =	vld [tilespmem:$0x1FF60];
	_ =	sdelay $0x2  }
0x14b: {  	v4 =	vld.idx.msk [tilespmem:v60+s22+$0x0], $0xffff  }
0x14c: {  	s0 =	sadd.s32 s3, s21  }
0x14d: {  	s2 =	sshll.u32 s0, $0xC;
	s0 =	sshll.u32 s0, $0xA  }
0x14e: {  	s2 =	sand.u32 $0xFF0000, s2;
	s0 =	sand.u32 $0x3800, s0  }
0x14f: {  	s23 =	rddreg [dreg:$0x2];
	s2 =	sor.u32 s0, s2  }
0x150: {  	s4 =	simm.s32 $0x11800;
	s10 =	simm.s32 $0x0;
	s0 =	sadd.s32 s23, s2;
	[tilespmem:v0+s1+$0x0] =	vst.idx.msk $0xffff, v4  }
0x151: {  	[hbm4b:s0+s5] =	stream.linear.scatter [tilespmem:s1], [sflag:$0x3], $0x1000, $0x38;
	[tilespmem:$0x18800] =	vst v63  }
0x152: {  	s8 =	simm.s32 $0x12800;
	s18 =	simm.s32 $0x0;
	s0 =	sand.u32 $0x1C, s10  }
0x153: {  	s24 =	sadd.s32 s2, s11;
	s23 =	sor.u32 $0x200, s18;
	s10 =	sor.u32 $0x3, s0  }
0x154: {  	v47 =	vlaneseq.u32;
	[hbm4b:s24+s5] =	stream.linear.scatter [tilespmem:s4], [sflag:$0x3], $0x1000, $0x38;
	[tilespmem:$0x18800] =	vst v63  }
0x155: {  	v2 =	vadd.s32 s0, v47;
	s4 =	sadd.s32 s2, s12;
	s24 =	sor.u32 $0x1, s0;
	s0 =	sor.u32 $0x2, s0  }
0x156: {  	[hbm4b:s4+s5] =	stream.linear.scatter [tilespmem:s8], [sflag:$0x3], $0x1000, $0x38;
	[tilespmem:$0x18800] =	vst v63  }
0x157: {  	v0 =	vmov s23;
	v4 =	vadd.s32 s10, v47;
	s10 =	simm.s32 $0x13800;
	v6 =	vadd.s32 s0, v47;
	s0 =	simm.s32 @!p1 $0x4;
	s8 =	sadd.s32 s2, s13  }
0x158: {  	v0 =	vshll.u32 v0, $0x5;
	[hbm4b:s8+s5] =	stream.linear.scatter [tilespmem:s10], [sflag:$0x3], $0x1000, $0x38;
	[tilespmem:$0x18800] =	vst v63  }
0x159: {  	v5 =	vor.u32 v1, v0;
	v0 =	vand.u32 $0x1F, v4;
	_ =	swait.ge @!p1 [sflag:s0], $0x4000  }
0x15a: {  	v7 =	vor.u32 v5, v0;
	v60 =	vld [tilespmem:$0x1FFD0]  }
0x15b: {  	v8 =	vshll.u32 v4, $0x9;
	v4 =	vshll.u32 v4, $0x7  }
0x15c: {  	s23 =	simm.s32 $0x0;
	v8 =	vand.u32 $0x3000, v8;
	v4 =	vand.u32 $0x380, v4  }
0x15d: {  	v9 =	vor.u32 s23, v47;
	v4 =	vor.u32 v8, v4;
	[sflag:s0] =	ssyncset.done @!p1 $0x0  }
0x15e: {  	v4 =	vor.u32 v9, v4;
	[sflag:s0] =	ssyncadd.s32 @!p1 $0xFFFFC000  }
0x15f: {  	v7 =	vld.idx.msk [tilespmem:v7+s22+$0x0], $0xffff;
	v11 =	vand.u32 v60, v4;
	_ =	sdelay $0x1  }
0x160: {  	v3 =	vadd.s32 s24, v47;
	s24 =	sor.u32 $0x210, s18  }
0x161: {  	v10 =	vmov s24  }
0x162: {  	v8 =	vshll.u32 v10, $0x5  }
0x163: {  	v8 =	vor.u32 v1, v8;
	[tilespmem:v11+s25+$0x0] =	vst.idx.msk $0xffff, v7  }
0x164: {  	v23 =	vand.u32 $0x1F, v2;
	v16 =	vshll.u32 v2, $0x9;
	v14 =	vor.u32 v8, v0;
	v62 =	vld [tilespmem:$0x1FFE0]  }
0x165: {  	v17 =	vshll.u32 v2, $0x7;
	v16 =	vand.u32 $0x3000, v16;
	v21 =	vand.u32 $0x1F, v3  }
0x166: {  	v22 =	vand.u32 $0x1F, v6;
	v12 =	vshll.u32 v3, $0x9;
	v3 =	vshll.u32 v3, $0x7;
	s8 =	sor.u32 $0x220, s18  }
0x167: {  	v15 =	vshll.u32 v6, $0x9;
	v6 =	vshll.u32 v6, $0x7;
	v2 =	vmov s8  }
0x168: {  	v10 =	vor.u32 v5, v23;
	v7 =	vshll.u32 v2, $0x5;
	v2 =	vand.u32 $0x3F88, v4  }
0x169: {  	v13 =	vor.u32 v5, v21;
	v5 =	vor.u32 v5, v22;
	v11 =	vld.idx.msk [tilespmem:v14+s22+$0x0], $0xffff;
	v14 =	vor.u32 v62, v2  }
0x16a: {  	v12 =	vand.u32 $0x3000, v12;
	v3 =	vand.u32 $0x380, v3;
	v4 =	vand.u32 $0x380, v17  }
0x16b: {  	v15 =	vand.u32 $0x3000, v15;
	v6 =	vand.u32 $0x380, v6;
	v4 =	vor.u32 v16, v4  }
0x16c: {  	v3 =	vor.u32 v12, v3;
	v6 =	vor.u32 v15, v6;
	v4 =	vor.u32 v9, v4  }
0x16d: {  	v3 =	vor.u32 v9, v3;
	v6 =	vor.u32 v9, v6;
	v10 =	vld.idx.msk [tilespmem:v10+s22+$0x0], $0xffff;
	v9 =	vand.u32 v60, v4  }
0x16e: {  	v7 =	vor.u32 v1, v7;
	v16 =	vor.u32 v8, v23;
	[tilespmem:v14+s25+$0x0] =	vst.idx.msk $0xffff, v11  }
0x16f: {  	v19 =	vor.u32 v8, v21;
	v15 =	vand.u32 v60, v3;
	v12 =	vor.u32 v7, v0;
	v63 =	vld [tilespmem:$0x1FFF0]  }
0x170: {  	v13 =	vld.idx.msk [tilespmem:v13+s22+$0x0], $0xffff;
	v17 =	vand.u32 v60, v6;
	v6 =	vand.u32 $0x3F88, v6;
	v8 =	vor.u32 v8, v22  }
0x171: {  	s10 =	sor.u32 $0x230, s18;
	v5 =	vld.idx.msk [tilespmem:v5+s22+$0x0], $0xffff;
	v30 =	vor.u32 v57, v6;
	v46 =	vor.u32 v53, v2;
	v20 =	vand.u32 $0x3F88, v4  }
0x172: {  	v18 =	vmov s10;
	v29 =	vor.u32 v57, v20;
	v34 =	vor.u32 v53, v20;
	[tilespmem:v9+s25+$0x0] =	vst.idx.msk $0xffff, v10  }
0x173: {  	v35 =	vor.u32 v59, v20;
	v11 =	vshll.u32 v18, $0x5;
	v9 =	vor.u32 v62, v20;
	v14 =	vld.idx.msk [tilespmem:v16+s22+$0x0], $0xffff  }
0x174: {  	v18 =	vand.u32 $0x3F88, v3;
	v3 =	vld.idx.msk [tilespmem:v12+s22+$0x0], $0xffff;
	v11 =	vor.u32 v1, v11;
	v12 =	vor.u32 v63, v2  }
0x175: {  	[tilespmem:v15+s25+$0x0] =	vst.idx.msk $0xffff, v13;
	v4 =	vor.u32 v62, v18;
	v13 =	vor.u32 v11, v0  }
0x176: {  	s10 =	simm.s32 $0x4;
	v10 =	vor.u32 v62, v6;
	v15 =	vor.u32 v7, v23;
	[tilespmem:v17+s25+$0x0] =	vst.idx.msk $0xffff, v5;
	v5 =	vld.idx.msk [tilespmem:v19+s22+$0x0], $0xffff  }
0x177: {  	s0 =	sand.u32 $0x1C, s10;
	v28 =	vor.u32 v57, v18;
	v32 =	vor.u32 v53, v18;
	v16 =	vor.u32 v7, v21;
	v8 =	vld.idx.msk [tilespmem:v8+s22+$0x0], $0xffff  }
0x178: {  	s23 =	sor.u32 $0x240, s18;
	v42 =	vadd.s32 s0, v47;
	v7 =	vor.u32 v7, v22;
	v26 =	vor.u32 v11, v23;
	[tilespmem:v9+s25+$0x0] =	vst.idx.msk $0xffff, v14  }
0x179: {  	v19 =	vmov s23;
	v27 =	vor.u32 v11, v22;
	v24 =	vor.u32 v63, v18;
	[tilespmem:v12+s25+$0x0] =	vst.idx.msk $0xffff, v3  }
0x17a: {  	s8 =	sor.u32 $0x1, s0;
	v3 =	vshll.u32 v19, $0x5;
	v19 =	vor.u32 v11, v21;
	v12 =	vor.u32 v57, v2;
	v11 =	vld.idx.msk [tilespmem:v13+s22+$0x0], $0xffff  }
0x17b: {  	s24 =	sor.u32 $0x250, s18;
	v36 =	vadd.s32 s8, v47;
	v17 =	vor.u32 v63, v6;
	[tilespmem:v4+s25+$0x0] =	vst.idx.msk $0xffff, v5;
	v3 =	vor.u32 v1, v3  }
0x17c: {  	v25 =	vor.u32 v63, v20;
	[tilespmem:v10+s25+$0x0] =	vst.idx.msk $0xffff, v8;
	v10 =	vmov s24;
	v5 =	vld.idx.msk [tilespmem:v15+s22+$0x0], $0xffff;
	v13 =	vor.u32 v3, v0  }
0x17d: {  	v8 =	vor.u32 v53, v6;
	v4 =	vor.u32 v59, v18;
	s24 =	sor.u32 $0x3, s0;
	s0 =	sor.u32 $0x2, s0;
	v10 =	vshll.u32 v10, $0x5;
	v7 =	vld.idx.msk [tilespmem:v7+s22+$0x0], $0xffff  }
0x17e: {  	v16 =	vld.idx.msk [tilespmem:v16+s22+$0x0], $0xffff;
	v50 =	vadd.s32 s24, v47;
	v44 =	vadd.s32 s0, v47;
	v10 =	vor.u32 v1, v10  }
0x17f: {  	v52 =	vshll.u32 v50, $0x9;
	v37 =	vor.u32 v10, v23;
	v38 =	vor.u32 v10, v21;
	[tilespmem:v12+s25+$0x0] =	vst.idx.msk $0xffff, v11  }
0x180: {  	s4 =	sor.u32 $0x260, s18;
	v49 =	vor.u32 v10, v0;
	v9 =	vor.u32 v3, v23;
	v31 =	vor.u32 v3, v21;
	v55 =	vld [tilespmem:$0x1FFB0]  }
0x181: {  	v61 =	vor.u32 v3, v22;
	v3 =	vor.u32 v59, v6;
	v48 =	vld.idx.msk [tilespmem:v13+s22+$0x0], $0xffff;
	v13 =	vmov s4;
	[tilespmem:v25+s25+$0x0] =	vst.idx.msk $0xffff, v5;
	s4 =	simm.s32 $0x0  }
0x182: {  	s18 =	sor.u32 $0x270, s18;
	v25 =	vor.u32 v10, v22;
	v56 =	vld [tilespmem:$0x1FFC0];
	v5 =	vshll.u32 v13, $0x5;
	s23 =	sor.u32 $0x200, s4;
	[tilespmem:v17+s25+$0x0] =	vst.idx.msk $0xffff, v7;
	v17 =	vand.u32 $0x1F, v36  }
0x183: {  	[tilespmem:v24+s25+$0x0] =	vst.idx.msk $0xffff, v16;
	v7 =	vmov s18;
	v41 =	vor.u32 v1, v5;
	v16 =	vmov s23  }
0x184: {  	v7 =	vshll.u32 v7, $0x5;
	v5 =	vor.u32 v41, v21;
	v16 =	vshll.u32 v16, $0x5  }
0x185: {  	v26 =	vld.idx.msk [tilespmem:v26+s22+$0x0], $0xffff;
	v24 =	vor.u32 v41, v0;
	v7 =	vor.u32 v1, v7;
	v43 =	vor.u32 v1, v16  }
0x186: {  	v19 =	vld.idx.msk [tilespmem:v19+s22+$0x0], $0xffff;
	v16 =	vand.u32 $0x1F, v50;
	v0 =	vor.u32 v7, v0;
	v14 =	vor.u32 v55, v18  }
0x187: {  	v27 =	vld.idx.msk [tilespmem:v27+s22+$0x0], $0xffff;
	v11 =	vor.u32 v55, v6;
	v15 =	vor.u32 v55, v20;
	v51 =	vor.u32 v43, v16  }
0x188: {  	[tilespmem:v46+s25+$0x0] =	vst.idx.msk $0xffff, v48;
	v48 =	vshll.u32 v36, $0x9;
	v12 =	vor.u32 v56, v18;
	v13 =	vor.u32 v56, v20  }
0x189: {  	v10 =	vor.u32 v56, v6;
	v20 =	vor.u32 v59, v2;
	v6 =	vor.u32 v41, v23  }
0x18a: {  	s24 =	sor.u32 $0x210, s4;
	v40 =	vld.idx.msk [tilespmem:v49+s22+$0x0], $0xffff;
	v18 =	vand.u32 $0x1F, v44;
	[tilespmem:v29+s25+$0x0] =	vst.idx.msk $0xffff, v26;
	v26 =	vshll.u32 v50, $0x7;
	v29 =	vor.u32 v55, v2  }
0x18b: {  	v54 =	vmov s24;
	v49 =	vor.u32 v43, v17;
	v2 =	vor.u32 v56, v2;
	v9 =	vld.idx.msk [tilespmem:v9+s22+$0x0], $0xffff;
	[tilespmem:v28+s25+$0x0] =	vst.idx.msk $0xffff, v19  }
0x18c: {  	s23 =	simm.s32 $0x0;
	v19 =	vand.u32 $0x3000, v52;
	v26 =	vand.u32 $0x380, v26;
	[tilespmem:v30+s25+$0x0] =	vst.idx.msk $0xffff, v27;
	v52 =	vor.u32 v43, v18;
	v28 =	vld.idx.msk [tilespmem:v31+s22+$0x0], $0xffff  }
0x18d: {  	v31 =	vor.u32 s23, v47;
	v19 =	vor.u32 v19, v26;
	v26 =	vshll.u32 v54, $0x5;
	v27 =	vld.idx.msk [tilespmem:v61+s22+$0x0], $0xffff  }
0x18e: {  	v54 =	vshll.u32 v44, $0x7;
	v19 =	vor.u32 v31, v19;
	v26 =	vor.u32 v1, v26  }
0x18f: {  	v58 =	vand.u32 v60, v19;
	v61 =	vld.idx.msk [tilespmem:v51+s22+$0x0], $0xffff;
	v50 =	vor.u32 v26, v16;
	[tilespmem:v20+s25+$0x0] =	vst.idx.msk $0xffff, v40  }
0x190: {  	v51 =	vshll.u32 v44, $0x9;
	v46 =	vor.u32 v26, v17;
	v20 =	vand.u32 $0x1F, v42;
	v24 =	vld.idx.msk [tilespmem:v24+s22+$0x0], $0xffff;
	[tilespmem:v34+s25+$0x0] =	vst.idx.msk $0xffff, v9  }
0x191: {  	s8 =	sor.u32 $0x220, s4;
	v19 =	vand.u32 $0x3F88, v19;
	v47 =	vor.u32 v26, v18;
	v30 =	vor.u32 v43, v20;
	[tilespmem:v32+s25+$0x0] =	vst.idx.msk $0xffff, v28  }
0x192: {  	v9 =	vshll.u32 v36, $0x7;
	v28 =	vshll.u32 v42, $0x9;
	[tilespmem:v8+s25+$0x0] =	vst.idx.msk $0xffff, v27;
	v8 =	vmov s8  }
0x193: {  	v37 =	vld.idx.msk [tilespmem:v37+s22+$0x0], $0xffff;
	v27 =	vand.u32 $0x3000, v51;
	v32 =	vand.u32 $0x380, v54;
	v54 =	vor.u32 v57, v19  }
0x194: {  	v9 =	vand.u32 $0x380, v9;
	v8 =	vshll.u32 v8, $0x5;
	v27 =	vor.u32 v27, v32;
	v25 =	vld.idx.msk [tilespmem:v25+s22+$0x0], $0xffff;
	[tilespmem:v58+s25+$0x0] =	vst.idx.msk $0xffff, v61  }
0x195: {  	v58 =	vor.u32 v62, v19;
	v8 =	vor.u32 v1, v8;
	v33 =	vld.idx.msk [tilespmem:v50+s22+$0x0], $0xffff;
	[tilespmem:v29+s25+$0x0] =	vst.idx.msk $0xffff, v24  }
0x196: {  	v61 =	vor.u32 v8, v16;
	v50 =	vor.u32 v8, v17;
	v24 =	vshll.u32 v42, $0x7;
	v0 =	vld.idx.msk [tilespmem:v0+s22+$0x0], $0xffff  }
0x197: {  	v29 =	vand.u32 $0x3000, v48;
	v48 =	vor.u32 v8, v20;
	v8 =	vor.u32 v8, v18  }
0x198: {  	v28 =	vand.u32 $0x3000, v28;
	v24 =	vand.u32 $0x380, v24;
	v9 =	vor.u32 v29, v9;
	v29 =	vld.idx.msk [tilespmem:v38+s22+$0x0], $0xffff;
	[tilespmem:v35+s25+$0x0] =	vst.idx.msk $0xffff, v37  }
0x199: {  	v30 =	vld.idx.msk [tilespmem:v30+s22+$0x0], $0xffff;
	v38 =	vor.u32 v7, v22;
	v24 =	vor.u32 v28, v24;
	v9 =	vor.u32 v31, v9  }
0x19a: {  	v28 =	vld.idx.msk [tilespmem:v49+s22+$0x0], $0xffff;
	[tilespmem:v3+s25+$0x0] =	vst.idx.msk $0xffff, v25;
	v24 =	vor.u32 v31, v24;
	v42 =	vand.u32 v60, v9  }
0x19b: {  	s18 =	sor.u32 $0x230, s4;
	v49 =	vand.u32 $0x3F88, v9;
	v43 =	vand.u32 v60, v24;
	[tilespmem:v2+s25+$0x0] =	vst.idx.msk $0xffff, v0;
	v0 =	vor.u32 v31, v27  }
0x19c: {  	v45 =	vld.idx.msk [tilespmem:v52+s22+$0x0], $0xffff;
	[tilespmem:v58+s25+$0x0] =	vst.idx.msk $0xffff, v33;
	v2 =	vor.u32 v26, v20;
	v27 =	vmov s18;
	v44 =	vand.u32 v60, v0  }
0x19d: {  	v9 =	vor.u32 v63, v19;
	v32 =	vor.u32 v57, v49;
	[tilespmem:v4+s25+$0x0] =	vst.idx.msk $0xffff, v29;
	v4 =	vshll.u32 v27, $0x5  }
0x19e: {  	v39 =	vor.u32 v55, v49;
	v26 =	vand.u32 $0x3F88, v0;
	v0 =	vld.idx.msk [tilespmem:v61+s22+$0x0], $0xffff;
	v4 =	vor.u32 v1, v4  }
0x19f: {  	v31 =	vor.u32 v41, v22;
	[tilespmem:v42+s25+$0x0] =	vst.idx.msk $0xffff, v28;
	v28 =	vor.u32 v4, v16  }
0x1a0: {  	s23 =	sor.u32 $0x240, s4;
	v27 =	vand.u32 $0x3F88, v24;
	v24 =	vor.u32 v62, v49;
	[tilespmem:v43+s25+$0x0] =	vst.idx.msk $0xffff, v30;
	v34 =	vld.idx.msk [tilespmem:v46+s22+$0x0], $0xffff  }
0x1a1: {  	v3 =	vmov s23;
	v41 =	vor.u32 v63, v49;
	v29 =	vor.u32 v62, v27;
	v2 =	vld.idx.msk [tilespmem:v2+s22+$0x0], $0xffff;
	[tilespmem:v44+s25+$0x0] =	vst.idx.msk $0xffff, v45  }
0x1a2: {  	v42 =	vor.u32 v63, v26;
	v51 =	vor.u32 v63, v27;
	v30 =	vor.u32 v62, v26;
	v25 =	vld.idx.msk [tilespmem:v47+s22+$0x0], $0xffff  }
0x1a3: {  	v33 =	vor.u32 v57, v27;
	v43 =	vor.u32 v4, v20;
	[tilespmem:v9+s25+$0x0] =	vst.idx.msk $0xffff, v0;
	v0 =	vshll.u32 v3, $0x5  }
0x1a4: {  	s24 =	sor.u32 $0x250, s4;
	v52 =	vor.u32 v4, v17;
	v40 =	vor.u32 v4, v18;
	v0 =	vor.u32 v1, v0;
	v28 =	vld.idx.msk [tilespmem:v28+s22+$0x0], $0xffff  }
0x1a5: {  	v4 =	vor.u32 v53, v27;
	v3 =	vld.idx.msk [tilespmem:v6+s22+$0x0], $0xffff;
	v6 =	vmov s24;
	v58 =	vor.u32 v0, v16;
	[tilespmem:v24+s25+$0x0] =	vst.idx.msk $0xffff, v34  }
0x1a6: {  	v9 =	vor.u32 v57, v26;
	v6 =	vshll.u32 v6, $0x5;
	v34 =	vld.idx.msk [tilespmem:v50+s22+$0x0], $0xffff;
	[tilespmem:v29+s25+$0x0] =	vst.idx.msk $0xffff, v2  }
0x1a7: {  	v47 =	vor.u32 v53, v19;
	v37 =	vor.u32 v0, v20;
	v29 =	vld.idx.msk [tilespmem:v48+s22+$0x0], $0xffff;
	[tilespmem:v30+s25+$0x0] =	vst.idx.msk $0xffff, v25  }
0x1a8: {  	v35 =	vor.u32 v0, v17;
	v36 =	vor.u32 v0, v18;
	v0 =	vor.u32 v53, v26;
	v30 =	vld.idx.msk [tilespmem:v8+s22+$0x0], $0xffff  }
0x1a9: {  	v24 =	vor.u32 v59, v26;
	v61 =	vor.u32 v1, v6;
	[tilespmem:v54+s25+$0x0] =	vst.idx.msk $0xffff, v28  }
0x1aa: {  	v6 =	vor.u32 v61, v17;
	v2 =	vor.u32 v53, v49;
	v48 =	vor.u32 v61, v16;
	v46 =	vld.idx.msk [tilespmem:v58+s22+$0x0], $0xffff  }
0x1ab: {  	v25 =	vor.u32 v59, v49;
	v28 =	vor.u32 v59, v27;
	v8 =	vld.idx.msk [tilespmem:v5+s22+$0x0], $0xffff;
	[tilespmem:v41+s25+$0x0] =	vst.idx.msk $0xffff, v34  }
0x1ac: {  	v5 =	vor.u32 v55, v26;
	v34 =	vor.u32 v61, v20;
	v45 =	vld.idx.msk [tilespmem:v52+s22+$0x0], $0xffff;
	[tilespmem:v51+s25+$0x0] =	vst.idx.msk $0xffff, v29  }
0x1ad: {  	v54 =	vlaneseq.u32;
	v41 =	vor.u32 v55, v27;
	v44 =	vld.idx.msk [tilespmem:v43+s22+$0x0], $0xffff;
	v43 =	vor.u32 v7, v23;
	[tilespmem:v42+s25+$0x0] =	vst.idx.msk $0xffff, v30  }
0x1ae: {  	s18 =	sor.u32 $0x260, s4;
	v29 =	vld.idx.msk [tilespmem:v31+s22+$0x0], $0xffff;
	v42 =	vor.u32 v7, v21;
	v7 =	vor.u32 v61, v18;
	v30 =	vor.u32 v56, v49  }
.LBB2_8:
0x1af: {  	s10 =	sadd.s32 $0x4, s10;
	v49 =	vmov s18;
	v27 =	vor.u32 v56, v27;
	v31 =	vld.idx.msk [tilespmem:v40+s22+$0x0], $0xffff;
	v26 =	vor.u32 v56, v26;
	[tilespmem:v47+s25+$0x0] =	vst.idx.msk $0xffff, v46  }
0x1b0: {  	v22 =	vmovc v17;
	v21 =	vmov v18;
	v23 =	vmov v20;
	s18 =	sshrl.u32 s10, $0x5;
	p1 =	slt.u32 s10, $0x7C;
	v40 =	vshll.u32 v49, $0x5;
	v46 =	vld.idx.msk [tilespmem:v48+s22+$0x0], $0xffff;
	[tilespmem:v15+s25+$0x0] =	vst.idx.msk $0xffff, v3  }
0x1b1: {  	v18 =	vor.u32 v59, v19;
	s0 =	sshll.u32 s18, $0x7;
	v3 =	vor.u32 v1, v40;
	[tilespmem:v14+s25+$0x0] =	vst.idx.msk $0xffff, v8;
	v14 =	vmov v39  }
0x1b2: {  	s23 =	sand.u32 $0x1C, s10;
	s24 =	sor.u32 $0x200, s0;
	v39 =	vor.u32 v3, v23;
	v8 =	vor.u32 v3, v22;
	v20 =	vor.u32 v3, v16;
	v40 =	vld.idx.msk [tilespmem:v43+s22+$0x0], $0xffff  }
0x1b3: {  	v15 =	vmovc v41;
	s8 =	sor.u32 $0x2, s23;
	v43 =	vadd.s32 s23, v54;
	v17 =	vmov s24;
	s24 =	sor.u32 $0x1, s23;
	s23 =	sor.u32 $0x3, s23;
	[tilespmem:v33+s25+$0x0] =	vst.idx.msk $0xffff, v44;
	v33 =	vor.u32 v3, v21;
	v3 =	vld.idx.msk [tilespmem:v42+s22+$0x0], $0xffff  }
0x1b4: {  	v17 =	vshll.u32 v17, $0x5;
	v41 =	vadd.s32 s24, v54;
	v42 =	vadd.s32 s23, v54;
	v37 =	vld.idx.msk [tilespmem:v37+s22+$0x0], $0xffff;
	[tilespmem:v32+s25+$0x0] =	vst.idx.msk $0xffff, v45  }
0x1b5: {  	v44 =	vadd.s32 s8, v54;
	s8 =	sor.u32 $0x270, s4;
	s4 =	smov.u32 s0;
	v32 =	vor.u32 v1, v17;
	v45 =	vand.u32 $0x1F, v42;
	v35 =	vld.idx.msk [tilespmem:v35+s22+$0x0], $0xffff;
	[tilespmem:v9+s25+$0x0] =	vst.idx.msk $0xffff, v31  }
0x1b6: {  	v17 =	vand.u32 $0x1F, v41;
	v31 =	vmov s8;
	v9 =	vor.u32 v32, v45;
	v36 =	vld.idx.msk [tilespmem:v36+s22+$0x0], $0xffff;
	[tilespmem:v18+s25+$0x0] =	vst.idx.msk $0xffff, v46  }
0x1b7: {  	v18 =	vand.u32 $0x1F, v44;
	v46 =	vshll.u32 v42, $0x9;
	v31 =	vshll.u32 v31, $0x5;
	v47 =	vld.idx.msk [tilespmem:v20+s22+$0x0], $0xffff;
	[tilespmem:v11+s25+$0x0] =	vst.idx.msk $0xffff, v29;
	v11 =	vmovc v5  }
0x1b8: {  	v5 =	vshll.u32 v42, $0x7;
	v31 =	vor.u32 v1, v31;
	v29 =	vor.u32 v55, v19;
	v38 =	vld.idx.msk [tilespmem:v38+s22+$0x0], $0xffff  }
0x1b9: {  	s0 =	sshll.u32 s18, $0xA;
	s8 =	sor.u32 $0x210, s4;
	v20 =	vand.u32 $0x3000, v46;
	v5 =	vand.u32 $0x380, v5;
	v42 =	vor.u32 v31, v16;
	[tilespmem:v13+s25+$0x0] =	vst.idx.msk $0xffff, v40;
	v13 =	vmovc v27  }
0x1ba: {  	v16 =	vmovc v45;
	v27 =	vor.u32 s0, v54;
	v40 =	vmov s8;
	v5 =	vor.u32 v20, v5;
	[tilespmem:v4+s25+$0x0] =	vst.idx.msk $0xffff, v37  }
0x1bb: {  	v20 =	vand.u32 $0x1F, v43;
	v4 =	vshll.u32 v40, $0x5;
	v5 =	vor.u32 v27, v5;
	v9 =	vld.idx.msk [tilespmem:v9+s22+$0x0], $0xffff;
	[tilespmem:v2+s25+$0x0] =	vst.idx.msk $0xffff, v35  }
0x1bc: {  	v2 =	vor.u32 v32, v20;
	v4 =	vor.u32 v1, v4;
	v35 =	vand.u32 v60, v5;
	v34 =	vld.idx.msk [tilespmem:v34+s22+$0x0], $0xffff  }
0x1bd: {  	v37 =	vshll.u32 v41, $0x9;
	v40 =	vor.u32 v32, v17;
	v45 =	vor.u32 v4, v16;
	[tilespmem:v29+s25+$0x0] =	vst.idx.msk $0xffff, v47  }
0x1be: {  	v32 =	vor.u32 v32, v18;
	v29 =	vshll.u32 v41, $0x7;
	v41 =	vshll.u32 v44, $0x9;
	[tilespmem:v0+s25+$0x0] =	vst.idx.msk $0xffff, v36;
	v0 =	vld.idx.msk [tilespmem:v42+s22+$0x0], $0xffff  }
0x1bf: {  	v36 =	vshll.u32 v43, $0x9;
	v42 =	vshll.u32 v44, $0x7;
	v44 =	vor.u32 v56, v19;
	v6 =	vld.idx.msk [tilespmem:v6+s22+$0x0], $0xffff;
	[tilespmem:v12+s25+$0x0] =	vst.idx.msk $0xffff, v3  }
0x1c0: {  	s0 =	sor.u32 $0x220, s4;
	v37 =	vand.u32 $0x3000, v37;
	v29 =	vand.u32 $0x380, v29;
	v3 =	vshll.u32 v43, $0x7;
	v7 =	vld.idx.msk [tilespmem:v7+s22+$0x0], $0xffff;
	[tilespmem:v10+s25+$0x0] =	vst.idx.msk $0xffff, v38;
	v10 =	vmovc v26  }
0x1c1: {  	v19 =	vmov s0;
	v12 =	vmovc v30;
	v26 =	vand.u32 $0x3000, v41;
	v38 =	vand.u32 $0x380, v42;
	v2 =	vld.idx.msk [tilespmem:v2+s22+$0x0], $0xffff;
	[tilespmem:v35+s25+$0x0] =	vst.idx.msk $0xffff, v9  }
0x1c2: {  	v30 =	vshll.u32 v19, $0x5;
	v19 =	vand.u32 $0x3F88, v5;
	v9 =	vand.u32 $0x3000, v36;
	v35 =	vld.idx.msk [tilespmem:v45+s22+$0x0], $0xffff;
	[tilespmem:v28+s25+$0x0] =	vst.idx.msk $0xffff, v34  }
0x1c3: {  	v3 =	vand.u32 $0x380, v3;
	v5 =	vor.u32 v1, v30;
	v30 =	vor.u32 v62, v19;
	v28 =	vld.idx.msk [tilespmem:v40+s22+$0x0], $0xffff  }
0x1c4: {  	v29 =	vor.u32 v37, v29;
	v34 =	vor.u32 v5, v16;
	v32 =	vld.idx.msk [tilespmem:v32+s22+$0x0], $0xffff;
	[tilespmem:v44+s25+$0x0] =	vst.idx.msk $0xffff, v0  }
0x1c5: {  	v26 =	vor.u32 v26, v38;
	v0 =	vor.u32 v9, v3;
	v9 =	vor.u32 v27, v29;
	v3 =	vld.idx.msk [tilespmem:v39+s22+$0x0], $0xffff  }
0x1c6: {  	v26 =	vor.u32 v27, v26;
	v0 =	vor.u32 v27, v0;
	v29 =	vand.u32 v60, v9  }
0x1c7: {  	s0 =	sor.u32 $0x230, s4;
	v37 =	vor.u32 v4, v20;
	v38 =	vand.u32 v60, v26;
	v36 =	vand.u32 v60, v0  }
0x1c8: {  	v27 =	vmov s0;
	v39 =	vor.u32 v4, v17;
	v4 =	vor.u32 v4, v18;
	[tilespmem:v30+s25+$0x0] =	vst.idx.msk $0xffff, v35  }
0x1c9: {  	v26 =	vand.u32 $0x3F88, v26;
	v49 =	vand.u32 $0x3F88, v9;
	v30 =	vshll.u32 v27, $0x5;
	v9 =	vld.idx.msk [tilespmem:v34+s22+$0x0], $0xffff;
	[tilespmem:v25+s25+$0x0] =	vst.idx.msk $0xffff, v6  }
0x1ca: {  	v27 =	vand.u32 $0x3F88, v0;
	v0 =	vor.u32 v1, v30;
	v6 =	vor.u32 v63, v19;
	[tilespmem:v24+s25+$0x0] =	vst.idx.msk $0xffff, v7  }
0x1cb: {  	v7 =	vor.u32 v62, v49;
	v24 =	vor.u32 v0, v16;
	[tilespmem:v29+s25+$0x0] =	vst.idx.msk $0xffff, v28;
	v8 =	vld.idx.msk [tilespmem:v8+s22+$0x0], $0xffff  }
0x1cc: {  	v25 =	vor.u32 v62, v26;
	[tilespmem:v36+s25+$0x0] =	vst.idx.msk $0xffff, v2;
	v2 =	vor.u32 v62, v27;
	v29 =	vld.idx.msk [tilespmem:v33+s22+$0x0], $0xffff  }
0x1cd: {  	v30 =	vor.u32 v5, v20;
	v34 =	vor.u32 v5, v17;
	v28 =	vld.idx.msk [tilespmem:v37+s22+$0x0], $0xffff;
	[tilespmem:v38+s25+$0x0] =	vst.idx.msk $0xffff, v32  }
0x1ce: {  	v50 =	vor.u32 v63, v26;
	s0 =	sor.u32 $0x240, s4;
	v5 =	vor.u32 v5, v18;
	v38 =	vor.u32 v63, v49;
	v36 =	vld.idx.msk [tilespmem:v39+s22+$0x0], $0xffff  }
0x1cf: {  	v41 =	vor.u32 v63, v27;
	v42 =	vor.u32 v0, v20;
	v32 =	vmov s0;
	v39 =	vld.idx.msk [tilespmem:v4+s22+$0x0], $0xffff;
	[tilespmem:v6+s25+$0x0] =	vst.idx.msk $0xffff, v9  }
0x1d0: {  	v45 =	vor.u32 v0, v17;
	v40 =	vor.u32 v0, v18;
	v4 =	vshll.u32 v32, $0x5;
	v6 =	vld.idx.msk [tilespmem:v24+s22+$0x0], $0xffff  }
0x1d1: {  	v43 =	vor.u32 v57, v19;
	v32 =	vor.u32 v57, v49;
	v0 =	vor.u32 v1, v4  }
0x1d2: {  	v33 =	vor.u32 v57, v27;
	v9 =	vor.u32 v57, v26;
	v44 =	vor.u32 v0, v16  }
0x1d3: {  	v37 =	vor.u32 v0, v20;
	v35 =	vor.u32 v0, v17;
	[tilespmem:v2+s25+$0x0] =	vst.idx.msk $0xffff, v28  }
0x1d4: {  	v2 =	vor.u32 v53, v49;
	v30 =	vld.idx.msk [tilespmem:v30+s22+$0x0], $0xffff;
	[tilespmem:v7+s25+$0x0] =	vst.idx.msk $0xffff, v36;
	v36 =	vor.u32 v0, v18  }
0x1d5: {  	s0 =	sor.u32 $0x250, s4;
	v4 =	vor.u32 v53, v27;
	v0 =	vor.u32 v53, v26;
	v51 =	vld.idx.msk [tilespmem:v34+s22+$0x0], $0xffff;
	[tilespmem:v25+s25+$0x0] =	vst.idx.msk $0xffff, v39  }
0x1d6: {  	v24 =	vor.u32 v59, v26;
	v7 =	vmov s0;
	v25 =	vor.u32 v59, v49;
	v52 =	vld.idx.msk [tilespmem:v5+s22+$0x0], $0xffff;
	[tilespmem:v43+s25+$0x0] =	vst.idx.msk $0xffff, v6  }
0x1d7: {  	v28 =	vor.u32 v59, v27;
	v39 =	vor.u32 v55, v49;
	v5 =	vshll.u32 v7, $0x5;
	v46 =	vld.idx.msk [tilespmem:v44+s22+$0x0], $0xffff  }
.Ltmp3:
0x1d8: {  	v47 =	vor.u32 v53, v19;
	v7 =	vor.u32 v1, v5;
	v5 =	vor.u32 v55, v26;
	(pc) =	sbr.rel @p1 .LBB2_8-.Ltmp3, $4  }
0x1d9: {  	v34 =	vor.u32 v7, v20;
	v6 =	vor.u32 v7, v17;
	v48 =	vor.u32 v7, v16  }
0x1da: {  	v7 =	vor.u32 v7, v18;
	[tilespmem:v41+s25+$0x0] =	vst.idx.msk $0xffff, v30;
	v41 =	vor.u32 v55, v27  }
0x1db: {  	v43 =	vor.u32 v31, v23;
	v44 =	vld.idx.msk [tilespmem:v42+s22+$0x0], $0xffff;
	[tilespmem:v38+s25+$0x0] =	vst.idx.msk $0xffff, v51;
	v42 =	vor.u32 v31, v22  }
0x1dc: {  	s18 =	sor.u32 $0x260, s4;
	v30 =	vor.u32 v56, v49;
	v38 =	vor.u32 v31, v21;
	v45 =	vld.idx.msk [tilespmem:v45+s22+$0x0], $0xffff;
	[tilespmem:v50+s25+$0x0] =	vst.idx.msk $0xffff, v52  }
0x1dd: {  	_ =	sdelay $0x3  }
0x1de: {  	v21 =	vld.idx.msk [tilespmem:v40+s22+$0x0], $0xffff;
	_ =	sdelay $0x2  }
0x1df: {  	[tilespmem:v33+s25+$0x0] =	vst.idx.msk $0xffff, v44  }
0x1e0: {  	v22 =	vld.idx.msk [tilespmem:v37+s22+$0x0], $0xffff;
	[tilespmem:v32+s25+$0x0] =	vst.idx.msk $0xffff, v45  }
0x1e1: {  	v23 =	vld.idx.msk [tilespmem:v35+s22+$0x0], $0xffff;
	[tilespmem:v9+s25+$0x0] =	vst.idx.msk $0xffff, v21  }
0x1e2: {  	v9 =	vld.idx.msk [tilespmem:v36+s22+$0x0], $0xffff  }
0x1e3: {  	v21 =	vmov s18  }
0x1e4: {  	[tilespmem:v47+s25+$0x0] =	vst.idx.msk $0xffff, v46;
	v21 =	vshll.u32 v21, $0x5  }
0x1e5: {  	v49 =	vor.u32 v59, v19;
	v31 =	vld.idx.msk [tilespmem:v48+s22+$0x0], $0xffff;
	v21 =	vor.u32 v1, v21;
	[tilespmem:v4+s25+$0x0] =	vst.idx.msk $0xffff, v22  }
0x1e6: {  	v4 =	vor.u32 v21, v16;
	[tilespmem:v2+s25+$0x0] =	vst.idx.msk $0xffff, v23;
	v2 =	vld.idx.msk [tilespmem:v34+s22+$0x0], $0xffff  }
0x1e7: {  	v22 =	vor.u32 v21, v20;
	[tilespmem:v0+s25+$0x0] =	vst.idx.msk $0xffff, v9;
	v0 =	vld.idx.msk [tilespmem:v6+s22+$0x0], $0xffff  }
0x1e8: {  	[tilespmem:v15+s25+$0x0] =	vst.idx.msk $0xffff, v3;
	s0 =	sor.u32 $0x270, s4;
	v3 =	vor.u32 v21, v17;
	v6 =	vld.idx.msk [tilespmem:v7+s22+$0x0], $0xffff  }
0x1e9: {  	[tilespmem:v14+s25+$0x0] =	vst.idx.msk $0xffff, v8;
	v8 =	vmov s0;
	v7 =	vor.u32 v21, v18  }
0x1ea: {  	v8 =	vshll.u32 v8, $0x5;
	[tilespmem:v49+s25+$0x0] =	vst.idx.msk $0xffff, v31;
	v9 =	vld.idx.msk [tilespmem:v43+s22+$0x0], $0xffff  }
0x1eb: {  	v14 =	vor.u32 v55, v19;
	v8 =	vor.u32 v1, v8;
	v4 =	vld.idx.msk [tilespmem:v4+s22+$0x0], $0xffff;
	[tilespmem:v28+s25+$0x0] =	vst.idx.msk $0xffff, v2  }
0x1ec: {  	v2 =	vor.u32 v8, v16;
	v15 =	vld.idx.msk [tilespmem:v22+s22+$0x0], $0xffff;
	[tilespmem:v25+s25+$0x0] =	vst.idx.msk $0xffff, v0  }
0x1ed: {  	[tilespmem:v24+s25+$0x0] =	vst.idx.msk $0xffff, v6;
	v0 =	vld.idx.msk [tilespmem:v3+s22+$0x0], $0xffff;
	v3 =	vor.u32 v8, v20  }
0x1ee: {  	[tilespmem:v11+s25+$0x0] =	vst.idx.msk $0xffff, v29;
	v6 =	vld.idx.msk [tilespmem:v7+s22+$0x0], $0xffff;
	v7 =	vor.u32 v8, v17  }
0x1ef: {  	v11 =	vld.idx.msk [tilespmem:v42+s22+$0x0], $0xffff;
	[tilespmem:v13+s25+$0x0] =	vst.idx.msk $0xffff, v9;
	v8 =	vor.u32 v8, v18  }
0x1f0: {  	v9 =	vld.idx.msk [tilespmem:v38+s22+$0x0], $0xffff;
	[tilespmem:v14+s25+$0x0] =	vst.idx.msk $0xffff, v4  }
0x1f1: {  	v4 =	vor.u32 v56, v19;
	v2 =	vld.idx.msk [tilespmem:v2+s22+$0x0], $0xffff;
	[tilespmem:v41+s25+$0x0] =	vst.idx.msk $0xffff, v15  }
0x1f2: {  	v13 =	vor.u32 v56, v27;
	[tilespmem:v39+s25+$0x0] =	vst.idx.msk $0xffff, v0;
	v0 =	vld.idx.msk [tilespmem:v3+s22+$0x0], $0xffff  }
0x1f3: {  	v3 =	vld.idx.msk [tilespmem:v7+s22+$0x0], $0xffff;
	[tilespmem:v5+s25+$0x0] =	vst.idx.msk $0xffff, v6  }
0x1f4: {  	[tilespmem:v12+s25+$0x0] =	vst.idx.msk $0xffff, v11;
	v5 =	vor.u32 v56, v26;
	v6 =	vld.idx.msk [tilespmem:v8+s22+$0x0], $0xffff  }
0x1f5: {  	[tilespmem:v10+s25+$0x0] =	vst.idx.msk $0xffff, v9  }
0x1f6: {  	[tilespmem:v4+s25+$0x0] =	vst.idx.msk $0xffff, v2  }
0x1f7: {  	[tilespmem:v13+s25+$0x0] =	vst.idx.msk $0xffff, v0  }
0x1f8: {  	[tilespmem:v30+s25+$0x0] =	vst.idx.msk $0xffff, v3  }
0x1f9: {  	s23 =	sadd.s32 s2, s15;
	s24 =	simm.s32 $0x15800;
	s18 =	sadd.s32 s2, s14;
	[tilespmem:v5+s25+$0x0] =	vst.idx.msk $0xffff, v6  }
0x1fa: {  	[hbm4b:s18+s5] =	stream.linear.scatter [tilespmem:s25], [sflag:$0x4], $0x1000, $0x38;
	[tilespmem:$0x18800] =	vst v63  }
0x1fb: {  	s8 =	sadd.s32 s2, s16;
	s18 =	sadd.s32 s2, s17;
	s2 =	sor.u32 $0x1, s21  }
0x1fc: {  	[hbm4b:s23+s5] =	stream.linear.scatter [tilespmem:s24], [sflag:$0x4], $0x1000, $0x38;
	[tilespmem:$0x18800] =	vst v63  }
0x1fd: {  	s10 =	simm.s32 $0x16800;
	p1 =	slt.u32 s2, $0x63  }
0x1fe: {  	[hbm4b:s8+s5] =	stream.linear.scatter [tilespmem:s10], [sflag:$0x4], $0x1000, $0x38;
	[tilespmem:$0x18800] =	vst v63  }
0x1ff: {  	s0 =	simm.s32 @p1 $0x1  }
0x200: {  	[hbm4b:s18+s5] =	stream.linear.scatter [tilespmem:s19], [sflag:$0x4], $0x1000, $0x38;
	[tilespmem:$0x18800] =	vst v63  }
0x201: {  	_ =	swait.ge @p1 [sflag:s0], $0x400  }
0x202: {  	[sflag:s0] =	ssyncset.done @p1 $0x0  }
0x203: {  	[sflag:s0] =	ssyncadd.s32 @p1 $0xFFFFFC00;
	s0 =	simm.s32 @p1 $0x2  }
0x204: {  	_ =	swait.ge @p1 [sflag:s0], $0x8000  }
0x205: {  	s23 =	simm.s32 $0x0;
	s8 =	simm.s32 $0x0;
	[sflag:s0] =	ssyncset.done @p1 $0x0  }
0x206: {  	s10 =	simm.s32 @p1 $0x80;
	[sflag:s0] =	ssyncadd.s32 @p1 $0xFFFF8000;
	s0 =	sand.u32 $0x1C, s23  }
0x207: {  	v4 =	vor.u32 s8, v54;
	s8 =	simm.s32 @p1 $0x800;
	s23 =	simm.s32 @p1 $0x0;
	s24 =	sor.u32 $0x1, s0  }
0x208: {  	[tilespmem:s8], [sflag:$0x2] =	stream.indirect.gather @p1 [hbm4b:s6+s10], $0x20, s23, s10, $0xb8;
	[tilespmem:$0x18800] =	vst v63  }
0x209: {  	s4 =	simm.s32 $0x0;
	v2 =	vadd.s32 s0, v54;
	v3 =	vadd.s32 s24, v54;
	s24 =	sor.u32 $0x3, s0;
	s0 =	sor.u32 $0x2, s0  }
0x20a: {  	v0 =	vmov s4;
	v10 =	vadd.s32 s0, v54;
	s0 =	simm.s32 @p1 $0x1800  }
0x20b: {  	v0 =	vshll.u32 v0, $0x5;
	[tilespmem:s0], [sflag:$0x2] =	stream.indirect.gather @p1 [hbm4b:s6+s10], $0x20, s10, s10, $0xb8;
	[tilespmem:$0x18800] =	vst v63  }
0x20c: {  	v9 =	vor.u32 v1, v0;
	s8 =	simm.s32 @p1 $0x2800;
	v5 =	vshll.u32 v2, $0x7;
	s0 =	simm.s32 @p1 $0x100  }
0x20d: {  	v0 =	vand.u32 $0x1F, v2;
	v2 =	vshll.u32 v2, $0x9;
	v7 =	vadd.s32 s24, v54;
	[tilespmem:s8], [sflag:$0x2] =	stream.indirect.gather @p1 [hbm4b:s6+s10], $0x20, s0, s10, $0xb8;
	[tilespmem:$0x18800] =	vst v63  }
0x20e: {  	s24 =	sor.u32 $0x40, s4;
	v12 =	vand.u32 $0x1F, v3;
	v5 =	vand.u32 $0x380, v5;
	v16 =	vshll.u32 v3, $0x9;
	s0 =	simm.s32 @p1 $0x180;
	s8 =	simm.s32 @p1 $0x3800  }
0x20f: {  	v3 =	vshll.u32 v3, $0x7;
	v2 =	vand.u32 $0x3000, v2;
	v6 =	vmov s24;
	[tilespmem:s8], [sflag:$0x2] =	stream.indirect.gather @p1 [hbm4b:s6+s10], $0x20, s0, s10, $0xb8;
	[tilespmem:$0x18800] =	vst v63  }
0x210: {  	s18 =	simm.s32 @p1 $0x4800;
	v13 =	vshll.u32 v7, $0x9;
	v3 =	vand.u32 $0x380, v3;
	v2 =	vor.u32 v2, v5;
	s8 =	simm.s32 @p1 $0x200  }
0x211: {  	v5 =	vand.u32 $0x3000, v16;
	v11 =	vshll.u32 v6, $0x5;
	v6 =	vand.u32 $0x1F, v7;
	[tilespmem:s18], [sflag:$0x2] =	stream.indirect.gather @p1 [hbm4b:s6+s10], $0x20, s8, s10, $0xb8;
	[tilespmem:$0x18800] =	vst v63  }
0x212: {  	s24 =	sor.u32 $0x10, s4;
	v13 =	vand.u32 $0x3000, v13;
	v7 =	vshll.u32 v7, $0x7;
	v2 =	vor.u32 v4, v2;
	s0 =	simm.s32 @p1 $0x280;
	s8 =	simm.s32 @p1 $0x5800  }
0x213: {  	v3 =	vor.u32 v5, v3;
	v7 =	vand.u32 $0x380, v7;
	v21 =	vand.u32 v60, v2;
	[tilespmem:s8], [sflag:$0x2] =	stream.indirect.gather @p1 [hbm4b:s6+s10], $0x20, s0, s10, $0xb8;
	[tilespmem:$0x18800] =	vst v63  }
0x214: {  	v16 =	vand.u32 $0x3F88, v2;
	v7 =	vor.u32 v13, v7;
	v13 =	vmov s24;
	s0 =	simm.s32 @p1 $0x300;
	s8 =	simm.s32 @p1 $0x6800  }
0x215: {  	v2 =	vor.u32 v4, v3;
	v5 =	vor.u32 v56, v16;
	v3 =	vshll.u32 v13, $0x5;
	[tilespmem:s8], [sflag:$0x2] =	stream.indirect.gather @p1 [hbm4b:s6+s10], $0x20, s0, s10, $0xb8;
	[tilespmem:$0x18800] =	vst v63  }
0x216: {  	v15 =	vshll.u32 v10, $0x7;
	[tilespmem:$0x1FD30] =	vst v5;
	v19 =	vor.u32 v1, v3;
	v3 =	vshll.u32 v10, $0x9;
	s0 =	simm.s32 @p1 $0x380;
	s8 =	simm.s32 @p1 $0x7800  }
0x217: {  	v20 =	vand.u32 $0x3F88, v2;
	v5 =	vand.u32 $0x380, v15;
	v3 =	vand.u32 $0x3000, v3;
	[tilespmem:s8], [sflag:$0x2] =	stream.indirect.gather @p1 [hbm4b:s6+s10], $0x20, s0, s10, $0xb8;
	[tilespmem:$0x18800] =	vst v63  }
0x218: {  	v8 =	vand.u32 $0x1F, v10;
	v10 =	vor.u32 v56, v20;
	v3 =	vor.u32 v3, v5;
	s8 =	rddreg [dreg:$0x7]  }
0x219: {  	s23 =	sor.u32 $0x20, s4;
	v25 =	vand.u32 v60, v2;
	[tilespmem:$0x1FD40] =	vst v10;
	v2 =	vor.u32 v4, v3;
	s0 =	simm.s32 @!p1 $0x2;
	s8 =	sadd.s32 @!p0 s21, s8  }
0x21a: {  	v3 =	vmov s23;
	v26 =	vand.u32 v60, v2;
	v27 =	vand.u32 $0x3F88, v2;
	_ =	swait.ge @!p1 [sflag:s0], $0x8000;
	s8 =	smin.u32 @!p0 s8, $0xC7F  }
0x21b: {  	v2 =	vor.u32 v4, v7;
	v4 =	vor.u32 v55, v16;
	v3 =	vshll.u32 v3, $0x5;
	[sflag:s0] =	ssyncset.done @!p1 $0x0;
	s18 =	sshll.u32 @!p0 s8, $0x7;
	s21 =	sshll.u32 @!p0 s8, $0xA  }
0x21c: {  	v5 =	vor.u32 v55, v20;
	v7 =	vor.u32 v1, v3;
	v3 =	vand.u32 $0x3F88, v2;
	[tilespmem:$0x1FD50] =	vst v4;
	s8 =	sand.u32 @!p0 $0x70, s8;
	s10 =	sand.u32 @!p0 $0x7C000, s18;
	s18 =	sand.u32 @!p0 $0x3C00, s21  }
0x21d: {  	v17 =	vor.u32 v9, v0;
	v18 =	vor.u32 v9, v8;
	[tilespmem:$0x1FD60] =	vst v5;
	v5 =	vor.u32 v56, v3;
	[sflag:s0] =	ssyncadd.s32 @!p1 $0xFFFF8000;
	s8 =	sadd.s32 @!p0 s9, s8;
	s0 =	sor.u32 @!p0 s18, s10  }
0x21e: {  	v14 =	vor.u32 v9, v6;
	v9 =	vor.u32 v9, v12;
	v22 =	vor.u32 v1, v11;
	[tilespmem:$0x1FD70] =	vst v5;
	s10 =	simm.s32 @!p0 $0x400;
	s0 =	sadd.s32 @!p0 s0, s8;
	s8 =	simm.s32 @!p0 $0x80  }
0x21f: {  	v23 =	vor.u32 v62, v16;
	v24 =	vor.u32 v63, v16;
	v11 =	vor.u32 v22, v0;
	[tilespmem:s10], [sflag:$0x1] =	stream.strided.gather @!p0 [hbm4b:s0+s8], $0x400, s10, s8, $0x38;
	[tilespmem:$0x18800] =	vst v63  }
0x220: {  	s24 =	sor.u32 $0x30, s4;
	v31 =	vor.u32 v7, v12;
	v35 =	vor.u32 v7, v8;
	v37 =	vor.u32 v7, v0;
	_ =	swait.ge [sflag:s29], $0x4000  }
0x221: {  	v38 =	vor.u32 v7, v6;
	v7 =	vor.u32 v55, v3;
	v4 =	vmov s24;
	s24 =	smov.u32 s9;
	s9 =	sor.u32 $0x70, s4;
	[sflag:s29] =	ssyncset.done $0x0  }
0x222: {  	v32 =	vor.u32 v59, v20;
	v28 =	vor.u32 v62, v20;
	[tilespmem:$0x1FD80] =	vst v7;
	v7 =	vmov s9;
	[sflag:s29] =	ssyncadd.s32 $0xFFFFC000  }
0x223: {  	v30 =	vor.u32 v63, v20;
	v13 =	vor.u32 v22, v12;
	v7 =	vshll.u32 v7, $0x5;
	v52 =	vld.idx.msk [tilespmem:v9+s28+$0x0], $0xffff  }
0x224: {  	v4 =	vshll.u32 v4, $0x5;
	v5 =	vor.u32 v22, v8;
	v7 =	vor.u32 v1, v7  }
0x225: {  	v39 =	vor.u32 v1, v4;
	v4 =	vor.u32 v22, v6;
	v22 =	vor.u32 v7, v0  }
0x226: {  	v51 =	vand.u32 v60, v2;
	v14 =	vld.idx.msk [tilespmem:v14+s28+$0x0], $0xffff;
	[tilespmem:$0x1FD90] =	vst v22;
	v22 =	vor.u32 v56, v27  }
0x227: {  	v33 =	vor.u32 v53, v20;
	v15 =	vor.u32 v19, v12;
	v34 =	vor.u32 v19, v6;
	[tilespmem:$0x1FDA0] =	vst v22  }
0x228: {  	v40 =	vor.u32 v19, v8;
	v22 =	vor.u32 v7, v6;
	[tilespmem:v25+s1+$0x0] =	vst.idx.msk $0xffff, v52  }
0x229: {  	v19 =	vor.u32 v19, v0;
	v20 =	vor.u32 v57, v20;
	[tilespmem:$0x1FDB0] =	vst v22;
	v22 =	vor.u32 v7, v12  }
0x22a: {  	v29 =	vor.u32 v62, v27;
	v10 =	vor.u32 v63, v27;
	v49 =	vor.u32 v57, v27;
	[tilespmem:$0x1FDC0] =	vst v22  }
0x22b: {  	v47 =	vor.u32 v62, v3;
	s10 =	sor.u32 $0x50, s4;
	v7 =	vor.u32 v7, v8;
	[tilespmem:v51+s1+$0x0] =	vst.idx.msk $0xffff, v14  }
0x22c: {  	v43 =	vor.u32 v39, v0;
	s18 =	sor.u32 $0x60, s4;
	v50 =	vmov s10;
	[tilespmem:$0x1FDD0] =	vst v7;
	v7 =	vor.u32 v55, v27  }
0x22d: {  	v45 =	vor.u32 v39, v12;
	v2 =	vshll.u32 v50, $0x5;
	v25 =	vmov s18;
	[tilespmem:$0x1FDE0] =	vst v7  }
0x22e: {  	v46 =	vor.u32 v39, v8;
	v44 =	vor.u32 v1, v2;
	v7 =	vshll.u32 v25, $0x5;
	v14 =	vld.idx.msk [tilespmem:v18+s28+$0x0], $0xffff  }
0x22f: {  	v2 =	vor.u32 v44, v12;
	v36 =	vor.u32 v44, v6;
	v58 =	vor.u32 v1, v7;
	v61 =	vld.idx.msk [tilespmem:v17+s28+$0x0], $0xffff  }
0x230: {  	v9 =	vor.u32 v44, v0;
	v22 =	vor.u32 v59, v3;
	v42 =	vor.u32 v58, v12;
	v12 =	vld.idx.msk [tilespmem:v15+s28+$0x0], $0xffff  }
0x231: {  	v51 =	vor.u32 v57, v3;
	v7 =	vor.u32 v59, v16;
	v50 =	vld.idx.msk [tilespmem:v34+s28+$0x0], $0xffff;
	v34 =	vor.u32 v44, v8  }
0x232: {  	v15 =	vor.u32 v39, v6;
	v39 =	vor.u32 v57, v16;
	v17 =	vor.u32 v58, v8;
	[tilespmem:$0x1FDF0] =	vst v22  }
0x233: {  	s4 =	simm.s32 $0x4;
	s8 =	simm.s32 $0x0;
	v16 =	vor.u32 v53, v16;
	v8 =	vor.u32 v59, v27;
	[tilespmem:v26+s1+$0x0] =	vst.idx.msk $0xffff, v14  }
0x234: {  	s0 =	sand.u32 $0x1C, s4;
	v48 =	vor.u32 s8, v54;
	v22 =	vmov v53;
	v53 =	vor.u32 v53, v27;
	[tilespmem:v21+s1+$0x0] =	vst.idx.msk $0xffff, v61;
	v27 =	vld.idx.msk [tilespmem:v40+s28+$0x0], $0xffff  }
0x235: {  	s10 =	simm.s32 $0x0;
	s21 =	sor.u32 $0x1, s0;
	v18 =	vor.u32 v63, v3;
	v0 =	vor.u32 v58, v0;
	v19 =	vld.idx.msk [tilespmem:v19+s28+$0x0], $0xffff;
	[tilespmem:v28+s1+$0x0] =	vst.idx.msk $0xffff, v12  }
0x236: {  	s9 =	sor.u32 $0x3, s0;
	v25 =	vor.u32 v58, v6;
	v6 =	vmov s10;
	v57 =	vadd.s32 s21, v54;
	v31 =	vld.idx.msk [tilespmem:v31+s28+$0x0], $0xffff  }
0x237: {  	s23 =	sor.u32 $0x40, s10;
	v58 =	vadd.s32 s9, v54;
	v6 =	vshll.u32 v6, $0x5;
	v44 =	vshll.u32 v57, $0x7;
	[tilespmem:v47+s1+$0x0] =	vst.idx.msk $0xffff, v50  }
0x238: {  	v14 =	vadd.s32 s0, v54;
	v47 =	vor.u32 v1, v6;
	v50 =	vmov s23;
	v38 =	vld.idx.msk [tilespmem:v38+s28+$0x0], $0xffff  }
0x239: {  	v61 =	vshll.u32 v58, $0x9;
	v40 =	vshll.u32 v14, $0x7;
	[tilespmem:v29+s1+$0x0] =	vst.idx.msk $0xffff, v27;
	v29 =	vshll.u32 v58, $0x7  }
0x23a: {  	v6 =	vand.u32 $0x1F, v14;
	v14 =	vshll.u32 v14, $0x9;
	[tilespmem:v23+s1+$0x0] =	vst.idx.msk $0xffff, v19;
	v23 =	vand.u32 $0x380, v29;
	v29 =	vld.idx.msk [tilespmem:v35+s28+$0x0], $0xffff  }
0x23b: {  	v14 =	vand.u32 $0x3000, v14;
	v27 =	vand.u32 $0x3000, v61;
	[tilespmem:v30+s1+$0x0] =	vst.idx.msk $0xffff, v31;
	v30 =	vand.u32 $0x380, v40  }
0x23c: {  	v31 =	vshll.u32 v57, $0x9;
	v37 =	vld.idx.msk [tilespmem:v37+s28+$0x0], $0xffff;
	v35 =	vand.u32 $0x380, v44;
	v14 =	vor.u32 v14, v30  }
0x23d: {  	s23 =	sor.u32 $0x10, s10;
	[tilespmem:v18+s1+$0x0] =	vst.idx.msk $0xffff, v38;
	v30 =	vand.u32 $0x3000, v31;
	v31 =	vor.u32 v27, v23;
	v14 =	vor.u32 v48, v14  }
0x23e: {  	s0 =	sor.u32 $0x2, s0;
	v15 =	vld.idx.msk [tilespmem:v15+s28+$0x0], $0xffff;
	v23 =	vmov s23;
	v27 =	vor.u32 v30, v35;
	v35 =	vand.u32 $0x3F88, v14  }
0x23f: {  	v52 =	vadd.s32 s0, v54;
	v45 =	vld.idx.msk [tilespmem:v45+s28+$0x0], $0xffff;
	[tilespmem:v10+s1+$0x0] =	vst.idx.msk $0xffff, v29;
	v10 =	vshll.u32 v23, $0x5;
	v23 =	vor.u32 v56, v35  }
0x240: {  	v12 =	vand.u32 $0x1F, v57;
	v28 =	vand.u32 $0x1F, v52;
	v18 =	vor.u32 v47, v6;
	[tilespmem:$0x1FE00] =	vst v23  }
0x241: {  	v19 =	vshll.u32 v52, $0x7;
	v30 =	vand.u32 v60, v14;
	v29 =	vor.u32 v47, v28;
	[tilespmem:v24+s1+$0x0] =	vst.idx.msk $0xffff, v37  }
0x242: {  	v14 =	vor.u32 v48, v27;
	v37 =	vor.u32 v1, v10;
	v10 =	vshll.u32 v52, $0x9;
	v40 =	vld.idx.msk [tilespmem:v43+s28+$0x0], $0xffff  }
0x243: {  	v57 =	vand.u32 $0x3F88, v14;
	[tilespmem:v51+s1+$0x0] =	vst.idx.msk $0xffff, v15;
	v15 =	vand.u32 $0x380, v19;
	v10 =	vand.u32 $0x3000, v10  }
0x244: {  	v23 =	vor.u32 v56, v57;
	[tilespmem:v20+s1+$0x0] =	vst.idx.msk $0xffff, v45;
	v10 =	vor.u32 v10, v15  }
0x245: {  	v15 =	vld.idx.msk [tilespmem:v46+s28+$0x0], $0xffff;
	[tilespmem:$0x1FE10] =	vst v23;
	v10 =	vor.u32 v48, v10  }
0x246: {  	v29 =	vld.idx.msk [tilespmem:v29+s28+$0x0], $0xffff;
	v61 =	vand.u32 v60, v10  }
0x247: {  	v44 =	vand.u32 $0x3F88, v10;
	v10 =	vld.idx.msk [tilespmem:v18+s28+$0x0], $0xffff;
	[tilespmem:v39+s1+$0x0] =	vst.idx.msk $0xffff, v40  }
0x248: {  	v26 =	vand.u32 $0x1F, v58;
	v19 =	vshll.u32 v50, $0x5;
	v50 =	vor.u32 v47, v12;
	v11 =	vld.idx.msk [tilespmem:v11+s28+$0x0], $0xffff  }
0x249: {  	v21 =	vmov v55;
	v55 =	vor.u32 v47, v26  }
0x24a: {  	[tilespmem:v49+s1+$0x0] =	vst.idx.msk $0xffff, v15  }
0x24b: {  	v13 =	vld.idx.msk [tilespmem:v13+s28+$0x0], $0xffff;
	v18 =	vor.u32 v48, v31;
	[tilespmem:v61+s1+$0x0] =	vst.idx.msk $0xffff, v29  }
0x24c: {  	v14 =	vand.u32 v60, v14;
	v23 =	vmov v56;
	v5 =	vld.idx.msk [tilespmem:v5+s28+$0x0], $0xffff;
	[tilespmem:v30+s1+$0x0] =	vst.idx.msk $0xffff, v10;
	v30 =	vand.u32 $0x3F88, v18  }
0x24d: {  	v19 =	vor.u32 v1, v19;
	v39 =	vld.idx.msk [tilespmem:v50+s28+$0x0], $0xffff;
	v10 =	vor.u32 v23, v30;
	[tilespmem:v16+s1+$0x0] =	vst.idx.msk $0xffff, v11  }
0x24e: {  	v20 =	vor.u32 v37, v12;
	v55 =	vld.idx.msk [tilespmem:v55+s28+$0x0], $0xffff;
	[tilespmem:$0x1FE20] =	vst v10;
	v10 =	vor.u32 v19, v28  }
0x24f: {  	v18 =	vand.u32 v60, v18;
	[tilespmem:$0x1FE30] =	vst v10  }
0x250: {  	v3 =	vor.u32 v22, v3;
	v45 =	vor.u32 v37, v26;
	v9 =	vld.idx.msk [tilespmem:v9+s28+$0x0], $0xffff  }
0x251: {  	v58 =	vor.u32 v62, v57;
	v38 =	vor.u32 v21, v57;
	v11 =	vld.idx.msk [tilespmem:v4+s28+$0x0], $0xffff;
	[tilespmem:v53+s1+$0x0] =	vst.idx.msk $0xffff, v5  }
0x252: {  	s18 =	sor.u32 $0x70, s10;
	s21 =	sor.u32 $0x50, s10;
	v24 =	vor.u32 v59, v57;
	v47 =	vor.u32 v62, v35;
	[tilespmem:v14+s1+$0x0] =	vst.idx.msk $0xffff, v39;
	v5 =	vld.idx.msk [tilespmem:v34+s28+$0x0], $0xffff  }
0x253: {  	v51 =	vor.u32 v63, v35;
	v4 =	vmov s18;
	[tilespmem:v33+s1+$0x0] =	vst.idx.msk $0xffff, v13;
	v13 =	vmov s21;
	v16 =	vld.idx.msk [tilespmem:v20+s28+$0x0], $0xffff  }
0x254: {  	v43 =	vor.u32 v21, v35;
	[tilespmem:v18+s1+$0x0] =	vst.idx.msk $0xffff, v55;
	v13 =	vshll.u32 v13, $0x5;
	v2 =	vld.idx.msk [tilespmem:v2+s28+$0x0], $0xffff;
	v18 =	vshll.u32 v4, $0x5  }
0x255: {  	s8 =	sor.u32 $0x20, s10;
	v20 =	vor.u32 v62, v30;
	v4 =	vor.u32 v1, v13;
	v13 =	vld.idx.msk [tilespmem:v45+s28+$0x0], $0xffff;
	[tilespmem:v7+s1+$0x0] =	vst.idx.msk $0xffff, v9  }
0x256: {  	v46 =	vor.u32 v19, v12;
	v31 =	vmov s8;
	v52 =	vor.u32 v62, v44;
	[tilespmem:v3+s1+$0x0] =	vst.idx.msk $0xffff, v11  }
0x257: {  	v41 =	vor.u32 v63, v44;
	v31 =	vshll.u32 v31, $0x5;
	v40 =	vor.u32 v19, v6;
	[tilespmem:v8+s1+$0x0] =	vst.idx.msk $0xffff, v5  }
0x258: {  	v50 =	vor.u32 v19, v26;
	v15 =	vor.u32 v1, v31;
	[tilespmem:v58+s1+$0x0] =	vst.idx.msk $0xffff, v16  }
0x259: {  	s9 =	sor.u32 $0x30, s10;
	v49 =	vor.u32 v63, v57;
	v59 =	vor.u32 v15, v12;
	[tilespmem:v32+s1+$0x0] =	vst.idx.msk $0xffff, v2  }
0x25a: {  	v31 =	vmov s9;
	v54 =	vor.u32 v15, v28;
	v56 =	vor.u32 v15, v6;
	v55 =	vld.idx.msk [tilespmem:v0+s28+$0x0], $0xffff;
	[tilespmem:v20+s1+$0x0] =	vst.idx.msk $0xffff, v13  }
0x25b: {  	v61 =	vshll.u32 v31, $0x5;
	v48 =	vor.u32 v21, v30;
	v19 =	vor.u32 v37, v6;
	v0 =	vld [tilespmem:$0x1FF80]  }
0x25c: {  	v10 =	vor.u32 v15, v26;
	v15 =	vor.u32 v37, v28;
	v14 =	vor.u32 v1, v61  }
0x25d: {  	s23 =	sor.u32 $0x60, s10;
	v33 =	vor.u32 v23, v44;
	v53 =	vor.u32 v14, v6;
	v61 =	vor.u32 v14, v12  }
0x25e: {  	v45 =	vor.u32 v22, v57;
	v34 =	vor.u32 v4, v12;
	v11 =	vmov s23;
	v16 =	vld.idx.msk [tilespmem:v59+s28+$0x0], $0xffff  }
0x25f: {  	v37 =	vor.u32 v4, v6;
	v9 =	vor.u32 v4, v26;
	v11 =	vshll.u32 v11, $0x5;
	v59 =	vld [tilespmem:$0x1FF90]  }
0x260: {  	v3 =	vor.u32 v1, v18;
	v58 =	vor.u32 v1, v11;
	v11 =	vor.u32 v0, v57;
	v57 =	vld [tilespmem:$0x1FF80]  }
0x261: {  	v18 =	vld.idx.msk [tilespmem:v15+s28+$0x0], $0xffff;
	v15 =	vor.u32 v14, v26;
	v8 =	vor.u32 v3, v6;
	v5 =	vor.u32 v14, v28  }
0x262: {  	v19 =	vld.idx.msk [tilespmem:v19+s28+$0x0], $0xffff;
	v60 =	vor.u32 v3, v26;
	v7 =	vor.u32 v3, v12;
	v2 =	vor.u32 v3, v28  }
0x263: {  	v62 =	vld.idx.msk [tilespmem:v36+s28+$0x0], $0xffff;
	v3 =	vor.u32 v21, v44;
	v14 =	vor.u32 v63, v30;
	v32 =	vor.u32 v58, v12  }
0x264: {  	v20 =	vld.idx.msk [tilespmem:v42+s28+$0x0], $0xffff;
	v39 =	vor.u32 v58, v6;
	v36 =	vor.u32 v58, v28;
	v42 =	vor.u32 v59, v35  }
0x265: {  	v17 =	vld.idx.msk [tilespmem:v17+s28+$0x0], $0xffff;
	v12 =	vor.u32 v59, v30;
	v63 =	vor.u32 v57, v44;
	v6 =	vor.u32 v57, v35  }
.LBB2_10:
0x266: {  	v21 =	vld [tilespmem:$0x1FDF0];
	_ =	sdelay $0x5  }
0x267: {  	v23 =	vor.u32 v4, v28;
	v4 =	vor.u32 v59, v44  }
0x268: {  	v10 =	vld.idx.msk [tilespmem:v10+s28+$0x0], $0xffff;
	[tilespmem:$0x1FD00] =	vst v4  }
0x269: {  	v4 =	vld [tilespmem:$0x1FD50];
	[tilespmem:v21+s1+$0x0] =	vst.idx.msk $0xffff, v62;
	v21 =	vor.u32 v58, v26  }
0x26a: {  	[tilespmem:$0x1FD20] =	vst v21;
	v21 =	vld [tilespmem:$0x1FD90];
	_ =	sdelay $0x2  }
0x26b: {  	v27 =	vld [tilespmem:$0x1FFA0]  }
0x26c: {  	s4 =	sadd.s32 $0x4, s4  }
0x26d: {  	s0 =	sshrl.u32 s4, $0x5  }
0x26e: {  	v22 =	vlaneseq.u32;
	[tilespmem:v52+s1+$0x0] =	vst.idx.msk $0xffff, v18;
	s10 =	sshll.u32 s0, $0x7;
	s0 =	sshll.u32 s0, $0xA  }
0x26f: {  	s8 =	sand.u32 $0x1C, s4;
	v58 =	vmov v9;
	v9 =	vmov v8;
	v8 =	vor.u32 s0, v22;
	[tilespmem:v4+s1+$0x0] =	vst.idx.msk $0xffff, v55  }
0x270: {  	s18 =	sor.u32 $0x1, s8;
	s9 =	sor.u32 $0x2, s8;
	v55 =	vadd.s32 s8, v22;
	v4 =	vor.u32 v27, v44;
	s8 =	sor.u32 $0x3, s8;
	v44 =	vld.idx.msk [tilespmem:v21+s28+$0x0], $0xffff;
	v21 =	vmov v43;
	[tilespmem:v47+s1+$0x0] =	vst.idx.msk $0xffff, v19  }
0x271: {  	v18 =	vadd.s32 s8, v22;
	v47 =	vadd.s32 s9, v22;
	[tilespmem:$0x1FD50] =	vst v21;
	v21 =	vadd.s32 s18, v22;
	v22 =	vld [tilespmem:$0x1FD60];
	_ =	sdelay $0x7  }
0x272: {  	[tilespmem:v22+s1+$0x0] =	vst.idx.msk $0xffff, v20;
	v20 =	vmov v38;
	v22 =	vld [tilespmem:$0x1FDE0]  }
0x273: {  	[tilespmem:$0x1FD60] =	vst v20;
	v20 =	vld [tilespmem:$0x1FDC0];
	_ =	sdelay $0x5  }
0x274: {  	v19 =	vld.idx.msk [tilespmem:v54+s28+$0x0], $0xffff  }
0x275: {  	[tilespmem:v22+s1+$0x0] =	vst.idx.msk $0xffff, v17;
	v22 =	vld [tilespmem:$0x1FD80]  }
0x276: {  	v20 =	vld.idx.msk [tilespmem:v20+s28+$0x0], $0xffff  }
0x277: {  	v17 =	vmov v7;
	[tilespmem:v49+s1+$0x0] =	vst.idx.msk $0xffff, v16;
	v16 =	vld [tilespmem:$0x1FDB0]  }
0x278: {  	[tilespmem:$0x1FDC0] =	vst v17;
	v17 =	vld [tilespmem:$0x1FDD0]  }
0x279: {  	v0 =	vor.u32 v27, v35;
	v35 =	vld.idx.msk [tilespmem:v25+s28+$0x0], $0xffff;
	_ =	sdelay $0x4  }
0x27a: {  	[tilespmem:v22+s1+$0x0] =	vst.idx.msk $0xffff, v35  }
0x27b: {  	v16 =	vld.idx.msk [tilespmem:v16+s28+$0x0], $0xffff;
	[tilespmem:v14+s1+$0x0] =	vst.idx.msk $0xffff, v10  }
0x27c: {  	v43 =	vshll.u32 v55, $0x7;
	v17 =	vld.idx.msk [tilespmem:v17+s28+$0x0], $0xffff;
	v14 =	vmov v60;
	[tilespmem:v41+s1+$0x0] =	vst.idx.msk $0xffff, v19  }
0x27d: {  	v54 =	vshll.u32 v55, $0x9;
	v10 =	vmov v2;
	v2 =	vand.u32 $0x380, v43;
	[tilespmem:$0x1FDB0] =	vst v14  }
0x27e: {  	v19 =	vmovc v3;
	v3 =	vand.u32 $0x3000, v54;
	[tilespmem:$0x1FDD0] =	vst v10;
	v10 =	vshll.u32 v21, $0x9;
	v14 =	vshll.u32 v21, $0x7  }
0x27f: {  	v2 =	vor.u32 v3, v2;
	v14 =	vand.u32 $0x380, v14;
	v3 =	vand.u32 $0x3000, v10  }
0x280: {  	v3 =	vor.u32 v3, v14;
	v14 =	vld [tilespmem:$0x1FDA0];
	_ =	sdelay $0x1  }
0x281: {  	v25 =	vmov s10  }
0x282: {  	s21 =	sor.u32 $0x40, s10;
	[tilespmem:$0x1FD90] =	vst v9;
	v9 =	vshll.u32 v25, $0x5;
	v25 =	vld [tilespmem:$0x1FFD0]  }
0x283: {  	[tilespmem:$0x1FD10] =	vst v24;
	v24 =	vmov v12;
	v12 =	vmov s21;
	v26 =	vand.u32 $0x1F, v18  }
0x284: {  	v7 =	vshll.u32 v12, $0x5;
	v12 =	vshll.u32 v18, $0x9;
	v18 =	vshll.u32 v18, $0x7  }
0x285: {  	v12 =	vand.u32 $0x3000, v12;
	v18 =	vand.u32 $0x380, v18;
	v5 =	vld.idx.msk [tilespmem:v5+s28+$0x0], $0xffff  }
0x286: {  	v10 =	vor.u32 v12, v18;
	v12 =	vld [tilespmem:$0x1FD30];
	v2 =	vor.u32 v8, v2  }
0x287: {  	v35 =	vand.u32 $0x3F88, v2;
	[tilespmem:v14+s1+$0x0] =	vst.idx.msk $0xffff, v17;
	v14 =	vand.u32 v25, v2;
	v2 =	vor.u32 v8, v3;
	v3 =	vld [tilespmem:$0x1FD40]  }
0x288: {  	v62 =	vld.idx.msk [tilespmem:v56+s28+$0x0], $0xffff;
	_ =	sdelay $0x4  }
0x289: {  	s23 =	sor.u32 $0x10, s10;
	[tilespmem:v51+s1+$0x0] =	vst.idx.msk $0xffff, v62  }
0x28a: {  	v59 =	vand.u32 $0x1F, v21;
	v21 =	vld.idx.msk [tilespmem:v61+s28+$0x0], $0xffff;
	[tilespmem:v12+s1+$0x0] =	vst.idx.msk $0xffff, v44;
	v12 =	vmov s23  }
0x28b: {  	[tilespmem:v3+s1+$0x0] =	vst.idx.msk $0xffff, v20;
	v3 =	vshll.u32 v12, $0x5;
	v12 =	vld [tilespmem:$0x1FD70]  }
0x28c: {  	v13 =	vor.u32 v57, v30;
	v57 =	vand.u32 $0x1F, v55;
	v9 =	vor.u32 v1, v9  }
0x28d: {  	[tilespmem:$0x1FDE0] =	vst v19;
	v19 =	vor.u32 v9, v57;
	v20 =	vld.idx.msk [tilespmem:v53+s28+$0x0], $0xffff;
	_ =	sdelay $0x1  }
0x28e: {  	v15 =	vld.idx.msk [tilespmem:v15+s28+$0x0], $0xffff  }
0x28f: {  	[tilespmem:$0x1FDF0] =	vst v24;
	v24 =	vld [tilespmem:$0x1FFC0];
	_ =	sdelay $0x1  }
0x290: {  	v19 =	vld.idx.msk [tilespmem:v19+s28+$0x0], $0xffff;
	[tilespmem:v6+s1+$0x0] =	vst.idx.msk $0xffff, v20  }
0x291: {  	v55 =	vshll.u32 v47, $0x7;
	[tilespmem:v12+s1+$0x0] =	vst.idx.msk $0xffff, v16;
	v16 =	vshll.u32 v47, $0x9  }
0x292: {  	v20 =	vld [tilespmem:$0x1FE20];
	[tilespmem:v13+s1+$0x0] =	vst.idx.msk $0xffff, v15;
	v15 =	vand.u32 $0x3000, v16;
	v16 =	vand.u32 $0x380, v55  }
0x293: {  	v17 =	vor.u32 v24, v35;
	v15 =	vor.u32 v15, v16  }
0x294: {  	v15 =	vor.u32 v8, v15;
	v8 =	vor.u32 v8, v10;
	v10 =	vmov v17;
	v17 =	vld [tilespmem:$0x1FE10]  }
0x295: {  	v28 =	vand.u32 $0x1F, v47;
	[tilespmem:v11+s1+$0x0] =	vst.idx.msk $0xffff, v21  }
0x296: {  	v18 =	vor.u32 v9, v28;
	v16 =	vld.idx.msk [tilespmem:v46+s28+$0x0], $0xffff  }
0x297: {  	v46 =	vand.u32 v25, v15;
	v44 =	vand.u32 $0x3F88, v15;
	v15 =	vld [tilespmem:$0x1FE00];
	[tilespmem:$0x1FE00] =	vst v10;
	v10 =	vmov v20  }
0x298: {  	v22 =	vmov v48;
	[tilespmem:$0x1FD70] =	vst v10;
	v10 =	vld [tilespmem:$0x1FE30]  }
0x299: {  	[tilespmem:$0x1FD80] =	vst v22;
	v22 =	vor.u32 v9, v26;
	v9 =	vor.u32 v9, v59;
	v6 =	vmov v17;
	v17 =	vld.idx.msk [tilespmem:v40+s28+$0x0], $0xffff;
	_ =	sdelay $0x1  }
0x29a: {  	v18 =	vld.idx.msk [tilespmem:v18+s28+$0x0], $0xffff  }
0x29b: {  	[tilespmem:v63+s1+$0x0] =	vst.idx.msk $0xffff, v5  }
0x29c: {  	v62 =	vld [tilespmem:$0x1FFB0];
	v63 =	vor.u32 v27, v30;
	v3 =	vor.u32 v1, v3;
	[tilespmem:v14+s1+$0x0] =	vst.idx.msk $0xffff, v19  }
0x29d: {  	v21 =	vor.u32 v3, v59;
	v9 =	vld.idx.msk [tilespmem:v9+s28+$0x0], $0xffff;
	v12 =	vand.u32 $0x3F88, v2;
	[tilespmem:v0+s1+$0x0] =	vst.idx.msk $0xffff, v17  }
0x29e: {  	v2 =	vand.u32 v25, v2;
	v55 =	vor.u32 v3, v26;
	v30 =	vand.u32 $0x3F88, v8;
	v0 =	vld.idx.msk [tilespmem:v37+s28+$0x0], $0xffff  }
0x29f: {  	v8 =	vand.u32 v25, v8;
	v60 =	vld.idx.msk [tilespmem:v10+s28+$0x0], $0xffff;
	[tilespmem:v46+s1+$0x0] =	vst.idx.msk $0xffff, v18;
	v18 =	vor.u32 v24, v30  }
0x2a0: {  	v14 =	vor.u32 v3, v28;
	v3 =	vor.u32 v3, v57;
	[tilespmem:$0x1FE20] =	vst v18;
	v18 =	vld.idx.msk [tilespmem:v22+s28+$0x0], $0xffff  }
0x2a1: {  	v11 =	vld.idx.msk [tilespmem:v50+s28+$0x0], $0xffff  }
0x2a2: {  	v29 =	vld [tilespmem:$0x1FFE0]  }
0x2a3: {  	s21 =	sor.u32 $0x50, s10;
	v13 =	vld [tilespmem:$0x1FF90];
	[tilespmem:v2+s1+$0x0] =	vst.idx.msk $0xffff, v9  }
0x2a4: {  	v43 =	vor.u32 v62, v35;
	v48 =	vor.u32 v24, v12;
	v21 =	vld.idx.msk [tilespmem:v21+s28+$0x0], $0xffff;
	v19 =	vmov s21;
	[tilespmem:v42+s1+$0x0] =	vst.idx.msk $0xffff, v0  }
0x2a5: {  	s9 =	sor.u32 $0x20, s10;
	s23 =	sor.u32 $0x60, s10;
	v38 =	vor.u32 v62, v12;
	v2 =	vshll.u32 v19, $0x5;
	v19 =	vld.idx.msk [tilespmem:v3+s28+$0x0], $0xffff;
	[tilespmem:v8+s1+$0x0] =	vst.idx.msk $0xffff, v18  }
0x2a6: {  	v56 =	vmov s9;
	v5 =	vmovc v48;
	v10 =	vmovc v33;
	v33 =	vor.u32 v24, v44;
	v0 =	vmov s23;
	v24 =	vld.idx.msk [tilespmem:v55+s28+$0x0], $0xffff;
	[tilespmem:v63+s1+$0x0] =	vst.idx.msk $0xffff, v11  }
0x2a7: {  	v48 =	vor.u32 v62, v30;
	[tilespmem:$0x1FD40] =	vst v6;
	v3 =	vor.u32 v62, v44;
	v0 =	vshll.u32 v0, $0x5;
	v62 =	vld.idx.msk [tilespmem:v58+s28+$0x0], $0xffff  }
0x2a8: {  	v6 =	vshll.u32 v56, $0x5;
	[tilespmem:v4+s1+$0x0] =	vst.idx.msk $0xffff, v60;
	v58 =	vor.u32 v1, v0;
	v0 =	vld [tilespmem:$0x1FD10]  }
0x2a9: {  	[tilespmem:$0x1FE10] =	vst v5;
	v31 =	vmov v15;
	v15 =	vor.u32 v29, v12;
	v5 =	vor.u32 v1, v6;
	v17 =	vld.idx.msk [tilespmem:v23+s28+$0x0], $0xffff  }
0x2aa: {  	[tilespmem:v45+s1+$0x0] =	vst.idx.msk $0xffff, v16;
	v20 =	vor.u32 v5, v59;
	v11 =	vld [tilespmem:$0x1FD00]  }
0x2ab: {  	s18 =	sor.u32 $0x30, s10;
	v7 =	vor.u32 v1, v7;
	[tilespmem:$0x1FD30] =	vst v31;
	v23 =	vld.idx.msk [tilespmem:v34+s28+$0x0], $0xffff  }
0x2ac: {  	v61 =	vmov s18;
	v47 =	vor.u32 v29, v35;
	v31 =	vld [tilespmem:$0x1FFF0];
	[tilespmem:$0x1FDA0] =	vst v10;
	v10 =	vor.u32 v7, v28  }
0x2ad: {  	s10 =	sor.u32 $0x70, s10;
	v6 =	vshll.u32 v61, $0x5;
	v54 =	vor.u32 v5, v28;
	v56 =	vor.u32 v5, v57;
	[tilespmem:$0x1FE30] =	vst v10;
	v18 =	vld.idx.msk [tilespmem:v14+s28+$0x0], $0xffff  }
0x2ae: {  	v6 =	vor.u32 v1, v6;
	v10 =	vor.u32 v5, v26;
	v5 =	vmov s10;
	[tilespmem:v15+s1+$0x0] =	vst.idx.msk $0xffff, v21;
	v55 =	vld.idx.msk [tilespmem:v39+s28+$0x0], $0xffff  }
0x2af: {  	v40 =	vor.u32 v7, v57;
	v53 =	vor.u32 v6, v57;
	v5 =	vshll.u32 v5, $0x5;
	v16 =	vld.idx.msk [tilespmem:v20+s28+$0x0], $0xffff  }
0x2b0: {  	v4 =	vor.u32 v1, v2;
	v2 =	vor.u32 v1, v5;
	[tilespmem:v0+s1+$0x0] =	vst.idx.msk $0xffff, v23;
	v0 =	vld [tilespmem:$0x1FF80]  }
0x2b1: {  	v37 =	vor.u32 v4, v57;
	v8 =	vor.u32 v2, v57;
	v39 =	vor.u32 v58, v57;
	v57 =	vld [tilespmem:$0x1FF80]  }
0x2b2: {  	v50 =	vor.u32 v7, v26;
	v52 =	vor.u32 v29, v44;
	[tilespmem:v11+s1+$0x0] =	vst.idx.msk $0xffff, v17;
	v11 =	vld [tilespmem:$0x1FF90]  }
0x2b3: {  	v25 =	vor.u32 v29, v30;
	v61 =	vor.u32 v6, v59;
	v46 =	vor.u32 v7, v59;
	v20 =	vld.idx.msk [tilespmem:v32+s28+$0x0], $0xffff  }
0x2b4: {  	v22 =	vor.u32 v4, v59;
	v7 =	vor.u32 v2, v59;
	v32 =	vor.u32 v58, v59;
	v59 =	vld [tilespmem:$0x1FF90]  }
0x2b5: {  	p0 =	slt.u32 s4, $0x7C;
	v13 =	vor.u32 v13, v12;
	v45 =	vor.u32 v27, v12;
	v63 =	vor.u32 v0, v44;
	v0 =	vld [tilespmem:$0x1FF80]  }
.Ltmp4:
0x2b6: {  	v41 =	vor.u32 v31, v44;
	v49 =	vor.u32 v31, v12;
	v51 =	vor.u32 v31, v35;
	(pc) =	sbr.rel @p0 .LBB2_10-.Ltmp4, $4  }
0x2b7: {  	v5 =	vor.u32 v6, v28;
	v9 =	vor.u32 v4, v26;
	v60 =	vor.u32 v2, v26  }
0x2b8: {  	v2 =	vor.u32 v2, v28;
	v14 =	vor.u32 v31, v30;
	v15 =	vor.u32 v6, v26;
	v34 =	vmovc v22  }
0x2b9: {  	[tilespmem:v25+s1+$0x0] =	vst.idx.msk $0xffff, v24;
	v17 =	vld.idx.msk [tilespmem:v36+s28+$0x0], $0xffff;
	v36 =	vor.u32 v58, v28;
	v42 =	vor.u32 v11, v35  }
0x2ba: {  	v25 =	vld [tilespmem:$0x1FD20];
	v24 =	vmovc v13;
	v11 =	vor.u32 v57, v12;
	v12 =	vor.u32 v59, v30;
	v6 =	vor.u32 v0, v35  }
0x2bb: {  	_ =	sdelay $0x3  }
0x2bc: {  	[tilespmem:v47+s1+$0x0] =	vst.idx.msk $0xffff, v19;
	v10 =	vld.idx.msk [tilespmem:v10+s28+$0x0], $0xffff  }
0x2bd: {  	[tilespmem:v52+s1+$0x0] =	vst.idx.msk $0xffff, v18;
	v0 =	vld.idx.msk [tilespmem:v56+s28+$0x0], $0xffff  }
0x2be: {  	v13 =	vld.idx.msk [tilespmem:v54+s28+$0x0], $0xffff;
	_ =	sdelay $0x1  }
0x2bf: {  	[tilespmem:v49+s1+$0x0] =	vst.idx.msk $0xffff, v16  }
0x2c0: {  	[tilespmem:v14+s1+$0x0] =	vst.idx.msk $0xffff, v10  }
0x2c1: {  	[tilespmem:v51+s1+$0x0] =	vst.idx.msk $0xffff, v0  }
0x2c2: {  	[tilespmem:v41+s1+$0x0] =	vst.idx.msk $0xffff, v13;
	v14 =	vld.idx.msk [tilespmem:v15+s28+$0x0], $0xffff  }
0x2c3: {  	v15 =	vld [tilespmem:$0x1FDF0]  }
0x2c4: {  	v0 =	vld.idx.msk [tilespmem:v53+s28+$0x0], $0xffff  }
0x2c5: {  	v5 =	vld.idx.msk [tilespmem:v5+s28+$0x0], $0xffff;
	_ =	sdelay $0x1  }
0x2c6: {  	v10 =	vld.idx.msk [tilespmem:v61+s28+$0x0], $0xffff  }
0x2c7: {  	v13 =	vor.u32 v57, v30  }
0x2c8: {  	[tilespmem:v6+s1+$0x0] =	vst.idx.msk $0xffff, v0  }
0x2c9: {  	[tilespmem:v63+s1+$0x0] =	vst.idx.msk $0xffff, v5  }
0x2ca: {  	[tilespmem:v15+s1+$0x0] =	vst.idx.msk $0xffff, v62  }
0x2cb: {  	v53 =	vld [tilespmem:$0x1FFA0];
	[tilespmem:v11+s1+$0x0] =	vst.idx.msk $0xffff, v10  }
0x2cc: {  	v10 =	vld [tilespmem:$0x1FE30];
	[tilespmem:v13+s1+$0x0] =	vst.idx.msk $0xffff, v14  }
0x2cd: {  	v13 =	vld [tilespmem:$0x1FD50];
	_ =	sdelay $0x6  }
0x2ce: {  	v5 =	vld.idx.msk [tilespmem:v40+s28+$0x0], $0xffff  }
0x2cf: {  	v11 =	vld.idx.msk [tilespmem:v46+s28+$0x0], $0xffff;
	v0 =	vor.u32 v53, v35;
	[tilespmem:v13+s1+$0x0] =	vst.idx.msk $0xffff, v55  }
0x2d0: {  	v15 =	vld [tilespmem:$0x1FD60]  }
0x2d1: {  	v6 =	vor.u32 v53, v44;
	v10 =	vld.idx.msk [tilespmem:v10+s28+$0x0], $0xffff  }
0x2d2: {  	v14 =	vor.u32 v53, v30;
	v13 =	vld.idx.msk [tilespmem:v50+s28+$0x0], $0xffff;
	_ =	sdelay $0x1  }
0x2d3: {  	[tilespmem:v0+s1+$0x0] =	vst.idx.msk $0xffff, v5  }
0x2d4: {  	[tilespmem:v45+s1+$0x0] =	vst.idx.msk $0xffff, v11  }
0x2d5: {  	[tilespmem:v6+s1+$0x0] =	vst.idx.msk $0xffff, v10  }
0x2d6: {  	[tilespmem:v14+s1+$0x0] =	vst.idx.msk $0xffff, v13  }
0x2d7: {  	[tilespmem:v15+s1+$0x0] =	vst.idx.msk $0xffff, v20  }
0x2d8: {  	v10 =	vld [tilespmem:$0x1FDE0];
	_ =	sdelay $0x7  }
0x2d9: {  	[tilespmem:v10+s1+$0x0] =	vst.idx.msk $0xffff, v17  }
0x2da: {  	v4 =	vor.u32 v4, v28;
	v13 =	vld [tilespmem:$0x1FD80];
	_ =	sdelay $0x2  }
0x2db: {  	v15 =	vld.idx.msk [tilespmem:v25+s28+$0x0], $0xffff  }
0x2dc: {  	v0 =	vld.idx.msk [tilespmem:v37+s28+$0x0], $0xffff  }
0x2dd: {  	v5 =	vor.u32 v59, v44;
	v4 =	vld.idx.msk [tilespmem:v4+s28+$0x0], $0xffff  }
0x2de: {  	v6 =	vld.idx.msk [tilespmem:v34+s28+$0x0], $0xffff  }
0x2df: {  	v9 =	vld.idx.msk [tilespmem:v9+s28+$0x0], $0xffff  }
0x2e0: {  	v11 =	vld [tilespmem:$0x1FD90];
	[tilespmem:v13+s1+$0x0] =	vst.idx.msk $0xffff, v15  }
0x2e1: {  	v13 =	vld [tilespmem:$0x1FDD0];
	[tilespmem:v42+s1+$0x0] =	vst.idx.msk $0xffff, v0  }
0x2e2: {  	[tilespmem:v5+s1+$0x0] =	vst.idx.msk $0xffff, v4  }
0x2e3: {  	[tilespmem:v24+s1+$0x0] =	vst.idx.msk $0xffff, v6  }
0x2e4: {  	[tilespmem:v12+s1+$0x0] =	vst.idx.msk $0xffff, v9  }
0x2e5: {  	v6 =	vld [tilespmem:$0x1FD30];
	_ =	sdelay $0x2  }
0x2e6: {  	v10 =	vor.u32 v58, v26;
	v11 =	vld.idx.msk [tilespmem:v11+s28+$0x0], $0xffff;
	_ =	sdelay $0x4  }
0x2e7: {  	[tilespmem:v6+s1+$0x0] =	vst.idx.msk $0xffff, v11;
	v6 =	vld.idx.msk [tilespmem:v10+s28+$0x0], $0xffff  }
0x2e8: {  	v10 =	vld [tilespmem:$0x1FDA0];
	_ =	sdelay $0x2  }
0x2e9: {  	v13 =	vld.idx.msk [tilespmem:v13+s28+$0x0], $0xffff  }
0x2ea: {  	v0 =	vld.idx.msk [tilespmem:v39+s28+$0x0], $0xffff  }
0x2eb: {  	v4 =	vld.idx.msk [tilespmem:v36+s28+$0x0], $0xffff  }
0x2ec: {  	v5 =	vld.idx.msk [tilespmem:v32+s28+$0x0], $0xffff;
	_ =	sdelay $0x1  }
0x2ed: {  	v9 =	vld [tilespmem:$0x1FDC0];
	[tilespmem:v10+s1+$0x0] =	vst.idx.msk $0xffff, v13  }
0x2ee: {  	v10 =	vld [tilespmem:$0x1FDB0];
	[tilespmem:v43+s1+$0x0] =	vst.idx.msk $0xffff, v0  }
0x2ef: {  	[tilespmem:v3+s1+$0x0] =	vst.idx.msk $0xffff, v4  }
0x2f0: {  	[tilespmem:v38+s1+$0x0] =	vst.idx.msk $0xffff, v5  }
0x2f1: {  	[tilespmem:v48+s1+$0x0] =	vst.idx.msk $0xffff, v6  }
0x2f2: {  	v4 =	vld [tilespmem:$0x1FD40];
	_ =	sdelay $0x2  }
0x2f3: {  	v9 =	vld.idx.msk [tilespmem:v9+s28+$0x0], $0xffff;
	_ =	sdelay $0x4  }
0x2f4: {  	[tilespmem:v4+s1+$0x0] =	vst.idx.msk $0xffff, v9  }
0x2f5: {  	v5 =	vld [tilespmem:$0x1FD70];
	_ =	sdelay $0x2  }
0x2f6: {  	v10 =	vld.idx.msk [tilespmem:v10+s28+$0x0], $0xffff;
	_ =	sdelay $0x4  }
0x2f7: {  	[tilespmem:v5+s1+$0x0] =	vst.idx.msk $0xffff, v10  }
0x2f8: {  	v5 =	vld [tilespmem:$0x1FE00];
	_ =	sdelay $0x1  }
0x2f9: {  	v2 =	vld.idx.msk [tilespmem:v2+s28+$0x0], $0xffff  }
0x2fa: {  	v0 =	vld.idx.msk [tilespmem:v8+s28+$0x0], $0xffff;
	_ =	sdelay $0x3  }
0x2fb: {  	[tilespmem:v33+s1+$0x0] =	vst.idx.msk $0xffff, v2  }
0x2fc: {  	[tilespmem:v5+s1+$0x0] =	vst.idx.msk $0xffff, v0  }
0x2fd: {  	v0 =	vld [tilespmem:$0x1FE10];
	_ =	sdelay $0x2  }
0x2fe: {  	v3 =	vld.idx.msk [tilespmem:v7+s28+$0x0], $0xffff;
	_ =	sdelay $0x4  }
0x2ff: {  	[tilespmem:v0+s1+$0x0] =	vst.idx.msk $0xffff, v3  }
0x300: {  	v0 =	vld [tilespmem:$0x1FE20];
	_ =	sdelay $0x2  }
0x301: {  	v4 =	vld.idx.msk [tilespmem:v60+s28+$0x0], $0xffff  }
0x302: {  	s0 =	sadd.s32 s3, s2  }
0x303: {  	s2 =	sshll.u32 s0, $0xC;
	s0 =	sshll.u32 s0, $0xA  }
0x304: {  	s2 =	sand.u32 $0xFF0000, s2;
	s0 =	sand.u32 $0x3C00, s0  }
0x305: {  	s21 =	rddreg [dreg:$0x2];
	s2 =	sor.u32 s0, s2  }
0x306: {  	s4 =	simm.s32 $0x11800;
	s9 =	simm.s32 $0x12800;
	s0 =	sadd.s32 s21, s2;
	[tilespmem:v0+s1+$0x0] =	vst.idx.msk $0xffff, v4  }
0x307: {  	[hbm4b:s0+s5] =	stream.linear.scatter [tilespmem:s1], [sflag:$0x3], $0x1000, $0x38;
	[tilespmem:$0x18800] =	vst v63  }
0x308: {  	s18 =	simm.s32 $0x0;
	s10 =	simm.s32 $0x0;
	s23 =	sadd.s32 s2, s11  }
0x309: {  	[hbm4b:s23+s5] =	stream.linear.scatter [tilespmem:s4], [sflag:$0x3], $0x1000, $0x38;
	[tilespmem:$0x18800] =	vst v63  }
0x30a: {  	s8 =	sadd.s32 s2, s12;
	s21 =	sor.u32 $0x200, s18;
	s0 =	sand.u32 $0x1C, s10  }
0x30b: {  	[hbm4b:s8+s5] =	stream.linear.scatter [tilespmem:s9], [sflag:$0x3], $0x1000, $0x38;
	[tilespmem:$0x18800] =	vst v63  }
0x30c: {  	v47 =	vlaneseq.u32;
	v0 =	vmov s21;
	s10 =	simm.s32 $0x13800;
	s8 =	sor.u32 $0x3, s0;
	s9 =	sadd.s32 s2, s13  }
0x30d: {  	v0 =	vshll.u32 v0, $0x5;
	v4 =	vadd.s32 s8, v47;
	[hbm4b:s9+s5] =	stream.linear.scatter [tilespmem:s10], [sflag:$0x3], $0x1000, $0x38;
	[tilespmem:$0x18800] =	vst v63  }
0x30e: {  	v5 =	vor.u32 v1, v0;
	v0 =	vand.u32 $0x1F, v4;
	_ =	swait.ge [sflag:s30], $0x4000  }
0x30f: {  	v7 =	vor.u32 v5, v0;
	v60 =	vld [tilespmem:$0x1FFD0]  }
0x310: {  	v8 =	vshll.u32 v4, $0x9;
	v4 =	vshll.u32 v4, $0x7  }
0x311: {  	s21 =	simm.s32 $0x0;
	v8 =	vand.u32 $0x3000, v8;
	v4 =	vand.u32 $0x380, v4  }
0x312: {  	v9 =	vor.u32 s21, v47;
	v4 =	vor.u32 v8, v4;
	[sflag:s30] =	ssyncset.done $0x0  }
0x313: {  	v4 =	vor.u32 v9, v4;
	[sflag:s30] =	ssyncadd.s32 $0xFFFFC000  }
0x314: {  	v7 =	vld.idx.msk [tilespmem:v7+s28+$0x0], $0xffff;
	v11 =	vand.u32 v60, v4  }
0x315: {  	s23 =	sor.u32 $0x1, s0  }
0x316: {  	v3 =	vadd.s32 s23, v47;
	s23 =	sor.u32 $0x210, s18  }
0x317: {  	v10 =	vmov s23  }
0x318: {  	v2 =	vadd.s32 s0, v47;
	v8 =	vshll.u32 v10, $0x5  }
0x319: {  	v23 =	vand.u32 $0x1F, v2;
	v8 =	vor.u32 v1, v8;
	[tilespmem:v11+s25+$0x0] =	vst.idx.msk $0xffff, v7  }
0x31a: {  	v16 =	vshll.u32 v2, $0x9;
	v17 =	vshll.u32 v2, $0x7;
	s4 =	sor.u32 $0x220, s18;
	v14 =	vor.u32 v8, v0;
	v62 =	vld [tilespmem:$0x1FFE0]  }
0x31b: {  	v2 =	vmov s4;
	v16 =	vand.u32 $0x3000, v16;
	s0 =	sor.u32 $0x2, s0;
	v21 =	vand.u32 $0x1F, v3  }
0x31c: {  	v12 =	vshll.u32 v3, $0x9;
	v3 =	vshll.u32 v3, $0x7;
	v6 =	vadd.s32 s0, v47  }
0x31d: {  	v13 =	vor.u32 v5, v21;
	v12 =	vand.u32 $0x3000, v12;
	v3 =	vand.u32 $0x380, v3  }
0x31e: {  	v10 =	vor.u32 v5, v23;
	v7 =	vshll.u32 v2, $0x5;
	v2 =	vand.u32 $0x3F88, v4  }
0x31f: {  	v22 =	vand.u32 $0x1F, v6;
	v15 =	vshll.u32 v6, $0x9;
	v11 =	vld.idx.msk [tilespmem:v14+s28+$0x0], $0xffff;
	v14 =	vor.u32 v62, v2  }
0x320: {  	v6 =	vshll.u32 v6, $0x7;
	v15 =	vand.u32 $0x3000, v15;
	v4 =	vand.u32 $0x380, v17  }
0x321: {  	v6 =	vand.u32 $0x380, v6;
	v5 =	vor.u32 v5, v22;
	v4 =	vor.u32 v16, v4  }
0x322: {  	v3 =	vor.u32 v12, v3;
	v6 =	vor.u32 v15, v6;
	v4 =	vor.u32 v9, v4  }
0x323: {  	v3 =	vor.u32 v9, v3;
	v6 =	vor.u32 v9, v6;
	v10 =	vld.idx.msk [tilespmem:v10+s28+$0x0], $0xffff;
	v9 =	vand.u32 v60, v4  }
0x324: {  	v13 =	vld.idx.msk [tilespmem:v13+s28+$0x0], $0xffff;
	v7 =	vor.u32 v1, v7;
	v16 =	vor.u32 v8, v23;
	[tilespmem:v14+s25+$0x0] =	vst.idx.msk $0xffff, v11  }
0x325: {  	v15 =	vand.u32 v60, v3;
	v12 =	vor.u32 v7, v0;
	v63 =	vld [tilespmem:$0x1FFF0]  }
0x326: {  	v19 =	vor.u32 v8, v21;
	v5 =	vld.idx.msk [tilespmem:v5+s28+$0x0], $0xffff;
	v17 =	vand.u32 v60, v6;
	v6 =	vand.u32 $0x3F88, v6  }
0x327: {  	s8 =	sor.u32 $0x230, s18;
	v8 =	vor.u32 v8, v22;
	v30 =	vor.u32 v57, v6;
	v20 =	vand.u32 $0x3F88, v4  }
0x328: {  	v18 =	vmov s8;
	v46 =	vor.u32 v53, v2;
	v29 =	vor.u32 v57, v20;
	[tilespmem:v9+s25+$0x0] =	vst.idx.msk $0xffff, v10  }
0x329: {  	v11 =	vshll.u32 v18, $0x5;
	v18 =	vand.u32 $0x3F88, v3;
	v9 =	vor.u32 v62, v20;
	v14 =	vld.idx.msk [tilespmem:v16+s28+$0x0], $0xffff  }
0x32a: {  	v3 =	vld.idx.msk [tilespmem:v12+s28+$0x0], $0xffff;
	v11 =	vor.u32 v1, v11;
	[tilespmem:v15+s25+$0x0] =	vst.idx.msk $0xffff, v13;
	v12 =	vor.u32 v63, v2  }
0x32b: {  	v34 =	vor.u32 v53, v20;
	[tilespmem:v17+s25+$0x0] =	vst.idx.msk $0xffff, v5;
	v13 =	vor.u32 v11, v0  }
0x32c: {  	v35 =	vor.u32 v59, v20;
	v4 =	vor.u32 v62, v18;
	v10 =	vor.u32 v62, v6;
	v8 =	vld.idx.msk [tilespmem:v8+s28+$0x0], $0xffff  }
0x32d: {  	v15 =	vor.u32 v7, v23;
	v28 =	vor.u32 v57, v18;
	v32 =	vor.u32 v53, v18;
	v5 =	vld.idx.msk [tilespmem:v19+s28+$0x0], $0xffff  }
0x32e: {  	s9 =	sor.u32 $0x240, s18;
	v16 =	vor.u32 v7, v21;
	v7 =	vor.u32 v7, v22;
	[tilespmem:v9+s25+$0x0] =	vst.idx.msk $0xffff, v14  }
0x32f: {  	v19 =	vmov s9;
	v26 =	vor.u32 v11, v23;
	v27 =	vor.u32 v11, v22;
	[tilespmem:v12+s25+$0x0] =	vst.idx.msk $0xffff, v3  }
0x330: {  	s10 =	sor.u32 $0x250, s18;
	v3 =	vshll.u32 v19, $0x5;
	v19 =	vor.u32 v11, v21;
	v12 =	vor.u32 v57, v2;
	v11 =	vld.idx.msk [tilespmem:v13+s28+$0x0], $0xffff  }
0x331: {  	v25 =	vor.u32 v63, v20;
	[tilespmem:v10+s25+$0x0] =	vst.idx.msk $0xffff, v8;
	v10 =	vmov s10;
	v3 =	vor.u32 v1, v3  }
0x332: {  	[tilespmem:v4+s25+$0x0] =	vst.idx.msk $0xffff, v5;
	v5 =	vld.idx.msk [tilespmem:v15+s28+$0x0], $0xffff;
	v10 =	vshll.u32 v10, $0x5;
	v13 =	vor.u32 v3, v0  }
0x333: {  	v24 =	vor.u32 v63, v18;
	v17 =	vor.u32 v63, v6;
	s10 =	simm.s32 $0x4;
	v16 =	vld.idx.msk [tilespmem:v16+s28+$0x0], $0xffff;
	v10 =	vor.u32 v1, v10  }
0x334: {  	v8 =	vor.u32 v53, v6;
	v4 =	vor.u32 v59, v18;
	v7 =	vld.idx.msk [tilespmem:v7+s28+$0x0], $0xffff;
	s0 =	sand.u32 $0x1C, s10;
	v37 =	vor.u32 v10, v23  }
0x335: {  	v42 =	vadd.s32 s0, v47;
	s9 =	sor.u32 $0x1, s0;
	v38 =	vor.u32 v10, v21;
	v49 =	vor.u32 v10, v0;
	[tilespmem:v12+s25+$0x0] =	vst.idx.msk $0xffff, v11  }
0x336: {  	s21 =	sor.u32 $0x260, s18;
	s4 =	simm.s32 $0x0;
	v36 =	vadd.s32 s9, v47;
	v9 =	vor.u32 v3, v23;
	v31 =	vor.u32 v3, v21;
	v55 =	vld [tilespmem:$0x1FFB0]  }
0x337: {  	s23 =	sor.u32 $0x200, s4;
	v61 =	vor.u32 v3, v22;
	v3 =	vor.u32 v59, v6;
	v48 =	vld.idx.msk [tilespmem:v13+s28+$0x0], $0xffff;
	v13 =	vmov s21;
	[tilespmem:v25+s25+$0x0] =	vst.idx.msk $0xffff, v5  }
0x338: {  	v25 =	vor.u32 v10, v22;
	s21 =	sor.u32 $0x3, s0;
	s0 =	sor.u32 $0x2, s0;
	v56 =	vld [tilespmem:$0x1FFC0];
	v5 =	vshll.u32 v13, $0x5;
	[tilespmem:v24+s25+$0x0] =	vst.idx.msk $0xffff, v16;
	v16 =	vmov s23  }
0x339: {  	s18 =	sor.u32 $0x270, s18;
	v50 =	vadd.s32 s21, v47;
	[tilespmem:v17+s25+$0x0] =	vst.idx.msk $0xffff, v7;
	v44 =	vadd.s32 s0, v47;
	v17 =	vand.u32 $0x1F, v36  }
0x33a: {  	v7 =	vmov s18;
	v41 =	vor.u32 v1, v5;
	v16 =	vshll.u32 v16, $0x5  }
0x33b: {  	v52 =	vshll.u32 v50, $0x9;
	v7 =	vshll.u32 v7, $0x5;
	v5 =	vor.u32 v41, v21  }
0x33c: {  	v26 =	vld.idx.msk [tilespmem:v26+s28+$0x0], $0xffff;
	v43 =	vor.u32 v1, v16;
	v16 =	vand.u32 $0x1F, v50;
	v7 =	vor.u32 v1, v7  }
0x33d: {  	v19 =	vld.idx.msk [tilespmem:v19+s28+$0x0], $0xffff;
	v24 =	vor.u32 v41, v0;
	v51 =	vor.u32 v43, v16;
	v0 =	vor.u32 v7, v0  }
0x33e: {  	v27 =	vld.idx.msk [tilespmem:v27+s28+$0x0], $0xffff;
	v14 =	vor.u32 v55, v18;
	v11 =	vor.u32 v55, v6;
	v15 =	vor.u32 v55, v20  }
0x33f: {  	[tilespmem:v46+s25+$0x0] =	vst.idx.msk $0xffff, v48;
	v48 =	vshll.u32 v36, $0x9;
	v12 =	vor.u32 v56, v18;
	v13 =	vor.u32 v56, v20  }
0x340: {  	v10 =	vor.u32 v56, v6;
	v20 =	vor.u32 v59, v2;
	v6 =	vor.u32 v41, v23  }
0x341: {  	s23 =	sor.u32 $0x210, s4;
	v40 =	vld.idx.msk [tilespmem:v49+s28+$0x0], $0xffff;
	v18 =	vand.u32 $0x1F, v44;
	[tilespmem:v29+s25+$0x0] =	vst.idx.msk $0xffff, v26;
	v26 =	vshll.u32 v50, $0x7;
	v29 =	vor.u32 v55, v2  }
0x342: {  	v54 =	vmov s23;
	v49 =	vor.u32 v43, v17;
	v2 =	vor.u32 v56, v2;
	v9 =	vld.idx.msk [tilespmem:v9+s28+$0x0], $0xffff;
	[tilespmem:v28+s25+$0x0] =	vst.idx.msk $0xffff, v19  }
0x343: {  	s21 =	simm.s32 $0x0;
	v19 =	vand.u32 $0x3000, v52;
	v26 =	vand.u32 $0x380, v26;
	[tilespmem:v30+s25+$0x0] =	vst.idx.msk $0xffff, v27;
	v52 =	vor.u32 v43, v18;
	v28 =	vld.idx.msk [tilespmem:v31+s28+$0x0], $0xffff  }
0x344: {  	v31 =	vor.u32 s21, v47;
	v19 =	vor.u32 v19, v26;
	v26 =	vshll.u32 v54, $0x5;
	v27 =	vld.idx.msk [tilespmem:v61+s28+$0x0], $0xffff  }
0x345: {  	v54 =	vshll.u32 v44, $0x7;
	v19 =	vor.u32 v31, v19;
	v26 =	vor.u32 v1, v26  }
0x346: {  	v61 =	vld.idx.msk [tilespmem:v51+s28+$0x0], $0xffff;
	v58 =	vand.u32 v60, v19;
	v50 =	vor.u32 v26, v16;
	[tilespmem:v20+s25+$0x0] =	vst.idx.msk $0xffff, v40  }
0x347: {  	v51 =	vshll.u32 v44, $0x9;
	v46 =	vor.u32 v26, v17;
	v20 =	vand.u32 $0x1F, v42;
	v24 =	vld.idx.msk [tilespmem:v24+s28+$0x0], $0xffff;
	[tilespmem:v34+s25+$0x0] =	vst.idx.msk $0xffff, v9  }
0x348: {  	s9 =	sor.u32 $0x220, s4;
	v19 =	vand.u32 $0x3F88, v19;
	v47 =	vor.u32 v26, v18;
	v30 =	vor.u32 v43, v20;
	[tilespmem:v32+s25+$0x0] =	vst.idx.msk $0xffff, v28  }
0x349: {  	v9 =	vshll.u32 v36, $0x7;
	v28 =	vshll.u32 v42, $0x9;
	[tilespmem:v8+s25+$0x0] =	vst.idx.msk $0xffff, v27;
	v8 =	vmov s9  }
0x34a: {  	v37 =	vld.idx.msk [tilespmem:v37+s28+$0x0], $0xffff;
	v27 =	vand.u32 $0x3000, v51;
	v32 =	vand.u32 $0x380, v54;
	v54 =	vor.u32 v57, v19  }
0x34b: {  	v9 =	vand.u32 $0x380, v9;
	v8 =	vshll.u32 v8, $0x5;
	v27 =	vor.u32 v27, v32;
	v25 =	vld.idx.msk [tilespmem:v25+s28+$0x0], $0xffff;
	[tilespmem:v58+s25+$0x0] =	vst.idx.msk $0xffff, v61  }
0x34c: {  	v58 =	vor.u32 v62, v19;
	v8 =	vor.u32 v1, v8;
	v33 =	vld.idx.msk [tilespmem:v50+s28+$0x0], $0xffff;
	[tilespmem:v29+s25+$0x0] =	vst.idx.msk $0xffff, v24  }
0x34d: {  	v61 =	vor.u32 v8, v16;
	v50 =	vor.u32 v8, v17;
	v24 =	vshll.u32 v42, $0x7;
	v0 =	vld.idx.msk [tilespmem:v0+s28+$0x0], $0xffff  }
0x34e: {  	v29 =	vand.u32 $0x3000, v48;
	v48 =	vor.u32 v8, v20;
	v8 =	vor.u32 v8, v18  }
0x34f: {  	v28 =	vand.u32 $0x3000, v28;
	v24 =	vand.u32 $0x380, v24;
	v9 =	vor.u32 v29, v9;
	v29 =	vld.idx.msk [tilespmem:v38+s28+$0x0], $0xffff;
	[tilespmem:v35+s25+$0x0] =	vst.idx.msk $0xffff, v37  }
0x350: {  	v30 =	vld.idx.msk [tilespmem:v30+s28+$0x0], $0xffff;
	v38 =	vor.u32 v7, v22;
	v24 =	vor.u32 v28, v24;
	v9 =	vor.u32 v31, v9  }
0x351: {  	v28 =	vld.idx.msk [tilespmem:v49+s28+$0x0], $0xffff;
	[tilespmem:v3+s25+$0x0] =	vst.idx.msk $0xffff, v25;
	v24 =	vor.u32 v31, v24;
	v42 =	vand.u32 v60, v9  }
0x352: {  	s18 =	sor.u32 $0x230, s4;
	v49 =	vand.u32 $0x3F88, v9;
	v43 =	vand.u32 v60, v24;
	[tilespmem:v2+s25+$0x0] =	vst.idx.msk $0xffff, v0;
	v0 =	vor.u32 v31, v27  }
0x353: {  	v45 =	vld.idx.msk [tilespmem:v52+s28+$0x0], $0xffff;
	[tilespmem:v58+s25+$0x0] =	vst.idx.msk $0xffff, v33;
	v2 =	vor.u32 v26, v20;
	v27 =	vmov s18;
	v44 =	vand.u32 v60, v0  }
0x354: {  	v9 =	vor.u32 v63, v19;
	v32 =	vor.u32 v57, v49;
	[tilespmem:v4+s25+$0x0] =	vst.idx.msk $0xffff, v29;
	v4 =	vshll.u32 v27, $0x5  }
0x355: {  	v39 =	vor.u32 v55, v49;
	v26 =	vand.u32 $0x3F88, v0;
	v0 =	vld.idx.msk [tilespmem:v61+s28+$0x0], $0xffff;
	v4 =	vor.u32 v1, v4  }
0x356: {  	v31 =	vor.u32 v41, v22;
	[tilespmem:v42+s25+$0x0] =	vst.idx.msk $0xffff, v28;
	v28 =	vor.u32 v4, v16  }
0x357: {  	s21 =	sor.u32 $0x240, s4;
	v27 =	vand.u32 $0x3F88, v24;
	v24 =	vor.u32 v62, v49;
	[tilespmem:v43+s25+$0x0] =	vst.idx.msk $0xffff, v30;
	v34 =	vld.idx.msk [tilespmem:v46+s28+$0x0], $0xffff  }
0x358: {  	v3 =	vmov s21;
	v41 =	vor.u32 v63, v49;
	v29 =	vor.u32 v62, v27;
	v2 =	vld.idx.msk [tilespmem:v2+s28+$0x0], $0xffff;
	[tilespmem:v44+s25+$0x0] =	vst.idx.msk $0xffff, v45  }
0x359: {  	v42 =	vor.u32 v63, v26;
	v51 =	vor.u32 v63, v27;
	v30 =	vor.u32 v62, v26;
	v25 =	vld.idx.msk [tilespmem:v47+s28+$0x0], $0xffff  }
0x35a: {  	v33 =	vor.u32 v57, v27;
	v43 =	vor.u32 v4, v20;
	[tilespmem:v9+s25+$0x0] =	vst.idx.msk $0xffff, v0;
	v0 =	vshll.u32 v3, $0x5  }
0x35b: {  	s23 =	sor.u32 $0x250, s4;
	v52 =	vor.u32 v4, v17;
	v40 =	vor.u32 v4, v18;
	v0 =	vor.u32 v1, v0;
	v28 =	vld.idx.msk [tilespmem:v28+s28+$0x0], $0xffff  }
0x35c: {  	v4 =	vor.u32 v53, v27;
	v3 =	vld.idx.msk [tilespmem:v6+s28+$0x0], $0xffff;
	v6 =	vmov s23;
	v58 =	vor.u32 v0, v16;
	[tilespmem:v24+s25+$0x0] =	vst.idx.msk $0xffff, v34  }
0x35d: {  	v9 =	vor.u32 v57, v26;
	v6 =	vshll.u32 v6, $0x5;
	v34 =	vld.idx.msk [tilespmem:v50+s28+$0x0], $0xffff;
	[tilespmem:v29+s25+$0x0] =	vst.idx.msk $0xffff, v2  }
0x35e: {  	v47 =	vor.u32 v53, v19;
	v37 =	vor.u32 v0, v20;
	v29 =	vld.idx.msk [tilespmem:v48+s28+$0x0], $0xffff;
	[tilespmem:v30+s25+$0x0] =	vst.idx.msk $0xffff, v25  }
0x35f: {  	v35 =	vor.u32 v0, v17;
	v36 =	vor.u32 v0, v18;
	v0 =	vor.u32 v53, v26;
	v30 =	vld.idx.msk [tilespmem:v8+s28+$0x0], $0xffff  }
0x360: {  	v24 =	vor.u32 v59, v26;
	v61 =	vor.u32 v1, v6;
	[tilespmem:v54+s25+$0x0] =	vst.idx.msk $0xffff, v28  }
0x361: {  	v6 =	vor.u32 v61, v17;
	v2 =	vor.u32 v53, v49;
	v48 =	vor.u32 v61, v16;
	v46 =	vld.idx.msk [tilespmem:v58+s28+$0x0], $0xffff  }
0x362: {  	v25 =	vor.u32 v59, v49;
	v28 =	vor.u32 v59, v27;
	v8 =	vld.idx.msk [tilespmem:v5+s28+$0x0], $0xffff;
	[tilespmem:v41+s25+$0x0] =	vst.idx.msk $0xffff, v34  }
0x363: {  	v5 =	vor.u32 v55, v26;
	v34 =	vor.u32 v61, v20;
	v45 =	vld.idx.msk [tilespmem:v52+s28+$0x0], $0xffff;
	[tilespmem:v51+s25+$0x0] =	vst.idx.msk $0xffff, v29  }
0x364: {  	v54 =	vlaneseq.u32;
	v41 =	vor.u32 v55, v27;
	v44 =	vld.idx.msk [tilespmem:v43+s28+$0x0], $0xffff;
	v43 =	vor.u32 v7, v23;
	[tilespmem:v42+s25+$0x0] =	vst.idx.msk $0xffff, v30  }
0x365: {  	s18 =	sor.u32 $0x260, s4;
	v29 =	vld.idx.msk [tilespmem:v31+s28+$0x0], $0xffff;
	v42 =	vor.u32 v7, v21;
	v7 =	vor.u32 v61, v18;
	v30 =	vor.u32 v56, v49  }
.LBB2_12:
0x366: {  	s10 =	sadd.s32 $0x4, s10;
	v49 =	vmov s18;
	v27 =	vor.u32 v56, v27;
	v31 =	vld.idx.msk [tilespmem:v40+s28+$0x0], $0xffff;
	v26 =	vor.u32 v56, v26;
	[tilespmem:v47+s25+$0x0] =	vst.idx.msk $0xffff, v46  }
0x367: {  	v22 =	vmovc v17;
	v21 =	vmov v18;
	v23 =	vmov v20;
	s18 =	sshrl.u32 s10, $0x5;
	p0 =	slt.u32 s10, $0x7C;
	v40 =	vshll.u32 v49, $0x5;
	v46 =	vld.idx.msk [tilespmem:v48+s28+$0x0], $0xffff;
	[tilespmem:v15+s25+$0x0] =	vst.idx.msk $0xffff, v3  }
0x368: {  	v18 =	vor.u32 v59, v19;
	s0 =	sshll.u32 s18, $0x7;
	v3 =	vor.u32 v1, v40;
	[tilespmem:v14+s25+$0x0] =	vst.idx.msk $0xffff, v8;
	v14 =	vmov v39  }
0x369: {  	s8 =	sand.u32 $0x1C, s10;
	s21 =	sor.u32 $0x200, s0;
	v39 =	vor.u32 v3, v23;
	v8 =	vor.u32 v3, v22;
	v20 =	vor.u32 v3, v16;
	v40 =	vld.idx.msk [tilespmem:v43+s28+$0x0], $0xffff  }
0x36a: {  	v15 =	vmovc v41;
	s23 =	sor.u32 $0x2, s8;
	v43 =	vadd.s32 s8, v54;
	v17 =	vmov s21;
	s21 =	sor.u32 $0x1, s8;
	s8 =	sor.u32 $0x3, s8;
	[tilespmem:v33+s25+$0x0] =	vst.idx.msk $0xffff, v44;
	v33 =	vor.u32 v3, v21;
	v3 =	vld.idx.msk [tilespmem:v42+s28+$0x0], $0xffff  }
0x36b: {  	v17 =	vshll.u32 v17, $0x5;
	v41 =	vadd.s32 s21, v54;
	v42 =	vadd.s32 s8, v54;
	v37 =	vld.idx.msk [tilespmem:v37+s28+$0x0], $0xffff;
	[tilespmem:v32+s25+$0x0] =	vst.idx.msk $0xffff, v45  }
0x36c: {  	v44 =	vadd.s32 s23, v54;
	s8 =	sor.u32 $0x270, s4;
	s4 =	smov.u32 s0;
	v32 =	vor.u32 v1, v17;
	v45 =	vand.u32 $0x1F, v42;
	v35 =	vld.idx.msk [tilespmem:v35+s28+$0x0], $0xffff;
	[tilespmem:v9+s25+$0x0] =	vst.idx.msk $0xffff, v31  }
0x36d: {  	v17 =	vand.u32 $0x1F, v41;
	v31 =	vmov s8;
	v9 =	vor.u32 v32, v45;
	v36 =	vld.idx.msk [tilespmem:v36+s28+$0x0], $0xffff;
	[tilespmem:v18+s25+$0x0] =	vst.idx.msk $0xffff, v46  }
0x36e: {  	v18 =	vand.u32 $0x1F, v44;
	v46 =	vshll.u32 v42, $0x9;
	v31 =	vshll.u32 v31, $0x5;
	v47 =	vld.idx.msk [tilespmem:v20+s28+$0x0], $0xffff;
	[tilespmem:v11+s25+$0x0] =	vst.idx.msk $0xffff, v29;
	v11 =	vmovc v5  }
0x36f: {  	v5 =	vshll.u32 v42, $0x7;
	v31 =	vor.u32 v1, v31;
	v29 =	vor.u32 v55, v19;
	v38 =	vld.idx.msk [tilespmem:v38+s28+$0x0], $0xffff  }
0x370: {  	s0 =	sshll.u32 s18, $0xA;
	s8 =	sor.u32 $0x210, s4;
	v20 =	vand.u32 $0x3000, v46;
	v5 =	vand.u32 $0x380, v5;
	v42 =	vor.u32 v31, v16;
	[tilespmem:v13+s25+$0x0] =	vst.idx.msk $0xffff, v40;
	v13 =	vmovc v27  }
0x371: {  	v16 =	vmovc v45;
	v27 =	vor.u32 s0, v54;
	v40 =	vmov s8;
	v5 =	vor.u32 v20, v5;
	[tilespmem:v4+s25+$0x0] =	vst.idx.msk $0xffff, v37  }
0x372: {  	v20 =	vand.u32 $0x1F, v43;
	v4 =	vshll.u32 v40, $0x5;
	v5 =	vor.u32 v27, v5;
	v9 =	vld.idx.msk [tilespmem:v9+s28+$0x0], $0xffff;
	[tilespmem:v2+s25+$0x0] =	vst.idx.msk $0xffff, v35  }
0x373: {  	v2 =	vor.u32 v32, v20;
	v4 =	vor.u32 v1, v4;
	v35 =	vand.u32 v60, v5;
	v34 =	vld.idx.msk [tilespmem:v34+s28+$0x0], $0xffff  }
0x374: {  	v37 =	vshll.u32 v41, $0x9;
	v40 =	vor.u32 v32, v17;
	v45 =	vor.u32 v4, v16;
	[tilespmem:v29+s25+$0x0] =	vst.idx.msk $0xffff, v47  }
0x375: {  	v32 =	vor.u32 v32, v18;
	v29 =	vshll.u32 v41, $0x7;
	v41 =	vshll.u32 v44, $0x9;
	[tilespmem:v0+s25+$0x0] =	vst.idx.msk $0xffff, v36;
	v0 =	vld.idx.msk [tilespmem:v42+s28+$0x0], $0xffff  }
0x376: {  	v36 =	vshll.u32 v43, $0x9;
	v42 =	vshll.u32 v44, $0x7;
	v44 =	vor.u32 v56, v19;
	v6 =	vld.idx.msk [tilespmem:v6+s28+$0x0], $0xffff;
	[tilespmem:v12+s25+$0x0] =	vst.idx.msk $0xffff, v3  }
0x377: {  	s0 =	sor.u32 $0x220, s4;
	v37 =	vand.u32 $0x3000, v37;
	v29 =	vand.u32 $0x380, v29;
	v3 =	vshll.u32 v43, $0x7;
	v7 =	vld.idx.msk [tilespmem:v7+s28+$0x0], $0xffff;
	[tilespmem:v10+s25+$0x0] =	vst.idx.msk $0xffff, v38;
	v10 =	vmovc v26  }
0x378: {  	v19 =	vmov s0;
	v12 =	vmovc v30;
	v26 =	vand.u32 $0x3000, v41;
	v38 =	vand.u32 $0x380, v42;
	v2 =	vld.idx.msk [tilespmem:v2+s28+$0x0], $0xffff;
	[tilespmem:v35+s25+$0x0] =	vst.idx.msk $0xffff, v9  }
0x379: {  	v30 =	vshll.u32 v19, $0x5;
	v19 =	vand.u32 $0x3F88, v5;
	v9 =	vand.u32 $0x3000, v36;
	v35 =	vld.idx.msk [tilespmem:v45+s28+$0x0], $0xffff;
	[tilespmem:v28+s25+$0x0] =	vst.idx.msk $0xffff, v34  }
0x37a: {  	v3 =	vand.u32 $0x380, v3;
	v5 =	vor.u32 v1, v30;
	v30 =	vor.u32 v62, v19;
	v28 =	vld.idx.msk [tilespmem:v40+s28+$0x0], $0xffff  }
0x37b: {  	v29 =	vor.u32 v37, v29;
	v34 =	vor.u32 v5, v16;
	v32 =	vld.idx.msk [tilespmem:v32+s28+$0x0], $0xffff;
	[tilespmem:v44+s25+$0x0] =	vst.idx.msk $0xffff, v0  }
0x37c: {  	v26 =	vor.u32 v26, v38;
	v0 =	vor.u32 v9, v3;
	v9 =	vor.u32 v27, v29;
	v3 =	vld.idx.msk [tilespmem:v39+s28+$0x0], $0xffff  }
0x37d: {  	v26 =	vor.u32 v27, v26;
	v0 =	vor.u32 v27, v0;
	v29 =	vand.u32 v60, v9  }
0x37e: {  	s0 =	sor.u32 $0x230, s4;
	v37 =	vor.u32 v4, v20;
	v38 =	vand.u32 v60, v26;
	v36 =	vand.u32 v60, v0  }
0x37f: {  	v27 =	vmov s0;
	v39 =	vor.u32 v4, v17;
	v4 =	vor.u32 v4, v18;
	[tilespmem:v30+s25+$0x0] =	vst.idx.msk $0xffff, v35  }
0x380: {  	v26 =	vand.u32 $0x3F88, v26;
	v49 =	vand.u32 $0x3F88, v9;
	v30 =	vshll.u32 v27, $0x5;
	v9 =	vld.idx.msk [tilespmem:v34+s28+$0x0], $0xffff;
	[tilespmem:v25+s25+$0x0] =	vst.idx.msk $0xffff, v6  }
0x381: {  	v27 =	vand.u32 $0x3F88, v0;
	v0 =	vor.u32 v1, v30;
	v6 =	vor.u32 v63, v19;
	[tilespmem:v24+s25+$0x0] =	vst.idx.msk $0xffff, v7  }
0x382: {  	v7 =	vor.u32 v62, v49;
	v24 =	vor.u32 v0, v16;
	[tilespmem:v29+s25+$0x0] =	vst.idx.msk $0xffff, v28;
	v8 =	vld.idx.msk [tilespmem:v8+s28+$0x0], $0xffff  }
0x383: {  	v25 =	vor.u32 v62, v26;
	[tilespmem:v36+s25+$0x0] =	vst.idx.msk $0xffff, v2;
	v2 =	vor.u32 v62, v27;
	v29 =	vld.idx.msk [tilespmem:v33+s28+$0x0], $0xffff  }
0x384: {  	v30 =	vor.u32 v5, v20;
	v34 =	vor.u32 v5, v17;
	v28 =	vld.idx.msk [tilespmem:v37+s28+$0x0], $0xffff;
	[tilespmem:v38+s25+$0x0] =	vst.idx.msk $0xffff, v32  }
0x385: {  	v50 =	vor.u32 v63, v26;
	s0 =	sor.u32 $0x240, s4;
	v5 =	vor.u32 v5, v18;
	v38 =	vor.u32 v63, v49;
	v36 =	vld.idx.msk [tilespmem:v39+s28+$0x0], $0xffff  }
0x386: {  	v41 =	vor.u32 v63, v27;
	v42 =	vor.u32 v0, v20;
	v32 =	vmov s0;
	v39 =	vld.idx.msk [tilespmem:v4+s28+$0x0], $0xffff;
	[tilespmem:v6+s25+$0x0] =	vst.idx.msk $0xffff, v9  }
0x387: {  	v45 =	vor.u32 v0, v17;
	v40 =	vor.u32 v0, v18;
	v4 =	vshll.u32 v32, $0x5;
	v6 =	vld.idx.msk [tilespmem:v24+s28+$0x0], $0xffff  }
0x388: {  	v43 =	vor.u32 v57, v19;
	v32 =	vor.u32 v57, v49;
	v0 =	vor.u32 v1, v4  }
0x389: {  	v33 =	vor.u32 v57, v27;
	v9 =	vor.u32 v57, v26;
	v44 =	vor.u32 v0, v16  }
0x38a: {  	v37 =	vor.u32 v0, v20;
	v35 =	vor.u32 v0, v17;
	[tilespmem:v2+s25+$0x0] =	vst.idx.msk $0xffff, v28  }
0x38b: {  	v2 =	vor.u32 v53, v49;
	v30 =	vld.idx.msk [tilespmem:v30+s28+$0x0], $0xffff;
	[tilespmem:v7+s25+$0x0] =	vst.idx.msk $0xffff, v36;
	v36 =	vor.u32 v0, v18  }
0x38c: {  	s0 =	sor.u32 $0x250, s4;
	v4 =	vor.u32 v53, v27;
	v0 =	vor.u32 v53, v26;
	v51 =	vld.idx.msk [tilespmem:v34+s28+$0x0], $0xffff;
	[tilespmem:v25+s25+$0x0] =	vst.idx.msk $0xffff, v39  }
0x38d: {  	v24 =	vor.u32 v59, v26;
	v7 =	vmov s0;
	v25 =	vor.u32 v59, v49;
	v52 =	vld.idx.msk [tilespmem:v5+s28+$0x0], $0xffff;
	[tilespmem:v43+s25+$0x0] =	vst.idx.msk $0xffff, v6  }
0x38e: {  	v28 =	vor.u32 v59, v27;
	v39 =	vor.u32 v55, v49;
	v5 =	vshll.u32 v7, $0x5;
	v46 =	vld.idx.msk [tilespmem:v44+s28+$0x0], $0xffff  }
.Ltmp5:
0x38f: {  	v47 =	vor.u32 v53, v19;
	v7 =	vor.u32 v1, v5;
	v5 =	vor.u32 v55, v26;
	(pc) =	sbr.rel @p0 .LBB2_12-.Ltmp5, $4  }
0x390: {  	v34 =	vor.u32 v7, v20;
	v6 =	vor.u32 v7, v17;
	v48 =	vor.u32 v7, v16  }
0x391: {  	v7 =	vor.u32 v7, v18;
	[tilespmem:v41+s25+$0x0] =	vst.idx.msk $0xffff, v30;
	v41 =	vor.u32 v55, v27  }
0x392: {  	v43 =	vor.u32 v31, v23;
	v44 =	vld.idx.msk [tilespmem:v42+s28+$0x0], $0xffff;
	[tilespmem:v38+s25+$0x0] =	vst.idx.msk $0xffff, v51;
	v42 =	vor.u32 v31, v22  }
0x393: {  	s18 =	sor.u32 $0x260, s4;
	v30 =	vor.u32 v56, v49;
	v38 =	vor.u32 v31, v21;
	v45 =	vld.idx.msk [tilespmem:v45+s28+$0x0], $0xffff;
	[tilespmem:v50+s25+$0x0] =	vst.idx.msk $0xffff, v52  }
0x394: {  	_ =	sdelay $0x3  }
0x395: {  	v21 =	vld.idx.msk [tilespmem:v40+s28+$0x0], $0xffff;
	_ =	sdelay $0x2  }
0x396: {  	[tilespmem:v33+s25+$0x0] =	vst.idx.msk $0xffff, v44  }
0x397: {  	v22 =	vld.idx.msk [tilespmem:v37+s28+$0x0], $0xffff;
	[tilespmem:v32+s25+$0x0] =	vst.idx.msk $0xffff, v45  }
0x398: {  	v23 =	vld.idx.msk [tilespmem:v35+s28+$0x0], $0xffff;
	[tilespmem:v9+s25+$0x0] =	vst.idx.msk $0xffff, v21  }
0x399: {  	v9 =	vld.idx.msk [tilespmem:v36+s28+$0x0], $0xffff  }
0x39a: {  	v58 =	vmov s18  }
0x39b: {  	[tilespmem:v47+s25+$0x0] =	vst.idx.msk $0xffff, v46;
	v21 =	vshll.u32 v58, $0x5  }
0x39c: {  	v61 =	vor.u32 v59, v19;
	v31 =	vld.idx.msk [tilespmem:v48+s28+$0x0], $0xffff;
	v21 =	vor.u32 v1, v21;
	[tilespmem:v4+s25+$0x0] =	vst.idx.msk $0xffff, v22  }
0x39d: {  	v36 =	vor.u32 v21, v16;
	[tilespmem:v2+s25+$0x0] =	vst.idx.msk $0xffff, v23;
	v2 =	vld.idx.msk [tilespmem:v34+s28+$0x0], $0xffff  }
0x39e: {  	v37 =	vor.u32 v21, v20;
	[tilespmem:v0+s25+$0x0] =	vst.idx.msk $0xffff, v9;
	v0 =	vld.idx.msk [tilespmem:v6+s28+$0x0], $0xffff  }
0x39f: {  	[tilespmem:v15+s25+$0x0] =	vst.idx.msk $0xffff, v3;
	s0 =	sor.u32 $0x270, s4;
	v3 =	vor.u32 v21, v17;
	v40 =	vld.idx.msk [tilespmem:v7+s28+$0x0], $0xffff  }
0x3a0: {  	[tilespmem:v14+s25+$0x0] =	vst.idx.msk $0xffff, v8;
	v45 =	vmov s0;
	v44 =	vor.u32 v21, v18  }
0x3a1: {  	v46 =	vld.idx.msk [tilespmem:v43+s28+$0x0], $0xffff;
	v8 =	vshll.u32 v45, $0x5;
	[tilespmem:v61+s25+$0x0] =	vst.idx.msk $0xffff, v31  }
0x3a2: {  	v47 =	vor.u32 v55, v19;
	v8 =	vor.u32 v1, v8;
	v4 =	vld.idx.msk [tilespmem:v36+s28+$0x0], $0xffff;
	[tilespmem:v28+s25+$0x0] =	vst.idx.msk $0xffff, v2  }
0x3a3: {  	v2 =	vor.u32 v8, v16;
	v48 =	vld.idx.msk [tilespmem:v37+s28+$0x0], $0xffff;
	[tilespmem:v25+s25+$0x0] =	vst.idx.msk $0xffff, v0  }
0x3a4: {  	[tilespmem:v24+s25+$0x0] =	vst.idx.msk $0xffff, v40;
	v0 =	vld.idx.msk [tilespmem:v3+s28+$0x0], $0xffff;
	v3 =	vor.u32 v8, v20  }
0x3a5: {  	[tilespmem:v11+s25+$0x0] =	vst.idx.msk $0xffff, v29;
	v49 =	vor.u32 v8, v17;
	v6 =	vld.idx.msk [tilespmem:v44+s28+$0x0], $0xffff  }
0x3a6: {  	v50 =	vld.idx.msk [tilespmem:v42+s28+$0x0], $0xffff;
	[tilespmem:v13+s25+$0x0] =	vst.idx.msk $0xffff, v46;
	v8 =	vor.u32 v8, v18  }
0x3a7: {  	v51 =	vld.idx.msk [tilespmem:v38+s28+$0x0], $0xffff;
	[tilespmem:v47+s25+$0x0] =	vst.idx.msk $0xffff, v4  }
0x3a8: {  	v52 =	vor.u32 v56, v19;
	v2 =	vld.idx.msk [tilespmem:v2+s28+$0x0], $0xffff;
	[tilespmem:v41+s25+$0x0] =	vst.idx.msk $0xffff, v48  }
0x3a9: {  	v58 =	vor.u32 v56, v27;
	[tilespmem:v39+s25+$0x0] =	vst.idx.msk $0xffff, v0;
	v0 =	vld.idx.msk [tilespmem:v3+s28+$0x0], $0xffff  }
0x3aa: {  	v3 =	vld.idx.msk [tilespmem:v49+s28+$0x0], $0xffff;
	[tilespmem:v5+s25+$0x0] =	vst.idx.msk $0xffff, v6  }
0x3ab: {  	v61 =	vor.u32 v56, v26;
	[tilespmem:v12+s25+$0x0] =	vst.idx.msk $0xffff, v50;
	v6 =	vld.idx.msk [tilespmem:v8+s28+$0x0], $0xffff  }
0x3ac: {  	[tilespmem:v10+s25+$0x0] =	vst.idx.msk $0xffff, v51  }
0x3ad: {  	[tilespmem:v52+s25+$0x0] =	vst.idx.msk $0xffff, v2  }
0x3ae: {  	[tilespmem:v58+s25+$0x0] =	vst.idx.msk $0xffff, v0  }
0x3af: {  	[tilespmem:v30+s25+$0x0] =	vst.idx.msk $0xffff, v3  }
0x3b0: {  	s8 =	sadd.s32 s2, s14;
	s31 =	sadd.s32 $0x1, s31;
	[tilespmem:v61+s25+$0x0] =	vst.idx.msk $0xffff, v6  }
0x3b1: {  	[hbm4b:s8+s5] =	stream.linear.scatter [tilespmem:s25], [sflag:$0x4], $0x1000, $0x38;
	[tilespmem:$0x18800] =	vst v63  }
0x3b2: {  	s9 =	sadd.s32 s2, s15;
	s10 =	simm.s32 $0x15800;
	p0 =	sne.s32 s31, $0x32  }
0x3b3: {  	[hbm4b:s9+s5] =	stream.linear.scatter [tilespmem:s10], [sflag:$0x4], $0x1000, $0x38;
	[tilespmem:$0x18800] =	vst v63  }
.Ltmp6:
0x3b4: {  	_ = 	snop;
	(pc) =	sbr.rel @p0 .LBB2_2-.Ltmp6, $4  }
0x3b5: {  	s18 =	sadd.s32 s2, s16;
	s21 =	simm.s32 $0x16800  }
0x3b6: {  	[hbm4b:s18+s5] =	stream.linear.scatter [tilespmem:s21], [sflag:$0x4], $0x1000, $0x38;
	[tilespmem:$0x18800] =	vst v63  }
0x3b7: {  	s23 =	sadd.s32 s2, s17  }
0x3b8: {  	[hbm4b:s23+s5] =	stream.linear.scatter [tilespmem:s19], [sflag:$0x4], $0x1000, $0x38;
	[tilespmem:$0x18800] =	vst v63  }
0x3b9: {  	_ =	swait.ge [sflag:s29], $0x4000  }
0x3ba: {  	[sflag:s29] =	ssyncset.done $0x0  }
0x3bb: {  	[sflag:s29] =	ssyncadd.s32 $0xFFFFC000  }
0x3bc: {  	_ =	swait.ge [sflag:s30], $0x4000  }
0x3bd: {  	s2 =	rddreg [dreg:$0x9]  }
0x3be: {  	s0 =	rddreg [dreg:$0x8];
	s2 =	sadd.s32 $0x1, s2  }
0x3bf: {  	p0 =	sne.s32 s2, s0  }
.Ltmp7:
0x3c0: {  	_ = 	snop;
	(pc) =	sbr.rel @p0 .LBB2_1-.Ltmp7, $3  }
0x3c1: {  	_ =	sdelay $0x1  }
0x3c2: {  	[sflag:s30] =	ssyncset.done $0x0  }
0x3c3: {  	[sflag:s30] =	ssyncadd.s32 $0xFFFFC000  }
0x3c4: {  	_ =	sfence.sel $0x180000  }
0x3c5: {  	[bflag:$0x0] =	sbarrier.arrive $0xFFFF  }
0x3c6: {  	_ =	strace $0x90000047  }
0x3c7: {  	s0 =	stileid.u32;
	[bflag:$0x2] =	sbarrier.arrive $0xFFFF  }
0x3c8: {  	p0 =	sne.s32 s0, $0x0;
	s0 =	rddreg [dreg:$0x3]  }
0x3c9: {  	s0 =	sadd.s32 @!p0 $0x100000, s0  }
0x3ca: {  	[sflag:s0] =	ssyncadd.tile.s32 @!p0 $0x1;
	_ =	shalt  }
.Lfunc_end2:
_tile_overlayer_lowered:
.L_overlay_start_2:
0x3cb: {  	(tag) =	ssettag $0x2  }
0x3cc: {  	s0 =	rddreg [dreg:$0x0];
	s2 =	stileid.u32  }
0x3cd: {  	s1 =	rddreg [dreg:$0x1];
	p0 =	sne.s32 s2, $0x0  }
0x3ce: {  	s3 =	rddreg [dreg:$0x2];
	[bflag:$0x3] =	sbarrier.arrive $0xFFFF;
	s2 =	simm.s32 @!p0 $0x1C05  }
0x3cf: {  	[timem:s3], [sflag:s2] =	dma.local @!p0 [hbm:s0], s1  }
0x3d0: {  	s0 =	simm.s32 @!p0 $0x5  }
0x3d1: {  	_ =	swait.ge @!p0 [sflag:s0], s1  }
0x3d2: {  	s1 =	ssub.s32 @!p0 $0x0, s1;
	[sflag:s0] =	ssyncset.done @!p0 $0x0  }
0x3d3: {  	[sflag:s0] =	ssyncadd.s32 @!p0 s1  }
0x3d4: {  	[bflag:$0x3] =	sbarrier.arrive $0xFFFF  }
0x3d5: {  	_ =	shalt  }

</sc_bundles>
